<compile_context>
chip_gen: v7x
topology: tpu7x:2x2x1
jax: 0.10.2.dev20260603
libtpu: 0.0.44.dev20260713+nightly
codegen_flags: <defaults>
</compile_context>

<pallas_src>
import functools

import jax
import jax.numpy as jnp
from jax import lax
from jax.experimental import pallas as pl
from jax.experimental.pallas import tpu as pltpu
from jax.experimental.pallas import tpu_sc as plsc

N_NODES = 10000
E = 320000
D = 128
LANES = 16

NC, NS = 2, 16
NW = NC * NS
EPW = E // NW
CHUNK = 80
NCHUNK = EPW // CHUNK
N_PAD = 10240
RPT = N_PAD // NS
SUBR = 64
NSUB = RPT // SUBR
NCH1 = 64
NCH2 = NCHUNK - NCH1

_MESH = plsc.VectorSubcoreMesh(
    core_axis_name="c", subcore_axis_name="s", num_cores=NC, num_subcores=NS
)


def _ab_body(x_ref, w1a_ref, w1b_ref, a_ref, b_ref):
    x = x_ref[...]
    a_ref[...] = jnp.dot(x, w1a_ref[...], preferred_element_type=jnp.float32)
    b_ref[...] = jnp.dot(x, w1b_ref[...], preferred_element_type=jnp.float32)


def _node_proj(node_emb, w1a, w1b):
    blk = 1000
    grid = N_NODES // blk
    return pl.pallas_call(
        _ab_body,
        grid=(grid,),
        in_specs=[
            pl.BlockSpec((blk, D), lambda i: (i, 0)),
            pl.BlockSpec((D, D), lambda i: (0, 0)),
            pl.BlockSpec((D, D), lambda i: (0, 0)),
        ],
        out_specs=[
            pl.BlockSpec((blk, D), lambda i: (i, 0)),
            pl.BlockSpec((blk, D), lambda i: (i, 0)),
        ],
        out_shape=[
            jax.ShapeDtypeStruct((N_NODES, D), jnp.float32),
            jax.ShapeDtypeStruct((N_NODES, D), jnp.float32),
        ],
    )(node_emb, w1a, w1b)


def _make_gather(ch_lo, n_ch):
    epw_h = n_ch * CHUNK
    e_h = NW * epw_h

    @functools.partial(
        pl.kernel,
        out_type=[
            jax.ShapeDtypeStruct((e_h, D), jnp.float32),
            jax.ShapeDtypeStruct((NW, N_PAD), jnp.float32),
        ],
        mesh=_MESH,
        compiler_params=pltpu.CompilerParams(needs_layout_passes=False),
        scratch_types=[
            pltpu.VMEM((epw_h,), jnp.int32),
            pltpu.VMEM((epw_h,), jnp.int32),
            pltpu.VMEM((CHUNK, D), jnp.float32),
            pltpu.VMEM((CHUNK, D), jnp.float32),
            pltpu.VMEM((CHUNK, D), jnp.float32),
            pltpu.VMEM((CHUNK, D), jnp.float32),
            pltpu.VMEM((CHUNK, D), jnp.float32),
            pltpu.VMEM((CHUNK, D), jnp.float32),
            pltpu.VMEM((N_PAD,), jnp.float32),
            pltpu.SemaphoreType.DMA,
            pltpu.SemaphoreType.DMA,
            pltpu.SemaphoreType.DMA,
            pltpu.SemaphoreType.DMA,
            pltpu.SemaphoreType.DMA,
            pltpu.SemaphoreType.DMA,
            pltpu.SemaphoreType.DMA,
            pltpu.SemaphoreType.DMA,
            pltpu.SemaphoreType.DMA,
        ],
    )
    def gather(a_hbm, b_hbm, src_hbm, dst_hbm, dep_hbm, out_hbm, hist_hbm,
               si, di, ba0, bb0, ba1, bb1, ba2, bb2, hist,
               sa0, sb0, sa1, sb1, sa2, sb2, sw0, sw1, sw2):
        del dep_hbm
        wid = lax.axis_index("s") * NC + lax.axis_index("c")
        base_in = wid * EPW + ch_lo * CHUNK
        base_out = wid * epw_h

        bas = (ba0, ba1, ba2)
        bbs = (bb0, bb1, bb2)
        sas = (sa0, sa1, sa2)
        sbs = (sb0, sb1, sb2)
        sws = (sw0, sw1, sw2)

        pltpu.sync_copy(src_hbm.at[pl.ds(base_in, epw_h)], si)
        pltpu.sync_copy(dst_hbm.at[pl.ds(base_in, epw_h)], di)

        zeros16 = jnp.zeros((LANES,), jnp.float32)
        ones16 = jnp.ones((LANES,), jnp.float32)

        @pl.loop(0, N_PAD // LANES)
        def _zh(k):
            hist[pl.ds(k * LANES, LANES)] = zeros16

        def issueg(g, k):
            lo = g * CHUNK
            pltpu.async_copy(a_hbm.at[si.at[pl.ds(lo, CHUNK)]], bas[k], sas[k])
            pltpu.async_copy(b_hbm.at[di.at[pl.ds(lo, CHUNK)]], bbs[k], sbs[k])

        def draing(k):
            pltpu.make_async_copy(a_hbm.at[pl.ds(0, CHUNK)], bas[k], sas[k]).wait()
            pltpu.make_async_copy(b_hbm.at[pl.ds(0, CHUNK)], bbs[k], sbs[k]).wait()

        def proc(g, k):
            lo = g * CHUNK
            ba, bb = bas[k], bbs[k]

            @pl.loop(0, CHUNK)
            def _row(r):
                for j in range(D // LANES):
                    sl = pl.ds(j * LANES, LANES)
                    ba[r, sl] = ba[r, sl] + bb[r, sl]

            for p in range(CHUNK // LANES):
                iv = si[pl.ds(lo + p * LANES, LANES)]
                plsc.addupdate_scatter(hist, [iv], ones16)

        def issuew(g, k):
            pltpu.async_copy(
                bas[k], out_hbm.at[pl.ds(base_out + g * CHUNK, CHUNK)], sws[k]
            )

        def drainw(k):
            pltpu.make_async_copy(
                bas[k], out_hbm.at[pl.ds(base_out, CHUNK)], sws[k]
            ).wait()

        nsteady = (n_ch - 4) // 3
        issueg(0, 0)
        issueg(1, 1)
        draing(0)
        proc(0, 0)
        issuew(0, 0)
        issueg(2, 2)
        draing(1)
        proc(1, 1)
        issuew(1, 1)
        drainw(0)
        issueg(3, 0)

        @pl.loop(0, nsteady)
        def _go(go):
            gb = 2 + go * 3
            for j in range(3):
                g = gb + j
                k = (2 + j) % 3
                kn = (k + 2) % 3
                draing(k)
                proc(g, k)
                issuew(g, k)
                drainw(kn)
                issueg(g + 2, kn)

        for g in (n_ch - 2, n_ch - 1):
            k = g % 3
            draing(k)
            proc(g, k)
            issuew(g, k)
        for g in (n_ch - 3, n_ch - 2, n_ch - 1):
            drainw(g % 3)

        pltpu.sync_copy(hist, hist_hbm.at[wid])

    return gather


_gather1 = _make_gather(0, NCH1)
_gather2 = _make_gather(NCH1, NCH2)


def _mlp_body(h0_ref, b1_ref, w2_ref, b2_ref, wg_ref, bg_ref, out_ref):
    h = jnp.maximum(h0_ref[...] + b1_ref[...], 0.0)
    inter = jnp.dot(h, w2_ref[...], preferred_element_type=jnp.float32) + b2_ref[...]
    gate = jax.nn.sigmoid(
        jnp.dot(inter, wg_ref[...], preferred_element_type=jnp.float32) + bg_ref[...]
    )
    out_ref[...] = inter * gate


def _edge_mlp(h0, b1, w2, b2, wg, bg):
    e_h = h0.shape[0]
    blk = 2560
    grid = e_h // blk
    vec = lambda i: (0, 0)
    return pl.pallas_call(
        _mlp_body,
        grid=(grid,),
        in_specs=[
            pl.BlockSpec((blk, D), lambda i: (i, 0)),
            pl.BlockSpec((1, D), vec),
            pl.BlockSpec((D, D), vec),
            pl.BlockSpec((1, D), vec),
            pl.BlockSpec((D, D), vec),
            pl.BlockSpec((1, D), vec),
        ],
        out_specs=pl.BlockSpec((blk, D), lambda i: (i, 0)),
        out_shape=jax.ShapeDtypeStruct((e_h, D), jnp.float32),
    )(h0, b1.reshape(1, D), w2, b2.reshape(1, D), wg, bg.reshape(1, D))


def _make_scatter(ch_lo, n_ch):
    epw_h = n_ch * CHUNK

    @functools.partial(
        pl.kernel,
        out_type=jax.ShapeDtypeStruct((NC, N_PAD, D), jnp.float32),
        mesh=_MESH,
        scratch_types=[
            pltpu.VMEM((n_ch, CHUNK), jnp.int32),
            pltpu.VMEM((CHUNK, D), jnp.float32),
            pltpu.VMEM((CHUNK, D), jnp.float32),
            pltpu.VMEM((SUBR, D), jnp.float32),
            pltpu.VMEM_SHARED((N_PAD, D), jnp.float32),
            pltpu.SemaphoreType.DMA,
            pltpu.SemaphoreType.DMA,
        ],
    )
    def scatter(gated_hbm, src2d_hbm, dep_hbm, psum_hbm,
                idx_v, rows0, rows1, stage_v, accum, s0, s1):
        del dep_hbm
        cid = lax.axis_index("c")
        sid = lax.axis_index("s")
        wid = sid * NC + cid
        rbase = sid * RPT
        base = wid * epw_h

        pltpu.sync_copy(src2d_hbm.at[wid, pl.ds(ch_lo, n_ch)], idx_v)

        zeros16 = jnp.zeros((LANES,), jnp.float32)

        @pl.loop(0, SUBR)
        def _zero(r):
            for j in range(D // LANES):
                stage_v[r, pl.ds(j * LANES, LANES)] = zeros16

        @pl.loop(0, NSUB)
        def _zinit(k):
            pltpu.sync_copy(stage_v, accum.at[pl.ds(rbase + k * SUBR, SUBR)])

        plsc.subcore_barrier()

        def issue(g, rows, sem):
            pltpu.async_copy(
                gated_hbm.at[pl.ds(base + g * CHUNK, CHUNK)], rows, sem
            )

        def drain(rows, sem):
            pltpu.make_async_copy(
                gated_hbm.at[pl.ds(0, CHUNK)], rows, sem
            ).wait()

        def scat(g, rows):
            pltpu.sync_copy(rows, accum.at[idx_v.at[g]], add=True)

        issue(0, rows0, s0)

        @pl.loop(0, (n_ch - 1) // 2)
        def _go(go):
            g0 = go * 2
            issue(g0 + 1, rows1, s1)
            drain(rows0, s0)
            scat(g0, rows0)
            issue(g0 + 2, rows0, s0)
            drain(rows1, s1)
            scat(g0 + 1, rows1)

        if n_ch % 2 == 0:
            issue(n_ch - 1, rows1, s1)
            drain(rows0, s0)
            scat(n_ch - 2, rows0)
            drain(rows1, s1)
            scat(n_ch - 1, rows1)
        else:
            drain(rows0, s0)
            scat(n_ch - 1, rows0)

        plsc.subcore_barrier()

        @pl.loop(0, NSUB)
        def _wb(k):
            r0 = rbase + k * SUBR
            pltpu.sync_copy(accum.at[pl.ds(r0, SUBR)], stage_v)
            pltpu.sync_copy(stage_v, psum_hbm.at[cid, pl.ds(r0, SUBR)])

    return scatter


_scatter1 = _make_scatter(0, NCH1)
_scatter2 = _make_scatter(NCH1, NCH2)


def _fin_body(p10_ref, p11_ref, p20_ref, p21_ref, h_ref, out_ref):
    ones_w = jnp.ones((2 * NW, 1), jnp.float32)
    cnt = jax.lax.dot_general(
        h_ref[...], ones_w, (((0,), (0,)), ((), ())),
        preferred_element_type=jnp.float32,
    )
    s = (p10_ref[...] + p11_ref[...]) + (p20_ref[...] + p21_ref[...])
    out_ref[...] = s / jnp.maximum(cnt, 1.0)


def _finalize(psum1, psum2, hists):
    blk = 1024
    grid = N_PAD // blk
    blk_spec = pl.BlockSpec((blk, D), lambda i: (i, 0))
    return pl.pallas_call(
        _fin_body,
        grid=(grid,),
        in_specs=[
            blk_spec,
            blk_spec,
            blk_spec,
            blk_spec,
            pl.BlockSpec((2 * NW, blk), lambda i: (0, i)),
        ],
        out_specs=blk_spec,
        out_shape=jax.ShapeDtypeStruct((N_PAD, D), jnp.float32),
    )(psum1[0], psum1[1], psum2[0], psum2[1], hists)


def kernel(node_emb, edge_index, W1, b1, W2, b2, Wg, bg):
    src = edge_index[0]
    dst = edge_index[1]
    src2d = src.reshape(NW, NCHUNK, CHUNK)
    a, b = _node_proj(node_emb, W1[:D], W1[D:])
    h0_1, hist1 = _gather1(a, b, src, dst, a)
    h0_2, hist2 = _gather2(a, b, src, dst, hist1)
    gated1 = _edge_mlp(h0_1, b1, W2, b2, Wg, bg)
    gated2 = _edge_mlp(h0_2, b1, W2, b2, Wg, bg)
    psum1 = _scatter1(gated1, src2d, hist2)
    psum2 = _scatter2(gated2, src2d, psum1)
    hists = jnp.concatenate([hist1, hist2], axis=0)
    return _finalize(psum1, psum2, hists)[:N_NODES]

# --- scband reference (transcript-rebuilt; emitter-appended) ---
"""Pipeline reference for scband-social-pooling-layer-14448269984518 (READ-ONLY COPY).

The authoritative reference and input builder live on the scoring server;
editing this copy changes nothing except your own understanding.
"""

import jax, jax.numpy as jnp
import numpy as np

N_NODES = 10000
N_EDGES = 320000
HIDDEN = 128


def setup_inputs(seed: int = 0) -> dict:
    key = jax.random.key(seed)
    ks = jax.random.split(key, 9)
    node_emb = jax.random.normal(ks[0], (N_NODES, HIDDEN), dtype=jnp.float32)
    edge_index = jax.random.randint(ks[1], (2, N_EDGES), 0, N_NODES, dtype=jnp.int32)
    # interaction_mlp: Linear(2D -> D), ReLU, Dropout(eval: identity), Linear(D -> D)
    s1 = 1.0 / np.sqrt(2 * HIDDEN)
    s2 = 1.0 / np.sqrt(HIDDEN)
    W1 = jax.random.uniform(ks[2], (2 * HIDDEN, HIDDEN), jnp.float32, -s1, s1)
    b1 = jax.random.uniform(ks[3], (HIDDEN,), jnp.float32, -s1, s1)
    W2 = jax.random.uniform(ks[4], (HIDDEN, HIDDEN), jnp.float32, -s2, s2)
    b2 = jax.random.uniform(ks[5], (HIDDEN,), jnp.float32, -s2, s2)
    Wg = jax.random.uniform(ks[6], (HIDDEN, HIDDEN), jnp.float32, -s2, s2)
    bg = jax.random.uniform(ks[7], (HIDDEN,), jnp.float32, -s2, s2)
    return {"node_emb": node_emb, "edge_index": edge_index,
            "W1": W1, "b1": b1, "W2": W2, "b2": b2, "Wg": Wg, "bg": bg}


def reference(node_emb, edge_index, W1, b1, W2, b2, Wg, bg):
    src = edge_index[0]
    dst = edge_index[1]
    # gather source/dest node embeddings per edge
    pair_emb = jnp.concatenate([jnp.take(node_emb, src, axis=0),
                                jnp.take(node_emb, dst, axis=0)], axis=-1)
    # interaction MLP (dropout is identity at inference)
    h = jax.nn.relu(pair_emb @ W1 + b1)
    interaction = h @ W2 + b2
    # gating
    gate_values = jax.nn.sigmoid(interaction @ Wg + bg)
    gated_interaction = interaction * gate_values
    # scatter-mean over src into num_nodes slots
    num_nodes = node_emb.shape[0]
    sums = jax.ops.segment_sum(gated_interaction, src, num_segments=num_nodes)
    counts = jax.ops.segment_sum(jnp.ones((src.shape[0], 1), dtype=jnp.float32), src,
                                 num_segments=num_nodes)
    pooled = sums / jnp.clip(counts, 1.0, None)
    return pooled

if __name__ == "__main__":
    import jax
    _d = setup_inputs()
    print(jax.jit(kernel)(*tuple(_d.values())))

</pallas_src>

<mosaic_0001>
#map = affine_map<(d0, d1) -> (0, 0)>
#map1 = affine_map<(d0, d1) -> (0)>
module attributes {stable_mosaic.version = 14 : i64} {
  func.func @gather(%arg0: i32, %arg1: i32, %arg2: memref<10000x128xf32, #tpu.memory_space<hbm>>, %arg3: memref<10000x128xf32, #tpu.memory_space<hbm>>, %arg4: memref<320000xi32, #tpu.memory_space<hbm>>, %arg5: memref<320000xi32, #tpu.memory_space<hbm>>, %arg6: memref<10000x128xf32, #tpu.memory_space<hbm>>, %arg7: memref<163840x128xf32, #tpu.memory_space<hbm>>, %arg8: memref<32x10240xf32, #tpu.memory_space<hbm>>, %arg9: memref<5120xi32, #tpu.memory_space<vmem>>, %arg10: memref<5120xi32, #tpu.memory_space<vmem>>, %arg11: memref<80x128xf32, #tpu.memory_space<vmem>>, %arg12: memref<80x128xf32, #tpu.memory_space<vmem>>, %arg13: memref<80x128xf32, #tpu.memory_space<vmem>>, %arg14: memref<80x128xf32, #tpu.memory_space<vmem>>, %arg15: memref<80x128xf32, #tpu.memory_space<vmem>>, %arg16: memref<80x128xf32, #tpu.memory_space<vmem>>, %arg17: memref<10240xf32, #tpu.memory_space<vmem>>, %arg18: memref<!tpu.dma_semaphore, #tpu.memory_space<semaphore_mem>>, %arg19: memref<!tpu.dma_semaphore, #tpu.memory_space<semaphore_mem>>, %arg20: memref<!tpu.dma_semaphore, #tpu.memory_space<semaphore_mem>>, %arg21: memref<!tpu.dma_semaphore, #tpu.memory_space<semaphore_mem>>, %arg22: memref<!tpu.dma_semaphore, #tpu.memory_space<semaphore_mem>>, %arg23: memref<!tpu.dma_semaphore, #tpu.memory_space<semaphore_mem>>, %arg24: memref<!tpu.dma_semaphore, #tpu.memory_space<semaphore_mem>>, %arg25: memref<!tpu.dma_semaphore, #tpu.memory_space<semaphore_mem>>, %arg26: memref<!tpu.dma_semaphore, #tpu.memory_space<semaphore_mem>>) attributes {dimension_semantics = [#tpu.dimension_semantics<core_parallel>, #tpu.dimension_semantics<subcore_parallel>], iteration_bounds = array<i64: 2, 16>, scalar_prefetch = 0 : i64, scratch_operands = 18 : i64, tpu.core_type = #tpu.core_type<sc_vector_subcore>, window_params = [{transform_indices = #map}, {transform_indices = #map}, {transform_indices = #map1}, {transform_indices = #map1}, {transform_indices = #map}, {transform_indices = #map}, {transform_indices = #map}]} {
    %mul3A = arith.constant 2 : i32
    %mul3A_0 = arith.muli %arg1, %mul3A : i32
    %add3A = arith.addi %mul3A_0, %arg0 : i32
    %mul3A_1 = arith.constant 10000 : i32
    %mul3A_2 = arith.muli %add3A, %mul3A_1 : i32
    %add3A_3 = arith.constant 0 : i32
    %add3A_4 = arith.addi %mul3A_2, %add3A_3 : i32
    %mul3A_5 = arith.constant 5120 : i32
    %mul3A_6 = arith.muli %add3A, %mul3A_5 : i32
    "tpu.region"() ({
      %run_scoped3A = tpu.sem_alloc : memref<!tpu.dma_semaphore, #tpu.memory_space<semaphore_mem>>
      %dma_start3A_204 = tpu.memref_slice %arg4[%add3A_4] : memref<320000xi32, #tpu.memory_space<hbm>> -> memref<5120xi32, #tpu.memory_space<hbm>>
      %dma_start3A_205 = tpu.memref_slice %arg4[%add3A_4] : memref<320000xi32, #tpu.memory_space<hbm>> -> memref<5120xi32, #tpu.memory_space<hbm>>
      tpu.enqueue_dma source(%dma_start3A_205 : memref<5120xi32, #tpu.memory_space<hbm>>) target(%arg9 : memref<5120xi32, #tpu.memory_space<vmem>>) target_semaphore(%run_scoped3A : memref<!tpu.dma_semaphore, #tpu.memory_space<semaphore_mem>>)
      %dma_wait3A_206 = tpu.memref_slice %arg4[%add3A_4] : memref<320000xi32, #tpu.memory_space<hbm>> -> memref<5120xi32, #tpu.memory_space<hbm>>
      %dma_wait3A_207 = tpu.memref_slice %arg4[%add3A_4] : memref<320000xi32, #tpu.memory_space<hbm>> -> memref<5120xi32, #tpu.memory_space<hbm>>
      tpu.wait_dma2 semaphore(%run_scoped3A : memref<!tpu.dma_semaphore, #tpu.memory_space<semaphore_mem>>) src(%dma_wait3A_207 : memref<5120xi32, #tpu.memory_space<hbm>>) dst(%arg9 : memref<5120xi32, #tpu.memory_space<vmem>>)
      tpu.yield
    }) : () -> ()
    "tpu.region"() ({
      %run_scoped3A = tpu.sem_alloc : memref<!tpu.dma_semaphore, #tpu.memory_space<semaphore_mem>>
      %dma_start3A_204 = tpu.memref_slice %arg5[%add3A_4] : memref<320000xi32, #tpu.memory_space<hbm>> -> memref<5120xi32, #tpu.memory_space<hbm>>
      %dma_start3A_205 = tpu.memref_slice %arg5[%add3A_4] : memref<320000xi32, #tpu.memory_space<hbm>> -> memref<5120xi32, #tpu.memory_space<hbm>>
      tpu.enqueue_dma source(%dma_start3A_205 : memref<5120xi32, #tpu.memory_space<hbm>>) target(%arg10 : memref<5120xi32, #tpu.memory_space<vmem>>) target_semaphore(%run_scoped3A : memref<!tpu.dma_semaphore, #tpu.memory_space<semaphore_mem>>)
      %dma_wait3A_206 = tpu.memref_slice %arg5[%add3A_4] : memref<320000xi32, #tpu.memory_space<hbm>> -> memref<5120xi32, #tpu.memory_space<hbm>>
      %dma_wait3A_207 = tpu.memref_slice %arg5[%add3A_4] : memref<320000xi32, #tpu.memory_space<hbm>> -> memref<5120xi32, #tpu.memory_space<hbm>>
      tpu.wait_dma2 semaphore(%run_scoped3A : memref<!tpu.dma_semaphore, #tpu.memory_space<semaphore_mem>>) src(%dma_wait3A_207 : memref<5120xi32, #tpu.memory_space<hbm>>) dst(%arg10 : memref<5120xi32, #tpu.memory_space<vmem>>)
      tpu.yield
    }) : () -> ()
    %broadcast_in_dim3A = arith.constant 0.000000e+00 : f32
    %broadcast_in_dim3A_7 = vector.broadcast %broadcast_in_dim3A : f32 to vector<16xf32>
    %broadcast_in_dim3A_8 = arith.constant 1.000000e+00 : f32
    %broadcast_in_dim3A_9 = vector.broadcast %broadcast_in_dim3A_8 : f32 to vector<16xf32>
    %scan3A = arith.constant 0 : i32
    %scan3A_10 = arith.constant 640 : i32
    %scan3A_11 = arith.addi %scan3A, %scan3A_10 : i32
    %scan3A_12 = arith.constant 1 : i32
    scf.for %scan3A_204 = %scan3A to %scan3A_11 step %scan3A_12  : i32 {
      %mul3A_205 = arith.constant 1 : i32
      %mul3A_206 = arith.muli %scan3A_204, %mul3A_205 : i32
      %add3A_207 = arith.constant 0 : i32
      %add3A_208 = arith.addi %add3A_207, %mul3A_206 : i32
      %mul3A_209 = arith.constant 16 : i32
      %mul3A_210 = arith.muli %add3A_208, %mul3A_209 : i32
      %swap3A = arith.index_cast %mul3A_210 : i32 to index
      %swap3A_211 = tpu.vector_load %arg17[%swap3A] {strides = array<i32>} : memref<10240xf32, #tpu.memory_space<vmem>>, vector<16xf32>,
      tpu.vector_store %arg17[%swap3A], %broadcast_in_dim3A_7 {strides = array<i32>} : memref<10240xf32, #tpu.memory_space<vmem>>, vector<16xf32>,
    }
    %scan3A_13 = arith.constant 640 : i32
    %dma_start3A = arith.constant 0 : i32
    %dma_start3A_14 = tpu.memref_slice %arg9[%dma_start3A] : memref<5120xi32, #tpu.memory_space<vmem>> -> memref<80xi32, #tpu.memory_space<vmem>>
    %dma_start3A_15 = arith.constant 0 : i32
    %dma_start3A_16 = arith.constant 0 : i32
    %dma_start3A_17 = tpu.memref_slice %arg2[%dma_start3A_15, %dma_start3A_16] : memref<10000x128xf32, #tpu.memory_space<hbm>> -> memref<10000x128xf32, #tpu.memory_space<hbm>>
    tpu.enqueue_indirect_dma source(%dma_start3A_17 : memref<10000x128xf32, #tpu.memory_space<hbm>>) target(%arg11 : memref<80x128xf32, #tpu.memory_space<vmem>>) offsets(%dma_start3A_14 : memref<80xi32, #tpu.memory_space<vmem>>) semaphore(%arg18 : memref<!tpu.dma_semaphore, #tpu.memory_space<semaphore_mem>>)
    %dma_start3A_18 = arith.constant 0 : i32
    %dma_start3A_19 = tpu.memref_slice %arg10[%dma_start3A_18] : memref<5120xi32, #tpu.memory_space<vmem>> -> memref<80xi32, #tpu.memory_space<vmem>>
    %dma_start3A_20 = arith.constant 0 : i32
    %dma_start3A_21 = arith.constant 0 : i32
    %dma_start3A_22 = tpu.memref_slice %arg3[%dma_start3A_20, %dma_start3A_21] : memref<10000x128xf32, #tpu.memory_space<hbm>> -> memref<10000x128xf32, #tpu.memory_space<hbm>>
    tpu.enqueue_indirect_dma source(%dma_start3A_22 : memref<10000x128xf32, #tpu.memory_space<hbm>>) target(%arg12 : memref<80x128xf32, #tpu.memory_space<vmem>>) offsets(%dma_start3A_19 : memref<80xi32, #tpu.memory_space<vmem>>) semaphore(%arg19 : memref<!tpu.dma_semaphore, #tpu.memory_space<semaphore_mem>>)
    %dma_start3A_23 = arith.constant 80 : i32
    %dma_start3A_24 = tpu.memref_slice %arg9[%dma_start3A_23] : memref<5120xi32, #tpu.memory_space<vmem>> -> memref<80xi32, #tpu.memory_space<vmem>>
    %dma_start3A_25 = arith.constant 0 : i32
    %dma_start3A_26 = arith.constant 0 : i32
    %dma_start3A_27 = tpu.memref_slice %arg2[%dma_start3A_25, %dma_start3A_26] : memref<10000x128xf32, #tpu.memory_space<hbm>> -> memref<10000x128xf32, #tpu.memory_space<hbm>>
    tpu.enqueue_indirect_dma source(%dma_start3A_27 : memref<10000x128xf32, #tpu.memory_space<hbm>>) target(%arg13 : memref<80x128xf32, #tpu.memory_space<vmem>>) offsets(%dma_start3A_24 : memref<80xi32, #tpu.memory_space<vmem>>) semaphore(%arg20 : memref<!tpu.dma_semaphore, #tpu.memory_space<semaphore_mem>>)
    %dma_start3A_28 = arith.constant 80 : i32
    %dma_start3A_29 = tpu.memref_slice %arg10[%dma_start3A_28] : memref<5120xi32, #tpu.memory_space<vmem>> -> memref<80xi32, #tpu.memory_space<vmem>>
    %dma_start3A_30 = arith.constant 0 : i32
    %dma_start3A_31 = arith.constant 0 : i32
    %dma_start3A_32 = tpu.memref_slice %arg3[%dma_start3A_30, %dma_start3A_31] : memref<10000x128xf32, #tpu.memory_space<hbm>> -> memref<10000x128xf32, #tpu.memory_space<hbm>>
    tpu.enqueue_indirect_dma source(%dma_start3A_32 : memref<10000x128xf32, #tpu.memory_space<hbm>>) target(%arg14 : memref<80x128xf32, #tpu.memory_space<vmem>>) offsets(%dma_start3A_29 : memref<80xi32, #tpu.memory_space<vmem>>) semaphore(%arg21 : memref<!tpu.dma_semaphore, #tpu.memory_space<semaphore_mem>>)
    %dma_wait3A = arith.constant 0 : i32
    %dma_wait3A_33 = arith.constant 0 : i32
    %dma_wait3A_34 = tpu.memref_slice %arg2[%dma_wait3A, %dma_wait3A_33] : memref<10000x128xf32, #tpu.memory_space<hbm>> -> memref<80x128xf32, #tpu.memory_space<hbm>>
    %dma_wait3A_35 = arith.constant 0 : i32
    %dma_wait3A_36 = arith.constant 0 : i32
    %dma_wait3A_37 = tpu.memref_slice %arg2[%dma_wait3A_35, %dma_wait3A_36] : memref<10000x128xf32, #tpu.memory_space<hbm>> -> memref<80x128xf32, #tpu.memory_space<hbm>>
    tpu.wait_dma2 semaphore(%arg18 : memref<!tpu.dma_semaphore, #tpu.memory_space<semaphore_mem>>) src(%dma_wait3A_37 : memref<80x128xf32, #tpu.memory_space<hbm>>) dst(%arg11 : memref<80x128xf32, #tpu.memory_space<vmem>>)
    %dma_wait3A_38 = arith.constant 0 : i32
    %dma_wait3A_39 = arith.constant 0 : i32
    %dma_wait3A_40 = tpu.memref_slice %arg3[%dma_wait3A_38, %dma_wait3A_39] : memref<10000x128xf32, #tpu.memory_space<hbm>> -> memref<80x128xf32, #tpu.memory_space<hbm>>
    %dma_wait3A_41 = arith.constant 0 : i32
    %dma_wait3A_42 = arith.constant 0 : i32
    %dma_wait3A_43 = tpu.memref_slice %arg3[%dma_wait3A_41, %dma_wait3A_42] : memref<10000x128xf32, #tpu.memory_space<hbm>> -> memref<80x128xf32, #tpu.memory_space<hbm>>
    tpu.wait_dma2 semaphore(%arg19 : memref<!tpu.dma_semaphore, #tpu.memory_space<semaphore_mem>>) src(%dma_wait3A_43 : memref<80x128xf32, #tpu.memory_space<hbm>>) dst(%arg12 : memref<80x128xf32, #tpu.memory_space<vmem>>)
    %scan3A_44 = arith.constant 0 : i32
    %scan3A_45 = arith.constant 80 : i32
    %scan3A_46 = arith.addi %scan3A_44, %scan3A_45 : i32
    %scan3A_47 = arith.constant 1 : i32
    scf.for %scan3A_204 = %scan3A_44 to %scan3A_46 step %scan3A_47  : i32 {
      %mul3A_205 = arith.constant 1 : i32
      %mul3A_206 = arith.muli %scan3A_204, %mul3A_205 : i32
      %add3A_207 = arith.constant 0 : i32
      %add3A_208 = arith.addi %add3A_207, %mul3A_206 : i32
      %get3A_209 = arith.index_cast %add3A_208 : i32 to index
      %get3A_210 = arith.constant 0 : index
      %get3A_211 = tpu.vector_load %arg11[%get3A_209, %get3A_210] {strides = array<i32>} : memref<80x128xf32, #tpu.memory_space<vmem>>, vector<16xf32>,
      %get3A_212 = arith.index_cast %add3A_208 : i32 to index
      %get3A_213 = arith.constant 0 : index
      %get3A_214 = tpu.vector_load %arg12[%get3A_212, %get3A_213] {strides = array<i32>} : memref<80x128xf32, #tpu.memory_space<vmem>>, vector<16xf32>,
      %add3A_215 = arith.addf %get3A_211, %get3A_214 : vector<16xf32>
      %swap3A = arith.index_cast %add3A_208 : i32 to index
      %swap3A_216 = arith.constant 0 : index
      %swap3A_217 = tpu.vector_load %arg11[%swap3A, %swap3A_216] {strides = array<i32>} : memref<80x128xf32, #tpu.memory_space<vmem>>, vector<16xf32>,
      tpu.vector_store %arg11[%swap3A, %swap3A_216], %add3A_215 {strides = array<i32>} : memref<80x128xf32, #tpu.memory_space<vmem>>, vector<16xf32>,
      %get3A_218 = arith.index_cast %add3A_208 : i32 to index
      %get3A_219 = arith.constant 16 : index
      %get3A_220 = tpu.vector_load %arg11[%get3A_218, %get3A_219] {strides = array<i32>} : memref<80x128xf32, #tpu.memory_space<vmem>>, vector<16xf32>,
      %get3A_221 = arith.index_cast %add3A_208 : i32 to index
      %get3A_222 = arith.constant 16 : index
      %get3A_223 = tpu.vector_load %arg12[%get3A_221, %get3A_222] {strides = array<i32>} : memref<80x128xf32, #tpu.memory_space<vmem>>, vector<16xf32>,
      %add3A_224 = arith.addf %get3A_220, %get3A_223 : vector<16xf32>
      %swap3A_225 = arith.index_cast %add3A_208 : i32 to index
      %swap3A_226 = arith.constant 16 : index
      %swap3A_227 = tpu.vector_load %arg11[%swap3A_225, %swap3A_226] {strides = array<i32>} : memref<80x128xf32, #tpu.memory_space<vmem>>, vector<16xf32>,
      tpu.vector_store %arg11[%swap3A_225, %swap3A_226], %add3A_224 {strides = array<i32>} : memref<80x128xf32, #tpu.memory_space<vmem>>, vector<16xf32>,
      %get3A_228 = arith.index_cast %add3A_208 : i32 to index
      %get3A_229 = arith.constant 32 : index
      %get3A_230 = tpu.vector_load %arg11[%get3A_228, %get3A_229] {strides = array<i32>} : memref<80x128xf32, #tpu.memory_space<vmem>>, vector<16xf32>,
      %get3A_231 = arith.index_cast %add3A_208 : i32 to index
      %get3A_232 = arith.constant 32 : index
      %get3A_233 = tpu.vector_load %arg12[%get3A_231, %get3A_232] {strides = array<i32>} : memref<80x128xf32, #tpu.memory_space<vmem>>, vector<16xf32>,
      %add3A_234 = arith.addf %get3A_230, %get3A_233 : vector<16xf32>
      %swap3A_235 = arith.index_cast %add3A_208 : i32 to index
      %swap3A_236 = arith.constant 32 : index
      %swap3A_237 = tpu.vector_load %arg11[%swap3A_235, %swap3A_236] {strides = array<i32>} : memref<80x128xf32, #tpu.memory_space<vmem>>, vector<16xf32>,
      tpu.vector_store %arg11[%swap3A_235, %swap3A_236], %add3A_234 {strides = array<i32>} : memref<80x128xf32, #tpu.memory_space<vmem>>, vector<16xf32>,
      %get3A_238 = arith.index_cast %add3A_208 : i32 to index
      %get3A_239 = arith.constant 48 : index
      %get3A_240 = tpu.vector_load %arg11[%get3A_238, %get3A_239] {strides = array<i32>} : memref<80x128xf32, #tpu.memory_space<vmem>>, vector<16xf32>,
      %get3A_241 = arith.index_cast %add3A_208 : i32 to index
      %get3A_242 = arith.constant 48 : index
      %get3A_243 = tpu.vector_load %arg12[%get3A_241, %get3A_242] {strides = array<i32>} : memref<80x128xf32, #tpu.memory_space<vmem>>, vector<16xf32>,
      %add3A_244 = arith.addf %get3A_240, %get3A_243 : vector<16xf32>
      %swap3A_245 = arith.index_cast %add3A_208 : i32 to index
      %swap3A_246 = arith.constant 48 : index
      %swap3A_247 = tpu.vector_load %arg11[%swap3A_245, %swap3A_246] {strides = array<i32>} : memref<80x128xf32, #tpu.memory_space<vmem>>, vector<16xf32>,
      tpu.vector_store %arg11[%swap3A_245, %swap3A_246], %add3A_244 {strides = array<i32>} : memref<80x128xf32, #tpu.memory_space<vmem>>, vector<16xf32>,
      %get3A_248 = arith.index_cast %add3A_208 : i32 to index
      %get3A_249 = arith.constant 64 : index
      %get3A_250 = tpu.vector_load %arg11[%get3A_248, %get3A_249] {strides = array<i32>} : memref<80x128xf32, #tpu.memory_space<vmem>>, vector<16xf32>,
      %get3A_251 = arith.index_cast %add3A_208 : i32 to index
      %get3A_252 = arith.constant 64 : index
      %get3A_253 = tpu.vector_load %arg12[%get3A_251, %get3A_252] {strides = array<i32>} : memref<80x128xf32, #tpu.memory_space<vmem>>, vector<16xf32>,
      %add3A_254 = arith.addf %get3A_250, %get3A_253 : vector<16xf32>
      %swap3A_255 = arith.index_cast %add3A_208 : i32 to index
      %swap3A_256 = arith.constant 64 : index
      %swap3A_257 = tpu.vector_load %arg11[%swap3A_255, %swap3A_256] {strides = array<i32>} : memref<80x128xf32, #tpu.memory_space<vmem>>, vector<16xf32>,
      tpu.vector_store %arg11[%swap3A_255, %swap3A_256], %add3A_254 {strides = array<i32>} : memref<80x128xf32, #tpu.memory_space<vmem>>, vector<16xf32>,
      %get3A_258 = arith.index_cast %add3A_208 : i32 to index
      %get3A_259 = arith.constant 80 : index
      %get3A_260 = tpu.vector_load %arg11[%get3A_258, %get3A_259] {strides = array<i32>} : memref<80x128xf32, #tpu.memory_space<vmem>>, vector<16xf32>,
      %get3A_261 = arith.index_cast %add3A_208 : i32 to index
      %get3A_262 = arith.constant 80 : index
      %get3A_263 = tpu.vector_load %arg12[%get3A_261, %get3A_262] {strides = array<i32>} : memref<80x128xf32, #tpu.memory_space<vmem>>, vector<16xf32>,
      %add3A_264 = arith.addf %get3A_260, %get3A_263 : vector<16xf32>
      %swap3A_265 = arith.index_cast %add3A_208 : i32 to index
      %swap3A_266 = arith.constant 80 : index
      %swap3A_267 = tpu.vector_load %arg11[%swap3A_265, %swap3A_266] {strides = array<i32>} : memref<80x128xf32, #tpu.memory_space<vmem>>, vector<16xf32>,
      tpu.vector_store %arg11[%swap3A_265, %swap3A_266], %add3A_264 {strides = array<i32>} : memref<80x128xf32, #tpu.memory_space<vmem>>, vector<16xf32>,
      %get3A_268 = arith.index_cast %add3A_208 : i32 to index
      %get3A_269 = arith.constant 96 : index
      %get3A_270 = tpu.vector_load %arg11[%get3A_268, %get3A_269] {strides = array<i32>} : memref<80x128xf32, #tpu.memory_space<vmem>>, vector<16xf32>,
      %get3A_271 = arith.index_cast %add3A_208 : i32 to index
      %get3A_272 = arith.constant 96 : index
      %get3A_273 = tpu.vector_load %arg12[%get3A_271, %get3A_272] {strides = array<i32>} : memref<80x128xf32, #tpu.memory_space<vmem>>, vector<16xf32>,
      %add3A_274 = arith.addf %get3A_270, %get3A_273 : vector<16xf32>
      %swap3A_275 = arith.index_cast %add3A_208 : i32 to index
      %swap3A_276 = arith.constant 96 : index
      %swap3A_277 = tpu.vector_load %arg11[%swap3A_275, %swap3A_276] {strides = array<i32>} : memref<80x128xf32, #tpu.memory_space<vmem>>, vector<16xf32>,
      tpu.vector_store %arg11[%swap3A_275, %swap3A_276], %add3A_274 {strides = array<i32>} : memref<80x128xf32, #tpu.memory_space<vmem>>, vector<16xf32>,
      %get3A_278 = arith.index_cast %add3A_208 : i32 to index
      %get3A_279 = arith.constant 112 : index
      %get3A_280 = tpu.vector_load %arg11[%get3A_278, %get3A_279] {strides = array<i32>} : memref<80x128xf32, #tpu.memory_space<vmem>>, vector<16xf32>,
      %get3A_281 = arith.index_cast %add3A_208 : i32 to index
      %get3A_282 = arith.constant 112 : index
      %get3A_283 = tpu.vector_load %arg12[%get3A_281, %get3A_282] {strides = array<i32>} : memref<80x128xf32, #tpu.memory_space<vmem>>, vector<16xf32>,
      %add3A_284 = arith.addf %get3A_280, %get3A_283 : vector<16xf32>
      %swap3A_285 = arith.index_cast %add3A_208 : i32 to index
      %swap3A_286 = arith.constant 112 : index
      %swap3A_287 = tpu.vector_load %arg11[%swap3A_285, %swap3A_286] {strides = array<i32>} : memref<80x128xf32, #tpu.memory_space<vmem>>, vector<16xf32>,
      tpu.vector_store %arg11[%swap3A_285, %swap3A_286], %add3A_284 {strides = array<i32>} : memref<80x128xf32, #tpu.memory_space<vmem>>, vector<16xf32>,
    }
    %scan3A_48 = arith.constant 80 : i32
    %get3A = arith.constant 0 : index
    %get3A_49 = tpu.vector_load %arg9[%get3A] {strides = array<i32>} : memref<5120xi32, #tpu.memory_space<vmem>>, vector<16xi32>,
    tpu.vector_store_idx %arg17[%get3A_49], %broadcast_in_dim3A_9 {add = true} : memref<10240xf32, #tpu.memory_space<vmem>>[vector<16xi32>], vector<16xf32>,
    %get3A_50 = arith.constant 16 : index
    %get3A_51 = tpu.vector_load %arg9[%get3A_50] {strides = array<i32>} : memref<5120xi32, #tpu.memory_space<vmem>>, vector<16xi32>,
    tpu.vector_store_idx %arg17[%get3A_51], %broadcast_in_dim3A_9 {add = true} : memref<10240xf32, #tpu.memory_space<vmem>>[vector<16xi32>], vector<16xf32>,
    %get3A_52 = arith.constant 32 : index
    %get3A_53 = tpu.vector_load %arg9[%get3A_52] {strides = array<i32>} : memref<5120xi32, #tpu.memory_space<vmem>>, vector<16xi32>,
    tpu.vector_store_idx %arg17[%get3A_53], %broadcast_in_dim3A_9 {add = true} : memref<10240xf32, #tpu.memory_space<vmem>>[vector<16xi32>], vector<16xf32>,
    %get3A_54 = arith.constant 48 : index
    %get3A_55 = tpu.vector_load %arg9[%get3A_54] {strides = array<i32>} : memref<5120xi32, #tpu.memory_space<vmem>>, vector<16xi32>,
    tpu.vector_store_idx %arg17[%get3A_55], %broadcast_in_dim3A_9 {add = true} : memref<10240xf32, #tpu.memory_space<vmem>>[vector<16xi32>], vector<16xf32>,
    %get3A_56 = arith.constant 64 : index
    %get3A_57 = tpu.vector_load %arg9[%get3A_56] {strides = array<i32>} : memref<5120xi32, #tpu.memory_space<vmem>>, vector<16xi32>,
    tpu.vector_store_idx %arg17[%get3A_57], %broadcast_in_dim3A_9 {add = true} : memref<10240xf32, #tpu.memory_space<vmem>>[vector<16xi32>], vector<16xf32>,
    %add3A_58 = arith.constant 0 : i32
    %add3A_59 = arith.addi %mul3A_6, %add3A_58 : i32
    %dma_start3A_60 = arith.constant 0 : i32
    %dma_start3A_61 = tpu.memref_slice %arg7[%add3A_59, %dma_start3A_60] : memref<163840x128xf32, #tpu.memory_space<hbm>> -> memref<80x128xf32, #tpu.memory_space<hbm>>
    %dma_start3A_62 = arith.constant 0 : i32
    %dma_start3A_63 = tpu.memref_slice %arg7[%add3A_59, %dma_start3A_62] : memref<163840x128xf32, #tpu.memory_space<hbm>> -> memref<80x128xf32, #tpu.memory_space<hbm>>
    tpu.enqueue_dma source(%arg11 : memref<80x128xf32, #tpu.memory_space<vmem>>) target(%dma_start3A_63 : memref<80x128xf32, #tpu.memory_space<hbm>>) target_semaphore(%arg24 : memref<!tpu.dma_semaphore, #tpu.memory_space<semaphore_mem>>)
    %dma_start3A_64 = arith.constant 160 : i32
    %dma_start3A_65 = tpu.memref_slice %arg9[%dma_start3A_64] : memref<5120xi32, #tpu.memory_space<vmem>> -> memref<80xi32, #tpu.memory_space<vmem>>
    %dma_start3A_66 = arith.constant 0 : i32
    %dma_start3A_67 = arith.constant 0 : i32
    %dma_start3A_68 = tpu.memref_slice %arg2[%dma_start3A_66, %dma_start3A_67] : memref<10000x128xf32, #tpu.memory_space<hbm>> -> memref<10000x128xf32, #tpu.memory_space<hbm>>
    tpu.enqueue_indirect_dma source(%dma_start3A_68 : memref<10000x128xf32, #tpu.memory_space<hbm>>) target(%arg15 : memref<80x128xf32, #tpu.memory_space<vmem>>) offsets(%dma_start3A_65 : memref<80xi32, #tpu.memory_space<vmem>>) semaphore(%arg22 : memref<!tpu.dma_semaphore, #tpu.memory_space<semaphore_mem>>)
    %dma_start3A_69 = arith.constant 160 : i32
    %dma_start3A_70 = tpu.memref_slice %arg10[%dma_start3A_69] : memref<5120xi32, #tpu.memory_space<vmem>> -> memref<80xi32, #tpu.memory_space<vmem>>
    %dma_start3A_71 = arith.constant 0 : i32
    %dma_start3A_72 = arith.constant 0 : i32
    %dma_start3A_73 = tpu.memref_slice %arg3[%dma_start3A_71, %dma_start3A_72] : memref<10000x128xf32, #tpu.memory_space<hbm>> -> memref<10000x128xf32, #tpu.memory_space<hbm>>
    tpu.enqueue_indirect_dma source(%dma_start3A_73 : memref<10000x128xf32, #tpu.memory_space<hbm>>) target(%arg16 : memref<80x128xf32, #tpu.memory_space<vmem>>) offsets(%dma_start3A_70 : memref<80xi32, #tpu.memory_space<vmem>>) semaphore(%arg23 : memref<!tpu.dma_semaphore, #tpu.memory_space<semaphore_mem>>)
    %dma_wait3A_74 = arith.constant 0 : i32
    %dma_wait3A_75 = arith.constant 0 : i32
    %dma_wait3A_76 = tpu.memref_slice %arg2[%dma_wait3A_74, %dma_wait3A_75] : memref<10000x128xf32, #tpu.memory_space<hbm>> -> memref<80x128xf32, #tpu.memory_space<hbm>>
    %dma_wait3A_77 = arith.constant 0 : i32
    %dma_wait3A_78 = arith.constant 0 : i32
    %dma_wait3A_79 = tpu.memref_slice %arg2[%dma_wait3A_77, %dma_wait3A_78] : memref<10000x128xf32, #tpu.memory_space<hbm>> -> memref<80x128xf32, #tpu.memory_space<hbm>>
    tpu.wait_dma2 semaphore(%arg20 : memref<!tpu.dma_semaphore, #tpu.memory_space<semaphore_mem>>) src(%dma_wait3A_79 : memref<80x128xf32, #tpu.memory_space<hbm>>) dst(%arg13 : memref<80x128xf32, #tpu.memory_space<vmem>>)
    %dma_wait3A_80 = arith.constant 0 : i32
    %dma_wait3A_81 = arith.constant 0 : i32
    %dma_wait3A_82 = tpu.memref_slice %arg3[%dma_wait3A_80, %dma_wait3A_81] : memref<10000x128xf32, #tpu.memory_space<hbm>> -> memref<80x128xf32, #tpu.memory_space<hbm>>
    %dma_wait3A_83 = arith.constant 0 : i32
    %dma_wait3A_84 = arith.constant 0 : i32
    %dma_wait3A_85 = tpu.memref_slice %arg3[%dma_wait3A_83, %dma_wait3A_84] : memref<10000x128xf32, #tpu.memory_space<hbm>> -> memref<80x128xf32, #tpu.memory_space<hbm>>
    tpu.wait_dma2 semaphore(%arg21 : memref<!tpu.dma_semaphore, #tpu.memory_space<semaphore_mem>>) src(%dma_wait3A_85 : memref<80x128xf32, #tpu.memory_space<hbm>>) dst(%arg14 : memref<80x128xf32, #tpu.memory_space<vmem>>)
    %scan3A_86 = arith.constant 0 : i32
    %scan3A_87 = arith.constant 80 : i32
    %scan3A_88 = arith.addi %scan3A_86, %scan3A_87 : i32
    %scan3A_89 = arith.constant 1 : i32
    scf.for %scan3A_204 = %scan3A_86 to %scan3A_88 step %scan3A_89  : i32 {
      %mul3A_205 = arith.constant 1 : i32
      %mul3A_206 = arith.muli %scan3A_204, %mul3A_205 : i32
      %add3A_207 = arith.constant 0 : i32
      %add3A_208 = arith.addi %add3A_207, %mul3A_206 : i32
      %get3A_209 = arith.index_cast %add3A_208 : i32 to index
      %get3A_210 = arith.constant 0 : index
      %get3A_211 = tpu.vector_load %arg13[%get3A_209, %get3A_210] {strides = array<i32>} : memref<80x128xf32, #tpu.memory_space<vmem>>, vector<16xf32>,
      %get3A_212 = arith.index_cast %add3A_208 : i32 to index
      %get3A_213 = arith.constant 0 : index
      %get3A_214 = tpu.vector_load %arg14[%get3A_212, %get3A_213] {strides = array<i32>} : memref<80x128xf32, #tpu.memory_space<vmem>>, vector<16xf32>,
      %add3A_215 = arith.addf %get3A_211, %get3A_214 : vector<16xf32>
      %swap3A = arith.index_cast %add3A_208 : i32 to index
      %swap3A_216 = arith.constant 0 : index
      %swap3A_217 = tpu.vector_load %arg13[%swap3A, %swap3A_216] {strides = array<i32>} : memref<80x128xf32, #tpu.memory_space<vmem>>, vector<16xf32>,
      tpu.vector_store %arg13[%swap3A, %swap3A_216], %add3A_215 {strides = array<i32>} : memref<80x128xf32, #tpu.memory_space<vmem>>, vector<16xf32>,
      %get3A_218 = arith.index_cast %add3A_208 : i32 to index
      %get3A_219 = arith.constant 16 : index
      %get3A_220 = tpu.vector_load %arg13[%get3A_218, %get3A_219] {strides = array<i32>} : memref<80x128xf32, #tpu.memory_space<vmem>>, vector<16xf32>,
      %get3A_221 = arith.index_cast %add3A_208 : i32 to index
      %get3A_222 = arith.constant 16 : index
      %get3A_223 = tpu.vector_load %arg14[%get3A_221, %get3A_222] {strides = array<i32>} : memref<80x128xf32, #tpu.memory_space<vmem>>, vector<16xf32>,
      %add3A_224 = arith.addf %get3A_220, %get3A_223 : vector<16xf32>
      %swap3A_225 = arith.index_cast %add3A_208 : i32 to index
      %swap3A_226 = arith.constant 16 : index
      %swap3A_227 = tpu.vector_load %arg13[%swap3A_225, %swap3A_226] {strides = array<i32>} : memref<80x128xf32, #tpu.memory_space<vmem>>, vector<16xf32>,
      tpu.vector_store %arg13[%swap3A_225, %swap3A_226], %add3A_224 {strides = array<i32>} : memref<80x128xf32, #tpu.memory_space<vmem>>, vector<16xf32>,
      %get3A_228 = arith.index_cast %add3A_208 : i32 to index
      %get3A_229 = arith.constant 32 : index
      %get3A_230 = tpu.vector_load %arg13[%get3A_228, %get3A_229] {strides = array<i32>} : memref<80x128xf32, #tpu.memory_space<vmem>>, vector<16xf32>,
      %get3A_231 = arith.index_cast %add3A_208 : i32 to index
      %get3A_232 = arith.constant 32 : index
      %get3A_233 = tpu.vector_load %arg14[%get3A_231, %get3A_232] {strides = array<i32>} : memref<80x128xf32, #tpu.memory_space<vmem>>, vector<16xf32>,
      %add3A_234 = arith.addf %get3A_230, %get3A_233 : vector<16xf32>
      %swap3A_235 = arith.index_cast %add3A_208 : i32 to index
      %swap3A_236 = arith.constant 32 : index
      %swap3A_237 = tpu.vector_load %arg13[%swap3A_235, %swap3A_236] {strides = array<i32>} : memref<80x128xf32, #tpu.memory_space<vmem>>, vector<16xf32>,
      tpu.vector_store %arg13[%swap3A_235, %swap3A_236], %add3A_234 {strides = array<i32>} : memref<80x128xf32, #tpu.memory_space<vmem>>, vector<16xf32>,
      %get3A_238 = arith.index_cast %add3A_208 : i32 to index
      %get3A_239 = arith.constant 48 : index
      %get3A_240 = tpu.vector_load %arg13[%get3A_238, %get3A_239] {strides = array<i32>} : memref<80x128xf32, #tpu.memory_space<vmem>>, vector<16xf32>,
      %get3A_241 = arith.index_cast %add3A_208 : i32 to index
      %get3A_242 = arith.constant 48 : index
      %get3A_243 = tpu.vector_load %arg14[%get3A_241, %get3A_242] {strides = array<i32>} : memref<80x128xf32, #tpu.memory_space<vmem>>, vector<16xf32>,
      %add3A_244 = arith.addf %get3A_240, %get3A_243 : vector<16xf32>
      %swap3A_245 = arith.index_cast %add3A_208 : i32 to index
      %swap3A_246 = arith.constant 48 : index
      %swap3A_247 = tpu.vector_load %arg13[%swap3A_245, %swap3A_246] {strides = array<i32>} : memref<80x128xf32, #tpu.memory_space<vmem>>, vector<16xf32>,
      tpu.vector_store %arg13[%swap3A_245, %swap3A_246], %add3A_244 {strides = array<i32>} : memref<80x128xf32, #tpu.memory_space<vmem>>, vector<16xf32>,
      %get3A_248 = arith.index_cast %add3A_208 : i32 to index
      %get3A_249 = arith.constant 64 : index
      %get3A_250 = tpu.vector_load %arg13[%get3A_248, %get3A_249] {strides = array<i32>} : memref<80x128xf32, #tpu.memory_space<vmem>>, vector<16xf32>,
      %get3A_251 = arith.index_cast %add3A_208 : i32 to index
      %get3A_252 = arith.constant 64 : index
      %get3A_253 = tpu.vector_load %arg14[%get3A_251, %get3A_252] {strides = array<i32>} : memref<80x128xf32, #tpu.memory_space<vmem>>, vector<16xf32>,
      %add3A_254 = arith.addf %get3A_250, %get3A_253 : vector<16xf32>
      %swap3A_255 = arith.index_cast %add3A_208 : i32 to index
      %swap3A_256 = arith.constant 64 : index
      %swap3A_257 = tpu.vector_load %arg13[%swap3A_255, %swap3A_256] {strides = array<i32>} : memref<80x128xf32, #tpu.memory_space<vmem>>, vector<16xf32>,
      tpu.vector_store %arg13[%swap3A_255, %swap3A_256], %add3A_254 {strides = array<i32>} : memref<80x128xf32, #tpu.memory_space<vmem>>, vector<16xf32>,
      %get3A_258 = arith.index_cast %add3A_208 : i32 to index
      %get3A_259 = arith.constant 80 : index
      %get3A_260 = tpu.vector_load %arg13[%get3A_258, %get3A_259] {strides = array<i32>} : memref<80x128xf32, #tpu.memory_space<vmem>>, vector<16xf32>,
      %get3A_261 = arith.index_cast %add3A_208 : i32 to index
      %get3A_262 = arith.constant 80 : index
      %get3A_263 = tpu.vector_load %arg14[%get3A_261, %get3A_262] {strides = array<i32>} : memref<80x128xf32, #tpu.memory_space<vmem>>, vector<16xf32>,
      %add3A_264 = arith.addf %get3A_260, %get3A_263 : vector<16xf32>
      %swap3A_265 = arith.index_cast %add3A_208 : i32 to index
      %swap3A_266 = arith.constant 80 : index
      %swap3A_267 = tpu.vector_load %arg13[%swap3A_265, %swap3A_266] {strides = array<i32>} : memref<80x128xf32, #tpu.memory_space<vmem>>, vector<16xf32>,
      tpu.vector_store %arg13[%swap3A_265, %swap3A_266], %add3A_264 {strides = array<i32>} : memref<80x128xf32, #tpu.memory_space<vmem>>, vector<16xf32>,
      %get3A_268 = arith.index_cast %add3A_208 : i32 to index
      %get3A_269 = arith.constant 96 : index
      %get3A_270 = tpu.vector_load %arg13[%get3A_268, %get3A_269] {strides = array<i32>} : memref<80x128xf32, #tpu.memory_space<vmem>>, vector<16xf32>,
      %get3A_271 = arith.index_cast %add3A_208 : i32 to index
      %get3A_272 = arith.constant 96 : index
      %get3A_273 = tpu.vector_load %arg14[%get3A_271, %get3A_272] {strides = array<i32>} : memref<80x128xf32, #tpu.memory_space<vmem>>, vector<16xf32>,
      %add3A_274 = arith.addf %get3A_270, %get3A_273 : vector<16xf32>
      %swap3A_275 = arith.index_cast %add3A_208 : i32 to index
      %swap3A_276 = arith.constant 96 : index
      %swap3A_277 = tpu.vector_load %arg13[%swap3A_275, %swap3A_276] {strides = array<i32>} : memref<80x128xf32, #tpu.memory_space<vmem>>, vector<16xf32>,
      tpu.vector_store %arg13[%swap3A_275, %swap3A_276], %add3A_274 {strides = array<i32>} : memref<80x128xf32, #tpu.memory_space<vmem>>, vector<16xf32>,
      %get3A_278 = arith.index_cast %add3A_208 : i32 to index
      %get3A_279 = arith.constant 112 : index
      %get3A_280 = tpu.vector_load %arg13[%get3A_278, %get3A_279] {strides = array<i32>} : memref<80x128xf32, #tpu.memory_space<vmem>>, vector<16xf32>,
      %get3A_281 = arith.index_cast %add3A_208 : i32 to index
      %get3A_282 = arith.constant 112 : index
      %get3A_283 = tpu.vector_load %arg14[%get3A_281, %get3A_282] {strides = array<i32>} : memref<80x128xf32, #tpu.memory_space<vmem>>, vector<16xf32>,
      %add3A_284 = arith.addf %get3A_280, %get3A_283 : vector<16xf32>
      %swap3A_285 = arith.index_cast %add3A_208 : i32 to index
      %swap3A_286 = arith.constant 112 : index
      %swap3A_287 = tpu.vector_load %arg13[%swap3A_285, %swap3A_286] {strides = array<i32>} : memref<80x128xf32, #tpu.memory_space<vmem>>, vector<16xf32>,
      tpu.vector_store %arg13[%swap3A_285, %swap3A_286], %add3A_284 {strides = array<i32>} : memref<80x128xf32, #tpu.memory_space<vmem>>, vector<16xf32>,
    }
    %scan3A_90 = arith.constant 80 : i32
    %get3A_91 = arith.constant 80 : index
    %get3A_92 = tpu.vector_load %arg9[%get3A_91] {strides = array<i32>} : memref<5120xi32, #tpu.memory_space<vmem>>, vector<16xi32>,
    tpu.vector_store_idx %arg17[%get3A_92], %broadcast_in_dim3A_9 {add = true} : memref<10240xf32, #tpu.memory_space<vmem>>[vector<16xi32>], vector<16xf32>,
    %get3A_93 = arith.constant 96 : index
    %get3A_94 = tpu.vector_load %arg9[%get3A_93] {strides = array<i32>} : memref<5120xi32, #tpu.memory_space<vmem>>, vector<16xi32>,
    tpu.vector_store_idx %arg17[%get3A_94], %broadcast_in_dim3A_9 {add = true} : memref<10240xf32, #tpu.memory_space<vmem>>[vector<16xi32>], vector<16xf32>,
    %get3A_95 = arith.constant 112 : index
    %get3A_96 = tpu.vector_load %arg9[%get3A_95] {strides = array<i32>} : memref<5120xi32, #tpu.memory_space<vmem>>, vector<16xi32>,
    tpu.vector_store_idx %arg17[%get3A_96], %broadcast_in_dim3A_9 {add = true} : memref<10240xf32, #tpu.memory_space<vmem>>[vector<16xi32>], vector<16xf32>,
    %get3A_97 = arith.constant 128 : index
    %get3A_98 = tpu.vector_load %arg9[%get3A_97] {strides = array<i32>} : memref<5120xi32, #tpu.memory_space<vmem>>, vector<16xi32>,
    tpu.vector_store_idx %arg17[%get3A_98], %broadcast_in_dim3A_9 {add = true} : memref<10240xf32, #tpu.memory_space<vmem>>[vector<16xi32>], vector<16xf32>,
    %get3A_99 = arith.constant 144 : index
    %get3A_100 = tpu.vector_load %arg9[%get3A_99] {strides = array<i32>} : memref<5120xi32, #tpu.memory_space<vmem>>, vector<16xi32>,
    tpu.vector_store_idx %arg17[%get3A_100], %broadcast_in_dim3A_9 {add = true} : memref<10240xf32, #tpu.memory_space<vmem>>[vector<16xi32>], vector<16xf32>,
    %add3A_101 = arith.constant 80 : i32
    %add3A_102 = arith.addi %mul3A_6, %add3A_101 : i32
    %dma_start3A_103 = arith.constant 0 : i32
    %dma_start3A_104 = tpu.memref_slice %arg7[%add3A_102, %dma_start3A_103] : memref<163840x128xf32, #tpu.memory_space<hbm>> -> memref<80x128xf32, #tpu.memory_space<hbm>>
    %dma_start3A_105 = arith.constant 0 : i32
    %dma_start3A_106 = tpu.memref_slice %arg7[%add3A_102, %dma_start3A_105] : memref<163840x128xf32, #tpu.memory_space<hbm>> -> memref<80x128xf32, #tpu.memory_space<hbm>>
    tpu.enqueue_dma source(%arg13 : memref<80x128xf32, #tpu.memory_space<vmem>>) target(%dma_start3A_106 : memref<80x128xf32, #tpu.memory_space<hbm>>) target_semaphore(%arg25 : memref<!tpu.dma_semaphore, #tpu.memory_space<semaphore_mem>>)
    %dma_wait3A_107 = arith.constant 0 : i32
    %dma_wait3A_108 = tpu.memref_slice %arg7[%mul3A_6, %dma_wait3A_107] : memref<163840x128xf32, #tpu.memory_space<hbm>> -> memref<80x128xf32, #tpu.memory_space<hbm>>
    %dma_wait3A_109 = arith.constant 0 : i32
    %dma_wait3A_110 = tpu.memref_slice %arg7[%mul3A_6, %dma_wait3A_109] : memref<163840x128xf32, #tpu.memory_space<hbm>> -> memref<80x128xf32, #tpu.memory_space<hbm>>
    tpu.wait_dma2 semaphore(%arg24 : memref<!tpu.dma_semaphore, #tpu.memory_space<semaphore_mem>>) src(%arg11 : memref<80x128xf32, #tpu.memory_space<vmem>>) dst(%dma_wait3A_110 : memref<80x128xf32, #tpu.memory_space<hbm>>)
    %dma_start3A_111 = arith.constant 240 : i32
    %dma_start3A_112 = tpu.memref_slice %arg9[%dma_start3A_111] : memref<5120xi32, #tpu.memory_space<vmem>> -> memref<80xi32, #tpu.memory_space<vmem>>
    %dma_start3A_113 = arith.constant 0 : i32
    %dma_start3A_114 = arith.constant 0 : i32
    %dma_start3A_115 = tpu.memref_slice %arg2[%dma_start3A_113, %dma_start3A_114] : memref<10000x128xf32, #tpu.memory_space<hbm>> -> memref<10000x128xf32, #tpu.memory_space<hbm>>
    tpu.enqueue_indirect_dma source(%dma_start3A_115 : memref<10000x128xf32, #tpu.memory_space<hbm>>) target(%arg11 : memref<80x128xf32, #tpu.memory_space<vmem>>) offsets(%dma_start3A_112 : memref<80xi32, #tpu.memory_space<vmem>>) semaphore(%arg18 : memref<!tpu.dma_semaphore, #tpu.memory_space<semaphore_mem>>)
    %dma_start3A_116 = arith.constant 240 : i32
    %dma_start3A_117 = tpu.memref_slice %arg10[%dma_start3A_116] : memref<5120xi32, #tpu.memory_space<vmem>> -> memref<80xi32, #tpu.memory_space<vmem>>
    %dma_start3A_118 = arith.constant 0 : i32
    %dma_start3A_119 = arith.constant 0 : i32
    %dma_start3A_120 = tpu.memref_slice %arg3[%dma_start3A_118, %dma_start3A_119] : memref<10000x128xf32, #tpu.memory_space<hbm>> -> memref<10000x128xf32, #tpu.memory_space<hbm>>
    tpu.enqueue_indirect_dma source(%dma_start3A_120 : memref<10000x128xf32, #tpu.memory_space<hbm>>) target(%arg12 : memref<80x128xf32, #tpu.memory_space<vmem>>) offsets(%dma_start3A_117 : memref<80xi32, #tpu.memory_space<vmem>>) semaphore(%arg19 : memref<!tpu.dma_semaphore, #tpu.memory_space<semaphore_mem>>)
    %scan3A_121 = arith.constant 0 : i32
    %scan3A_122 = arith.constant 20 : i32
    %scan3A_123 = arith.addi %scan3A_121, %scan3A_122 : i32
    %scan3A_124 = arith.constant 1 : i32
    scf.for %scan3A_204 = %scan3A_121 to %scan3A_123 step %scan3A_124  : i32 {
      %mul3A_205 = arith.constant 1 : i32
      %mul3A_206 = arith.muli %scan3A_204, %mul3A_205 : i32
      %add3A_207 = arith.constant 0 : i32
      %add3A_208 = arith.addi %add3A_207, %mul3A_206 : i32
      %mul3A_209 = arith.constant 3 : i32
      %mul3A_210 = arith.muli %add3A_208, %mul3A_209 : i32
      %add3A_211 = arith.constant 2 : i32
      %add3A_212 = arith.addi %add3A_211, %mul3A_210 : i32
      %add3A_213 = arith.constant 0 : i32
      %add3A_214 = arith.addi %add3A_212, %add3A_213 : i32
      %dma_wait3A_215 = arith.constant 0 : i32
      %dma_wait3A_216 = arith.constant 0 : i32
      %dma_wait3A_217 = tpu.memref_slice %arg2[%dma_wait3A_215, %dma_wait3A_216] : memref<10000x128xf32, #tpu.memory_space<hbm>> -> memref<80x128xf32, #tpu.memory_space<hbm>>
      %dma_wait3A_218 = arith.constant 0 : i32
      %dma_wait3A_219 = arith.constant 0 : i32
      %dma_wait3A_220 = tpu.memref_slice %arg2[%dma_wait3A_218, %dma_wait3A_219] : memref<10000x128xf32, #tpu.memory_space<hbm>> -> memref<80x128xf32, #tpu.memory_space<hbm>>
      tpu.wait_dma2 semaphore(%arg22 : memref<!tpu.dma_semaphore, #tpu.memory_space<semaphore_mem>>) src(%dma_wait3A_220 : memref<80x128xf32, #tpu.memory_space<hbm>>) dst(%arg15 : memref<80x128xf32, #tpu.memory_space<vmem>>)
      %dma_wait3A_221 = arith.constant 0 : i32
      %dma_wait3A_222 = arith.constant 0 : i32
      %dma_wait3A_223 = tpu.memref_slice %arg3[%dma_wait3A_221, %dma_wait3A_222] : memref<10000x128xf32, #tpu.memory_space<hbm>> -> memref<80x128xf32, #tpu.memory_space<hbm>>
      %dma_wait3A_224 = arith.constant 0 : i32
      %dma_wait3A_225 = arith.constant 0 : i32
      %dma_wait3A_226 = tpu.memref_slice %arg3[%dma_wait3A_224, %dma_wait3A_225] : memref<10000x128xf32, #tpu.memory_space<hbm>> -> memref<80x128xf32, #tpu.memory_space<hbm>>
      tpu.wait_dma2 semaphore(%arg23 : memref<!tpu.dma_semaphore, #tpu.memory_space<semaphore_mem>>) src(%dma_wait3A_226 : memref<80x128xf32, #tpu.memory_space<hbm>>) dst(%arg16 : memref<80x128xf32, #tpu.memory_space<vmem>>)
      %mul3A_227 = arith.constant 80 : i32
      %mul3A_228 = arith.muli %add3A_214, %mul3A_227 : i32
      %scan3A_229 = arith.constant 0 : i32
      %scan3A_230 = arith.constant 80 : i32
      %scan3A_231 = arith.addi %scan3A_229, %scan3A_230 : i32
      %scan3A_232 = arith.constant 1 : i32
      scf.for %scan3A_405 = %scan3A_229 to %scan3A_231 step %scan3A_232  : i32 {
        %mul3A_406 = arith.constant 1 : i32
        %mul3A_407 = arith.muli %scan3A_405, %mul3A_406 : i32
        %add3A_408 = arith.constant 0 : i32
        %add3A_409 = arith.addi %add3A_408, %mul3A_407 : i32
        %get3A_410 = arith.index_cast %add3A_409 : i32 to index
        %get3A_411 = arith.constant 0 : index
        %get3A_412 = tpu.vector_load %arg15[%get3A_410, %get3A_411] {strides = array<i32>} : memref<80x128xf32, #tpu.memory_space<vmem>>, vector<16xf32>,
        %get3A_413 = arith.index_cast %add3A_409 : i32 to index
        %get3A_414 = arith.constant 0 : index
        %get3A_415 = tpu.vector_load %arg16[%get3A_413, %get3A_414] {strides = array<i32>} : memref<80x128xf32, #tpu.memory_space<vmem>>, vector<16xf32>,
        %add3A_416 = arith.addf %get3A_412, %get3A_415 : vector<16xf32>
        %swap3A = arith.index_cast %add3A_409 : i32 to index
        %swap3A_417 = arith.constant 0 : index
        %swap3A_418 = tpu.vector_load %arg15[%swap3A, %swap3A_417] {strides = array<i32>} : memref<80x128xf32, #tpu.memory_space<vmem>>, vector<16xf32>,
        tpu.vector_store %arg15[%swap3A, %swap3A_417], %add3A_416 {strides = array<i32>} : memref<80x128xf32, #tpu.memory_space<vmem>>, vector<16xf32>,
        %get3A_419 = arith.index_cast %add3A_409 : i32 to index
        %get3A_420 = arith.constant 16 : index
        %get3A_421 = tpu.vector_load %arg15[%get3A_419, %get3A_420] {strides = array<i32>} : memref<80x128xf32, #tpu.memory_space<vmem>>, vector<16xf32>,
        %get3A_422 = arith.index_cast %add3A_409 : i32 to index
        %get3A_423 = arith.constant 16 : index
        %get3A_424 = tpu.vector_load %arg16[%get3A_422, %get3A_423] {strides = array<i32>} : memref<80x128xf32, #tpu.memory_space<vmem>>, vector<16xf32>,
        %add3A_425 = arith.addf %get3A_421, %get3A_424 : vector<16xf32>
        %swap3A_426 = arith.index_cast %add3A_409 : i32 to index
        %swap3A_427 = arith.constant 16 : index
        %swap3A_428 = tpu.vector_load %arg15[%swap3A_426, %swap3A_427] {strides = array<i32>} : memref<80x128xf32, #tpu.memory_space<vmem>>, vector<16xf32>,
        tpu.vector_store %arg15[%swap3A_426, %swap3A_427], %add3A_425 {strides = array<i32>} : memref<80x128xf32, #tpu.memory_space<vmem>>, vector<16xf32>,
        %get3A_429 = arith.index_cast %add3A_409 : i32 to index
        %get3A_430 = arith.constant 32 : index
        %get3A_431 = tpu.vector_load %arg15[%get3A_429, %get3A_430] {strides = array<i32>} : memref<80x128xf32, #tpu.memory_space<vmem>>, vector<16xf32>,
        %get3A_432 = arith.index_cast %add3A_409 : i32 to index
        %get3A_433 = arith.constant 32 : index
        %get3A_434 = tpu.vector_load %arg16[%get3A_432, %get3A_433] {strides = array<i32>} : memref<80x128xf32, #tpu.memory_space<vmem>>, vector<16xf32>,
        %add3A_435 = arith.addf %get3A_431, %get3A_434 : vector<16xf32>
        %swap3A_436 = arith.index_cast %add3A_409 : i32 to index
        %swap3A_437 = arith.constant 32 : index
        %swap3A_438 = tpu.vector_load %arg15[%swap3A_436, %swap3A_437] {strides = array<i32>} : memref<80x128xf32, #tpu.memory_space<vmem>>, vector<16xf32>,
        tpu.vector_store %arg15[%swap3A_436, %swap3A_437], %add3A_435 {strides = array<i32>} : memref<80x128xf32, #tpu.memory_space<vmem>>, vector<16xf32>,
        %get3A_439 = arith.index_cast %add3A_409 : i32 to index
        %get3A_440 = arith.constant 48 : index
        %get3A_441 = tpu.vector_load %arg15[%get3A_439, %get3A_440] {strides = array<i32>} : memref<80x128xf32, #tpu.memory_space<vmem>>, vector<16xf32>,
        %get3A_442 = arith.index_cast %add3A_409 : i32 to index
        %get3A_443 = arith.constant 48 : index
        %get3A_444 = tpu.vector_load %arg16[%get3A_442, %get3A_443] {strides = array<i32>} : memref<80x128xf32, #tpu.memory_space<vmem>>, vector<16xf32>,
        %add3A_445 = arith.addf %get3A_441, %get3A_444 : vector<16xf32>
        %swap3A_446 = arith.index_cast %add3A_409 : i32 to index
        %swap3A_447 = arith.constant 48 : index
        %swap3A_448 = tpu.vector_load %arg15[%swap3A_446, %swap3A_447] {strides = array<i32>} : memref<80x128xf32, #tpu.memory_space<vmem>>, vector<16xf32>,
        tpu.vector_store %arg15[%swap3A_446, %swap3A_447], %add3A_445 {strides = array<i32>} : memref<80x128xf32, #tpu.memory_space<vmem>>, vector<16xf32>,
        %get3A_449 = arith.index_cast %add3A_409 : i32 to index
        %get3A_450 = arith.constant 64 : index
        %get3A_451 = tpu.vector_load %arg15[%get3A_449, %get3A_450] {strides = array<i32>} : memref<80x128xf32, #tpu.memory_space<vmem>>, vector<16xf32>,
        %get3A_452 = arith.index_cast %add3A_409 : i32 to index
        %get3A_453 = arith.constant 64 : index
        %get3A_454 = tpu.vector_load %arg16[%get3A_452, %get3A_453] {strides = array<i32>} : memref<80x128xf32, #tpu.memory_space<vmem>>, vector<16xf32>,
        %add3A_455 = arith.addf %get3A_451, %get3A_454 : vector<16xf32>
        %swap3A_456 = arith.index_cast %add3A_409 : i32 to index
        %swap3A_457 = arith.constant 64 : index
        %swap3A_458 = tpu.vector_load %arg15[%swap3A_456, %swap3A_457] {strides = array<i32>} : memref<80x128xf32, #tpu.memory_space<vmem>>, vector<16xf32>,
        tpu.vector_store %arg15[%swap3A_456, %swap3A_457], %add3A_455 {strides = array<i32>} : memref<80x128xf32, #tpu.memory_space<vmem>>, vector<16xf32>,
        %get3A_459 = arith.index_cast %add3A_409 : i32 to index
        %get3A_460 = arith.constant 80 : index
        %get3A_461 = tpu.vector_load %arg15[%get3A_459, %get3A_460] {strides = array<i32>} : memref<80x128xf32, #tpu.memory_space<vmem>>, vector<16xf32>,
        %get3A_462 = arith.index_cast %add3A_409 : i32 to index
        %get3A_463 = arith.constant 80 : index
        %get3A_464 = tpu.vector_load %arg16[%get3A_462, %get3A_463] {strides = array<i32>} : memref<80x128xf32, #tpu.memory_space<vmem>>, vector<16xf32>,
        %add3A_465 = arith.addf %get3A_461, %get3A_464 : vector<16xf32>
        %swap3A_466 = arith.index_cast %add3A_409 : i32 to index
        %swap3A_467 = arith.constant 80 : index
        %swap3A_468 = tpu.vector_load %arg15[%swap3A_466, %swap3A_467] {strides = array<i32>} : memref<80x128xf32, #tpu.memory_space<vmem>>, vector<16xf32>,
        tpu.vector_store %arg15[%swap3A_466, %swap3A_467], %add3A_465 {strides = array<i32>} : memref<80x128xf32, #tpu.memory_space<vmem>>, vector<16xf32>,
        %get3A_469 = arith.index_cast %add3A_409 : i32 to index
        %get3A_470 = arith.constant 96 : index
        %get3A_471 = tpu.vector_load %arg15[%get3A_469, %get3A_470] {strides = array<i32>} : memref<80x128xf32, #tpu.memory_space<vmem>>, vector<16xf32>,
        %get3A_472 = arith.index_cast %add3A_409 : i32 to index
        %get3A_473 = arith.constant 96 : index
        %get3A_474 = tpu.vector_load %arg16[%get3A_472, %get3A_473] {strides = array<i32>} : memref<80x128xf32, #tpu.memory_space<vmem>>, vector<16xf32>,
        %add3A_475 = arith.addf %get3A_471, %get3A_474 : vector<16xf32>
        %swap3A_476 = arith.index_cast %add3A_409 : i32 to index
        %swap3A_477 = arith.constant 96 : index
        %swap3A_478 = tpu.vector_load %arg15[%swap3A_476, %swap3A_477] {strides = array<i32>} : memref<80x128xf32, #tpu.memory_space<vmem>>, vector<16xf32>,
        tpu.vector_store %arg15[%swap3A_476, %swap3A_477], %add3A_475 {strides = array<i32>} : memref<80x128xf32, #tpu.memory_space<vmem>>, vector<16xf32>,
        %get3A_479 = arith.index_cast %add3A_409 : i32 to index
        %get3A_480 = arith.constant 112 : index
        %get3A_481 = tpu.vector_load %arg15[%get3A_479, %get3A_480] {strides = array<i32>} : memref<80x128xf32, #tpu.memory_space<vmem>>, vector<16xf32>,
        %get3A_482 = arith.index_cast %add3A_409 : i32 to index
        %get3A_483 = arith.constant 112 : index
        %get3A_484 = tpu.vector_load %arg16[%get3A_482, %get3A_483] {strides = array<i32>} : memref<80x128xf32, #tpu.memory_space<vmem>>, vector<16xf32>,
        %add3A_485 = arith.addf %get3A_481, %get3A_484 : vector<16xf32>
        %swap3A_486 = arith.index_cast %add3A_409 : i32 to index
        %swap3A_487 = arith.constant 112 : index
        %swap3A_488 = tpu.vector_load %arg15[%swap3A_486, %swap3A_487] {strides = array<i32>} : memref<80x128xf32, #tpu.memory_space<vmem>>, vector<16xf32>,
        tpu.vector_store %arg15[%swap3A_486, %swap3A_487], %add3A_485 {strides = array<i32>} : memref<80x128xf32, #tpu.memory_space<vmem>>, vector<16xf32>,
      }
      %scan3A_233 = arith.constant 80 : i32
      %add3A_234 = arith.constant 0 : i32
      %add3A_235 = arith.addi %mul3A_228, %add3A_234 : i32
      %get3A_236 = arith.index_cast %add3A_235 : i32 to index
      %get3A_237 = tpu.vector_load %arg9[%get3A_236] {strides = array<i32>} : memref<5120xi32, #tpu.memory_space<vmem>>, vector<16xi32>,
      tpu.vector_store_idx %arg17[%get3A_237], %broadcast_in_dim3A_9 {add = true} : memref<10240xf32, #tpu.memory_space<vmem>>[vector<16xi32>], vector<16xf32>,
      %add3A_238 = arith.constant 16 : i32
      %add3A_239 = arith.addi %mul3A_228, %add3A_238 : i32
      %get3A_240 = arith.index_cast %add3A_239 : i32 to index
      %get3A_241 = tpu.vector_load %arg9[%get3A_240] {strides = array<i32>} : memref<5120xi32, #tpu.memory_space<vmem>>, vector<16xi32>,
      tpu.vector_store_idx %arg17[%get3A_241], %broadcast_in_dim3A_9 {add = true} : memref<10240xf32, #tpu.memory_space<vmem>>[vector<16xi32>], vector<16xf32>,
      %add3A_242 = arith.constant 32 : i32
      %add3A_243 = arith.addi %mul3A_228, %add3A_242 : i32
      %get3A_244 = arith.index_cast %add3A_243 : i32 to index
      %get3A_245 = tpu.vector_load %arg9[%get3A_244] {strides = array<i32>} : memref<5120xi32, #tpu.memory_space<vmem>>, vector<16xi32>,
      tpu.vector_store_idx %arg17[%get3A_245], %broadcast_in_dim3A_9 {add = true} : memref<10240xf32, #tpu.memory_space<vmem>>[vector<16xi32>], vector<16xf32>,
      %add3A_246 = arith.constant 48 : i32
      %add3A_247 = arith.addi %mul3A_228, %add3A_246 : i32
      %get3A_248 = arith.index_cast %add3A_247 : i32 to index
      %get3A_249 = tpu.vector_load %arg9[%get3A_248] {strides = array<i32>} : memref<5120xi32, #tpu.memory_space<vmem>>, vector<16xi32>,
      tpu.vector_store_idx %arg17[%get3A_249], %broadcast_in_dim3A_9 {add = true} : memref<10240xf32, #tpu.memory_space<vmem>>[vector<16xi32>], vector<16xf32>,
      %add3A_250 = arith.constant 64 : i32
      %add3A_251 = arith.addi %mul3A_228, %add3A_250 : i32
      %get3A_252 = arith.index_cast %add3A_251 : i32 to index
      %get3A_253 = tpu.vector_load %arg9[%get3A_252] {strides = array<i32>} : memref<5120xi32, #tpu.memory_space<vmem>>, vector<16xi32>,
      tpu.vector_store_idx %arg17[%get3A_253], %broadcast_in_dim3A_9 {add = true} : memref<10240xf32, #tpu.memory_space<vmem>>[vector<16xi32>], vector<16xf32>,
      %mul3A_254 = arith.constant 80 : i32
      %mul3A_255 = arith.muli %add3A_214, %mul3A_254 : i32
      %add3A_256 = arith.addi %mul3A_6, %mul3A_255 : i32
      %dma_start3A_257 = arith.constant 0 : i32
      %dma_start3A_258 = tpu.memref_slice %arg7[%add3A_256, %dma_start3A_257] : memref<163840x128xf32, #tpu.memory_space<hbm>> -> memref<80x128xf32, #tpu.memory_space<hbm>>
      %dma_start3A_259 = arith.constant 0 : i32
      %dma_start3A_260 = tpu.memref_slice %arg7[%add3A_256, %dma_start3A_259] : memref<163840x128xf32, #tpu.memory_space<hbm>> -> memref<80x128xf32, #tpu.memory_space<hbm>>
      tpu.enqueue_dma source(%arg15 : memref<80x128xf32, #tpu.memory_space<vmem>>) target(%dma_start3A_260 : memref<80x128xf32, #tpu.memory_space<hbm>>) target_semaphore(%arg26 : memref<!tpu.dma_semaphore, #tpu.memory_space<semaphore_mem>>)
      %dma_wait3A_261 = arith.constant 0 : i32
      %dma_wait3A_262 = tpu.memref_slice %arg7[%mul3A_6, %dma_wait3A_261] : memref<163840x128xf32, #tpu.memory_space<hbm>> -> memref<80x128xf32, #tpu.memory_space<hbm>>
      %dma_wait3A_263 = arith.constant 0 : i32
      %dma_wait3A_264 = tpu.memref_slice %arg7[%mul3A_6, %dma_wait3A_263] : memref<163840x128xf32, #tpu.memory_space<hbm>> -> memref<80x128xf32, #tpu.memory_space<hbm>>
      tpu.wait_dma2 semaphore(%arg25 : memref<!tpu.dma_semaphore, #tpu.memory_space<semaphore_mem>>) src(%arg13 : memref<80x128xf32, #tpu.memory_space<vmem>>) dst(%dma_wait3A_264 : memref<80x128xf32, #tpu.memory_space<hbm>>)
      %add3A_265 = arith.constant 2 : i32
      %add3A_266 = arith.addi %add3A_214, %add3A_265 : i32
      %mul3A_267 = arith.constant 80 : i32
      %mul3A_268 = arith.muli %add3A_266, %mul3A_267 : i32
      %dma_start3A_269 = tpu.memref_slice %arg9[%mul3A_268] : memref<5120xi32, #tpu.memory_space<vmem>> -> memref<80xi32, #tpu.memory_space<vmem>>
      %dma_start3A_270 = arith.constant 0 : i32
      %dma_start3A_271 = arith.constant 0 : i32
      %dma_start3A_272 = tpu.memref_slice %arg2[%dma_start3A_270, %dma_start3A_271] : memref<10000x128xf32, #tpu.memory_space<hbm>> -> memref<10000x128xf32, #tpu.memory_space<hbm>>
      tpu.enqueue_indirect_dma source(%dma_start3A_272 : memref<10000x128xf32, #tpu.memory_space<hbm>>) target(%arg13 : memref<80x128xf32, #tpu.memory_space<vmem>>) offsets(%dma_start3A_269 : memref<80xi32, #tpu.memory_space<vmem>>) semaphore(%arg20 : memref<!tpu.dma_semaphore, #tpu.memory_space<semaphore_mem>>)
      %dma_start3A_273 = tpu.memref_slice %arg10[%mul3A_268] : memref<5120xi32, #tpu.memory_space<vmem>> -> memref<80xi32, #tpu.memory_space<vmem>>
      %dma_start3A_274 = arith.constant 0 : i32
      %dma_start3A_275 = arith.constant 0 : i32
      %dma_start3A_276 = tpu.memref_slice %arg3[%dma_start3A_274, %dma_start3A_275] : memref<10000x128xf32, #tpu.memory_space<hbm>> -> memref<10000x128xf32, #tpu.memory_space<hbm>>
      tpu.enqueue_indirect_dma source(%dma_start3A_276 : memref<10000x128xf32, #tpu.memory_space<hbm>>) target(%arg14 : memref<80x128xf32, #tpu.memory_space<vmem>>) offsets(%dma_start3A_273 : memref<80xi32, #tpu.memory_space<vmem>>) semaphore(%arg21 : memref<!tpu.dma_semaphore, #tpu.memory_space<semaphore_mem>>)
      %add3A_277 = arith.constant 1 : i32
      %add3A_278 = arith.addi %add3A_212, %add3A_277 : i32
      %dma_wait3A_279 = arith.constant 0 : i32
      %dma_wait3A_280 = arith.constant 0 : i32
      %dma_wait3A_281 = tpu.memref_slice %arg2[%dma_wait3A_279, %dma_wait3A_280] : memref<10000x128xf32, #tpu.memory_space<hbm>> -> memref<80x128xf32, #tpu.memory_space<hbm>>
      %dma_wait3A_282 = arith.constant 0 : i32
      %dma_wait3A_283 = arith.constant 0 : i32
      %dma_wait3A_284 = tpu.memref_slice %arg2[%dma_wait3A_282, %dma_wait3A_283] : memref<10000x128xf32, #tpu.memory_space<hbm>> -> memref<80x128xf32, #tpu.memory_space<hbm>>
      tpu.wait_dma2 semaphore(%arg18 : memref<!tpu.dma_semaphore, #tpu.memory_space<semaphore_mem>>) src(%dma_wait3A_284 : memref<80x128xf32, #tpu.memory_space<hbm>>) dst(%arg11 : memref<80x128xf32, #tpu.memory_space<vmem>>)
      %dma_wait3A_285 = arith.constant 0 : i32
      %dma_wait3A_286 = arith.constant 0 : i32
      %dma_wait3A_287 = tpu.memref_slice %arg3[%dma_wait3A_285, %dma_wait3A_286] : memref<10000x128xf32, #tpu.memory_space<hbm>> -> memref<80x128xf32, #tpu.memory_space<hbm>>
      %dma_wait3A_288 = arith.constant 0 : i32
      %dma_wait3A_289 = arith.constant 0 : i32
      %dma_wait3A_290 = tpu.memref_slice %arg3[%dma_wait3A_288, %dma_wait3A_289] : memref<10000x128xf32, #tpu.memory_space<hbm>> -> memref<80x128xf32, #tpu.memory_space<hbm>>
      tpu.wait_dma2 semaphore(%arg19 : memref<!tpu.dma_semaphore, #tpu.memory_space<semaphore_mem>>) src(%dma_wait3A_290 : memref<80x128xf32, #tpu.memory_space<hbm>>) dst(%arg12 : memref<80x128xf32, #tpu.memory_space<vmem>>)
      %mul3A_291 = arith.constant 80 : i32
      %mul3A_292 = arith.muli %add3A_278, %mul3A_291 : i32
      %scan3A_293 = arith.constant 0 : i32
      %scan3A_294 = arith.constant 80 : i32
      %scan3A_295 = arith.addi %scan3A_293, %scan3A_294 : i32
      %scan3A_296 = arith.constant 1 : i32
      scf.for %scan3A_405 = %scan3A_293 to %scan3A_295 step %scan3A_296  : i32 {
        %mul3A_406 = arith.constant 1 : i32
        %mul3A_407 = arith.muli %scan3A_405, %mul3A_406 : i32
        %add3A_408 = arith.constant 0 : i32
        %add3A_409 = arith.addi %add3A_408, %mul3A_407 : i32
        %get3A_410 = arith.index_cast %add3A_409 : i32 to index
        %get3A_411 = arith.constant 0 : index
        %get3A_412 = tpu.vector_load %arg11[%get3A_410, %get3A_411] {strides = array<i32>} : memref<80x128xf32, #tpu.memory_space<vmem>>, vector<16xf32>,
        %get3A_413 = arith.index_cast %add3A_409 : i32 to index
        %get3A_414 = arith.constant 0 : index
        %get3A_415 = tpu.vector_load %arg12[%get3A_413, %get3A_414] {strides = array<i32>} : memref<80x128xf32, #tpu.memory_space<vmem>>, vector<16xf32>,
        %add3A_416 = arith.addf %get3A_412, %get3A_415 : vector<16xf32>
        %swap3A = arith.index_cast %add3A_409 : i32 to index
        %swap3A_417 = arith.constant 0 : index
        %swap3A_418 = tpu.vector_load %arg11[%swap3A, %swap3A_417] {strides = array<i32>} : memref<80x128xf32, #tpu.memory_space<vmem>>, vector<16xf32>,
        tpu.vector_store %arg11[%swap3A, %swap3A_417], %add3A_416 {strides = array<i32>} : memref<80x128xf32, #tpu.memory_space<vmem>>, vector<16xf32>,
        %get3A_419 = arith.index_cast %add3A_409 : i32 to index
        %get3A_420 = arith.constant 16 : index
        %get3A_421 = tpu.vector_load %arg11[%get3A_419, %get3A_420] {strides = array<i32>} : memref<80x128xf32, #tpu.memory_space<vmem>>, vector<16xf32>,
        %get3A_422 = arith.index_cast %add3A_409 : i32 to index
        %get3A_423 = arith.constant 16 : index
        %get3A_424 = tpu.vector_load %arg12[%get3A_422, %get3A_423] {strides = array<i32>} : memref<80x128xf32, #tpu.memory_space<vmem>>, vector<16xf32>,
        %add3A_425 = arith.addf %get3A_421, %get3A_424 : vector<16xf32>
        %swap3A_426 = arith.index_cast %add3A_409 : i32 to index
        %swap3A_427 = arith.constant 16 : index
        %swap3A_428 = tpu.vector_load %arg11[%swap3A_426, %swap3A_427] {strides = array<i32>} : memref<80x128xf32, #tpu.memory_space<vmem>>, vector<16xf32>,
        tpu.vector_store %arg11[%swap3A_426, %swap3A_427], %add3A_425 {strides = array<i32>} : memref<80x128xf32, #tpu.memory_space<vmem>>, vector<16xf32>,
        %get3A_429 = arith.index_cast %add3A_409 : i32 to index
        %get3A_430 = arith.constant 32 : index
        %get3A_431 = tpu.vector_load %arg11[%get3A_429, %get3A_430] {strides = array<i32>} : memref<80x128xf32, #tpu.memory_space<vmem>>, vector<16xf32>,
        %get3A_432 = arith.index_cast %add3A_409 : i32 to index
        %get3A_433 = arith.constant 32 : index
        %get3A_434 = tpu.vector_load %arg12[%get3A_432, %get3A_433] {strides = array<i32>} : memref<80x128xf32, #tpu.memory_space<vmem>>, vector<16xf32>,
        %add3A_435 = arith.addf %get3A_431, %get3A_434 : vector<16xf32>
        %swap3A_436 = arith.index_cast %add3A_409 : i32 to index
        %swap3A_437 = arith.constant 32 : index
        %swap3A_438 = tpu.vector_load %arg11[%swap3A_436, %swap3A_437] {strides = array<i32>} : memref<80x128xf32, #tpu.memory_space<vmem>>, vector<16xf32>,
        tpu.vector_store %arg11[%swap3A_436, %swap3A_437], %add3A_435 {strides = array<i32>} : memref<80x128xf32, #tpu.memory_space<vmem>>, vector<16xf32>,
        %get3A_439 = arith.index_cast %add3A_409 : i32 to index
        %get3A_440 = arith.constant 48 : index
        %get3A_441 = tpu.vector_load %arg11[%get3A_439, %get3A_440] {strides = array<i32>} : memref<80x128xf32, #tpu.memory_space<vmem>>, vector<16xf32>,
        %get3A_442 = arith.index_cast %add3A_409 : i32 to index
        %get3A_443 = arith.constant 48 : index
        %get3A_444 = tpu.vector_load %arg12[%get3A_442, %get3A_443] {strides = array<i32>} : memref<80x128xf32, #tpu.memory_space<vmem>>, vector<16xf32>,
        %add3A_445 = arith.addf %get3A_441, %get3A_444 : vector<16xf32>
        %swap3A_446 = arith.index_cast %add3A_409 : i32 to index
        %swap3A_447 = arith.constant 48 : index
        %swap3A_448 = tpu.vector_load %arg11[%swap3A_446, %swap3A_447] {strides = array<i32>} : memref<80x128xf32, #tpu.memory_space<vmem>>, vector<16xf32>,
        tpu.vector_store %arg11[%swap3A_446, %swap3A_447], %add3A_445 {strides = array<i32>} : memref<80x128xf32, #tpu.memory_space<vmem>>, vector<16xf32>,
        %get3A_449 = arith.index_cast %add3A_409 : i32 to index
        %get3A_450 = arith.constant 64 : index
        %get3A_451 = tpu.vector_load %arg11[%get3A_449, %get3A_450] {strides = array<i32>} : memref<80x128xf32, #tpu.memory_space<vmem>>, vector<16xf32>,
        %get3A_452 = arith.index_cast %add3A_409 : i32 to index
        %get3A_453 = arith.constant 64 : index
        %get3A_454 = tpu.vector_load %arg12[%get3A_452, %get3A_453] {strides = array<i32>} : memref<80x128xf32, #tpu.memory_space<vmem>>, vector<16xf32>,
        %add3A_455 = arith.addf %get3A_451, %get3A_454 : vector<16xf32>
        %swap3A_456 = arith.index_cast %add3A_409 : i32 to index
        %swap3A_457 = arith.constant 64 : index
        %swap3A_458 = tpu.vector_load %arg11[%swap3A_456, %swap3A_457] {strides = array<i32>} : memref<80x128xf32, #tpu.memory_space<vmem>>, vector<16xf32>,
        tpu.vector_store %arg11[%swap3A_456, %swap3A_457], %add3A_455 {strides = array<i32>} : memref<80x128xf32, #tpu.memory_space<vmem>>, vector<16xf32>,
        %get3A_459 = arith.index_cast %add3A_409 : i32 to index
        %get3A_460 = arith.constant 80 : index
        %get3A_461 = tpu.vector_load %arg11[%get3A_459, %get3A_460] {strides = array<i32>} : memref<80x128xf32, #tpu.memory_space<vmem>>, vector<16xf32>,
        %get3A_462 = arith.index_cast %add3A_409 : i32 to index
        %get3A_463 = arith.constant 80 : index
        %get3A_464 = tpu.vector_load %arg12[%get3A_462, %get3A_463] {strides = array<i32>} : memref<80x128xf32, #tpu.memory_space<vmem>>, vector<16xf32>,
        %add3A_465 = arith.addf %get3A_461, %get3A_464 : vector<16xf32>
        %swap3A_466 = arith.index_cast %add3A_409 : i32 to index
        %swap3A_467 = arith.constant 80 : index
        %swap3A_468 = tpu.vector_load %arg11[%swap3A_466, %swap3A_467] {strides = array<i32>} : memref<80x128xf32, #tpu.memory_space<vmem>>, vector<16xf32>,
        tpu.vector_store %arg11[%swap3A_466, %swap3A_467], %add3A_465 {strides = array<i32>} : memref<80x128xf32, #tpu.memory_space<vmem>>, vector<16xf32>,
        %get3A_469 = arith.index_cast %add3A_409 : i32 to index
        %get3A_470 = arith.constant 96 : index
        %get3A_471 = tpu.vector_load %arg11[%get3A_469, %get3A_470] {strides = array<i32>} : memref<80x128xf32, #tpu.memory_space<vmem>>, vector<16xf32>,
        %get3A_472 = arith.index_cast %add3A_409 : i32 to index
        %get3A_473 = arith.constant 96 : index
        %get3A_474 = tpu.vector_load %arg12[%get3A_472, %get3A_473] {strides = array<i32>} : memref<80x128xf32, #tpu.memory_space<vmem>>, vector<16xf32>,
        %add3A_475 = arith.addf %get3A_471, %get3A_474 : vector<16xf32>
        %swap3A_476 = arith.index_cast %add3A_409 : i32 to index
        %swap3A_477 = arith.constant 96 : index
        %swap3A_478 = tpu.vector_load %arg11[%swap3A_476, %swap3A_477] {strides = array<i32>} : memref<80x128xf32, #tpu.memory_space<vmem>>, vector<16xf32>,
        tpu.vector_store %arg11[%swap3A_476, %swap3A_477], %add3A_475 {strides = array<i32>} : memref<80x128xf32, #tpu.memory_space<vmem>>, vector<16xf32>,
        %get3A_479 = arith.index_cast %add3A_409 : i32 to index
        %get3A_480 = arith.constant 112 : index
        %get3A_481 = tpu.vector_load %arg11[%get3A_479, %get3A_480] {strides = array<i32>} : memref<80x128xf32, #tpu.memory_space<vmem>>, vector<16xf32>,
        %get3A_482 = arith.index_cast %add3A_409 : i32 to index
        %get3A_483 = arith.constant 112 : index
        %get3A_484 = tpu.vector_load %arg12[%get3A_482, %get3A_483] {strides = array<i32>} : memref<80x128xf32, #tpu.memory_space<vmem>>, vector<16xf32>,
        %add3A_485 = arith.addf %get3A_481, %get3A_484 : vector<16xf32>
        %swap3A_486 = arith.index_cast %add3A_409 : i32 to index
        %swap3A_487 = arith.constant 112 : index
        %swap3A_488 = tpu.vector_load %arg11[%swap3A_486, %swap3A_487] {strides = array<i32>} : memref<80x128xf32, #tpu.memory_space<vmem>>, vector<16xf32>,
        tpu.vector_store %arg11[%swap3A_486, %swap3A_487], %add3A_485 {strides = array<i32>} : memref<80x128xf32, #tpu.memory_space<vmem>>, vector<16xf32>,
      }
      %scan3A_297 = arith.constant 80 : i32
      %add3A_298 = arith.constant 0 : i32
      %add3A_299 = arith.addi %mul3A_292, %add3A_298 : i32
      %get3A_300 = arith.index_cast %add3A_299 : i32 to index
      %get3A_301 = tpu.vector_load %arg9[%get3A_300] {strides = array<i32>} : memref<5120xi32, #tpu.memory_space<vmem>>, vector<16xi32>,
      tpu.vector_store_idx %arg17[%get3A_301], %broadcast_in_dim3A_9 {add = true} : memref<10240xf32, #tpu.memory_space<vmem>>[vector<16xi32>], vector<16xf32>,
      %add3A_302 = arith.constant 16 : i32
      %add3A_303 = arith.addi %mul3A_292, %add3A_302 : i32
      %get3A_304 = arith.index_cast %add3A_303 : i32 to index
      %get3A_305 = tpu.vector_load %arg9[%get3A_304] {strides = array<i32>} : memref<5120xi32, #tpu.memory_space<vmem>>, vector<16xi32>,
      tpu.vector_store_idx %arg17[%get3A_305], %broadcast_in_dim3A_9 {add = true} : memref<10240xf32, #tpu.memory_space<vmem>>[vector<16xi32>], vector<16xf32>,
      %add3A_306 = arith.constant 32 : i32
      %add3A_307 = arith.addi %mul3A_292, %add3A_306 : i32
      %get3A_308 = arith.index_cast %add3A_307 : i32 to index
      %get3A_309 = tpu.vector_load %arg9[%get3A_308] {strides = array<i32>} : memref<5120xi32, #tpu.memory_space<vmem>>, vector<16xi32>,
      tpu.vector_store_idx %arg17[%get3A_309], %broadcast_in_dim3A_9 {add = true} : memref<10240xf32, #tpu.memory_space<vmem>>[vector<16xi32>], vector<16xf32>,
      %add3A_310 = arith.constant 48 : i32
      %add3A_311 = arith.addi %mul3A_292, %add3A_310 : i32
      %get3A_312 = arith.index_cast %add3A_311 : i32 to index
      %get3A_313 = tpu.vector_load %arg9[%get3A_312] {strides = array<i32>} : memref<5120xi32, #tpu.memory_space<vmem>>, vector<16xi32>,
      tpu.vector_store_idx %arg17[%get3A_313], %broadcast_in_dim3A_9 {add = true} : memref<10240xf32, #tpu.memory_space<vmem>>[vector<16xi32>], vector<16xf32>,
      %add3A_314 = arith.constant 64 : i32
      %add3A_315 = arith.addi %mul3A_292, %add3A_314 : i32
      %get3A_316 = arith.index_cast %add3A_315 : i32 to index
      %get3A_317 = tpu.vector_load %arg9[%get3A_316] {strides = array<i32>} : memref<5120xi32, #tpu.memory_space<vmem>>, vector<16xi32>,
      tpu.vector_store_idx %arg17[%get3A_317], %broadcast_in_dim3A_9 {add = true} : memref<10240xf32, #tpu.memory_space<vmem>>[vector<16xi32>], vector<16xf32>,
      %mul3A_318 = arith.constant 80 : i32
      %mul3A_319 = arith.muli %add3A_278, %mul3A_318 : i32
      %add3A_320 = arith.addi %mul3A_6, %mul3A_319 : i32
      %dma_start3A_321 = arith.constant 0 : i32
      %dma_start3A_322 = tpu.memref_slice %arg7[%add3A_320, %dma_start3A_321] : memref<163840x128xf32, #tpu.memory_space<hbm>> -> memref<80x128xf32, #tpu.memory_space<hbm>>
      %dma_start3A_323 = arith.constant 0 : i32
      %dma_start3A_324 = tpu.memref_slice %arg7[%add3A_320, %dma_start3A_323] : memref<163840x128xf32, #tpu.memory_space<hbm>> -> memref<80x128xf32, #tpu.memory_space<hbm>>
      tpu.enqueue_dma source(%arg11 : memref<80x128xf32, #tpu.memory_space<vmem>>) target(%dma_start3A_324 : memref<80x128xf32, #tpu.memory_space<hbm>>) target_semaphore(%arg24 : memref<!tpu.dma_semaphore, #tpu.memory_space<semaphore_mem>>)
      %dma_wait3A_325 = arith.constant 0 : i32
      %dma_wait3A_326 = tpu.memref_slice %arg7[%mul3A_6, %dma_wait3A_325] : memref<163840x128xf32, #tpu.memory_space<hbm>> -> memref<80x128xf32, #tpu.memory_space<hbm>>
      %dma_wait3A_327 = arith.constant 0 : i32
      %dma_wait3A_328 = tpu.memref_slice %arg7[%mul3A_6, %dma_wait3A_327] : memref<163840x128xf32, #tpu.memory_space<hbm>> -> memref<80x128xf32, #tpu.memory_space<hbm>>
      tpu.wait_dma2 semaphore(%arg26 : memref<!tpu.dma_semaphore, #tpu.memory_space<semaphore_mem>>) src(%arg15 : memref<80x128xf32, #tpu.memory_space<vmem>>) dst(%dma_wait3A_328 : memref<80x128xf32, #tpu.memory_space<hbm>>)
      %add3A_329 = arith.constant 2 : i32
      %add3A_330 = arith.addi %add3A_278, %add3A_329 : i32
      %mul3A_331 = arith.constant 80 : i32
      %mul3A_332 = arith.muli %add3A_330, %mul3A_331 : i32
      %dma_start3A_333 = tpu.memref_slice %arg9[%mul3A_332] : memref<5120xi32, #tpu.memory_space<vmem>> -> memref<80xi32, #tpu.memory_space<vmem>>
      %dma_start3A_334 = arith.constant 0 : i32
      %dma_start3A_335 = arith.constant 0 : i32
      %dma_start3A_336 = tpu.memref_slice %arg2[%dma_start3A_334, %dma_start3A_335] : memref<10000x128xf32, #tpu.memory_space<hbm>> -> memref<10000x128xf32, #tpu.memory_space<hbm>>
      tpu.enqueue_indirect_dma source(%dma_start3A_336 : memref<10000x128xf32, #tpu.memory_space<hbm>>) target(%arg15 : memref<80x128xf32, #tpu.memory_space<vmem>>) offsets(%dma_start3A_333 : memref<80xi32, #tpu.memory_space<vmem>>) semaphore(%arg22 : memref<!tpu.dma_semaphore, #tpu.memory_space<semaphore_mem>>)
      %dma_start3A_337 = tpu.memref_slice %arg10[%mul3A_332] : memref<5120xi32, #tpu.memory_space<vmem>> -> memref<80xi32, #tpu.memory_space<vmem>>
      %dma_start3A_338 = arith.constant 0 : i32
      %dma_start3A_339 = arith.constant 0 : i32
      %dma_start3A_340 = tpu.memref_slice %arg3[%dma_start3A_338, %dma_start3A_339] : memref<10000x128xf32, #tpu.memory_space<hbm>> -> memref<10000x128xf32, #tpu.memory_space<hbm>>
      tpu.enqueue_indirect_dma source(%dma_start3A_340 : memref<10000x128xf32, #tpu.memory_space<hbm>>) target(%arg16 : memref<80x128xf32, #tpu.memory_space<vmem>>) offsets(%dma_start3A_337 : memref<80xi32, #tpu.memory_space<vmem>>) semaphore(%arg23 : memref<!tpu.dma_semaphore, #tpu.memory_space<semaphore_mem>>)
      %add3A_341 = arith.constant 2 : i32
      %add3A_342 = arith.addi %add3A_212, %add3A_341 : i32
      %dma_wait3A_343 = arith.constant 0 : i32
      %dma_wait3A_344 = arith.constant 0 : i32
      %dma_wait3A_345 = tpu.memref_slice %arg2[%dma_wait3A_343, %dma_wait3A_344] : memref<10000x128xf32, #tpu.memory_space<hbm>> -> memref<80x128xf32, #tpu.memory_space<hbm>>
      %dma_wait3A_346 = arith.constant 0 : i32
      %dma_wait3A_347 = arith.constant 0 : i32
      %dma_wait3A_348 = tpu.memref_slice %arg2[%dma_wait3A_346, %dma_wait3A_347] : memref<10000x128xf32, #tpu.memory_space<hbm>> -> memref<80x128xf32, #tpu.memory_space<hbm>>
      tpu.wait_dma2 semaphore(%arg20 : memref<!tpu.dma_semaphore, #tpu.memory_space<semaphore_mem>>) src(%dma_wait3A_348 : memref<80x128xf32, #tpu.memory_space<hbm>>) dst(%arg13 : memref<80x128xf32, #tpu.memory_space<vmem>>)
      %dma_wait3A_349 = arith.constant 0 : i32
      %dma_wait3A_350 = arith.constant 0 : i32
      %dma_wait3A_351 = tpu.memref_slice %arg3[%dma_wait3A_349, %dma_wait3A_350] : memref<10000x128xf32, #tpu.memory_space<hbm>> -> memref<80x128xf32, #tpu.memory_space<hbm>>
      %dma_wait3A_352 = arith.constant 0 : i32
      %dma_wait3A_353 = arith.constant 0 : i32
      %dma_wait3A_354 = tpu.memref_slice %arg3[%dma_wait3A_352, %dma_wait3A_353] : memref<10000x128xf32, #tpu.memory_space<hbm>> -> memref<80x128xf32, #tpu.memory_space<hbm>>
      tpu.wait_dma2 semaphore(%arg21 : memref<!tpu.dma_semaphore, #tpu.memory_space<semaphore_mem>>) src(%dma_wait3A_354 : memref<80x128xf32, #tpu.memory_space<hbm>>) dst(%arg14 : memref<80x128xf32, #tpu.memory_space<vmem>>)
      %mul3A_355 = arith.constant 80 : i32
      %mul3A_356 = arith.muli %add3A_342, %mul3A_355 : i32
      %scan3A_357 = arith.constant 0 : i32
      %scan3A_358 = arith.constant 80 : i32
      %scan3A_359 = arith.addi %scan3A_357, %scan3A_358 : i32
      %scan3A_360 = arith.constant 1 : i32
      scf.for %scan3A_405 = %scan3A_357 to %scan3A_359 step %scan3A_360  : i32 {
        %mul3A_406 = arith.constant 1 : i32
        %mul3A_407 = arith.muli %scan3A_405, %mul3A_406 : i32
        %add3A_408 = arith.constant 0 : i32
        %add3A_409 = arith.addi %add3A_408, %mul3A_407 : i32
        %get3A_410 = arith.index_cast %add3A_409 : i32 to index
        %get3A_411 = arith.constant 0 : index
        %get3A_412 = tpu.vector_load %arg13[%get3A_410, %get3A_411] {strides = array<i32>} : memref<80x128xf32, #tpu.memory_space<vmem>>, vector<16xf32>,
        %get3A_413 = arith.index_cast %add3A_409 : i32 to index
        %get3A_414 = arith.constant 0 : index
        %get3A_415 = tpu.vector_load %arg14[%get3A_413, %get3A_414] {strides = array<i32>} : memref<80x128xf32, #tpu.memory_space<vmem>>, vector<16xf32>,
        %add3A_416 = arith.addf %get3A_412, %get3A_415 : vector<16xf32>
        %swap3A = arith.index_cast %add3A_409 : i32 to index
        %swap3A_417 = arith.constant 0 : index
        %swap3A_418 = tpu.vector_load %arg13[%swap3A, %swap3A_417] {strides = array<i32>} : memref<80x128xf32, #tpu.memory_space<vmem>>, vector<16xf32>,
        tpu.vector_store %arg13[%swap3A, %swap3A_417], %add3A_416 {strides = array<i32>} : memref<80x128xf32, #tpu.memory_space<vmem>>, vector<16xf32>,
        %get3A_419 = arith.index_cast %add3A_409 : i32 to index
        %get3A_420 = arith.constant 16 : index
        %get3A_421 = tpu.vector_load %arg13[%get3A_419, %get3A_420] {strides = array<i32>} : memref<80x128xf32, #tpu.memory_space<vmem>>, vector<16xf32>,
        %get3A_422 = arith.index_cast %add3A_409 : i32 to index
        %get3A_423 = arith.constant 16 : index
        %get3A_424 = tpu.vector_load %arg14[%get3A_422, %get3A_423] {strides = array<i32>} : memref<80x128xf32, #tpu.memory_space<vmem>>, vector<16xf32>,
        %add3A_425 = arith.addf %get3A_421, %get3A_424 : vector<16xf32>
        %swap3A_426 = arith.index_cast %add3A_409 : i32 to index
        %swap3A_427 = arith.constant 16 : index
        %swap3A_428 = tpu.vector_load %arg13[%swap3A_426, %swap3A_427] {strides = array<i32>} : memref<80x128xf32, #tpu.memory_space<vmem>>, vector<16xf32>,
        tpu.vector_store %arg13[%swap3A_426, %swap3A_427], %add3A_425 {strides = array<i32>} : memref<80x128xf32, #tpu.memory_space<vmem>>, vector<16xf32>,
        %get3A_429 = arith.index_cast %add3A_409 : i32 to index
        %get3A_430 = arith.constant 32 : index
        %get3A_431 = tpu.vector_load %arg13[%get3A_429, %get3A_430] {strides = array<i32>} : memref<80x128xf32, #tpu.memory_space<vmem>>, vector<16xf32>,
        %get3A_432 = arith.index_cast %add3A_409 : i32 to index
        %get3A_433 = arith.constant 32 : index
        %get3A_434 = tpu.vector_load %arg14[%get3A_432, %get3A_433] {strides = array<i32>} : memref<80x128xf32, #tpu.memory_space<vmem>>, vector<16xf32>,
        %add3A_435 = arith.addf %get3A_431, %get3A_434 : vector<16xf32>
        %swap3A_436 = arith.index_cast %add3A_409 : i32 to index
        %swap3A_437 = arith.constant 32 : index
        %swap3A_438 = tpu.vector_load %arg13[%swap3A_436, %swap3A_437] {strides = array<i32>} : memref<80x128xf32, #tpu.memory_space<vmem>>, vector<16xf32>,
        tpu.vector_store %arg13[%swap3A_436, %swap3A_437], %add3A_435 {strides = array<i32>} : memref<80x128xf32, #tpu.memory_space<vmem>>, vector<16xf32>,
        %get3A_439 = arith.index_cast %add3A_409 : i32 to index
        %get3A_440 = arith.constant 48 : index
        %get3A_441 = tpu.vector_load %arg13[%get3A_439, %get3A_440] {strides = array<i32>} : memref<80x128xf32, #tpu.memory_space<vmem>>, vector<16xf32>,
        %get3A_442 = arith.index_cast %add3A_409 : i32 to index
        %get3A_443 = arith.constant 48 : index
        %get3A_444 = tpu.vector_load %arg14[%get3A_442, %get3A_443] {strides = array<i32>} : memref<80x128xf32, #tpu.memory_space<vmem>>, vector<16xf32>,
        %add3A_445 = arith.addf %get3A_441, %get3A_444 : vector<16xf32>
        %swap3A_446 = arith.index_cast %add3A_409 : i32 to index
        %swap3A_447 = arith.constant 48 : index
        %swap3A_448 = tpu.vector_load %arg13[%swap3A_446, %swap3A_447] {strides = array<i32>} : memref<80x128xf32, #tpu.memory_space<vmem>>, vector<16xf32>,
        tpu.vector_store %arg13[%swap3A_446, %swap3A_447], %add3A_445 {strides = array<i32>} : memref<80x128xf32, #tpu.memory_space<vmem>>, vector<16xf32>,
        %get3A_449 = arith.index_cast %add3A_409 : i32 to index
        %get3A_450 = arith.constant 64 : index
        %get3A_451 = tpu.vector_load %arg13[%get3A_449, %get3A_450] {strides = array<i32>} : memref<80x128xf32, #tpu.memory_space<vmem>>, vector<16xf32>,
        %get3A_452 = arith.index_cast %add3A_409 : i32 to index
        %get3A_453 = arith.constant 64 : index
        %get3A_454 = tpu.vector_load %arg14[%get3A_452, %get3A_453] {strides = array<i32>} : memref<80x128xf32, #tpu.memory_space<vmem>>, vector<16xf32>,
        %add3A_455 = arith.addf %get3A_451, %get3A_454 : vector<16xf32>
        %swap3A_456 = arith.index_cast %add3A_409 : i32 to index
        %swap3A_457 = arith.constant 64 : index
        %swap3A_458 = tpu.vector_load %arg13[%swap3A_456, %swap3A_457] {strides = array<i32>} : memref<80x128xf32, #tpu.memory_space<vmem>>, vector<16xf32>,
        tpu.vector_store %arg13[%swap3A_456, %swap3A_457], %add3A_455 {strides = array<i32>} : memref<80x128xf32, #tpu.memory_space<vmem>>, vector<16xf32>,
        %get3A_459 = arith.index_cast %add3A_409 : i32 to index
        %get3A_460 = arith.constant 80 : index
        %get3A_461 = tpu.vector_load %arg13[%get3A_459, %get3A_460] {strides = array<i32>} : memref<80x128xf32, #tpu.memory_space<vmem>>, vector<16xf32>,
        %get3A_462 = arith.index_cast %add3A_409 : i32 to index
        %get3A_463 = arith.constant 80 : index
        %get3A_464 = tpu.vector_load %arg14[%get3A_462, %get3A_463] {strides = array<i32>} : memref<80x128xf32, #tpu.memory_space<vmem>>, vector<16xf32>,
        %add3A_465 = arith.addf %get3A_461, %get3A_464 : vector<16xf32>
        %swap3A_466 = arith.index_cast %add3A_409 : i32 to index
        %swap3A_467 = arith.constant 80 : index
        %swap3A_468 = tpu.vector_load %arg13[%swap3A_466, %swap3A_467] {strides = array<i32>} : memref<80x128xf32, #tpu.memory_space<vmem>>, vector<16xf32>,
        tpu.vector_store %arg13[%swap3A_466, %swap3A_467], %add3A_465 {strides = array<i32>} : memref<80x128xf32, #tpu.memory_space<vmem>>, vector<16xf32>,
        %get3A_469 = arith.index_cast %add3A_409 : i32 to index
        %get3A_470 = arith.constant 96 : index
        %get3A_471 = tpu.vector_load %arg13[%get3A_469, %get3A_470] {strides = array<i32>} : memref<80x128xf32, #tpu.memory_space<vmem>>, vector<16xf32>,
        %get3A_472 = arith.index_cast %add3A_409 : i32 to index
        %get3A_473 = arith.constant 96 : index
        %get3A_474 = tpu.vector_load %arg14[%get3A_472, %get3A_473] {strides = array<i32>} : memref<80x128xf32, #tpu.memory_space<vmem>>, vector<16xf32>,
        %add3A_475 = arith.addf %get3A_471, %get3A_474 : vector<16xf32>
        %swap3A_476 = arith.index_cast %add3A_409 : i32 to index
        %swap3A_477 = arith.constant 96 : index
        %swap3A_478 = tpu.vector_load %arg13[%swap3A_476, %swap3A_477] {strides = array<i32>} : memref<80x128xf32, #tpu.memory_space<vmem>>, vector<16xf32>,
        tpu.vector_store %arg13[%swap3A_476, %swap3A_477], %add3A_475 {strides = array<i32>} : memref<80x128xf32, #tpu.memory_space<vmem>>, vector<16xf32>,
        %get3A_479 = arith.index_cast %add3A_409 : i32 to index
        %get3A_480 = arith.constant 112 : index
        %get3A_481 = tpu.vector_load %arg13[%get3A_479, %get3A_480] {strides = array<i32>} : memref<80x128xf32, #tpu.memory_space<vmem>>, vector<16xf32>,
        %get3A_482 = arith.index_cast %add3A_409 : i32 to index
        %get3A_483 = arith.constant 112 : index
        %get3A_484 = tpu.vector_load %arg14[%get3A_482, %get3A_483] {strides = array<i32>} : memref<80x128xf32, #tpu.memory_space<vmem>>, vector<16xf32>,
        %add3A_485 = arith.addf %get3A_481, %get3A_484 : vector<16xf32>
        %swap3A_486 = arith.index_cast %add3A_409 : i32 to index
        %swap3A_487 = arith.constant 112 : index
        %swap3A_488 = tpu.vector_load %arg13[%swap3A_486, %swap3A_487] {strides = array<i32>} : memref<80x128xf32, #tpu.memory_space<vmem>>, vector<16xf32>,
        tpu.vector_store %arg13[%swap3A_486, %swap3A_487], %add3A_485 {strides = array<i32>} : memref<80x128xf32, #tpu.memory_space<vmem>>, vector<16xf32>,
      }
      %scan3A_361 = arith.constant 80 : i32
      %add3A_362 = arith.constant 0 : i32
      %add3A_363 = arith.addi %mul3A_356, %add3A_362 : i32
      %get3A_364 = arith.index_cast %add3A_363 : i32 to index
      %get3A_365 = tpu.vector_load %arg9[%get3A_364] {strides = array<i32>} : memref<5120xi32, #tpu.memory_space<vmem>>, vector<16xi32>,
      tpu.vector_store_idx %arg17[%get3A_365], %broadcast_in_dim3A_9 {add = true} : memref<10240xf32, #tpu.memory_space<vmem>>[vector<16xi32>], vector<16xf32>,
      %add3A_366 = arith.constant 16 : i32
      %add3A_367 = arith.addi %mul3A_356, %add3A_366 : i32
      %get3A_368 = arith.index_cast %add3A_367 : i32 to index
      %get3A_369 = tpu.vector_load %arg9[%get3A_368] {strides = array<i32>} : memref<5120xi32, #tpu.memory_space<vmem>>, vector<16xi32>,
      tpu.vector_store_idx %arg17[%get3A_369], %broadcast_in_dim3A_9 {add = true} : memref<10240xf32, #tpu.memory_space<vmem>>[vector<16xi32>], vector<16xf32>,
      %add3A_370 = arith.constant 32 : i32
      %add3A_371 = arith.addi %mul3A_356, %add3A_370 : i32
      %get3A_372 = arith.index_cast %add3A_371 : i32 to index
      %get3A_373 = tpu.vector_load %arg9[%get3A_372] {strides = array<i32>} : memref<5120xi32, #tpu.memory_space<vmem>>, vector<16xi32>,
      tpu.vector_store_idx %arg17[%get3A_373], %broadcast_in_dim3A_9 {add = true} : memref<10240xf32, #tpu.memory_space<vmem>>[vector<16xi32>], vector<16xf32>,
      %add3A_374 = arith.constant 48 : i32
      %add3A_375 = arith.addi %mul3A_356, %add3A_374 : i32
      %get3A_376 = arith.index_cast %add3A_375 : i32 to index
      %get3A_377 = tpu.vector_load %arg9[%get3A_376] {strides = array<i32>} : memref<5120xi32, #tpu.memory_space<vmem>>, vector<16xi32>,
      tpu.vector_store_idx %arg17[%get3A_377], %broadcast_in_dim3A_9 {add = true} : memref<10240xf32, #tpu.memory_space<vmem>>[vector<16xi32>], vector<16xf32>,
      %add3A_378 = arith.constant 64 : i32
      %add3A_379 = arith.addi %mul3A_356, %add3A_378 : i32
      %get3A_380 = arith.index_cast %add3A_379 : i32 to index
      %get3A_381 = tpu.vector_load %arg9[%get3A_380] {strides = array<i32>} : memref<5120xi32, #tpu.memory_space<vmem>>, vector<16xi32>,
      tpu.vector_store_idx %arg17[%get3A_381], %broadcast_in_dim3A_9 {add = true} : memref<10240xf32, #tpu.memory_space<vmem>>[vector<16xi32>], vector<16xf32>,
      %mul3A_382 = arith.constant 80 : i32
      %mul3A_383 = arith.muli %add3A_342, %mul3A_382 : i32
      %add3A_384 = arith.addi %mul3A_6, %mul3A_383 : i32
      %dma_start3A_385 = arith.constant 0 : i32
      %dma_start3A_386 = tpu.memref_slice %arg7[%add3A_384, %dma_start3A_385] : memref<163840x128xf32, #tpu.memory_space<hbm>> -> memref<80x128xf32, #tpu.memory_space<hbm>>
      %dma_start3A_387 = arith.constant 0 : i32
      %dma_start3A_388 = tpu.memref_slice %arg7[%add3A_384, %dma_start3A_387] : memref<163840x128xf32, #tpu.memory_space<hbm>> -> memref<80x128xf32, #tpu.memory_space<hbm>>
      tpu.enqueue_dma source(%arg13 : memref<80x128xf32, #tpu.memory_space<vmem>>) target(%dma_start3A_388 : memref<80x128xf32, #tpu.memory_space<hbm>>) target_semaphore(%arg25 : memref<!tpu.dma_semaphore, #tpu.memory_space<semaphore_mem>>)
      %dma_wait3A_389 = arith.constant 0 : i32
      %dma_wait3A_390 = tpu.memref_slice %arg7[%mul3A_6, %dma_wait3A_389] : memref<163840x128xf32, #tpu.memory_space<hbm>> -> memref<80x128xf32, #tpu.memory_space<hbm>>
      %dma_wait3A_391 = arith.constant 0 : i32
      %dma_wait3A_392 = tpu.memref_slice %arg7[%mul3A_6, %dma_wait3A_391] : memref<163840x128xf32, #tpu.memory_space<hbm>> -> memref<80x128xf32, #tpu.memory_space<hbm>>
      tpu.wait_dma2 semaphore(%arg24 : memref<!tpu.dma_semaphore, #tpu.memory_space<semaphore_mem>>) src(%arg11 : memref<80x128xf32, #tpu.memory_space<vmem>>) dst(%dma_wait3A_392 : memref<80x128xf32, #tpu.memory_space<hbm>>)
      %add3A_393 = arith.constant 2 : i32
      %add3A_394 = arith.addi %add3A_342, %add3A_393 : i32
      %mul3A_395 = arith.constant 80 : i32
      %mul3A_396 = arith.muli %add3A_394, %mul3A_395 : i32
      %dma_start3A_397 = tpu.memref_slice %arg9[%mul3A_396] : memref<5120xi32, #tpu.memory_space<vmem>> -> memref<80xi32, #tpu.memory_space<vmem>>
      %dma_start3A_398 = arith.constant 0 : i32
      %dma_start3A_399 = arith.constant 0 : i32
      %dma_start3A_400 = tpu.memref_slice %arg2[%dma_start3A_398, %dma_start3A_399] : memref<10000x128xf32, #tpu.memory_space<hbm>> -> memref<10000x128xf32, #tpu.memory_space<hbm>>
      tpu.enqueue_indirect_dma source(%dma_start3A_400 : memref<10000x128xf32, #tpu.memory_space<hbm>>) target(%arg11 : memref<80x128xf32, #tpu.memory_space<vmem>>) offsets(%dma_start3A_397 : memref<80xi32, #tpu.memory_space<vmem>>) semaphore(%arg18 : memref<!tpu.dma_semaphore, #tpu.memory_space<semaphore_mem>>)
      %dma_start3A_401 = tpu.memref_slice %arg10[%mul3A_396] : memref<5120xi32, #tpu.memory_space<vmem>> -> memref<80xi32, #tpu.memory_space<vmem>>
      %dma_start3A_402 = arith.constant 0 : i32
      %dma_start3A_403 = arith.constant 0 : i32
      %dma_start3A_404 = tpu.memref_slice %arg3[%dma_start3A_402, %dma_start3A_403] : memref<10000x128xf32, #tpu.memory_space<hbm>> -> memref<10000x128xf32, #tpu.memory_space<hbm>>
      tpu.enqueue_indirect_dma source(%dma_start3A_404 : memref<10000x128xf32, #tpu.memory_space<hbm>>) target(%arg12 : memref<80x128xf32, #tpu.memory_space<vmem>>) offsets(%dma_start3A_401 : memref<80xi32, #tpu.memory_space<vmem>>) semaphore(%arg19 : memref<!tpu.dma_semaphore, #tpu.memory_space<semaphore_mem>>)
    }
    %scan3A_125 = arith.constant 20 : i32
    %dma_wait3A_126 = arith.constant 0 : i32
    %dma_wait3A_127 = arith.constant 0 : i32
    %dma_wait3A_128 = tpu.memref_slice %arg2[%dma_wait3A_126, %dma_wait3A_127] : memref<10000x128xf32, #tpu.memory_space<hbm>> -> memref<80x128xf32, #tpu.memory_space<hbm>>
    %dma_wait3A_129 = arith.constant 0 : i32
    %dma_wait3A_130 = arith.constant 0 : i32
    %dma_wait3A_131 = tpu.memref_slice %arg2[%dma_wait3A_129, %dma_wait3A_130] : memref<10000x128xf32, #tpu.memory_space<hbm>> -> memref<80x128xf32, #tpu.memory_space<hbm>>
    tpu.wait_dma2 semaphore(%arg22 : memref<!tpu.dma_semaphore, #tpu.memory_space<semaphore_mem>>) src(%dma_wait3A_131 : memref<80x128xf32, #tpu.memory_space<hbm>>) dst(%arg15 : memref<80x128xf32, #tpu.memory_space<vmem>>)
    %dma_wait3A_132 = arith.constant 0 : i32
    %dma_wait3A_133 = arith.constant 0 : i32
    %dma_wait3A_134 = tpu.memref_slice %arg3[%dma_wait3A_132, %dma_wait3A_133] : memref<10000x128xf32, #tpu.memory_space<hbm>> -> memref<80x128xf32, #tpu.memory_space<hbm>>
    %dma_wait3A_135 = arith.constant 0 : i32
    %dma_wait3A_136 = arith.constant 0 : i32
    %dma_wait3A_137 = tpu.memref_slice %arg3[%dma_wait3A_135, %dma_wait3A_136] : memref<10000x128xf32, #tpu.memory_space<hbm>> -> memref<80x128xf32, #tpu.memory_space<hbm>>
    tpu.wait_dma2 semaphore(%arg23 : memref<!tpu.dma_semaphore, #tpu.memory_space<semaphore_mem>>) src(%dma_wait3A_137 : memref<80x128xf32, #tpu.memory_space<hbm>>) dst(%arg16 : memref<80x128xf32, #tpu.memory_space<vmem>>)
    %scan3A_138 = arith.constant 0 : i32
    %scan3A_139 = arith.constant 80 : i32
    %scan3A_140 = arith.addi %scan3A_138, %scan3A_139 : i32
    %scan3A_141 = arith.constant 1 : i32
    scf.for %scan3A_204 = %scan3A_138 to %scan3A_140 step %scan3A_141  : i32 {
      %mul3A_205 = arith.constant 1 : i32
      %mul3A_206 = arith.muli %scan3A_204, %mul3A_205 : i32
      %add3A_207 = arith.constant 0 : i32
      %add3A_208 = arith.addi %add3A_207, %mul3A_206 : i32
      %get3A_209 = arith.index_cast %add3A_208 : i32 to index
      %get3A_210 = arith.constant 0 : index
      %get3A_211 = tpu.vector_load %arg15[%get3A_209, %get3A_210] {strides = array<i32>} : memref<80x128xf32, #tpu.memory_space<vmem>>, vector<16xf32>,
      %get3A_212 = arith.index_cast %add3A_208 : i32 to index
      %get3A_213 = arith.constant 0 : index
      %get3A_214 = tpu.vector_load %arg16[%get3A_212, %get3A_213] {strides = array<i32>} : memref<80x128xf32, #tpu.memory_space<vmem>>, vector<16xf32>,
      %add3A_215 = arith.addf %get3A_211, %get3A_214 : vector<16xf32>
      %swap3A = arith.index_cast %add3A_208 : i32 to index
      %swap3A_216 = arith.constant 0 : index
      %swap3A_217 = tpu.vector_load %arg15[%swap3A, %swap3A_216] {strides = array<i32>} : memref<80x128xf32, #tpu.memory_space<vmem>>, vector<16xf32>,
      tpu.vector_store %arg15[%swap3A, %swap3A_216], %add3A_215 {strides = array<i32>} : memref<80x128xf32, #tpu.memory_space<vmem>>, vector<16xf32>,
      %get3A_218 = arith.index_cast %add3A_208 : i32 to index
      %get3A_219 = arith.constant 16 : index
      %get3A_220 = tpu.vector_load %arg15[%get3A_218, %get3A_219] {strides = array<i32>} : memref<80x128xf32, #tpu.memory_space<vmem>>, vector<16xf32>,
      %get3A_221 = arith.index_cast %add3A_208 : i32 to index
      %get3A_222 = arith.constant 16 : index
      %get3A_223 = tpu.vector_load %arg16[%get3A_221, %get3A_222] {strides = array<i32>} : memref<80x128xf32, #tpu.memory_space<vmem>>, vector<16xf32>,
      %add3A_224 = arith.addf %get3A_220, %get3A_223 : vector<16xf32>
      %swap3A_225 = arith.index_cast %add3A_208 : i32 to index
      %swap3A_226 = arith.constant 16 : index
      %swap3A_227 = tpu.vector_load %arg15[%swap3A_225, %swap3A_226] {strides = array<i32>} : memref<80x128xf32, #tpu.memory_space<vmem>>, vector<16xf32>,
      tpu.vector_store %arg15[%swap3A_225, %swap3A_226], %add3A_224 {strides = array<i32>} : memref<80x128xf32, #tpu.memory_space<vmem>>, vector<16xf32>,
      %get3A_228 = arith.index_cast %add3A_208 : i32 to index
      %get3A_229 = arith.constant 32 : index
      %get3A_230 = tpu.vector_load %arg15[%get3A_228, %get3A_229] {strides = array<i32>} : memref<80x128xf32, #tpu.memory_space<vmem>>, vector<16xf32>,
      %get3A_231 = arith.index_cast %add3A_208 : i32 to index
      %get3A_232 = arith.constant 32 : index
      %get3A_233 = tpu.vector_load %arg16[%get3A_231, %get3A_232] {strides = array<i32>} : memref<80x128xf32, #tpu.memory_space<vmem>>, vector<16xf32>,
      %add3A_234 = arith.addf %get3A_230, %get3A_233 : vector<16xf32>
      %swap3A_235 = arith.index_cast %add3A_208 : i32 to index
      %swap3A_236 = arith.constant 32 : index
      %swap3A_237 = tpu.vector_load %arg15[%swap3A_235, %swap3A_236] {strides = array<i32>} : memref<80x128xf32, #tpu.memory_space<vmem>>, vector<16xf32>,
      tpu.vector_store %arg15[%swap3A_235, %swap3A_236], %add3A_234 {strides = array<i32>} : memref<80x128xf32, #tpu.memory_space<vmem>>, vector<16xf32>,
      %get3A_238 = arith.index_cast %add3A_208 : i32 to index
      %get3A_239 = arith.constant 48 : index
      %get3A_240 = tpu.vector_load %arg15[%get3A_238, %get3A_239] {strides = array<i32>} : memref<80x128xf32, #tpu.memory_space<vmem>>, vector<16xf32>,
      %get3A_241 = arith.index_cast %add3A_208 : i32 to index
      %get3A_242 = arith.constant 48 : index
      %get3A_243 = tpu.vector_load %arg16[%get3A_241, %get3A_242] {strides = array<i32>} : memref<80x128xf32, #tpu.memory_space<vmem>>, vector<16xf32>,
      %add3A_244 = arith.addf %get3A_240, %get3A_243 : vector<16xf32>
      %swap3A_245 = arith.index_cast %add3A_208 : i32 to index
      %swap3A_246 = arith.constant 48 : index
      %swap3A_247 = tpu.vector_load %arg15[%swap3A_245, %swap3A_246] {strides = array<i32>} : memref<80x128xf32, #tpu.memory_space<vmem>>, vector<16xf32>,
      tpu.vector_store %arg15[%swap3A_245, %swap3A_246], %add3A_244 {strides = array<i32>} : memref<80x128xf32, #tpu.memory_space<vmem>>, vector<16xf32>,
      %get3A_248 = arith.index_cast %add3A_208 : i32 to index
      %get3A_249 = arith.constant 64 : index
      %get3A_250 = tpu.vector_load %arg15[%get3A_248, %get3A_249] {strides = array<i32>} : memref<80x128xf32, #tpu.memory_space<vmem>>, vector<16xf32>,
      %get3A_251 = arith.index_cast %add3A_208 : i32 to index
      %get3A_252 = arith.constant 64 : index
      %get3A_253 = tpu.vector_load %arg16[%get3A_251, %get3A_252] {strides = array<i32>} : memref<80x128xf32, #tpu.memory_space<vmem>>, vector<16xf32>,
      %add3A_254 = arith.addf %get3A_250, %get3A_253 : vector<16xf32>
      %swap3A_255 = arith.index_cast %add3A_208 : i32 to index
      %swap3A_256 = arith.constant 64 : index
      %swap3A_257 = tpu.vector_load %arg15[%swap3A_255, %swap3A_256] {strides = array<i32>} : memref<80x128xf32, #tpu.memory_space<vmem>>, vector<16xf32>,
      tpu.vector_store %arg15[%swap3A_255, %swap3A_256], %add3A_254 {strides = array<i32>} : memref<80x128xf32, #tpu.memory_space<vmem>>, vector<16xf32>,
      %get3A_258 = arith.index_cast %add3A_208 : i32 to index
      %get3A_259 = arith.constant 80 : index
      %get3A_260 = tpu.vector_load %arg15[%get3A_258, %get3A_259] {strides = array<i32>} : memref<80x128xf32, #tpu.memory_space<vmem>>, vector<16xf32>,
      %get3A_261 = arith.index_cast %add3A_208 : i32 to index
      %get3A_262 = arith.constant 80 : index
      %get3A_263 = tpu.vector_load %arg16[%get3A_261, %get3A_262] {strides = array<i32>} : memref<80x128xf32, #tpu.memory_space<vmem>>, vector<16xf32>,
      %add3A_264 = arith.addf %get3A_260, %get3A_263 : vector<16xf32>
      %swap3A_265 = arith.index_cast %add3A_208 : i32 to index
      %swap3A_266 = arith.constant 80 : index
      %swap3A_267 = tpu.vector_load %arg15[%swap3A_265, %swap3A_266] {strides = array<i32>} : memref<80x128xf32, #tpu.memory_space<vmem>>, vector<16xf32>,
      tpu.vector_store %arg15[%swap3A_265, %swap3A_266], %add3A_264 {strides = array<i32>} : memref<80x128xf32, #tpu.memory_space<vmem>>, vector<16xf32>,
      %get3A_268 = arith.index_cast %add3A_208 : i32 to index
      %get3A_269 = arith.constant 96 : index
      %get3A_270 = tpu.vector_load %arg15[%get3A_268, %get3A_269] {strides = array<i32>} : memref<80x128xf32, #tpu.memory_space<vmem>>, vector<16xf32>,
      %get3A_271 = arith.index_cast %add3A_208 : i32 to index
      %get3A_272 = arith.constant 96 : index
      %get3A_273 = tpu.vector_load %arg16[%get3A_271, %get3A_272] {strides = array<i32>} : memref<80x128xf32, #tpu.memory_space<vmem>>, vector<16xf32>,
      %add3A_274 = arith.addf %get3A_270, %get3A_273 : vector<16xf32>
      %swap3A_275 = arith.index_cast %add3A_208 : i32 to index
      %swap3A_276 = arith.constant 96 : index
      %swap3A_277 = tpu.vector_load %arg15[%swap3A_275, %swap3A_276] {strides = array<i32>} : memref<80x128xf32, #tpu.memory_space<vmem>>, vector<16xf32>,
      tpu.vector_store %arg15[%swap3A_275, %swap3A_276], %add3A_274 {strides = array<i32>} : memref<80x128xf32, #tpu.memory_space<vmem>>, vector<16xf32>,
      %get3A_278 = arith.index_cast %add3A_208 : i32 to index
      %get3A_279 = arith.constant 112 : index
      %get3A_280 = tpu.vector_load %arg15[%get3A_278, %get3A_279] {strides = array<i32>} : memref<80x128xf32, #tpu.memory_space<vmem>>, vector<16xf32>,
      %get3A_281 = arith.index_cast %add3A_208 : i32 to index
      %get3A_282 = arith.constant 112 : index
      %get3A_283 = tpu.vector_load %arg16[%get3A_281, %get3A_282] {strides = array<i32>} : memref<80x128xf32, #tpu.memory_space<vmem>>, vector<16xf32>,
      %add3A_284 = arith.addf %get3A_280, %get3A_283 : vector<16xf32>
      %swap3A_285 = arith.index_cast %add3A_208 : i32 to index
      %swap3A_286 = arith.constant 112 : index
      %swap3A_287 = tpu.vector_load %arg15[%swap3A_285, %swap3A_286] {strides = array<i32>} : memref<80x128xf32, #tpu.memory_space<vmem>>, vector<16xf32>,
      tpu.vector_store %arg15[%swap3A_285, %swap3A_286], %add3A_284 {strides = array<i32>} : memref<80x128xf32, #tpu.memory_space<vmem>>, vector<16xf32>,
    }
    %scan3A_142 = arith.constant 80 : i32
    %get3A_143 = arith.constant 4960 : index
    %get3A_144 = tpu.vector_load %arg9[%get3A_143] {strides = array<i32>} : memref<5120xi32, #tpu.memory_space<vmem>>, vector<16xi32>,
    tpu.vector_store_idx %arg17[%get3A_144], %broadcast_in_dim3A_9 {add = true} : memref<10240xf32, #tpu.memory_space<vmem>>[vector<16xi32>], vector<16xf32>,
    %get3A_145 = arith.constant 4976 : index
    %get3A_146 = tpu.vector_load %arg9[%get3A_145] {strides = array<i32>} : memref<5120xi32, #tpu.memory_space<vmem>>, vector<16xi32>,
    tpu.vector_store_idx %arg17[%get3A_146], %broadcast_in_dim3A_9 {add = true} : memref<10240xf32, #tpu.memory_space<vmem>>[vector<16xi32>], vector<16xf32>,
    %get3A_147 = arith.constant 4992 : index
    %get3A_148 = tpu.vector_load %arg9[%get3A_147] {strides = array<i32>} : memref<5120xi32, #tpu.memory_space<vmem>>, vector<16xi32>,
    tpu.vector_store_idx %arg17[%get3A_148], %broadcast_in_dim3A_9 {add = true} : memref<10240xf32, #tpu.memory_space<vmem>>[vector<16xi32>], vector<16xf32>,
    %get3A_149 = arith.constant 5008 : index
    %get3A_150 = tpu.vector_load %arg9[%get3A_149] {strides = array<i32>} : memref<5120xi32, #tpu.memory_space<vmem>>, vector<16xi32>,
    tpu.vector_store_idx %arg17[%get3A_150], %broadcast_in_dim3A_9 {add = true} : memref<10240xf32, #tpu.memory_space<vmem>>[vector<16xi32>], vector<16xf32>,
    %get3A_151 = arith.constant 5024 : index
    %get3A_152 = tpu.vector_load %arg9[%get3A_151] {strides = array<i32>} : memref<5120xi32, #tpu.memory_space<vmem>>, vector<16xi32>,
    tpu.vector_store_idx %arg17[%get3A_152], %broadcast_in_dim3A_9 {add = true} : memref<10240xf32, #tpu.memory_space<vmem>>[vector<16xi32>], vector<16xf32>,
    %add3A_153 = arith.constant 4960 : i32
    %add3A_154 = arith.addi %mul3A_6, %add3A_153 : i32
    %dma_start3A_155 = arith.constant 0 : i32
    %dma_start3A_156 = tpu.memref_slice %arg7[%add3A_154, %dma_start3A_155] : memref<163840x128xf32, #tpu.memory_space<hbm>> -> memref<80x128xf32, #tpu.memory_space<hbm>>
    %dma_start3A_157 = arith.constant 0 : i32
    %dma_start3A_158 = tpu.memref_slice %arg7[%add3A_154, %dma_start3A_157] : memref<163840x128xf32, #tpu.memory_space<hbm>> -> memref<80x128xf32, #tpu.memory_space<hbm>>
    tpu.enqueue_dma source(%arg15 : memref<80x128xf32, #tpu.memory_space<vmem>>) target(%dma_start3A_158 : memref<80x128xf32, #tpu.memory_space<hbm>>) target_semaphore(%arg26 : memref<!tpu.dma_semaphore, #tpu.memory_space<semaphore_mem>>)
    %dma_wait3A_159 = arith.constant 0 : i32
    %dma_wait3A_160 = arith.constant 0 : i32
    %dma_wait3A_161 = tpu.memref_slice %arg2[%dma_wait3A_159, %dma_wait3A_160] : memref<10000x128xf32, #tpu.memory_space<hbm>> -> memref<80x128xf32, #tpu.memory_space<hbm>>
    %dma_wait3A_162 = arith.constant 0 : i32
    %dma_wait3A_163 = arith.constant 0 : i32
    %dma_wait3A_164 = tpu.memref_slice %arg2[%dma_wait3A_162, %dma_wait3A_163] : memref<10000x128xf32, #tpu.memory_space<hbm>> -> memref<80x128xf32, #tpu.memory_space<hbm>>
    tpu.wait_dma2 semaphore(%arg18 : memref<!tpu.dma_semaphore, #tpu.memory_space<semaphore_mem>>) src(%dma_wait3A_164 : memref<80x128xf32, #tpu.memory_space<hbm>>) dst(%arg11 : memref<80x128xf32, #tpu.memory_space<vmem>>)
    %dma_wait3A_165 = arith.constant 0 : i32
    %dma_wait3A_166 = arith.constant 0 : i32
    %dma_wait3A_167 = tpu.memref_slice %arg3[%dma_wait3A_165, %dma_wait3A_166] : memref<10000x128xf32, #tpu.memory_space<hbm>> -> memref<80x128xf32, #tpu.memory_space<hbm>>
    %dma_wait3A_168 = arith.constant 0 : i32
    %dma_wait3A_169 = arith.constant 0 : i32
    %dma_wait3A_170 = tpu.memref_slice %arg3[%dma_wait3A_168, %dma_wait3A_169] : memref<10000x128xf32, #tpu.memory_space<hbm>> -> memref<80x128xf32, #tpu.memory_space<hbm>>
    tpu.wait_dma2 semaphore(%arg19 : memref<!tpu.dma_semaphore, #tpu.memory_space<semaphore_mem>>) src(%dma_wait3A_170 : memref<80x128xf32, #tpu.memory_space<hbm>>) dst(%arg12 : memref<80x128xf32, #tpu.memory_space<vmem>>)
    %scan3A_171 = arith.constant 0 : i32
    %scan3A_172 = arith.constant 80 : i32
    %scan3A_173 = arith.addi %scan3A_171, %scan3A_172 : i32
    %scan3A_174 = arith.constant 1 : i32
    scf.for %scan3A_204 = %scan3A_171 to %scan3A_173 step %scan3A_174  : i32 {
      %mul3A_205 = arith.constant 1 : i32
      %mul3A_206 = arith.muli %scan3A_204, %mul3A_205 : i32
      %add3A_207 = arith.constant 0 : i32
      %add3A_208 = arith.addi %add3A_207, %mul3A_206 : i32
      %get3A_209 = arith.index_cast %add3A_208 : i32 to index
      %get3A_210 = arith.constant 0 : index
      %get3A_211 = tpu.vector_load %arg11[%get3A_209, %get3A_210] {strides = array<i32>} : memref<80x128xf32, #tpu.memory_space<vmem>>, vector<16xf32>,
      %get3A_212 = arith.index_cast %add3A_208 : i32 to index
      %get3A_213 = arith.constant 0 : index
      %get3A_214 = tpu.vector_load %arg12[%get3A_212, %get3A_213] {strides = array<i32>} : memref<80x128xf32, #tpu.memory_space<vmem>>, vector<16xf32>,
      %add3A_215 = arith.addf %get3A_211, %get3A_214 : vector<16xf32>
      %swap3A = arith.index_cast %add3A_208 : i32 to index
      %swap3A_216 = arith.constant 0 : index
      %swap3A_217 = tpu.vector_load %arg11[%swap3A, %swap3A_216] {strides = array<i32>} : memref<80x128xf32, #tpu.memory_space<vmem>>, vector<16xf32>,
      tpu.vector_store %arg11[%swap3A, %swap3A_216], %add3A_215 {strides = array<i32>} : memref<80x128xf32, #tpu.memory_space<vmem>>, vector<16xf32>,
      %get3A_218 = arith.index_cast %add3A_208 : i32 to index
      %get3A_219 = arith.constant 16 : index
      %get3A_220 = tpu.vector_load %arg11[%get3A_218, %get3A_219] {strides = array<i32>} : memref<80x128xf32, #tpu.memory_space<vmem>>, vector<16xf32>,
      %get3A_221 = arith.index_cast %add3A_208 : i32 to index
      %get3A_222 = arith.constant 16 : index
      %get3A_223 = tpu.vector_load %arg12[%get3A_221, %get3A_222] {strides = array<i32>} : memref<80x128xf32, #tpu.memory_space<vmem>>, vector<16xf32>,
      %add3A_224 = arith.addf %get3A_220, %get3A_223 : vector<16xf32>
      %swap3A_225 = arith.index_cast %add3A_208 : i32 to index
      %swap3A_226 = arith.constant 16 : index
      %swap3A_227 = tpu.vector_load %arg11[%swap3A_225, %swap3A_226] {strides = array<i32>} : memref<80x128xf32, #tpu.memory_space<vmem>>, vector<16xf32>,
      tpu.vector_store %arg11[%swap3A_225, %swap3A_226], %add3A_224 {strides = array<i32>} : memref<80x128xf32, #tpu.memory_space<vmem>>, vector<16xf32>,
      %get3A_228 = arith.index_cast %add3A_208 : i32 to index
      %get3A_229 = arith.constant 32 : index
      %get3A_230 = tpu.vector_load %arg11[%get3A_228, %get3A_229] {strides = array<i32>} : memref<80x128xf32, #tpu.memory_space<vmem>>, vector<16xf32>,
      %get3A_231 = arith.index_cast %add3A_208 : i32 to index
      %get3A_232 = arith.constant 32 : index
      %get3A_233 = tpu.vector_load %arg12[%get3A_231, %get3A_232] {strides = array<i32>} : memref<80x128xf32, #tpu.memory_space<vmem>>, vector<16xf32>,
      %add3A_234 = arith.addf %get3A_230, %get3A_233 : vector<16xf32>
      %swap3A_235 = arith.index_cast %add3A_208 : i32 to index
      %swap3A_236 = arith.constant 32 : index
      %swap3A_237 = tpu.vector_load %arg11[%swap3A_235, %swap3A_236] {strides = array<i32>} : memref<80x128xf32, #tpu.memory_space<vmem>>, vector<16xf32>,
      tpu.vector_store %arg11[%swap3A_235, %swap3A_236], %add3A_234 {strides = array<i32>} : memref<80x128xf32, #tpu.memory_space<vmem>>, vector<16xf32>,
      %get3A_238 = arith.index_cast %add3A_208 : i32 to index
      %get3A_239 = arith.constant 48 : index
      %get3A_240 = tpu.vector_load %arg11[%get3A_238, %get3A_239] {strides = array<i32>} : memref<80x128xf32, #tpu.memory_space<vmem>>, vector<16xf32>,
      %get3A_241 = arith.index_cast %add3A_208 : i32 to index
      %get3A_242 = arith.constant 48 : index
      %get3A_243 = tpu.vector_load %arg12[%get3A_241, %get3A_242] {strides = array<i32>} : memref<80x128xf32, #tpu.memory_space<vmem>>, vector<16xf32>,
      %add3A_244 = arith.addf %get3A_240, %get3A_243 : vector<16xf32>
      %swap3A_245 = arith.index_cast %add3A_208 : i32 to index
      %swap3A_246 = arith.constant 48 : index
      %swap3A_247 = tpu.vector_load %arg11[%swap3A_245, %swap3A_246] {strides = array<i32>} : memref<80x128xf32, #tpu.memory_space<vmem>>, vector<16xf32>,
      tpu.vector_store %arg11[%swap3A_245, %swap3A_246], %add3A_244 {strides = array<i32>} : memref<80x128xf32, #tpu.memory_space<vmem>>, vector<16xf32>,
      %get3A_248 = arith.index_cast %add3A_208 : i32 to index
      %get3A_249 = arith.constant 64 : index
      %get3A_250 = tpu.vector_load %arg11[%get3A_248, %get3A_249] {strides = array<i32>} : memref<80x128xf32, #tpu.memory_space<vmem>>, vector<16xf32>,
      %get3A_251 = arith.index_cast %add3A_208 : i32 to index
      %get3A_252 = arith.constant 64 : index
      %get3A_253 = tpu.vector_load %arg12[%get3A_251, %get3A_252] {strides = array<i32>} : memref<80x128xf32, #tpu.memory_space<vmem>>, vector<16xf32>,
      %add3A_254 = arith.addf %get3A_250, %get3A_253 : vector<16xf32>
      %swap3A_255 = arith.index_cast %add3A_208 : i32 to index
      %swap3A_256 = arith.constant 64 : index
      %swap3A_257 = tpu.vector_load %arg11[%swap3A_255, %swap3A_256] {strides = array<i32>} : memref<80x128xf32, #tpu.memory_space<vmem>>, vector<16xf32>,
      tpu.vector_store %arg11[%swap3A_255, %swap3A_256], %add3A_254 {strides = array<i32>} : memref<80x128xf32, #tpu.memory_space<vmem>>, vector<16xf32>,
      %get3A_258 = arith.index_cast %add3A_208 : i32 to index
      %get3A_259 = arith.constant 80 : index
      %get3A_260 = tpu.vector_load %arg11[%get3A_258, %get3A_259] {strides = array<i32>} : memref<80x128xf32, #tpu.memory_space<vmem>>, vector<16xf32>,
      %get3A_261 = arith.index_cast %add3A_208 : i32 to index
      %get3A_262 = arith.constant 80 : index
      %get3A_263 = tpu.vector_load %arg12[%get3A_261, %get3A_262] {strides = array<i32>} : memref<80x128xf32, #tpu.memory_space<vmem>>, vector<16xf32>,
      %add3A_264 = arith.addf %get3A_260, %get3A_263 : vector<16xf32>
      %swap3A_265 = arith.index_cast %add3A_208 : i32 to index
      %swap3A_266 = arith.constant 80 : index
      %swap3A_267 = tpu.vector_load %arg11[%swap3A_265, %swap3A_266] {strides = array<i32>} : memref<80x128xf32, #tpu.memory_space<vmem>>, vector<16xf32>,
      tpu.vector_store %arg11[%swap3A_265, %swap3A_266], %add3A_264 {strides = array<i32>} : memref<80x128xf32, #tpu.memory_space<vmem>>, vector<16xf32>,
      %get3A_268 = arith.index_cast %add3A_208 : i32 to index
      %get3A_269 = arith.constant 96 : index
      %get3A_270 = tpu.vector_load %arg11[%get3A_268, %get3A_269] {strides = array<i32>} : memref<80x128xf32, #tpu.memory_space<vmem>>, vector<16xf32>,
      %get3A_271 = arith.index_cast %add3A_208 : i32 to index
      %get3A_272 = arith.constant 96 : index
      %get3A_273 = tpu.vector_load %arg12[%get3A_271, %get3A_272] {strides = array<i32>} : memref<80x128xf32, #tpu.memory_space<vmem>>, vector<16xf32>,
      %add3A_274 = arith.addf %get3A_270, %get3A_273 : vector<16xf32>
      %swap3A_275 = arith.index_cast %add3A_208 : i32 to index
      %swap3A_276 = arith.constant 96 : index
      %swap3A_277 = tpu.vector_load %arg11[%swap3A_275, %swap3A_276] {strides = array<i32>} : memref<80x128xf32, #tpu.memory_space<vmem>>, vector<16xf32>,
      tpu.vector_store %arg11[%swap3A_275, %swap3A_276], %add3A_274 {strides = array<i32>} : memref<80x128xf32, #tpu.memory_space<vmem>>, vector<16xf32>,
      %get3A_278 = arith.index_cast %add3A_208 : i32 to index
      %get3A_279 = arith.constant 112 : index
      %get3A_280 = tpu.vector_load %arg11[%get3A_278, %get3A_279] {strides = array<i32>} : memref<80x128xf32, #tpu.memory_space<vmem>>, vector<16xf32>,
      %get3A_281 = arith.index_cast %add3A_208 : i32 to index
      %get3A_282 = arith.constant 112 : index
      %get3A_283 = tpu.vector_load %arg12[%get3A_281, %get3A_282] {strides = array<i32>} : memref<80x128xf32, #tpu.memory_space<vmem>>, vector<16xf32>,
      %add3A_284 = arith.addf %get3A_280, %get3A_283 : vector<16xf32>
      %swap3A_285 = arith.index_cast %add3A_208 : i32 to index
      %swap3A_286 = arith.constant 112 : index
      %swap3A_287 = tpu.vector_load %arg11[%swap3A_285, %swap3A_286] {strides = array<i32>} : memref<80x128xf32, #tpu.memory_space<vmem>>, vector<16xf32>,
      tpu.vector_store %arg11[%swap3A_285, %swap3A_286], %add3A_284 {strides = array<i32>} : memref<80x128xf32, #tpu.memory_space<vmem>>, vector<16xf32>,
    }
    %scan3A_175 = arith.constant 80 : i32
    %get3A_176 = arith.constant 5040 : index
    %get3A_177 = tpu.vector_load %arg9[%get3A_176] {strides = array<i32>} : memref<5120xi32, #tpu.memory_space<vmem>>, vector<16xi32>,
    tpu.vector_store_idx %arg17[%get3A_177], %broadcast_in_dim3A_9 {add = true} : memref<10240xf32, #tpu.memory_space<vmem>>[vector<16xi32>], vector<16xf32>,
    %get3A_178 = arith.constant 5056 : index
    %get3A_179 = tpu.vector_load %arg9[%get3A_178] {strides = array<i32>} : memref<5120xi32, #tpu.memory_space<vmem>>, vector<16xi32>,
    tpu.vector_store_idx %arg17[%get3A_179], %broadcast_in_dim3A_9 {add = true} : memref<10240xf32, #tpu.memory_space<vmem>>[vector<16xi32>], vector<16xf32>,
    %get3A_180 = arith.constant 5072 : index
    %get3A_181 = tpu.vector_load %arg9[%get3A_180] {strides = array<i32>} : memref<5120xi32, #tpu.memory_space<vmem>>, vector<16xi32>,
    tpu.vector_store_idx %arg17[%get3A_181], %broadcast_in_dim3A_9 {add = true} : memref<10240xf32, #tpu.memory_space<vmem>>[vector<16xi32>], vector<16xf32>,
    %get3A_182 = arith.constant 5088 : index
    %get3A_183 = tpu.vector_load %arg9[%get3A_182] {strides = array<i32>} : memref<5120xi32, #tpu.memory_space<vmem>>, vector<16xi32>,
    tpu.vector_store_idx %arg17[%get3A_183], %broadcast_in_dim3A_9 {add = true} : memref<10240xf32, #tpu.memory_space<vmem>>[vector<16xi32>], vector<16xf32>,
    %get3A_184 = arith.constant 5104 : index
    %get3A_185 = tpu.vector_load %arg9[%get3A_184] {strides = array<i32>} : memref<5120xi32, #tpu.memory_space<vmem>>, vector<16xi32>,
    tpu.vector_store_idx %arg17[%get3A_185], %broadcast_in_dim3A_9 {add = true} : memref<10240xf32, #tpu.memory_space<vmem>>[vector<16xi32>], vector<16xf32>,
    %add3A_186 = arith.constant 5040 : i32
    %add3A_187 = arith.addi %mul3A_6, %add3A_186 : i32
    %dma_start3A_188 = arith.constant 0 : i32
    %dma_start3A_189 = tpu.memref_slice %arg7[%add3A_187, %dma_start3A_188] : memref<163840x128xf32, #tpu.memory_space<hbm>> -> memref<80x128xf32, #tpu.memory_space<hbm>>
    %dma_start3A_190 = arith.constant 0 : i32
    %dma_start3A_191 = tpu.memref_slice %arg7[%add3A_187, %dma_start3A_190] : memref<163840x128xf32, #tpu.memory_space<hbm>> -> memref<80x128xf32, #tpu.memory_space<hbm>>
    tpu.enqueue_dma source(%arg11 : memref<80x128xf32, #tpu.memory_space<vmem>>) target(%dma_start3A_191 : memref<80x128xf32, #tpu.memory_space<hbm>>) target_semaphore(%arg24 : memref<!tpu.dma_semaphore, #tpu.memory_space<semaphore_mem>>)
    %dma_wait3A_192 = arith.constant 0 : i32
    %dma_wait3A_193 = tpu.memref_slice %arg7[%mul3A_6, %dma_wait3A_192] : memref<163840x128xf32, #tpu.memory_space<hbm>> -> memref<80x128xf32, #tpu.memory_space<hbm>>
    %dma_wait3A_194 = arith.constant 0 : i32
    %dma_wait3A_195 = tpu.memref_slice %arg7[%mul3A_6, %dma_wait3A_194] : memref<163840x128xf32, #tpu.memory_space<hbm>> -> memref<80x128xf32, #tpu.memory_space<hbm>>
    tpu.wait_dma2 semaphore(%arg25 : memref<!tpu.dma_semaphore, #tpu.memory_space<semaphore_mem>>) src(%arg13 : memref<80x128xf32, #tpu.memory_space<vmem>>) dst(%dma_wait3A_195 : memref<80x128xf32, #tpu.memory_space<hbm>>)
    %dma_wait3A_196 = arith.constant 0 : i32
    %dma_wait3A_197 = tpu.memref_slice %arg7[%mul3A_6, %dma_wait3A_196] : memref<163840x128xf32, #tpu.memory_space<hbm>> -> memref<80x128xf32, #tpu.memory_space<hbm>>
    %dma_wait3A_198 = arith.constant 0 : i32
    %dma_wait3A_199 = tpu.memref_slice %arg7[%mul3A_6, %dma_wait3A_198] : memref<163840x128xf32, #tpu.memory_space<hbm>> -> memref<80x128xf32, #tpu.memory_space<hbm>>
    tpu.wait_dma2 semaphore(%arg26 : memref<!tpu.dma_semaphore, #tpu.memory_space<semaphore_mem>>) src(%arg15 : memref<80x128xf32, #tpu.memory_space<vmem>>) dst(%dma_wait3A_199 : memref<80x128xf32, #tpu.memory_space<hbm>>)
    %dma_wait3A_200 = arith.constant 0 : i32
    %dma_wait3A_201 = tpu.memref_slice %arg7[%mul3A_6, %dma_wait3A_200] : memref<163840x128xf32, #tpu.memory_space<hbm>> -> memref<80x128xf32, #tpu.memory_space<hbm>>
    %dma_wait3A_202 = arith.constant 0 : i32
    %dma_wait3A_203 = tpu.memref_slice %arg7[%mul3A_6, %dma_wait3A_202] : memref<163840x128xf32, #tpu.memory_space<hbm>> -> memref<80x128xf32, #tpu.memory_space<hbm>>
    tpu.wait_dma2 semaphore(%arg24 : memref<!tpu.dma_semaphore, #tpu.memory_space<semaphore_mem>>) src(%arg11 : memref<80x128xf32, #tpu.memory_space<vmem>>) dst(%dma_wait3A_203 : memref<80x128xf32, #tpu.memory_space<hbm>>)
    "tpu.region"() ({
      %run_scoped3A = tpu.sem_alloc : memref<!tpu.dma_semaphore, #tpu.memory_space<semaphore_mem>>
      %dma_start3A_204 = arith.constant 0 : i32
      %dma_start3A_205 = tpu.memref_slice %arg8[%add3A, %dma_start3A_204] : memref<32x10240xf32, #tpu.memory_space<hbm>> -> memref<1x10240xf32, #tpu.memory_space<hbm>>
      %dma_start3A_206 = tpu.memref_squeeze %dma_start3A_205 : memref<1x10240xf32, #tpu.memory_space<hbm>> -> memref<10240xf32, #tpu.memory_space<hbm>>
      %dma_start3A_207 = arith.constant 0 : i32
      %dma_start3A_208 = tpu.memref_slice %arg8[%add3A, %dma_start3A_207] : memref<32x10240xf32, #tpu.memory_space<hbm>> -> memref<1x10240xf32, #tpu.memory_space<hbm>>
      %dma_start3A_209 = tpu.memref_squeeze %dma_start3A_208 : memref<1x10240xf32, #tpu.memory_space<hbm>> -> memref<10240xf32, #tpu.memory_space<hbm>>
      tpu.enqueue_dma source(%arg17 : memref<10240xf32, #tpu.memory_space<vmem>>) target(%dma_start3A_209 : memref<10240xf32, #tpu.memory_space<hbm>>) target_semaphore(%run_scoped3A : memref<!tpu.dma_semaphore, #tpu.memory_space<semaphore_mem>>)
      %dma_wait3A_210 = arith.constant 0 : i32
      %dma_wait3A_211 = tpu.memref_slice %arg8[%add3A, %dma_wait3A_210] : memref<32x10240xf32, #tpu.memory_space<hbm>> -> memref<1x10240xf32, #tpu.memory_space<hbm>>
      %dma_wait3A_212 = tpu.memref_squeeze %dma_wait3A_211 : memref<1x10240xf32, #tpu.memory_space<hbm>> -> memref<10240xf32, #tpu.memory_space<hbm>>
      %dma_wait3A_213 = arith.constant 0 : i32
      %dma_wait3A_214 = tpu.memref_slice %arg8[%add3A, %dma_wait3A_213] : memref<32x10240xf32, #tpu.memory_space<hbm>> -> memref<1x10240xf32, #tpu.memory_space<hbm>>
      %dma_wait3A_215 = tpu.memref_squeeze %dma_wait3A_214 : memref<1x10240xf32, #tpu.memory_space<hbm>> -> memref<10240xf32, #tpu.memory_space<hbm>>
      tpu.wait_dma2 semaphore(%run_scoped3A : memref<!tpu.dma_semaphore, #tpu.memory_space<semaphore_mem>>) src(%arg17 : memref<10240xf32, #tpu.memory_space<vmem>>) dst(%dma_wait3A_215 : memref<10240xf32, #tpu.memory_space<hbm>>)
      tpu.yield
    }) : () -> ()
    return
  }
}

#map = affine_map<(d0, d1) -> (0, 0)>
#map1 = affine_map<(d0, d1) -> (0)>
module attributes {stable_mosaic.version = 14 : i64} {
  func.func @gather(%arg0: i32, %arg1: i32, %arg2: memref<10000x128xf32, #tpu.memory_space<hbm>>, %arg3: memref<10000x128xf32, #tpu.memory_space<hbm>>, %arg4: memref<320000xi32, #tpu.memory_space<hbm>>, %arg5: memref<320000xi32, #tpu.memory_space<hbm>>, %arg6: memref<32x10240xf32, #tpu.memory_space<hbm>>, %arg7: memref<156160x128xf32, #tpu.memory_space<hbm>>, %arg8: memref<32x10240xf32, #tpu.memory_space<hbm>>, %arg9: memref<4880xi32, #tpu.memory_space<vmem>>, %arg10: memref<4880xi32, #tpu.memory_space<vmem>>, %arg11: memref<80x128xf32, #tpu.memory_space<vmem>>, %arg12: memref<80x128xf32, #tpu.memory_space<vmem>>, %arg13: memref<80x128xf32, #tpu.memory_space<vmem>>, %arg14: memref<80x128xf32, #tpu.memory_space<vmem>>, %arg15: memref<80x128xf32, #tpu.memory_space<vmem>>, %arg16: memref<80x128xf32, #tpu.memory_space<vmem>>, %arg17: memref<10240xf32, #tpu.memory_space<vmem>>, %arg18: memref<!tpu.dma_semaphore, #tpu.memory_space<semaphore_mem>>, %arg19: memref<!tpu.dma_semaphore, #tpu.memory_space<semaphore_mem>>, %arg20: memref<!tpu.dma_semaphore, #tpu.memory_space<semaphore_mem>>, %arg21: memref<!tpu.dma_semaphore, #tpu.memory_space<semaphore_mem>>, %arg22: memref<!tpu.dma_semaphore, #tpu.memory_space<semaphore_mem>>, %arg23: memref<!tpu.dma_semaphore, #tpu.memory_space<semaphore_mem>>, %arg24: memref<!tpu.dma_semaphore, #tpu.memory_space<semaphore_mem>>, %arg25: memref<!tpu.dma_semaphore, #tpu.memory_space<semaphore_mem>>, %arg26: memref<!tpu.dma_semaphore, #tpu.memory_space<semaphore_mem>>) attributes {dimension_semantics = [#tpu.dimension_semantics<core_parallel>, #tpu.dimension_semantics<subcore_parallel>], iteration_bounds = array<i64: 2, 16>, scalar_prefetch = 0 : i64, scratch_operands = 18 : i64, tpu.core_type = #tpu.core_type<sc_vector_subcore>, window_params = [{transform_indices = #map}, {transform_indices = #map}, {transform_indices = #map1}, {transform_indices = #map1}, {transform_indices = #map}, {transform_indices = #map}, {transform_indices = #map}]} {
    %mul3A = arith.constant 2 : i32
    %mul3A_0 = arith.muli %arg1, %mul3A : i32
    %add3A = arith.addi %mul3A_0, %arg0 : i32
    %mul3A_1 = arith.constant 10000 : i32
    %mul3A_2 = arith.muli %add3A, %mul3A_1 : i32
    %add3A_3 = arith.constant 5120 : i32
    %add3A_4 = arith.addi %mul3A_2, %add3A_3 : i32
    %mul3A_5 = arith.constant 4880 : i32
    %mul3A_6 = arith.muli %add3A, %mul3A_5 : i32
    "tpu.region"() ({
      %run_scoped3A = tpu.sem_alloc : memref<!tpu.dma_semaphore, #tpu.memory_space<semaphore_mem>>
      %dma_start3A_204 = tpu.memref_slice %arg4[%add3A_4] : memref<320000xi32, #tpu.memory_space<hbm>> -> memref<4880xi32, #tpu.memory_space<hbm>>
      %dma_start3A_205 = tpu.memref_slice %arg4[%add3A_4] : memref<320000xi32, #tpu.memory_space<hbm>> -> memref<4880xi32, #tpu.memory_space<hbm>>
      tpu.enqueue_dma source(%dma_start3A_205 : memref<4880xi32, #tpu.memory_space<hbm>>) target(%arg9 : memref<4880xi32, #tpu.memory_space<vmem>>) target_semaphore(%run_scoped3A : memref<!tpu.dma_semaphore, #tpu.memory_space<semaphore_mem>>)
      %dma_wait3A_206 = tpu.memref_slice %arg4[%add3A_4] : memref<320000xi32, #tpu.memory_space<hbm>> -> memref<4880xi32, #tpu.memory_space<hbm>>
      %dma_wait3A_207 = tpu.memref_slice %arg4[%add3A_4] : memref<320000xi32, #tpu.memory_space<hbm>> -> memref<4880xi32, #tpu.memory_space<hbm>>
      tpu.wait_dma2 semaphore(%run_scoped3A : memref<!tpu.dma_semaphore, #tpu.memory_space<semaphore_mem>>) src(%dma_wait3A_207 : memref<4880xi32, #tpu.memory_space<hbm>>) dst(%arg9 : memref<4880xi32, #tpu.memory_space<vmem>>)
      tpu.yield
    }) : () -> ()
    "tpu.region"() ({
      %run_scoped3A = tpu.sem_alloc : memref<!tpu.dma_semaphore, #tpu.memory_space<semaphore_mem>>
      %dma_start3A_204 = tpu.memref_slice %arg5[%add3A_4] : memref<320000xi32, #tpu.memory_space<hbm>> -> memref<4880xi32, #tpu.memory_space<hbm>>
      %dma_start3A_205 = tpu.memref_slice %arg5[%add3A_4] : memref<320000xi32, #tpu.memory_space<hbm>> -> memref<4880xi32, #tpu.memory_space<hbm>>
      tpu.enqueue_dma source(%dma_start3A_205 : memref<4880xi32, #tpu.memory_space<hbm>>) target(%arg10 : memref<4880xi32, #tpu.memory_space<vmem>>) target_semaphore(%run_scoped3A : memref<!tpu.dma_semaphore, #tpu.memory_space<semaphore_mem>>)
      %dma_wait3A_206 = tpu.memref_slice %arg5[%add3A_4] : memref<320000xi32, #tpu.memory_space<hbm>> -> memref<4880xi32, #tpu.memory_space<hbm>>
      %dma_wait3A_207 = tpu.memref_slice %arg5[%add3A_4] : memref<320000xi32, #tpu.memory_space<hbm>> -> memref<4880xi32, #tpu.memory_space<hbm>>
      tpu.wait_dma2 semaphore(%run_scoped3A : memref<!tpu.dma_semaphore, #tpu.memory_space<semaphore_mem>>) src(%dma_wait3A_207 : memref<4880xi32, #tpu.memory_space<hbm>>) dst(%arg10 : memref<4880xi32, #tpu.memory_space<vmem>>)
      tpu.yield
    }) : () -> ()
    %broadcast_in_dim3A = arith.constant 0.000000e+00 : f32
    %broadcast_in_dim3A_7 = vector.broadcast %broadcast_in_dim3A : f32 to vector<16xf32>
    %broadcast_in_dim3A_8 = arith.constant 1.000000e+00 : f32
    %broadcast_in_dim3A_9 = vector.broadcast %broadcast_in_dim3A_8 : f32 to vector<16xf32>
    %scan3A = arith.constant 0 : i32
    %scan3A_10 = arith.constant 640 : i32
    %scan3A_11 = arith.addi %scan3A, %scan3A_10 : i32
    %scan3A_12 = arith.constant 1 : i32
    scf.for %scan3A_204 = %scan3A to %scan3A_11 step %scan3A_12  : i32 {
      %mul3A_205 = arith.constant 1 : i32
      %mul3A_206 = arith.muli %scan3A_204, %mul3A_205 : i32
      %add3A_207 = arith.constant 0 : i32
      %add3A_208 = arith.addi %add3A_207, %mul3A_206 : i32
      %mul3A_209 = arith.constant 16 : i32
      %mul3A_210 = arith.muli %add3A_208, %mul3A_209 : i32
      %swap3A = arith.index_cast %mul3A_210 : i32 to index
      %swap3A_211 = tpu.vector_load %arg17[%swap3A] {strides = array<i32>} : memref<10240xf32, #tpu.memory_space<vmem>>, vector<16xf32>,
      tpu.vector_store %arg17[%swap3A], %broadcast_in_dim3A_7 {strides = array<i32>} : memref<10240xf32, #tpu.memory_space<vmem>>, vector<16xf32>,
    }
    %scan3A_13 = arith.constant 640 : i32
    %dma_start3A = arith.constant 0 : i32
    %dma_start3A_14 = tpu.memref_slice %arg9[%dma_start3A] : memref<4880xi32, #tpu.memory_space<vmem>> -> memref<80xi32, #tpu.memory_space<vmem>>
    %dma_start3A_15 = arith.constant 0 : i32
    %dma_start3A_16 = arith.constant 0 : i32
    %dma_start3A_17 = tpu.memref_slice %arg2[%dma_start3A_15, %dma_start3A_16] : memref<10000x128xf32, #tpu.memory_space<hbm>> -> memref<10000x128xf32, #tpu.memory_space<hbm>>
    tpu.enqueue_indirect_dma source(%dma_start3A_17 : memref<10000x128xf32, #tpu.memory_space<hbm>>) target(%arg11 : memref<80x128xf32, #tpu.memory_space<vmem>>) offsets(%dma_start3A_14 : memref<80xi32, #tpu.memory_space<vmem>>) semaphore(%arg18 : memref<!tpu.dma_semaphore, #tpu.memory_space<semaphore_mem>>)
    %dma_start3A_18 = arith.constant 0 : i32
    %dma_start3A_19 = tpu.memref_slice %arg10[%dma_start3A_18] : memref<4880xi32, #tpu.memory_space<vmem>> -> memref<80xi32, #tpu.memory_space<vmem>>
    %dma_start3A_20 = arith.constant 0 : i32
    %dma_start3A_21 = arith.constant 0 : i32
    %dma_start3A_22 = tpu.memref_slice %arg3[%dma_start3A_20, %dma_start3A_21] : memref<10000x128xf32, #tpu.memory_space<hbm>> -> memref<10000x128xf32, #tpu.memory_space<hbm>>
    tpu.enqueue_indirect_dma source(%dma_start3A_22 : memref<10000x128xf32, #tpu.memory_space<hbm>>) target(%arg12 : memref<80x128xf32, #tpu.memory_space<vmem>>) offsets(%dma_start3A_19 : memref<80xi32, #tpu.memory_space<vmem>>) semaphore(%arg19 : memref<!tpu.dma_semaphore, #tpu.memory_space<semaphore_mem>>)
    %dma_start3A_23 = arith.constant 80 : i32
    %dma_start3A_24 = tpu.memref_slice %arg9[%dma_start3A_23] : memref<4880xi32, #tpu.memory_space<vmem>> -> memref<80xi32, #tpu.memory_space<vmem>>
    %dma_start3A_25 = arith.constant 0 : i32
    %dma_start3A_26 = arith.constant 0 : i32
    %dma_start3A_27 = tpu.memref_slice %arg2[%dma_start3A_25, %dma_start3A_26] : memref<10000x128xf32, #tpu.memory_space<hbm>> -> memref<10000x128xf32, #tpu.memory_space<hbm>>
    tpu.enqueue_indirect_dma source(%dma_start3A_27 : memref<10000x128xf32, #tpu.memory_space<hbm>>) target(%arg13 : memref<80x128xf32, #tpu.memory_space<vmem>>) offsets(%dma_start3A_24 : memref<80xi32, #tpu.memory_space<vmem>>) semaphore(%arg20 : memref<!tpu.dma_semaphore, #tpu.memory_space<semaphore_mem>>)
    %dma_start3A_28 = arith.constant 80 : i32
    %dma_start3A_29 = tpu.memref_slice %arg10[%dma_start3A_28] : memref<4880xi32, #tpu.memory_space<vmem>> -> memref<80xi32, #tpu.memory_space<vmem>>
    %dma_start3A_30 = arith.constant 0 : i32
    %dma_start3A_31 = arith.constant 0 : i32
    %dma_start3A_32 = tpu.memref_slice %arg3[%dma_start3A_30, %dma_start3A_31] : memref<10000x128xf32, #tpu.memory_space<hbm>> -> memref<10000x128xf32, #tpu.memory_space<hbm>>
    tpu.enqueue_indirect_dma source(%dma_start3A_32 : memref<10000x128xf32, #tpu.memory_space<hbm>>) target(%arg14 : memref<80x128xf32, #tpu.memory_space<vmem>>) offsets(%dma_start3A_29 : memref<80xi32, #tpu.memory_space<vmem>>) semaphore(%arg21 : memref<!tpu.dma_semaphore, #tpu.memory_space<semaphore_mem>>)
    %dma_wait3A = arith.constant 0 : i32
    %dma_wait3A_33 = arith.constant 0 : i32
    %dma_wait3A_34 = tpu.memref_slice %arg2[%dma_wait3A, %dma_wait3A_33] : memref<10000x128xf32, #tpu.memory_space<hbm>> -> memref<80x128xf32, #tpu.memory_space<hbm>>
    %dma_wait3A_35 = arith.constant 0 : i32
    %dma_wait3A_36 = arith.constant 0 : i32
    %dma_wait3A_37 = tpu.memref_slice %arg2[%dma_wait3A_35, %dma_wait3A_36] : memref<10000x128xf32, #tpu.memory_space<hbm>> -> memref<80x128xf32, #tpu.memory_space<hbm>>
    tpu.wait_dma2 semaphore(%arg18 : memref<!tpu.dma_semaphore, #tpu.memory_space<semaphore_mem>>) src(%dma_wait3A_37 : memref<80x128xf32, #tpu.memory_space<hbm>>) dst(%arg11 : memref<80x128xf32, #tpu.memory_space<vmem>>)
    %dma_wait3A_38 = arith.constant 0 : i32
    %dma_wait3A_39 = arith.constant 0 : i32
    %dma_wait3A_40 = tpu.memref_slice %arg3[%dma_wait3A_38, %dma_wait3A_39] : memref<10000x128xf32, #tpu.memory_space<hbm>> -> memref<80x128xf32, #tpu.memory_space<hbm>>
    %dma_wait3A_41 = arith.constant 0 : i32
    %dma_wait3A_42 = arith.constant 0 : i32
    %dma_wait3A_43 = tpu.memref_slice %arg3[%dma_wait3A_41, %dma_wait3A_42] : memref<10000x128xf32, #tpu.memory_space<hbm>> -> memref<80x128xf32, #tpu.memory_space<hbm>>
    tpu.wait_dma2 semaphore(%arg19 : memref<!tpu.dma_semaphore, #tpu.memory_space<semaphore_mem>>) src(%dma_wait3A_43 : memref<80x128xf32, #tpu.memory_space<hbm>>) dst(%arg12 : memref<80x128xf32, #tpu.memory_space<vmem>>)
    %scan3A_44 = arith.constant 0 : i32
    %scan3A_45 = arith.constant 80 : i32
    %scan3A_46 = arith.addi %scan3A_44, %scan3A_45 : i32
    %scan3A_47 = arith.constant 1 : i32
    scf.for %scan3A_204 = %scan3A_44 to %scan3A_46 step %scan3A_47  : i32 {
      %mul3A_205 = arith.constant 1 : i32
      %mul3A_206 = arith.muli %scan3A_204, %mul3A_205 : i32
      %add3A_207 = arith.constant 0 : i32
      %add3A_208 = arith.addi %add3A_207, %mul3A_206 : i32
      %get3A_209 = arith.index_cast %add3A_208 : i32 to index
      %get3A_210 = arith.constant 0 : index
      %get3A_211 = tpu.vector_load %arg11[%get3A_209, %get3A_210] {strides = array<i32>} : memref<80x128xf32, #tpu.memory_space<vmem>>, vector<16xf32>,
      %get3A_212 = arith.index_cast %add3A_208 : i32 to index
      %get3A_213 = arith.constant 0 : index
      %get3A_214 = tpu.vector_load %arg12[%get3A_212, %get3A_213] {strides = array<i32>} : memref<80x128xf32, #tpu.memory_space<vmem>>, vector<16xf32>,
      %add3A_215 = arith.addf %get3A_211, %get3A_214 : vector<16xf32>
      %swap3A = arith.index_cast %add3A_208 : i32 to index
      %swap3A_216 = arith.constant 0 : index
      %swap3A_217 = tpu.vector_load %arg11[%swap3A, %swap3A_216] {strides = array<i32>} : memref<80x128xf32, #tpu.memory_space<vmem>>, vector<16xf32>,
      tpu.vector_store %arg11[%swap3A, %swap3A_216], %add3A_215 {strides = array<i32>} : memref<80x128xf32, #tpu.memory_space<vmem>>, vector<16xf32>,
      %get3A_218 = arith.index_cast %add3A_208 : i32 to index
      %get3A_219 = arith.constant 16 : index
      %get3A_220 = tpu.vector_load %arg11[%get3A_218, %get3A_219] {strides = array<i32>} : memref<80x128xf32, #tpu.memory_space<vmem>>, vector<16xf32>,
      %get3A_221 = arith.index_cast %add3A_208 : i32 to index
      %get3A_222 = arith.constant 16 : index
      %get3A_223 = tpu.vector_load %arg12[%get3A_221, %get3A_222] {strides = array<i32>} : memref<80x128xf32, #tpu.memory_space<vmem>>, vector<16xf32>,
      %add3A_224 = arith.addf %get3A_220, %get3A_223 : vector<16xf32>
      %swap3A_225 = arith.index_cast %add3A_208 : i32 to index
      %swap3A_226 = arith.constant 16 : index
      %swap3A_227 = tpu.vector_load %arg11[%swap3A_225, %swap3A_226] {strides = array<i32>} : memref<80x128xf32, #tpu.memory_space<vmem>>, vector<16xf32>,
      tpu.vector_store %arg11[%swap3A_225, %swap3A_226], %add3A_224 {strides = array<i32>} : memref<80x128xf32, #tpu.memory_space<vmem>>, vector<16xf32>,
      %get3A_228 = arith.index_cast %add3A_208 : i32 to index
      %get3A_229 = arith.constant 32 : index
      %get3A_230 = tpu.vector_load %arg11[%get3A_228, %get3A_229] {strides = array<i32>} : memref<80x128xf32, #tpu.memory_space<vmem>>, vector<16xf32>,
      %get3A_231 = arith.index_cast %add3A_208 : i32 to index
      %get3A_232 = arith.constant 32 : index
      %get3A_233 = tpu.vector_load %arg12[%get3A_231, %get3A_232] {strides = array<i32>} : memref<80x128xf32, #tpu.memory_space<vmem>>, vector<16xf32>,
      %add3A_234 = arith.addf %get3A_230, %get3A_233 : vector<16xf32>
      %swap3A_235 = arith.index_cast %add3A_208 : i32 to index
      %swap3A_236 = arith.constant 32 : index
      %swap3A_237 = tpu.vector_load %arg11[%swap3A_235, %swap3A_236] {strides = array<i32>} : memref<80x128xf32, #tpu.memory_space<vmem>>, vector<16xf32>,
      tpu.vector_store %arg11[%swap3A_235, %swap3A_236], %add3A_234 {strides = array<i32>} : memref<80x128xf32, #tpu.memory_space<vmem>>, vector<16xf32>,
      %get3A_238 = arith.index_cast %add3A_208 : i32 to index
      %get3A_239 = arith.constant 48 : index
      %get3A_240 = tpu.vector_load %arg11[%get3A_238, %get3A_239] {strides = array<i32>} : memref<80x128xf32, #tpu.memory_space<vmem>>, vector<16xf32>,
      %get3A_241 = arith.index_cast %add3A_208 : i32 to index
      %get3A_242 = arith.constant 48 : index
      %get3A_243 = tpu.vector_load %arg12[%get3A_241, %get3A_242] {strides = array<i32>} : memref<80x128xf32, #tpu.memory_space<vmem>>, vector<16xf32>,
      %add3A_244 = arith.addf %get3A_240, %get3A_243 : vector<16xf32>
      %swap3A_245 = arith.index_cast %add3A_208 : i32 to index
      %swap3A_246 = arith.constant 48 : index
      %swap3A_247 = tpu.vector_load %arg11[%swap3A_245, %swap3A_246] {strides = array<i32>} : memref<80x128xf32, #tpu.memory_space<vmem>>, vector<16xf32>,
      tpu.vector_store %arg11[%swap3A_245, %swap3A_246], %add3A_244 {strides = array<i32>} : memref<80x128xf32, #tpu.memory_space<vmem>>, vector<16xf32>,
      %get3A_248 = arith.index_cast %add3A_208 : i32 to index
      %get3A_249 = arith.constant 64 : index
      %get3A_250 = tpu.vector_load %arg11[%get3A_248, %get3A_249] {strides = array<i32>} : memref<80x128xf32, #tpu.memory_space<vmem>>, vector<16xf32>,
      %get3A_251 = arith.index_cast %add3A_208 : i32 to index
      %get3A_252 = arith.constant 64 : index
      %get3A_253 = tpu.vector_load %arg12[%get3A_251, %get3A_252] {strides = array<i32>} : memref<80x128xf32, #tpu.memory_space<vmem>>, vector<16xf32>,
      %add3A_254 = arith.addf %get3A_250, %get3A_253 : vector<16xf32>
      %swap3A_255 = arith.index_cast %add3A_208 : i32 to index
      %swap3A_256 = arith.constant 64 : index
      %swap3A_257 = tpu.vector_load %arg11[%swap3A_255, %swap3A_256] {strides = array<i32>} : memref<80x128xf32, #tpu.memory_space<vmem>>, vector<16xf32>,
      tpu.vector_store %arg11[%swap3A_255, %swap3A_256], %add3A_254 {strides = array<i32>} : memref<80x128xf32, #tpu.memory_space<vmem>>, vector<16xf32>,
      %get3A_258 = arith.index_cast %add3A_208 : i32 to index
      %get3A_259 = arith.constant 80 : index
      %get3A_260 = tpu.vector_load %arg11[%get3A_258, %get3A_259] {strides = array<i32>} : memref<80x128xf32, #tpu.memory_space<vmem>>, vector<16xf32>,
      %get3A_261 = arith.index_cast %add3A_208 : i32 to index
      %get3A_262 = arith.constant 80 : index
      %get3A_263 = tpu.vector_load %arg12[%get3A_261, %get3A_262] {strides = array<i32>} : memref<80x128xf32, #tpu.memory_space<vmem>>, vector<16xf32>,
      %add3A_264 = arith.addf %get3A_260, %get3A_263 : vector<16xf32>
      %swap3A_265 = arith.index_cast %add3A_208 : i32 to index
      %swap3A_266 = arith.constant 80 : index
      %swap3A_267 = tpu.vector_load %arg11[%swap3A_265, %swap3A_266] {strides = array<i32>} : memref<80x128xf32, #tpu.memory_space<vmem>>, vector<16xf32>,
      tpu.vector_store %arg11[%swap3A_265, %swap3A_266], %add3A_264 {strides = array<i32>} : memref<80x128xf32, #tpu.memory_space<vmem>>, vector<16xf32>,
      %get3A_268 = arith.index_cast %add3A_208 : i32 to index
      %get3A_269 = arith.constant 96 : index
      %get3A_270 = tpu.vector_load %arg11[%get3A_268, %get3A_269] {strides = array<i32>} : memref<80x128xf32, #tpu.memory_space<vmem>>, vector<16xf32>,
      %get3A_271 = arith.index_cast %add3A_208 : i32 to index
      %get3A_272 = arith.constant 96 : index
      %get3A_273 = tpu.vector_load %arg12[%get3A_271, %get3A_272] {strides = array<i32>} : memref<80x128xf32, #tpu.memory_space<vmem>>, vector<16xf32>,
      %add3A_274 = arith.addf %get3A_270, %get3A_273 : vector<16xf32>
      %swap3A_275 = arith.index_cast %add3A_208 : i32 to index
      %swap3A_276 = arith.constant 96 : index
      %swap3A_277 = tpu.vector_load %arg11[%swap3A_275, %swap3A_276] {strides = array<i32>} : memref<80x128xf32, #tpu.memory_space<vmem>>, vector<16xf32>,
      tpu.vector_store %arg11[%swap3A_275, %swap3A_276], %add3A_274 {strides = array<i32>} : memref<80x128xf32, #tpu.memory_space<vmem>>, vector<16xf32>,
      %get3A_278 = arith.index_cast %add3A_208 : i32 to index
      %get3A_279 = arith.constant 112 : index
      %get3A_280 = tpu.vector_load %arg11[%get3A_278, %get3A_279] {strides = array<i32>} : memref<80x128xf32, #tpu.memory_space<vmem>>, vector<16xf32>,
      %get3A_281 = arith.index_cast %add3A_208 : i32 to index
      %get3A_282 = arith.constant 112 : index
      %get3A_283 = tpu.vector_load %arg12[%get3A_281, %get3A_282] {strides = array<i32>} : memref<80x128xf32, #tpu.memory_space<vmem>>, vector<16xf32>,
      %add3A_284 = arith.addf %get3A_280, %get3A_283 : vector<16xf32>
      %swap3A_285 = arith.index_cast %add3A_208 : i32 to index
      %swap3A_286 = arith.constant 112 : index
      %swap3A_287 = tpu.vector_load %arg11[%swap3A_285, %swap3A_286] {strides = array<i32>} : memref<80x128xf32, #tpu.memory_space<vmem>>, vector<16xf32>,
      tpu.vector_store %arg11[%swap3A_285, %swap3A_286], %add3A_284 {strides = array<i32>} : memref<80x128xf32, #tpu.memory_space<vmem>>, vector<16xf32>,
    }
    %scan3A_48 = arith.constant 80 : i32
    %get3A = arith.constant 0 : index
    %get3A_49 = tpu.vector_load %arg9[%get3A] {strides = array<i32>} : memref<4880xi32, #tpu.memory_space<vmem>>, vector<16xi32>,
    tpu.vector_store_idx %arg17[%get3A_49], %broadcast_in_dim3A_9 {add = true} : memref<10240xf32, #tpu.memory_space<vmem>>[vector<16xi32>], vector<16xf32>,
    %get3A_50 = arith.constant 16 : index
    %get3A_51 = tpu.vector_load %arg9[%get3A_50] {strides = array<i32>} : memref<4880xi32, #tpu.memory_space<vmem>>, vector<16xi32>,
    tpu.vector_store_idx %arg17[%get3A_51], %broadcast_in_dim3A_9 {add = true} : memref<10240xf32, #tpu.memory_space<vmem>>[vector<16xi32>], vector<16xf32>,
    %get3A_52 = arith.constant 32 : index
    %get3A_53 = tpu.vector_load %arg9[%get3A_52] {strides = array<i32>} : memref<4880xi32, #tpu.memory_space<vmem>>, vector<16xi32>,
    tpu.vector_store_idx %arg17[%get3A_53], %broadcast_in_dim3A_9 {add = true} : memref<10240xf32, #tpu.memory_space<vmem>>[vector<16xi32>], vector<16xf32>,
    %get3A_54 = arith.constant 48 : index
    %get3A_55 = tpu.vector_load %arg9[%get3A_54] {strides = array<i32>} : memref<4880xi32, #tpu.memory_space<vmem>>, vector<16xi32>,
    tpu.vector_store_idx %arg17[%get3A_55], %broadcast_in_dim3A_9 {add = true} : memref<10240xf32, #tpu.memory_space<vmem>>[vector<16xi32>], vector<16xf32>,
    %get3A_56 = arith.constant 64 : index
    %get3A_57 = tpu.vector_load %arg9[%get3A_56] {strides = array<i32>} : memref<4880xi32, #tpu.memory_space<vmem>>, vector<16xi32>,
    tpu.vector_store_idx %arg17[%get3A_57], %broadcast_in_dim3A_9 {add = true} : memref<10240xf32, #tpu.memory_space<vmem>>[vector<16xi32>], vector<16xf32>,
    %add3A_58 = arith.constant 0 : i32
    %add3A_59 = arith.addi %mul3A_6, %add3A_58 : i32
    %dma_start3A_60 = arith.constant 0 : i32
    %dma_start3A_61 = tpu.memref_slice %arg7[%add3A_59, %dma_start3A_60] : memref<156160x128xf32, #tpu.memory_space<hbm>> -> memref<80x128xf32, #tpu.memory_space<hbm>>
    %dma_start3A_62 = arith.constant 0 : i32
    %dma_start3A_63 = tpu.memref_slice %arg7[%add3A_59, %dma_start3A_62] : memref<156160x128xf32, #tpu.memory_space<hbm>> -> memref<80x128xf32, #tpu.memory_space<hbm>>
    tpu.enqueue_dma source(%arg11 : memref<80x128xf32, #tpu.memory_space<vmem>>) target(%dma_start3A_63 : memref<80x128xf32, #tpu.memory_space<hbm>>) target_semaphore(%arg24 : memref<!tpu.dma_semaphore, #tpu.memory_space<semaphore_mem>>)
    %dma_start3A_64 = arith.constant 160 : i32
    %dma_start3A_65 = tpu.memref_slice %arg9[%dma_start3A_64] : memref<4880xi32, #tpu.memory_space<vmem>> -> memref<80xi32, #tpu.memory_space<vmem>>
    %dma_start3A_66 = arith.constant 0 : i32
    %dma_start3A_67 = arith.constant 0 : i32
    %dma_start3A_68 = tpu.memref_slice %arg2[%dma_start3A_66, %dma_start3A_67] : memref<10000x128xf32, #tpu.memory_space<hbm>> -> memref<10000x128xf32, #tpu.memory_space<hbm>>
    tpu.enqueue_indirect_dma source(%dma_start3A_68 : memref<10000x128xf32, #tpu.memory_space<hbm>>) target(%arg15 : memref<80x128xf32, #tpu.memory_space<vmem>>) offsets(%dma_start3A_65 : memref<80xi32, #tpu.memory_space<vmem>>) semaphore(%arg22 : memref<!tpu.dma_semaphore, #tpu.memory_space<semaphore_mem>>)
    %dma_start3A_69 = arith.constant 160 : i32
    %dma_start3A_70 = tpu.memref_slice %arg10[%dma_start3A_69] : memref<4880xi32, #tpu.memory_space<vmem>> -> memref<80xi32, #tpu.memory_space<vmem>>
    %dma_start3A_71 = arith.constant 0 : i32
    %dma_start3A_72 = arith.constant 0 : i32
    %dma_start3A_73 = tpu.memref_slice %arg3[%dma_start3A_71, %dma_start3A_72] : memref<10000x128xf32, #tpu.memory_space<hbm>> -> memref<10000x128xf32, #tpu.memory_space<hbm>>
    tpu.enqueue_indirect_dma source(%dma_start3A_73 : memref<10000x128xf32, #tpu.memory_space<hbm>>) target(%arg16 : memref<80x128xf32, #tpu.memory_space<vmem>>) offsets(%dma_start3A_70 : memref<80xi32, #tpu.memory_space<vmem>>) semaphore(%arg23 : memref<!tpu.dma_semaphore, #tpu.memory_space<semaphore_mem>>)
    %dma_wait3A_74 = arith.constant 0 : i32
    %dma_wait3A_75 = arith.constant 0 : i32
    %dma_wait3A_76 = tpu.memref_slice %arg2[%dma_wait3A_74, %dma_wait3A_75] : memref<10000x128xf32, #tpu.memory_space<hbm>> -> memref<80x128xf32, #tpu.memory_space<hbm>>
    %dma_wait3A_77 = arith.constant 0 : i32
    %dma_wait3A_78 = arith.constant 0 : i32
    %dma_wait3A_79 = tpu.memref_slice %arg2[%dma_wait3A_77, %dma_wait3A_78] : memref<10000x128xf32, #tpu.memory_space<hbm>> -> memref<80x128xf32, #tpu.memory_space<hbm>>
    tpu.wait_dma2 semaphore(%arg20 : memref<!tpu.dma_semaphore, #tpu.memory_space<semaphore_mem>>) src(%dma_wait3A_79 : memref<80x128xf32, #tpu.memory_space<hbm>>) dst(%arg13 : memref<80x128xf32, #tpu.memory_space<vmem>>)
    %dma_wait3A_80 = arith.constant 0 : i32
    %dma_wait3A_81 = arith.constant 0 : i32
    %dma_wait3A_82 = tpu.memref_slice %arg3[%dma_wait3A_80, %dma_wait3A_81] : memref<10000x128xf32, #tpu.memory_space<hbm>> -> memref<80x128xf32, #tpu.memory_space<hbm>>
    %dma_wait3A_83 = arith.constant 0 : i32
    %dma_wait3A_84 = arith.constant 0 : i32
    %dma_wait3A_85 = tpu.memref_slice %arg3[%dma_wait3A_83, %dma_wait3A_84] : memref<10000x128xf32, #tpu.memory_space<hbm>> -> memref<80x128xf32, #tpu.memory_space<hbm>>
    tpu.wait_dma2 semaphore(%arg21 : memref<!tpu.dma_semaphore, #tpu.memory_space<semaphore_mem>>) src(%dma_wait3A_85 : memref<80x128xf32, #tpu.memory_space<hbm>>) dst(%arg14 : memref<80x128xf32, #tpu.memory_space<vmem>>)
    %scan3A_86 = arith.constant 0 : i32
    %scan3A_87 = arith.constant 80 : i32
    %scan3A_88 = arith.addi %scan3A_86, %scan3A_87 : i32
    %scan3A_89 = arith.constant 1 : i32
    scf.for %scan3A_204 = %scan3A_86 to %scan3A_88 step %scan3A_89  : i32 {
      %mul3A_205 = arith.constant 1 : i32
      %mul3A_206 = arith.muli %scan3A_204, %mul3A_205 : i32
      %add3A_207 = arith.constant 0 : i32
      %add3A_208 = arith.addi %add3A_207, %mul3A_206 : i32
      %get3A_209 = arith.index_cast %add3A_208 : i32 to index
      %get3A_210 = arith.constant 0 : index
      %get3A_211 = tpu.vector_load %arg13[%get3A_209, %get3A_210] {strides = array<i32>} : memref<80x128xf32, #tpu.memory_space<vmem>>, vector<16xf32>,
      %get3A_212 = arith.index_cast %add3A_208 : i32 to index
      %get3A_213 = arith.constant 0 : index
      %get3A_214 = tpu.vector_load %arg14[%get3A_212, %get3A_213] {strides = array<i32>} : memref<80x128xf32, #tpu.memory_space<vmem>>, vector<16xf32>,
      %add3A_215 = arith.addf %get3A_211, %get3A_214 : vector<16xf32>
      %swap3A = arith.index_cast %add3A_208 : i32 to index
      %swap3A_216 = arith.constant 0 : index
      %swap3A_217 = tpu.vector_load %arg13[%swap3A, %swap3A_216] {strides = array<i32>} : memref<80x128xf32, #tpu.memory_space<vmem>>, vector<16xf32>,
      tpu.vector_store %arg13[%swap3A, %swap3A_216], %add3A_215 {strides = array<i32>} : memref<80x128xf32, #tpu.memory_space<vmem>>, vector<16xf32>,
      %get3A_218 = arith.index_cast %add3A_208 : i32 to index
      %get3A_219 = arith.constant 16 : index
      %get3A_220 = tpu.vector_load %arg13[%get3A_218, %get3A_219] {strides = array<i32>} : memref<80x128xf32, #tpu.memory_space<vmem>>, vector<16xf32>,
      %get3A_221 = arith.index_cast %add3A_208 : i32 to index
      %get3A_222 = arith.constant 16 : index
      %get3A_223 = tpu.vector_load %arg14[%get3A_221, %get3A_222] {strides = array<i32>} : memref<80x128xf32, #tpu.memory_space<vmem>>, vector<16xf32>,
      %add3A_224 = arith.addf %get3A_220, %get3A_223 : vector<16xf32>
      %swap3A_225 = arith.index_cast %add3A_208 : i32 to index
      %swap3A_226 = arith.constant 16 : index
      %swap3A_227 = tpu.vector_load %arg13[%swap3A_225, %swap3A_226] {strides = array<i32>} : memref<80x128xf32, #tpu.memory_space<vmem>>, vector<16xf32>,
      tpu.vector_store %arg13[%swap3A_225, %swap3A_226], %add3A_224 {strides = array<i32>} : memref<80x128xf32, #tpu.memory_space<vmem>>, vector<16xf32>,
      %get3A_228 = arith.index_cast %add3A_208 : i32 to index
      %get3A_229 = arith.constant 32 : index
      %get3A_230 = tpu.vector_load %arg13[%get3A_228, %get3A_229] {strides = array<i32>} : memref<80x128xf32, #tpu.memory_space<vmem>>, vector<16xf32>,
      %get3A_231 = arith.index_cast %add3A_208 : i32 to index
      %get3A_232 = arith.constant 32 : index
      %get3A_233 = tpu.vector_load %arg14[%get3A_231, %get3A_232] {strides = array<i32>} : memref<80x128xf32, #tpu.memory_space<vmem>>, vector<16xf32>,
      %add3A_234 = arith.addf %get3A_230, %get3A_233 : vector<16xf32>
      %swap3A_235 = arith.index_cast %add3A_208 : i32 to index
      %swap3A_236 = arith.constant 32 : index
      %swap3A_237 = tpu.vector_load %arg13[%swap3A_235, %swap3A_236] {strides = array<i32>} : memref<80x128xf32, #tpu.memory_space<vmem>>, vector<16xf32>,
      tpu.vector_store %arg13[%swap3A_235, %swap3A_236], %add3A_234 {strides = array<i32>} : memref<80x128xf32, #tpu.memory_space<vmem>>, vector<16xf32>,
      %get3A_238 = arith.index_cast %add3A_208 : i32 to index
      %get3A_239 = arith.constant 48 : index
      %get3A_240 = tpu.vector_load %arg13[%get3A_238, %get3A_239] {strides = array<i32>} : memref<80x128xf32, #tpu.memory_space<vmem>>, vector<16xf32>,
      %get3A_241 = arith.index_cast %add3A_208 : i32 to index
      %get3A_242 = arith.constant 48 : index
      %get3A_243 = tpu.vector_load %arg14[%get3A_241, %get3A_242] {strides = array<i32>} : memref<80x128xf32, #tpu.memory_space<vmem>>, vector<16xf32>,
      %add3A_244 = arith.addf %get3A_240, %get3A_243 : vector<16xf32>
      %swap3A_245 = arith.index_cast %add3A_208 : i32 to index
      %swap3A_246 = arith.constant 48 : index
      %swap3A_247 = tpu.vector_load %arg13[%swap3A_245, %swap3A_246] {strides = array<i32>} : memref<80x128xf32, #tpu.memory_space<vmem>>, vector<16xf32>,
      tpu.vector_store %arg13[%swap3A_245, %swap3A_246], %add3A_244 {strides = array<i32>} : memref<80x128xf32, #tpu.memory_space<vmem>>, vector<16xf32>,
      %get3A_248 = arith.index_cast %add3A_208 : i32 to index
      %get3A_249 = arith.constant 64 : index
      %get3A_250 = tpu.vector_load %arg13[%get3A_248, %get3A_249] {strides = array<i32>} : memref<80x128xf32, #tpu.memory_space<vmem>>, vector<16xf32>,
      %get3A_251 = arith.index_cast %add3A_208 : i32 to index
      %get3A_252 = arith.constant 64 : index
      %get3A_253 = tpu.vector_load %arg14[%get3A_251, %get3A_252] {strides = array<i32>} : memref<80x128xf32, #tpu.memory_space<vmem>>, vector<16xf32>,
      %add3A_254 = arith.addf %get3A_250, %get3A_253 : vector<16xf32>
      %swap3A_255 = arith.index_cast %add3A_208 : i32 to index
      %swap3A_256 = arith.constant 64 : index
      %swap3A_257 = tpu.vector_load %arg13[%swap3A_255, %swap3A_256] {strides = array<i32>} : memref<80x128xf32, #tpu.memory_space<vmem>>, vector<16xf32>,
      tpu.vector_store %arg13[%swap3A_255, %swap3A_256], %add3A_254 {strides = array<i32>} : memref<80x128xf32, #tpu.memory_space<vmem>>, vector<16xf32>,
      %get3A_258 = arith.index_cast %add3A_208 : i32 to index
      %get3A_259 = arith.constant 80 : index
      %get3A_260 = tpu.vector_load %arg13[%get3A_258, %get3A_259] {strides = array<i32>} : memref<80x128xf32, #tpu.memory_space<vmem>>, vector<16xf32>,
      %get3A_261 = arith.index_cast %add3A_208 : i32 to index
      %get3A_262 = arith.constant 80 : index
      %get3A_263 = tpu.vector_load %arg14[%get3A_261, %get3A_262] {strides = array<i32>} : memref<80x128xf32, #tpu.memory_space<vmem>>, vector<16xf32>,
      %add3A_264 = arith.addf %get3A_260, %get3A_263 : vector<16xf32>
      %swap3A_265 = arith.index_cast %add3A_208 : i32 to index
      %swap3A_266 = arith.constant 80 : index
      %swap3A_267 = tpu.vector_load %arg13[%swap3A_265, %swap3A_266] {strides = array<i32>} : memref<80x128xf32, #tpu.memory_space<vmem>>, vector<16xf32>,
      tpu.vector_store %arg13[%swap3A_265, %swap3A_266], %add3A_264 {strides = array<i32>} : memref<80x128xf32, #tpu.memory_space<vmem>>, vector<16xf32>,
      %get3A_268 = arith.index_cast %add3A_208 : i32 to index
      %get3A_269 = arith.constant 96 : index
      %get3A_270 = tpu.vector_load %arg13[%get3A_268, %get3A_269] {strides = array<i32>} : memref<80x128xf32, #tpu.memory_space<vmem>>, vector<16xf32>,
      %get3A_271 = arith.index_cast %add3A_208 : i32 to index
      %get3A_272 = arith.constant 96 : index
      %get3A_273 = tpu.vector_load %arg14[%get3A_271, %get3A_272] {strides = array<i32>} : memref<80x128xf32, #tpu.memory_space<vmem>>, vector<16xf32>,
      %add3A_274 = arith.addf %get3A_270, %get3A_273 : vector<16xf32>
      %swap3A_275 = arith.index_cast %add3A_208 : i32 to index
      %swap3A_276 = arith.constant 96 : index
      %swap3A_277 = tpu.vector_load %arg13[%swap3A_275, %swap3A_276] {strides = array<i32>} : memref<80x128xf32, #tpu.memory_space<vmem>>, vector<16xf32>,
      tpu.vector_store %arg13[%swap3A_275, %swap3A_276], %add3A_274 {strides = array<i32>} : memref<80x128xf32, #tpu.memory_space<vmem>>, vector<16xf32>,
      %get3A_278 = arith.index_cast %add3A_208 : i32 to index
      %get3A_279 = arith.constant 112 : index
      %get3A_280 = tpu.vector_load %arg13[%get3A_278, %get3A_279] {strides = array<i32>} : memref<80x128xf32, #tpu.memory_space<vmem>>, vector<16xf32>,
      %get3A_281 = arith.index_cast %add3A_208 : i32 to index
      %get3A_282 = arith.constant 112 : index
      %get3A_283 = tpu.vector_load %arg14[%get3A_281, %get3A_282] {strides = array<i32>} : memref<80x128xf32, #tpu.memory_space<vmem>>, vector<16xf32>,
      %add3A_284 = arith.addf %get3A_280, %get3A_283 : vector<16xf32>
      %swap3A_285 = arith.index_cast %add3A_208 : i32 to index
      %swap3A_286 = arith.constant 112 : index
      %swap3A_287 = tpu.vector_load %arg13[%swap3A_285, %swap3A_286] {strides = array<i32>} : memref<80x128xf32, #tpu.memory_space<vmem>>, vector<16xf32>,
      tpu.vector_store %arg13[%swap3A_285, %swap3A_286], %add3A_284 {strides = array<i32>} : memref<80x128xf32, #tpu.memory_space<vmem>>, vector<16xf32>,
    }
    %scan3A_90 = arith.constant 80 : i32
    %get3A_91 = arith.constant 80 : index
    %get3A_92 = tpu.vector_load %arg9[%get3A_91] {strides = array<i32>} : memref<4880xi32, #tpu.memory_space<vmem>>, vector<16xi32>,
    tpu.vector_store_idx %arg17[%get3A_92], %broadcast_in_dim3A_9 {add = true} : memref<10240xf32, #tpu.memory_space<vmem>>[vector<16xi32>], vector<16xf32>,
    %get3A_93 = arith.constant 96 : index
    %get3A_94 = tpu.vector_load %arg9[%get3A_93] {strides = array<i32>} : memref<4880xi32, #tpu.memory_space<vmem>>, vector<16xi32>,
    tpu.vector_store_idx %arg17[%get3A_94], %broadcast_in_dim3A_9 {add = true} : memref<10240xf32, #tpu.memory_space<vmem>>[vector<16xi32>], vector<16xf32>,
    %get3A_95 = arith.constant 112 : index
    %get3A_96 = tpu.vector_load %arg9[%get3A_95] {strides = array<i32>} : memref<4880xi32, #tpu.memory_space<vmem>>, vector<16xi32>,
    tpu.vector_store_idx %arg17[%get3A_96], %broadcast_in_dim3A_9 {add = true} : memref<10240xf32, #tpu.memory_space<vmem>>[vector<16xi32>], vector<16xf32>,
    %get3A_97 = arith.constant 128 : index
    %get3A_98 = tpu.vector_load %arg9[%get3A_97] {strides = array<i32>} : memref<4880xi32, #tpu.memory_space<vmem>>, vector<16xi32>,
    tpu.vector_store_idx %arg17[%get3A_98], %broadcast_in_dim3A_9 {add = true} : memref<10240xf32, #tpu.memory_space<vmem>>[vector<16xi32>], vector<16xf32>,
    %get3A_99 = arith.constant 144 : index
    %get3A_100 = tpu.vector_load %arg9[%get3A_99] {strides = array<i32>} : memref<4880xi32, #tpu.memory_space<vmem>>, vector<16xi32>,
    tpu.vector_store_idx %arg17[%get3A_100], %broadcast_in_dim3A_9 {add = true} : memref<10240xf32, #tpu.memory_space<vmem>>[vector<16xi32>], vector<16xf32>,
    %add3A_101 = arith.constant 80 : i32
    %add3A_102 = arith.addi %mul3A_6, %add3A_101 : i32
    %dma_start3A_103 = arith.constant 0 : i32
    %dma_start3A_104 = tpu.memref_slice %arg7[%add3A_102, %dma_start3A_103] : memref<156160x128xf32, #tpu.memory_space<hbm>> -> memref<80x128xf32, #tpu.memory_space<hbm>>
    %dma_start3A_105 = arith.constant 0 : i32
    %dma_start3A_106 = tpu.memref_slice %arg7[%add3A_102, %dma_start3A_105] : memref<156160x128xf32, #tpu.memory_space<hbm>> -> memref<80x128xf32, #tpu.memory_space<hbm>>
    tpu.enqueue_dma source(%arg13 : memref<80x128xf32, #tpu.memory_space<vmem>>) target(%dma_start3A_106 : memref<80x128xf32, #tpu.memory_space<hbm>>) target_semaphore(%arg25 : memref<!tpu.dma_semaphore, #tpu.memory_space<semaphore_mem>>)
    %dma_wait3A_107 = arith.constant 0 : i32
    %dma_wait3A_108 = tpu.memref_slice %arg7[%mul3A_6, %dma_wait3A_107] : memref<156160x128xf32, #tpu.memory_space<hbm>> -> memref<80x128xf32, #tpu.memory_space<hbm>>
    %dma_wait3A_109 = arith.constant 0 : i32
    %dma_wait3A_110 = tpu.memref_slice %arg7[%mul3A_6, %dma_wait3A_109] : memref<156160x128xf32, #tpu.memory_space<hbm>> -> memref<80x128xf32, #tpu.memory_space<hbm>>
    tpu.wait_dma2 semaphore(%arg24 : memref<!tpu.dma_semaphore, #tpu.memory_space<semaphore_mem>>) src(%arg11 : memref<80x128xf32, #tpu.memory_space<vmem>>) dst(%dma_wait3A_110 : memref<80x128xf32, #tpu.memory_space<hbm>>)
    %dma_start3A_111 = arith.constant 240 : i32
    %dma_start3A_112 = tpu.memref_slice %arg9[%dma_start3A_111] : memref<4880xi32, #tpu.memory_space<vmem>> -> memref<80xi32, #tpu.memory_space<vmem>>
    %dma_start3A_113 = arith.constant 0 : i32
    %dma_start3A_114 = arith.constant 0 : i32
    %dma_start3A_115 = tpu.memref_slice %arg2[%dma_start3A_113, %dma_start3A_114] : memref<10000x128xf32, #tpu.memory_space<hbm>> -> memref<10000x128xf32, #tpu.memory_space<hbm>>
    tpu.enqueue_indirect_dma source(%dma_start3A_115 : memref<10000x128xf32, #tpu.memory_space<hbm>>) target(%arg11 : memref<80x128xf32, #tpu.memory_space<vmem>>) offsets(%dma_start3A_112 : memref<80xi32, #tpu.memory_space<vmem>>) semaphore(%arg18 : memref<!tpu.dma_semaphore, #tpu.memory_space<semaphore_mem>>)
    %dma_start3A_116 = arith.constant 240 : i32
    %dma_start3A_117 = tpu.memref_slice %arg10[%dma_start3A_116] : memref<4880xi32, #tpu.memory_space<vmem>> -> memref<80xi32, #tpu.memory_space<vmem>>
    %dma_start3A_118 = arith.constant 0 : i32
    %dma_start3A_119 = arith.constant 0 : i32
    %dma_start3A_120 = tpu.memref_slice %arg3[%dma_start3A_118, %dma_start3A_119] : memref<10000x128xf32, #tpu.memory_space<hbm>> -> memref<10000x128xf32, #tpu.memory_space<hbm>>
    tpu.enqueue_indirect_dma source(%dma_start3A_120 : memref<10000x128xf32, #tpu.memory_space<hbm>>) target(%arg12 : memref<80x128xf32, #tpu.memory_space<vmem>>) offsets(%dma_start3A_117 : memref<80xi32, #tpu.memory_space<vmem>>) semaphore(%arg19 : memref<!tpu.dma_semaphore, #tpu.memory_space<semaphore_mem>>)
    %scan3A_121 = arith.constant 0 : i32
    %scan3A_122 = arith.constant 19 : i32
    %scan3A_123 = arith.addi %scan3A_121, %scan3A_122 : i32
    %scan3A_124 = arith.constant 1 : i32
    scf.for %scan3A_204 = %scan3A_121 to %scan3A_123 step %scan3A_124  : i32 {
      %mul3A_205 = arith.constant 1 : i32
      %mul3A_206 = arith.muli %scan3A_204, %mul3A_205 : i32
      %add3A_207 = arith.constant 0 : i32
      %add3A_208 = arith.addi %add3A_207, %mul3A_206 : i32
      %mul3A_209 = arith.constant 3 : i32
      %mul3A_210 = arith.muli %add3A_208, %mul3A_209 : i32
      %add3A_211 = arith.constant 2 : i32
      %add3A_212 = arith.addi %add3A_211, %mul3A_210 : i32
      %add3A_213 = arith.constant 0 : i32
      %add3A_214 = arith.addi %add3A_212, %add3A_213 : i32
      %dma_wait3A_215 = arith.constant 0 : i32
      %dma_wait3A_216 = arith.constant 0 : i32
      %dma_wait3A_217 = tpu.memref_slice %arg2[%dma_wait3A_215, %dma_wait3A_216] : memref<10000x128xf32, #tpu.memory_space<hbm>> -> memref<80x128xf32, #tpu.memory_space<hbm>>
      %dma_wait3A_218 = arith.constant 0 : i32
      %dma_wait3A_219 = arith.constant 0 : i32
      %dma_wait3A_220 = tpu.memref_slice %arg2[%dma_wait3A_218, %dma_wait3A_219] : memref<10000x128xf32, #tpu.memory_space<hbm>> -> memref<80x128xf32, #tpu.memory_space<hbm>>
      tpu.wait_dma2 semaphore(%arg22 : memref<!tpu.dma_semaphore, #tpu.memory_space<semaphore_mem>>) src(%dma_wait3A_220 : memref<80x128xf32, #tpu.memory_space<hbm>>) dst(%arg15 : memref<80x128xf32, #tpu.memory_space<vmem>>)
      %dma_wait3A_221 = arith.constant 0 : i32
      %dma_wait3A_222 = arith.constant 0 : i32
      %dma_wait3A_223 = tpu.memref_slice %arg3[%dma_wait3A_221, %dma_wait3A_222] : memref<10000x128xf32, #tpu.memory_space<hbm>> -> memref<80x128xf32, #tpu.memory_space<hbm>>
      %dma_wait3A_224 = arith.constant 0 : i32
      %dma_wait3A_225 = arith.constant 0 : i32
      %dma_wait3A_226 = tpu.memref_slice %arg3[%dma_wait3A_224, %dma_wait3A_225] : memref<10000x128xf32, #tpu.memory_space<hbm>> -> memref<80x128xf32, #tpu.memory_space<hbm>>
      tpu.wait_dma2 semaphore(%arg23 : memref<!tpu.dma_semaphore, #tpu.memory_space<semaphore_mem>>) src(%dma_wait3A_226 : memref<80x128xf32, #tpu.memory_space<hbm>>) dst(%arg16 : memref<80x128xf32, #tpu.memory_space<vmem>>)
      %mul3A_227 = arith.constant 80 : i32
      %mul3A_228 = arith.muli %add3A_214, %mul3A_227 : i32
      %scan3A_229 = arith.constant 0 : i32
      %scan3A_230 = arith.constant 80 : i32
      %scan3A_231 = arith.addi %scan3A_229, %scan3A_230 : i32
      %scan3A_232 = arith.constant 1 : i32
      scf.for %scan3A_405 = %scan3A_229 to %scan3A_231 step %scan3A_232  : i32 {
        %mul3A_406 = arith.constant 1 : i32
        %mul3A_407 = arith.muli %scan3A_405, %mul3A_406 : i32
        %add3A_408 = arith.constant 0 : i32
        %add3A_409 = arith.addi %add3A_408, %mul3A_407 : i32
        %get3A_410 = arith.index_cast %add3A_409 : i32 to index
        %get3A_411 = arith.constant 0 : index
        %get3A_412 = tpu.vector_load %arg15[%get3A_410, %get3A_411] {strides = array<i32>} : memref<80x128xf32, #tpu.memory_space<vmem>>, vector<16xf32>,
        %get3A_413 = arith.index_cast %add3A_409 : i32 to index
        %get3A_414 = arith.constant 0 : index
        %get3A_415 = tpu.vector_load %arg16[%get3A_413, %get3A_414] {strides = array<i32>} : memref<80x128xf32, #tpu.memory_space<vmem>>, vector<16xf32>,
        %add3A_416 = arith.addf %get3A_412, %get3A_415 : vector<16xf32>
        %swap3A = arith.index_cast %add3A_409 : i32 to index
        %swap3A_417 = arith.constant 0 : index
        %swap3A_418 = tpu.vector_load %arg15[%swap3A, %swap3A_417] {strides = array<i32>} : memref<80x128xf32, #tpu.memory_space<vmem>>, vector<16xf32>,
        tpu.vector_store %arg15[%swap3A, %swap3A_417], %add3A_416 {strides = array<i32>} : memref<80x128xf32, #tpu.memory_space<vmem>>, vector<16xf32>,
        %get3A_419 = arith.index_cast %add3A_409 : i32 to index
        %get3A_420 = arith.constant 16 : index
        %get3A_421 = tpu.vector_load %arg15[%get3A_419, %get3A_420] {strides = array<i32>} : memref<80x128xf32, #tpu.memory_space<vmem>>, vector<16xf32>,
        %get3A_422 = arith.index_cast %add3A_409 : i32 to index
        %get3A_423 = arith.constant 16 : index
        %get3A_424 = tpu.vector_load %arg16[%get3A_422, %get3A_423] {strides = array<i32>} : memref<80x128xf32, #tpu.memory_space<vmem>>, vector<16xf32>,
        %add3A_425 = arith.addf %get3A_421, %get3A_424 : vector<16xf32>
        %swap3A_426 = arith.index_cast %add3A_409 : i32 to index
        %swap3A_427 = arith.constant 16 : index
        %swap3A_428 = tpu.vector_load %arg15[%swap3A_426, %swap3A_427] {strides = array<i32>} : memref<80x128xf32, #tpu.memory_space<vmem>>, vector<16xf32>,
        tpu.vector_store %arg15[%swap3A_426, %swap3A_427], %add3A_425 {strides = array<i32>} : memref<80x128xf32, #tpu.memory_space<vmem>>, vector<16xf32>,
        %get3A_429 = arith.index_cast %add3A_409 : i32 to index
        %get3A_430 = arith.constant 32 : index
        %get3A_431 = tpu.vector_load %arg15[%get3A_429, %get3A_430] {strides = array<i32>} : memref<80x128xf32, #tpu.memory_space<vmem>>, vector<16xf32>,
        %get3A_432 = arith.index_cast %add3A_409 : i32 to index
        %get3A_433 = arith.constant 32 : index
        %get3A_434 = tpu.vector_load %arg16[%get3A_432, %get3A_433] {strides = array<i32>} : memref<80x128xf32, #tpu.memory_space<vmem>>, vector<16xf32>,
        %add3A_435 = arith.addf %get3A_431, %get3A_434 : vector<16xf32>
        %swap3A_436 = arith.index_cast %add3A_409 : i32 to index
        %swap3A_437 = arith.constant 32 : index
        %swap3A_438 = tpu.vector_load %arg15[%swap3A_436, %swap3A_437] {strides = array<i32>} : memref<80x128xf32, #tpu.memory_space<vmem>>, vector<16xf32>,
        tpu.vector_store %arg15[%swap3A_436, %swap3A_437], %add3A_435 {strides = array<i32>} : memref<80x128xf32, #tpu.memory_space<vmem>>, vector<16xf32>,
        %get3A_439 = arith.index_cast %add3A_409 : i32 to index
        %get3A_440 = arith.constant 48 : index
        %get3A_441 = tpu.vector_load %arg15[%get3A_439, %get3A_440] {strides = array<i32>} : memref<80x128xf32, #tpu.memory_space<vmem>>, vector<16xf32>,
        %get3A_442 = arith.index_cast %add3A_409 : i32 to index
        %get3A_443 = arith.constant 48 : index
        %get3A_444 = tpu.vector_load %arg16[%get3A_442, %get3A_443] {strides = array<i32>} : memref<80x128xf32, #tpu.memory_space<vmem>>, vector<16xf32>,
        %add3A_445 = arith.addf %get3A_441, %get3A_444 : vector<16xf32>
        %swap3A_446 = arith.index_cast %add3A_409 : i32 to index
        %swap3A_447 = arith.constant 48 : index
        %swap3A_448 = tpu.vector_load %arg15[%swap3A_446, %swap3A_447] {strides = array<i32>} : memref<80x128xf32, #tpu.memory_space<vmem>>, vector<16xf32>,
        tpu.vector_store %arg15[%swap3A_446, %swap3A_447], %add3A_445 {strides = array<i32>} : memref<80x128xf32, #tpu.memory_space<vmem>>, vector<16xf32>,
        %get3A_449 = arith.index_cast %add3A_409 : i32 to index
        %get3A_450 = arith.constant 64 : index
        %get3A_451 = tpu.vector_load %arg15[%get3A_449, %get3A_450] {strides = array<i32>} : memref<80x128xf32, #tpu.memory_space<vmem>>, vector<16xf32>,
        %get3A_452 = arith.index_cast %add3A_409 : i32 to index
        %get3A_453 = arith.constant 64 : index
        %get3A_454 = tpu.vector_load %arg16[%get3A_452, %get3A_453] {strides = array<i32>} : memref<80x128xf32, #tpu.memory_space<vmem>>, vector<16xf32>,
        %add3A_455 = arith.addf %get3A_451, %get3A_454 : vector<16xf32>
        %swap3A_456 = arith.index_cast %add3A_409 : i32 to index
        %swap3A_457 = arith.constant 64 : index
        %swap3A_458 = tpu.vector_load %arg15[%swap3A_456, %swap3A_457] {strides = array<i32>} : memref<80x128xf32, #tpu.memory_space<vmem>>, vector<16xf32>,
        tpu.vector_store %arg15[%swap3A_456, %swap3A_457], %add3A_455 {strides = array<i32>} : memref<80x128xf32, #tpu.memory_space<vmem>>, vector<16xf32>,
        %get3A_459 = arith.index_cast %add3A_409 : i32 to index
        %get3A_460 = arith.constant 80 : index
        %get3A_461 = tpu.vector_load %arg15[%get3A_459, %get3A_460] {strides = array<i32>} : memref<80x128xf32, #tpu.memory_space<vmem>>, vector<16xf32>,
        %get3A_462 = arith.index_cast %add3A_409 : i32 to index
        %get3A_463 = arith.constant 80 : index
        %get3A_464 = tpu.vector_load %arg16[%get3A_462, %get3A_463] {strides = array<i32>} : memref<80x128xf32, #tpu.memory_space<vmem>>, vector<16xf32>,
        %add3A_465 = arith.addf %get3A_461, %get3A_464 : vector<16xf32>
        %swap3A_466 = arith.index_cast %add3A_409 : i32 to index
        %swap3A_467 = arith.constant 80 : index
        %swap3A_468 = tpu.vector_load %arg15[%swap3A_466, %swap3A_467] {strides = array<i32>} : memref<80x128xf32, #tpu.memory_space<vmem>>, vector<16xf32>,
        tpu.vector_store %arg15[%swap3A_466, %swap3A_467], %add3A_465 {strides = array<i32>} : memref<80x128xf32, #tpu.memory_space<vmem>>, vector<16xf32>,
        %get3A_469 = arith.index_cast %add3A_409 : i32 to index
        %get3A_470 = arith.constant 96 : index
        %get3A_471 = tpu.vector_load %arg15[%get3A_469, %get3A_470] {strides = array<i32>} : memref<80x128xf32, #tpu.memory_space<vmem>>, vector<16xf32>,
        %get3A_472 = arith.index_cast %add3A_409 : i32 to index
        %get3A_473 = arith.constant 96 : index
        %get3A_474 = tpu.vector_load %arg16[%get3A_472, %get3A_473] {strides = array<i32>} : memref<80x128xf32, #tpu.memory_space<vmem>>, vector<16xf32>,
        %add3A_475 = arith.addf %get3A_471, %get3A_474 : vector<16xf32>
        %swap3A_476 = arith.index_cast %add3A_409 : i32 to index
        %swap3A_477 = arith.constant 96 : index
        %swap3A_478 = tpu.vector_load %arg15[%swap3A_476, %swap3A_477] {strides = array<i32>} : memref<80x128xf32, #tpu.memory_space<vmem>>, vector<16xf32>,
        tpu.vector_store %arg15[%swap3A_476, %swap3A_477], %add3A_475 {strides = array<i32>} : memref<80x128xf32, #tpu.memory_space<vmem>>, vector<16xf32>,
        %get3A_479 = arith.index_cast %add3A_409 : i32 to index
        %get3A_480 = arith.constant 112 : index
        %get3A_481 = tpu.vector_load %arg15[%get3A_479, %get3A_480] {strides = array<i32>} : memref<80x128xf32, #tpu.memory_space<vmem>>, vector<16xf32>,
        %get3A_482 = arith.index_cast %add3A_409 : i32 to index
        %get3A_483 = arith.constant 112 : index
        %get3A_484 = tpu.vector_load %arg16[%get3A_482, %get3A_483] {strides = array<i32>} : memref<80x128xf32, #tpu.memory_space<vmem>>, vector<16xf32>,
        %add3A_485 = arith.addf %get3A_481, %get3A_484 : vector<16xf32>
        %swap3A_486 = arith.index_cast %add3A_409 : i32 to index
        %swap3A_487 = arith.constant 112 : index
        %swap3A_488 = tpu.vector_load %arg15[%swap3A_486, %swap3A_487] {strides = array<i32>} : memref<80x128xf32, #tpu.memory_space<vmem>>, vector<16xf32>,
        tpu.vector_store %arg15[%swap3A_486, %swap3A_487], %add3A_485 {strides = array<i32>} : memref<80x128xf32, #tpu.memory_space<vmem>>, vector<16xf32>,
      }
      %scan3A_233 = arith.constant 80 : i32
      %add3A_234 = arith.constant 0 : i32
      %add3A_235 = arith.addi %mul3A_228, %add3A_234 : i32
      %get3A_236 = arith.index_cast %add3A_235 : i32 to index
      %get3A_237 = tpu.vector_load %arg9[%get3A_236] {strides = array<i32>} : memref<4880xi32, #tpu.memory_space<vmem>>, vector<16xi32>,
      tpu.vector_store_idx %arg17[%get3A_237], %broadcast_in_dim3A_9 {add = true} : memref<10240xf32, #tpu.memory_space<vmem>>[vector<16xi32>], vector<16xf32>,
      %add3A_238 = arith.constant 16 : i32
      %add3A_239 = arith.addi %mul3A_228, %add3A_238 : i32
      %get3A_240 = arith.index_cast %add3A_239 : i32 to index
      %get3A_241 = tpu.vector_load %arg9[%get3A_240] {strides = array<i32>} : memref<4880xi32, #tpu.memory_space<vmem>>, vector<16xi32>,
      tpu.vector_store_idx %arg17[%get3A_241], %broadcast_in_dim3A_9 {add = true} : memref<10240xf32, #tpu.memory_space<vmem>>[vector<16xi32>], vector<16xf32>,
      %add3A_242 = arith.constant 32 : i32
      %add3A_243 = arith.addi %mul3A_228, %add3A_242 : i32
      %get3A_244 = arith.index_cast %add3A_243 : i32 to index
      %get3A_245 = tpu.vector_load %arg9[%get3A_244] {strides = array<i32>} : memref<4880xi32, #tpu.memory_space<vmem>>, vector<16xi32>,
      tpu.vector_store_idx %arg17[%get3A_245], %broadcast_in_dim3A_9 {add = true} : memref<10240xf32, #tpu.memory_space<vmem>>[vector<16xi32>], vector<16xf32>,
      %add3A_246 = arith.constant 48 : i32
      %add3A_247 = arith.addi %mul3A_228, %add3A_246 : i32
      %get3A_248 = arith.index_cast %add3A_247 : i32 to index
      %get3A_249 = tpu.vector_load %arg9[%get3A_248] {strides = array<i32>} : memref<4880xi32, #tpu.memory_space<vmem>>, vector<16xi32>,
      tpu.vector_store_idx %arg17[%get3A_249], %broadcast_in_dim3A_9 {add = true} : memref<10240xf32, #tpu.memory_space<vmem>>[vector<16xi32>], vector<16xf32>,
      %add3A_250 = arith.constant 64 : i32
      %add3A_251 = arith.addi %mul3A_228, %add3A_250 : i32
      %get3A_252 = arith.index_cast %add3A_251 : i32 to index
      %get3A_253 = tpu.vector_load %arg9[%get3A_252] {strides = array<i32>} : memref<4880xi32, #tpu.memory_space<vmem>>, vector<16xi32>,
      tpu.vector_store_idx %arg17[%get3A_253], %broadcast_in_dim3A_9 {add = true} : memref<10240xf32, #tpu.memory_space<vmem>>[vector<16xi32>], vector<16xf32>,
      %mul3A_254 = arith.constant 80 : i32
      %mul3A_255 = arith.muli %add3A_214, %mul3A_254 : i32
      %add3A_256 = arith.addi %mul3A_6, %mul3A_255 : i32
      %dma_start3A_257 = arith.constant 0 : i32
      %dma_start3A_258 = tpu.memref_slice %arg7[%add3A_256, %dma_start3A_257] : memref<156160x128xf32, #tpu.memory_space<hbm>> -> memref<80x128xf32, #tpu.memory_space<hbm>>
      %dma_start3A_259 = arith.constant 0 : i32
      %dma_start3A_260 = tpu.memref_slice %arg7[%add3A_256, %dma_start3A_259] : memref<156160x128xf32, #tpu.memory_space<hbm>> -> memref<80x128xf32, #tpu.memory_space<hbm>>
      tpu.enqueue_dma source(%arg15 : memref<80x128xf32, #tpu.memory_space<vmem>>) target(%dma_start3A_260 : memref<80x128xf32, #tpu.memory_space<hbm>>) target_semaphore(%arg26 : memref<!tpu.dma_semaphore, #tpu.memory_space<semaphore_mem>>)
      %dma_wait3A_261 = arith.constant 0 : i32
      %dma_wait3A_262 = tpu.memref_slice %arg7[%mul3A_6, %dma_wait3A_261] : memref<156160x128xf32, #tpu.memory_space<hbm>> -> memref<80x128xf32, #tpu.memory_space<hbm>>
      %dma_wait3A_263 = arith.constant 0 : i32
      %dma_wait3A_264 = tpu.memref_slice %arg7[%mul3A_6, %dma_wait3A_263] : memref<156160x128xf32, #tpu.memory_space<hbm>> -> memref<80x128xf32, #tpu.memory_space<hbm>>
      tpu.wait_dma2 semaphore(%arg25 : memref<!tpu.dma_semaphore, #tpu.memory_space<semaphore_mem>>) src(%arg13 : memref<80x128xf32, #tpu.memory_space<vmem>>) dst(%dma_wait3A_264 : memref<80x128xf32, #tpu.memory_space<hbm>>)
      %add3A_265 = arith.constant 2 : i32
      %add3A_266 = arith.addi %add3A_214, %add3A_265 : i32
      %mul3A_267 = arith.constant 80 : i32
      %mul3A_268 = arith.muli %add3A_266, %mul3A_267 : i32
      %dma_start3A_269 = tpu.memref_slice %arg9[%mul3A_268] : memref<4880xi32, #tpu.memory_space<vmem>> -> memref<80xi32, #tpu.memory_space<vmem>>
      %dma_start3A_270 = arith.constant 0 : i32
      %dma_start3A_271 = arith.constant 0 : i32
      %dma_start3A_272 = tpu.memref_slice %arg2[%dma_start3A_270, %dma_start3A_271] : memref<10000x128xf32, #tpu.memory_space<hbm>> -> memref<10000x128xf32, #tpu.memory_space<hbm>>
      tpu.enqueue_indirect_dma source(%dma_start3A_272 : memref<10000x128xf32, #tpu.memory_space<hbm>>) target(%arg13 : memref<80x128xf32, #tpu.memory_space<vmem>>) offsets(%dma_start3A_269 : memref<80xi32, #tpu.memory_space<vmem>>) semaphore(%arg20 : memref<!tpu.dma_semaphore, #tpu.memory_space<semaphore_mem>>)
      %dma_start3A_273 = tpu.memref_slice %arg10[%mul3A_268] : memref<4880xi32, #tpu.memory_space<vmem>> -> memref<80xi32, #tpu.memory_space<vmem>>
      %dma_start3A_274 = arith.constant 0 : i32
      %dma_start3A_275 = arith.constant 0 : i32
      %dma_start3A_276 = tpu.memref_slice %arg3[%dma_start3A_274, %dma_start3A_275] : memref<10000x128xf32, #tpu.memory_space<hbm>> -> memref<10000x128xf32, #tpu.memory_space<hbm>>
      tpu.enqueue_indirect_dma source(%dma_start3A_276 : memref<10000x128xf32, #tpu.memory_space<hbm>>) target(%arg14 : memref<80x128xf32, #tpu.memory_space<vmem>>) offsets(%dma_start3A_273 : memref<80xi32, #tpu.memory_space<vmem>>) semaphore(%arg21 : memref<!tpu.dma_semaphore, #tpu.memory_space<semaphore_mem>>)
      %add3A_277 = arith.constant 1 : i32
      %add3A_278 = arith.addi %add3A_212, %add3A_277 : i32
      %dma_wait3A_279 = arith.constant 0 : i32
      %dma_wait3A_280 = arith.constant 0 : i32
      %dma_wait3A_281 = tpu.memref_slice %arg2[%dma_wait3A_279, %dma_wait3A_280] : memref<10000x128xf32, #tpu.memory_space<hbm>> -> memref<80x128xf32, #tpu.memory_space<hbm>>
      %dma_wait3A_282 = arith.constant 0 : i32
      %dma_wait3A_283 = arith.constant 0 : i32
      %dma_wait3A_284 = tpu.memref_slice %arg2[%dma_wait3A_282, %dma_wait3A_283] : memref<10000x128xf32, #tpu.memory_space<hbm>> -> memref<80x128xf32, #tpu.memory_space<hbm>>
      tpu.wait_dma2 semaphore(%arg18 : memref<!tpu.dma_semaphore, #tpu.memory_space<semaphore_mem>>) src(%dma_wait3A_284 : memref<80x128xf32, #tpu.memory_space<hbm>>) dst(%arg11 : memref<80x128xf32, #tpu.memory_space<vmem>>)
      %dma_wait3A_285 = arith.constant 0 : i32
      %dma_wait3A_286 = arith.constant 0 : i32
      %dma_wait3A_287 = tpu.memref_slice %arg3[%dma_wait3A_285, %dma_wait3A_286] : memref<10000x128xf32, #tpu.memory_space<hbm>> -> memref<80x128xf32, #tpu.memory_space<hbm>>
      %dma_wait3A_288 = arith.constant 0 : i32
      %dma_wait3A_289 = arith.constant 0 : i32
      %dma_wait3A_290 = tpu.memref_slice %arg3[%dma_wait3A_288, %dma_wait3A_289] : memref<10000x128xf32, #tpu.memory_space<hbm>> -> memref<80x128xf32, #tpu.memory_space<hbm>>
      tpu.wait_dma2 semaphore(%arg19 : memref<!tpu.dma_semaphore, #tpu.memory_space<semaphore_mem>>) src(%dma_wait3A_290 : memref<80x128xf32, #tpu.memory_space<hbm>>) dst(%arg12 : memref<80x128xf32, #tpu.memory_space<vmem>>)
      %mul3A_291 = arith.constant 80 : i32
      %mul3A_292 = arith.muli %add3A_278, %mul3A_291 : i32
      %scan3A_293 = arith.constant 0 : i32
      %scan3A_294 = arith.constant 80 : i32
      %scan3A_295 = arith.addi %scan3A_293, %scan3A_294 : i32
      %scan3A_296 = arith.constant 1 : i32
      scf.for %scan3A_405 = %scan3A_293 to %scan3A_295 step %scan3A_296  : i32 {
        %mul3A_406 = arith.constant 1 : i32
        %mul3A_407 = arith.muli %scan3A_405, %mul3A_406 : i32
        %add3A_408 = arith.constant 0 : i32
        %add3A_409 = arith.addi %add3A_408, %mul3A_407 : i32
        %get3A_410 = arith.index_cast %add3A_409 : i32 to index
        %get3A_411 = arith.constant 0 : index
        %get3A_412 = tpu.vector_load %arg11[%get3A_410, %get3A_411] {strides = array<i32>} : memref<80x128xf32, #tpu.memory_space<vmem>>, vector<16xf32>,
        %get3A_413 = arith.index_cast %add3A_409 : i32 to index
        %get3A_414 = arith.constant 0 : index
        %get3A_415 = tpu.vector_load %arg12[%get3A_413, %get3A_414] {strides = array<i32>} : memref<80x128xf32, #tpu.memory_space<vmem>>, vector<16xf32>,
        %add3A_416 = arith.addf %get3A_412, %get3A_415 : vector<16xf32>
        %swap3A = arith.index_cast %add3A_409 : i32 to index
        %swap3A_417 = arith.constant 0 : index
        %swap3A_418 = tpu.vector_load %arg11[%swap3A, %swap3A_417] {strides = array<i32>} : memref<80x128xf32, #tpu.memory_space<vmem>>, vector<16xf32>,
        tpu.vector_store %arg11[%swap3A, %swap3A_417], %add3A_416 {strides = array<i32>} : memref<80x128xf32, #tpu.memory_space<vmem>>, vector<16xf32>,
        %get3A_419 = arith.index_cast %add3A_409 : i32 to index
        %get3A_420 = arith.constant 16 : index
        %get3A_421 = tpu.vector_load %arg11[%get3A_419, %get3A_420] {strides = array<i32>} : memref<80x128xf32, #tpu.memory_space<vmem>>, vector<16xf32>,
        %get3A_422 = arith.index_cast %add3A_409 : i32 to index
        %get3A_423 = arith.constant 16 : index
        %get3A_424 = tpu.vector_load %arg12[%get3A_422, %get3A_423] {strides = array<i32>} : memref<80x128xf32, #tpu.memory_space<vmem>>, vector<16xf32>,
        %add3A_425 = arith.addf %get3A_421, %get3A_424 : vector<16xf32>
        %swap3A_426 = arith.index_cast %add3A_409 : i32 to index
        %swap3A_427 = arith.constant 16 : index
        %swap3A_428 = tpu.vector_load %arg11[%swap3A_426, %swap3A_427] {strides = array<i32>} : memref<80x128xf32, #tpu.memory_space<vmem>>, vector<16xf32>,
        tpu.vector_store %arg11[%swap3A_426, %swap3A_427], %add3A_425 {strides = array<i32>} : memref<80x128xf32, #tpu.memory_space<vmem>>, vector<16xf32>,
        %get3A_429 = arith.index_cast %add3A_409 : i32 to index
        %get3A_430 = arith.constant 32 : index
        %get3A_431 = tpu.vector_load %arg11[%get3A_429, %get3A_430] {strides = array<i32>} : memref<80x128xf32, #tpu.memory_space<vmem>>, vector<16xf32>,
        %get3A_432 = arith.index_cast %add3A_409 : i32 to index
        %get3A_433 = arith.constant 32 : index
        %get3A_434 = tpu.vector_load %arg12[%get3A_432, %get3A_433] {strides = array<i32>} : memref<80x128xf32, #tpu.memory_space<vmem>>, vector<16xf32>,
        %add3A_435 = arith.addf %get3A_431, %get3A_434 : vector<16xf32>
        %swap3A_436 = arith.index_cast %add3A_409 : i32 to index
        %swap3A_437 = arith.constant 32 : index
        %swap3A_438 = tpu.vector_load %arg11[%swap3A_436, %swap3A_437] {strides = array<i32>} : memref<80x128xf32, #tpu.memory_space<vmem>>, vector<16xf32>,
        tpu.vector_store %arg11[%swap3A_436, %swap3A_437], %add3A_435 {strides = array<i32>} : memref<80x128xf32, #tpu.memory_space<vmem>>, vector<16xf32>,
        %get3A_439 = arith.index_cast %add3A_409 : i32 to index
        %get3A_440 = arith.constant 48 : index
        %get3A_441 = tpu.vector_load %arg11[%get3A_439, %get3A_440] {strides = array<i32>} : memref<80x128xf32, #tpu.memory_space<vmem>>, vector<16xf32>,
        %get3A_442 = arith.index_cast %add3A_409 : i32 to index
        %get3A_443 = arith.constant 48 : index
        %get3A_444 = tpu.vector_load %arg12[%get3A_442, %get3A_443] {strides = array<i32>} : memref<80x128xf32, #tpu.memory_space<vmem>>, vector<16xf32>,
        %add3A_445 = arith.addf %get3A_441, %get3A_444 : vector<16xf32>
        %swap3A_446 = arith.index_cast %add3A_409 : i32 to index
        %swap3A_447 = arith.constant 48 : index
        %swap3A_448 = tpu.vector_load %arg11[%swap3A_446, %swap3A_447] {strides = array<i32>} : memref<80x128xf32, #tpu.memory_space<vmem>>, vector<16xf32>,
        tpu.vector_store %arg11[%swap3A_446, %swap3A_447], %add3A_445 {strides = array<i32>} : memref<80x128xf32, #tpu.memory_space<vmem>>, vector<16xf32>,
        %get3A_449 = arith.index_cast %add3A_409 : i32 to index
        %get3A_450 = arith.constant 64 : index
        %get3A_451 = tpu.vector_load %arg11[%get3A_449, %get3A_450] {strides = array<i32>} : memref<80x128xf32, #tpu.memory_space<vmem>>, vector<16xf32>,
        %get3A_452 = arith.index_cast %add3A_409 : i32 to index
        %get3A_453 = arith.constant 64 : index
        %get3A_454 = tpu.vector_load %arg12[%get3A_452, %get3A_453] {strides = array<i32>} : memref<80x128xf32, #tpu.memory_space<vmem>>, vector<16xf32>,
        %add3A_455 = arith.addf %get3A_451, %get3A_454 : vector<16xf32>
        %swap3A_456 = arith.index_cast %add3A_409 : i32 to index
        %swap3A_457 = arith.constant 64 : index
        %swap3A_458 = tpu.vector_load %arg11[%swap3A_456, %swap3A_457] {strides = array<i32>} : memref<80x128xf32, #tpu.memory_space<vmem>>, vector<16xf32>,
        tpu.vector_store %arg11[%swap3A_456, %swap3A_457], %add3A_455 {strides = array<i32>} : memref<80x128xf32, #tpu.memory_space<vmem>>, vector<16xf32>,
        %get3A_459 = arith.index_cast %add3A_409 : i32 to index
        %get3A_460 = arith.constant 80 : index
        %get3A_461 = tpu.vector_load %arg11[%get3A_459, %get3A_460] {strides = array<i32>} : memref<80x128xf32, #tpu.memory_space<vmem>>, vector<16xf32>,
        %get3A_462 = arith.index_cast %add3A_409 : i32 to index
        %get3A_463 = arith.constant 80 : index
        %get3A_464 = tpu.vector_load %arg12[%get3A_462, %get3A_463] {strides = array<i32>} : memref<80x128xf32, #tpu.memory_space<vmem>>, vector<16xf32>,
        %add3A_465 = arith.addf %get3A_461, %get3A_464 : vector<16xf32>
        %swap3A_466 = arith.index_cast %add3A_409 : i32 to index
        %swap3A_467 = arith.constant 80 : index
        %swap3A_468 = tpu.vector_load %arg11[%swap3A_466, %swap3A_467] {strides = array<i32>} : memref<80x128xf32, #tpu.memory_space<vmem>>, vector<16xf32>,
        tpu.vector_store %arg11[%swap3A_466, %swap3A_467], %add3A_465 {strides = array<i32>} : memref<80x128xf32, #tpu.memory_space<vmem>>, vector<16xf32>,
        %get3A_469 = arith.index_cast %add3A_409 : i32 to index
        %get3A_470 = arith.constant 96 : index
        %get3A_471 = tpu.vector_load %arg11[%get3A_469, %get3A_470] {strides = array<i32>} : memref<80x128xf32, #tpu.memory_space<vmem>>, vector<16xf32>,
        %get3A_472 = arith.index_cast %add3A_409 : i32 to index
        %get3A_473 = arith.constant 96 : index
        %get3A_474 = tpu.vector_load %arg12[%get3A_472, %get3A_473] {strides = array<i32>} : memref<80x128xf32, #tpu.memory_space<vmem>>, vector<16xf32>,
        %add3A_475 = arith.addf %get3A_471, %get3A_474 : vector<16xf32>
        %swap3A_476 = arith.index_cast %add3A_409 : i32 to index
        %swap3A_477 = arith.constant 96 : index
        %swap3A_478 = tpu.vector_load %arg11[%swap3A_476, %swap3A_477] {strides = array<i32>} : memref<80x128xf32, #tpu.memory_space<vmem>>, vector<16xf32>,
        tpu.vector_store %arg11[%swap3A_476, %swap3A_477], %add3A_475 {strides = array<i32>} : memref<80x128xf32, #tpu.memory_space<vmem>>, vector<16xf32>,
        %get3A_479 = arith.index_cast %add3A_409 : i32 to index
        %get3A_480 = arith.constant 112 : index
        %get3A_481 = tpu.vector_load %arg11[%get3A_479, %get3A_480] {strides = array<i32>} : memref<80x128xf32, #tpu.memory_space<vmem>>, vector<16xf32>,
        %get3A_482 = arith.index_cast %add3A_409 : i32 to index
        %get3A_483 = arith.constant 112 : index
        %get3A_484 = tpu.vector_load %arg12[%get3A_482, %get3A_483] {strides = array<i32>} : memref<80x128xf32, #tpu.memory_space<vmem>>, vector<16xf32>,
        %add3A_485 = arith.addf %get3A_481, %get3A_484 : vector<16xf32>
        %swap3A_486 = arith.index_cast %add3A_409 : i32 to index
        %swap3A_487 = arith.constant 112 : index
        %swap3A_488 = tpu.vector_load %arg11[%swap3A_486, %swap3A_487] {strides = array<i32>} : memref<80x128xf32, #tpu.memory_space<vmem>>, vector<16xf32>,
        tpu.vector_store %arg11[%swap3A_486, %swap3A_487], %add3A_485 {strides = array<i32>} : memref<80x128xf32, #tpu.memory_space<vmem>>, vector<16xf32>,
      }
      %scan3A_297 = arith.constant 80 : i32
      %add3A_298 = arith.constant 0 : i32
      %add3A_299 = arith.addi %mul3A_292, %add3A_298 : i32
      %get3A_300 = arith.index_cast %add3A_299 : i32 to index
      %get3A_301 = tpu.vector_load %arg9[%get3A_300] {strides = array<i32>} : memref<4880xi32, #tpu.memory_space<vmem>>, vector<16xi32>,
      tpu.vector_store_idx %arg17[%get3A_301], %broadcast_in_dim3A_9 {add = true} : memref<10240xf32, #tpu.memory_space<vmem>>[vector<16xi32>], vector<16xf32>,
      %add3A_302 = arith.constant 16 : i32
      %add3A_303 = arith.addi %mul3A_292, %add3A_302 : i32
      %get3A_304 = arith.index_cast %add3A_303 : i32 to index
      %get3A_305 = tpu.vector_load %arg9[%get3A_304] {strides = array<i32>} : memref<4880xi32, #tpu.memory_space<vmem>>, vector<16xi32>,
      tpu.vector_store_idx %arg17[%get3A_305], %broadcast_in_dim3A_9 {add = true} : memref<10240xf32, #tpu.memory_space<vmem>>[vector<16xi32>], vector<16xf32>,
      %add3A_306 = arith.constant 32 : i32
      %add3A_307 = arith.addi %mul3A_292, %add3A_306 : i32
      %get3A_308 = arith.index_cast %add3A_307 : i32 to index
      %get3A_309 = tpu.vector_load %arg9[%get3A_308] {strides = array<i32>} : memref<4880xi32, #tpu.memory_space<vmem>>, vector<16xi32>,
      tpu.vector_store_idx %arg17[%get3A_309], %broadcast_in_dim3A_9 {add = true} : memref<10240xf32, #tpu.memory_space<vmem>>[vector<16xi32>], vector<16xf32>,
      %add3A_310 = arith.constant 48 : i32
      %add3A_311 = arith.addi %mul3A_292, %add3A_310 : i32
      %get3A_312 = arith.index_cast %add3A_311 : i32 to index
      %get3A_313 = tpu.vector_load %arg9[%get3A_312] {strides = array<i32>} : memref<4880xi32, #tpu.memory_space<vmem>>, vector<16xi32>,
      tpu.vector_store_idx %arg17[%get3A_313], %broadcast_in_dim3A_9 {add = true} : memref<10240xf32, #tpu.memory_space<vmem>>[vector<16xi32>], vector<16xf32>,
      %add3A_314 = arith.constant 64 : i32
      %add3A_315 = arith.addi %mul3A_292, %add3A_314 : i32
      %get3A_316 = arith.index_cast %add3A_315 : i32 to index
      %get3A_317 = tpu.vector_load %arg9[%get3A_316] {strides = array<i32>} : memref<4880xi32, #tpu.memory_space<vmem>>, vector<16xi32>,
      tpu.vector_store_idx %arg17[%get3A_317], %broadcast_in_dim3A_9 {add = true} : memref<10240xf32, #tpu.memory_space<vmem>>[vector<16xi32>], vector<16xf32>,
      %mul3A_318 = arith.constant 80 : i32
      %mul3A_319 = arith.muli %add3A_278, %mul3A_318 : i32
      %add3A_320 = arith.addi %mul3A_6, %mul3A_319 : i32
      %dma_start3A_321 = arith.constant 0 : i32
      %dma_start3A_322 = tpu.memref_slice %arg7[%add3A_320, %dma_start3A_321] : memref<156160x128xf32, #tpu.memory_space<hbm>> -> memref<80x128xf32, #tpu.memory_space<hbm>>
      %dma_start3A_323 = arith.constant 0 : i32
      %dma_start3A_324 = tpu.memref_slice %arg7[%add3A_320, %dma_start3A_323] : memref<156160x128xf32, #tpu.memory_space<hbm>> -> memref<80x128xf32, #tpu.memory_space<hbm>>
      tpu.enqueue_dma source(%arg11 : memref<80x128xf32, #tpu.memory_space<vmem>>) target(%dma_start3A_324 : memref<80x128xf32, #tpu.memory_space<hbm>>) target_semaphore(%arg24 : memref<!tpu.dma_semaphore, #tpu.memory_space<semaphore_mem>>)
      %dma_wait3A_325 = arith.constant 0 : i32
      %dma_wait3A_326 = tpu.memref_slice %arg7[%mul3A_6, %dma_wait3A_325] : memref<156160x128xf32, #tpu.memory_space<hbm>> -> memref<80x128xf32, #tpu.memory_space<hbm>>
      %dma_wait3A_327 = arith.constant 0 : i32
      %dma_wait3A_328 = tpu.memref_slice %arg7[%mul3A_6, %dma_wait3A_327] : memref<156160x128xf32, #tpu.memory_space<hbm>> -> memref<80x128xf32, #tpu.memory_space<hbm>>
      tpu.wait_dma2 semaphore(%arg26 : memref<!tpu.dma_semaphore, #tpu.memory_space<semaphore_mem>>) src(%arg15 : memref<80x128xf32, #tpu.memory_space<vmem>>) dst(%dma_wait3A_328 : memref<80x128xf32, #tpu.memory_space<hbm>>)
      %add3A_329 = arith.constant 2 : i32
      %add3A_330 = arith.addi %add3A_278, %add3A_329 : i32
      %mul3A_331 = arith.constant 80 : i32
      %mul3A_332 = arith.muli %add3A_330, %mul3A_331 : i32
      %dma_start3A_333 = tpu.memref_slice %arg9[%mul3A_332] : memref<4880xi32, #tpu.memory_space<vmem>> -> memref<80xi32, #tpu.memory_space<vmem>>
      %dma_start3A_334 = arith.constant 0 : i32
      %dma_start3A_335 = arith.constant 0 : i32
      %dma_start3A_336 = tpu.memref_slice %arg2[%dma_start3A_334, %dma_start3A_335] : memref<10000x128xf32, #tpu.memory_space<hbm>> -> memref<10000x128xf32, #tpu.memory_space<hbm>>
      tpu.enqueue_indirect_dma source(%dma_start3A_336 : memref<10000x128xf32, #tpu.memory_space<hbm>>) target(%arg15 : memref<80x128xf32, #tpu.memory_space<vmem>>) offsets(%dma_start3A_333 : memref<80xi32, #tpu.memory_space<vmem>>) semaphore(%arg22 : memref<!tpu.dma_semaphore, #tpu.memory_space<semaphore_mem>>)
      %dma_start3A_337 = tpu.memref_slice %arg10[%mul3A_332] : memref<4880xi32, #tpu.memory_space<vmem>> -> memref<80xi32, #tpu.memory_space<vmem>>
      %dma_start3A_338 = arith.constant 0 : i32
      %dma_start3A_339 = arith.constant 0 : i32
      %dma_start3A_340 = tpu.memref_slice %arg3[%dma_start3A_338, %dma_start3A_339] : memref<10000x128xf32, #tpu.memory_space<hbm>> -> memref<10000x128xf32, #tpu.memory_space<hbm>>
      tpu.enqueue_indirect_dma source(%dma_start3A_340 : memref<10000x128xf32, #tpu.memory_space<hbm>>) target(%arg16 : memref<80x128xf32, #tpu.memory_space<vmem>>) offsets(%dma_start3A_337 : memref<80xi32, #tpu.memory_space<vmem>>) semaphore(%arg23 : memref<!tpu.dma_semaphore, #tpu.memory_space<semaphore_mem>>)
      %add3A_341 = arith.constant 2 : i32
      %add3A_342 = arith.addi %add3A_212, %add3A_341 : i32
      %dma_wait3A_343 = arith.constant 0 : i32
      %dma_wait3A_344 = arith.constant 0 : i32
      %dma_wait3A_345 = tpu.memref_slice %arg2[%dma_wait3A_343, %dma_wait3A_344] : memref<10000x128xf32, #tpu.memory_space<hbm>> -> memref<80x128xf32, #tpu.memory_space<hbm>>
      %dma_wait3A_346 = arith.constant 0 : i32
      %dma_wait3A_347 = arith.constant 0 : i32
      %dma_wait3A_348 = tpu.memref_slice %arg2[%dma_wait3A_346, %dma_wait3A_347] : memref<10000x128xf32, #tpu.memory_space<hbm>> -> memref<80x128xf32, #tpu.memory_space<hbm>>
      tpu.wait_dma2 semaphore(%arg20 : memref<!tpu.dma_semaphore, #tpu.memory_space<semaphore_mem>>) src(%dma_wait3A_348 : memref<80x128xf32, #tpu.memory_space<hbm>>) dst(%arg13 : memref<80x128xf32, #tpu.memory_space<vmem>>)
      %dma_wait3A_349 = arith.constant 0 : i32
      %dma_wait3A_350 = arith.constant 0 : i32
      %dma_wait3A_351 = tpu.memref_slice %arg3[%dma_wait3A_349, %dma_wait3A_350] : memref<10000x128xf32, #tpu.memory_space<hbm>> -> memref<80x128xf32, #tpu.memory_space<hbm>>
      %dma_wait3A_352 = arith.constant 0 : i32
      %dma_wait3A_353 = arith.constant 0 : i32
      %dma_wait3A_354 = tpu.memref_slice %arg3[%dma_wait3A_352, %dma_wait3A_353] : memref<10000x128xf32, #tpu.memory_space<hbm>> -> memref<80x128xf32, #tpu.memory_space<hbm>>
      tpu.wait_dma2 semaphore(%arg21 : memref<!tpu.dma_semaphore, #tpu.memory_space<semaphore_mem>>) src(%dma_wait3A_354 : memref<80x128xf32, #tpu.memory_space<hbm>>) dst(%arg14 : memref<80x128xf32, #tpu.memory_space<vmem>>)
      %mul3A_355 = arith.constant 80 : i32
      %mul3A_356 = arith.muli %add3A_342, %mul3A_355 : i32
      %scan3A_357 = arith.constant 0 : i32
      %scan3A_358 = arith.constant 80 : i32
      %scan3A_359 = arith.addi %scan3A_357, %scan3A_358 : i32
      %scan3A_360 = arith.constant 1 : i32
      scf.for %scan3A_405 = %scan3A_357 to %scan3A_359 step %scan3A_360  : i32 {
        %mul3A_406 = arith.constant 1 : i32
        %mul3A_407 = arith.muli %scan3A_405, %mul3A_406 : i32
        %add3A_408 = arith.constant 0 : i32
        %add3A_409 = arith.addi %add3A_408, %mul3A_407 : i32
        %get3A_410 = arith.index_cast %add3A_409 : i32 to index
        %get3A_411 = arith.constant 0 : index
        %get3A_412 = tpu.vector_load %arg13[%get3A_410, %get3A_411] {strides = array<i32>} : memref<80x128xf32, #tpu.memory_space<vmem>>, vector<16xf32>,
        %get3A_413 = arith.index_cast %add3A_409 : i32 to index
        %get3A_414 = arith.constant 0 : index
        %get3A_415 = tpu.vector_load %arg14[%get3A_413, %get3A_414] {strides = array<i32>} : memref<80x128xf32, #tpu.memory_space<vmem>>, vector<16xf32>,
        %add3A_416 = arith.addf %get3A_412, %get3A_415 : vector<16xf32>
        %swap3A = arith.index_cast %add3A_409 : i32 to index
        %swap3A_417 = arith.constant 0 : index
        %swap3A_418 = tpu.vector_load %arg13[%swap3A, %swap3A_417] {strides = array<i32>} : memref<80x128xf32, #tpu.memory_space<vmem>>, vector<16xf32>,
        tpu.vector_store %arg13[%swap3A, %swap3A_417], %add3A_416 {strides = array<i32>} : memref<80x128xf32, #tpu.memory_space<vmem>>, vector<16xf32>,
        %get3A_419 = arith.index_cast %add3A_409 : i32 to index
        %get3A_420 = arith.constant 16 : index
        %get3A_421 = tpu.vector_load %arg13[%get3A_419, %get3A_420] {strides = array<i32>} : memref<80x128xf32, #tpu.memory_space<vmem>>, vector<16xf32>,
        %get3A_422 = arith.index_cast %add3A_409 : i32 to index
        %get3A_423 = arith.constant 16 : index
        %get3A_424 = tpu.vector_load %arg14[%get3A_422, %get3A_423] {strides = array<i32>} : memref<80x128xf32, #tpu.memory_space<vmem>>, vector<16xf32>,
        %add3A_425 = arith.addf %get3A_421, %get3A_424 : vector<16xf32>
        %swap3A_426 = arith.index_cast %add3A_409 : i32 to index
        %swap3A_427 = arith.constant 16 : index
        %swap3A_428 = tpu.vector_load %arg13[%swap3A_426, %swap3A_427] {strides = array<i32>} : memref<80x128xf32, #tpu.memory_space<vmem>>, vector<16xf32>,
        tpu.vector_store %arg13[%swap3A_426, %swap3A_427], %add3A_425 {strides = array<i32>} : memref<80x128xf32, #tpu.memory_space<vmem>>, vector<16xf32>,
        %get3A_429 = arith.index_cast %add3A_409 : i32 to index
        %get3A_430 = arith.constant 32 : index
        %get3A_431 = tpu.vector_load %arg13[%get3A_429, %get3A_430] {strides = array<i32>} : memref<80x128xf32, #tpu.memory_space<vmem>>, vector<16xf32>,
        %get3A_432 = arith.index_cast %add3A_409 : i32 to index
        %get3A_433 = arith.constant 32 : index
        %get3A_434 = tpu.vector_load %arg14[%get3A_432, %get3A_433] {strides = array<i32>} : memref<80x128xf32, #tpu.memory_space<vmem>>, vector<16xf32>,
        %add3A_435 = arith.addf %get3A_431, %get3A_434 : vector<16xf32>
        %swap3A_436 = arith.index_cast %add3A_409 : i32 to index
        %swap3A_437 = arith.constant 32 : index
        %swap3A_438 = tpu.vector_load %arg13[%swap3A_436, %swap3A_437] {strides = array<i32>} : memref<80x128xf32, #tpu.memory_space<vmem>>, vector<16xf32>,
        tpu.vector_store %arg13[%swap3A_436, %swap3A_437], %add3A_435 {strides = array<i32>} : memref<80x128xf32, #tpu.memory_space<vmem>>, vector<16xf32>,
        %get3A_439 = arith.index_cast %add3A_409 : i32 to index
        %get3A_440 = arith.constant 48 : index
        %get3A_441 = tpu.vector_load %arg13[%get3A_439, %get3A_440] {strides = array<i32>} : memref<80x128xf32, #tpu.memory_space<vmem>>, vector<16xf32>,
        %get3A_442 = arith.index_cast %add3A_409 : i32 to index
        %get3A_443 = arith.constant 48 : index
        %get3A_444 = tpu.vector_load %arg14[%get3A_442, %get3A_443] {strides = array<i32>} : memref<80x128xf32, #tpu.memory_space<vmem>>, vector<16xf32>,
        %add3A_445 = arith.addf %get3A_441, %get3A_444 : vector<16xf32>
        %swap3A_446 = arith.index_cast %add3A_409 : i32 to index
        %swap3A_447 = arith.constant 48 : index
        %swap3A_448 = tpu.vector_load %arg13[%swap3A_446, %swap3A_447] {strides = array<i32>} : memref<80x128xf32, #tpu.memory_space<vmem>>, vector<16xf32>,
        tpu.vector_store %arg13[%swap3A_446, %swap3A_447], %add3A_445 {strides = array<i32>} : memref<80x128xf32, #tpu.memory_space<vmem>>, vector<16xf32>,
        %get3A_449 = arith.index_cast %add3A_409 : i32 to index
        %get3A_450 = arith.constant 64 : index
        %get3A_451 = tpu.vector_load %arg13[%get3A_449, %get3A_450] {strides = array<i32>} : memref<80x128xf32, #tpu.memory_space<vmem>>, vector<16xf32>,
        %get3A_452 = arith.index_cast %add3A_409 : i32 to index
        %get3A_453 = arith.constant 64 : index
        %get3A_454 = tpu.vector_load %arg14[%get3A_452, %get3A_453] {strides = array<i32>} : memref<80x128xf32, #tpu.memory_space<vmem>>, vector<16xf32>,
        %add3A_455 = arith.addf %get3A_451, %get3A_454 : vector<16xf32>
        %swap3A_456 = arith.index_cast %add3A_409 : i32 to index
        %swap3A_457 = arith.constant 64 : index
        %swap3A_458 = tpu.vector_load %arg13[%swap3A_456, %swap3A_457] {strides = array<i32>} : memref<80x128xf32, #tpu.memory_space<vmem>>, vector<16xf32>,
        tpu.vector_store %arg13[%swap3A_456, %swap3A_457], %add3A_455 {strides = array<i32>} : memref<80x128xf32, #tpu.memory_space<vmem>>, vector<16xf32>,
        %get3A_459 = arith.index_cast %add3A_409 : i32 to index
        %get3A_460 = arith.constant 80 : index
        %get3A_461 = tpu.vector_load %arg13[%get3A_459, %get3A_460] {strides = array<i32>} : memref<80x128xf32, #tpu.memory_space<vmem>>, vector<16xf32>,
        %get3A_462 = arith.index_cast %add3A_409 : i32 to index
        %get3A_463 = arith.constant 80 : index
        %get3A_464 = tpu.vector_load %arg14[%get3A_462, %get3A_463] {strides = array<i32>} : memref<80x128xf32, #tpu.memory_space<vmem>>, vector<16xf32>,
        %add3A_465 = arith.addf %get3A_461, %get3A_464 : vector<16xf32>
        %swap3A_466 = arith.index_cast %add3A_409 : i32 to index
        %swap3A_467 = arith.constant 80 : index
        %swap3A_468 = tpu.vector_load %arg13[%swap3A_466, %swap3A_467] {strides = array<i32>} : memref<80x128xf32, #tpu.memory_space<vmem>>, vector<16xf32>,
        tpu.vector_store %arg13[%swap3A_466, %swap3A_467], %add3A_465 {strides = array<i32>} : memref<80x128xf32, #tpu.memory_space<vmem>>, vector<16xf32>,
        %get3A_469 = arith.index_cast %add3A_409 : i32 to index
        %get3A_470 = arith.constant 96 : index
        %get3A_471 = tpu.vector_load %arg13[%get3A_469, %get3A_470] {strides = array<i32>} : memref<80x128xf32, #tpu.memory_space<vmem>>, vector<16xf32>,
        %get3A_472 = arith.index_cast %add3A_409 : i32 to index
        %get3A_473 = arith.constant 96 : index
        %get3A_474 = tpu.vector_load %arg14[%get3A_472, %get3A_473] {strides = array<i32>} : memref<80x128xf32, #tpu.memory_space<vmem>>, vector<16xf32>,
        %add3A_475 = arith.addf %get3A_471, %get3A_474 : vector<16xf32>
        %swap3A_476 = arith.index_cast %add3A_409 : i32 to index
        %swap3A_477 = arith.constant 96 : index
        %swap3A_478 = tpu.vector_load %arg13[%swap3A_476, %swap3A_477] {strides = array<i32>} : memref<80x128xf32, #tpu.memory_space<vmem>>, vector<16xf32>,
        tpu.vector_store %arg13[%swap3A_476, %swap3A_477], %add3A_475 {strides = array<i32>} : memref<80x128xf32, #tpu.memory_space<vmem>>, vector<16xf32>,
        %get3A_479 = arith.index_cast %add3A_409 : i32 to index
        %get3A_480 = arith.constant 112 : index
        %get3A_481 = tpu.vector_load %arg13[%get3A_479, %get3A_480] {strides = array<i32>} : memref<80x128xf32, #tpu.memory_space<vmem>>, vector<16xf32>,
        %get3A_482 = arith.index_cast %add3A_409 : i32 to index
        %get3A_483 = arith.constant 112 : index
        %get3A_484 = tpu.vector_load %arg14[%get3A_482, %get3A_483] {strides = array<i32>} : memref<80x128xf32, #tpu.memory_space<vmem>>, vector<16xf32>,
        %add3A_485 = arith.addf %get3A_481, %get3A_484 : vector<16xf32>
        %swap3A_486 = arith.index_cast %add3A_409 : i32 to index
        %swap3A_487 = arith.constant 112 : index
        %swap3A_488 = tpu.vector_load %arg13[%swap3A_486, %swap3A_487] {strides = array<i32>} : memref<80x128xf32, #tpu.memory_space<vmem>>, vector<16xf32>,
        tpu.vector_store %arg13[%swap3A_486, %swap3A_487], %add3A_485 {strides = array<i32>} : memref<80x128xf32, #tpu.memory_space<vmem>>, vector<16xf32>,
      }
      %scan3A_361 = arith.constant 80 : i32
      %add3A_362 = arith.constant 0 : i32
      %add3A_363 = arith.addi %mul3A_356, %add3A_362 : i32
      %get3A_364 = arith.index_cast %add3A_363 : i32 to index
      %get3A_365 = tpu.vector_load %arg9[%get3A_364] {strides = array<i32>} : memref<4880xi32, #tpu.memory_space<vmem>>, vector<16xi32>,
      tpu.vector_store_idx %arg17[%get3A_365], %broadcast_in_dim3A_9 {add = true} : memref<10240xf32, #tpu.memory_space<vmem>>[vector<16xi32>], vector<16xf32>,
      %add3A_366 = arith.constant 16 : i32
      %add3A_367 = arith.addi %mul3A_356, %add3A_366 : i32
      %get3A_368 = arith.index_cast %add3A_367 : i32 to index
      %get3A_369 = tpu.vector_load %arg9[%get3A_368] {strides = array<i32>} : memref<4880xi32, #tpu.memory_space<vmem>>, vector<16xi32>,
      tpu.vector_store_idx %arg17[%get3A_369], %broadcast_in_dim3A_9 {add = true} : memref<10240xf32, #tpu.memory_space<vmem>>[vector<16xi32>], vector<16xf32>,
      %add3A_370 = arith.constant 32 : i32
      %add3A_371 = arith.addi %mul3A_356, %add3A_370 : i32
      %get3A_372 = arith.index_cast %add3A_371 : i32 to index
      %get3A_373 = tpu.vector_load %arg9[%get3A_372] {strides = array<i32>} : memref<4880xi32, #tpu.memory_space<vmem>>, vector<16xi32>,
      tpu.vector_store_idx %arg17[%get3A_373], %broadcast_in_dim3A_9 {add = true} : memref<10240xf32, #tpu.memory_space<vmem>>[vector<16xi32>], vector<16xf32>,
      %add3A_374 = arith.constant 48 : i32
      %add3A_375 = arith.addi %mul3A_356, %add3A_374 : i32
      %get3A_376 = arith.index_cast %add3A_375 : i32 to index
      %get3A_377 = tpu.vector_load %arg9[%get3A_376] {strides = array<i32>} : memref<4880xi32, #tpu.memory_space<vmem>>, vector<16xi32>,
      tpu.vector_store_idx %arg17[%get3A_377], %broadcast_in_dim3A_9 {add = true} : memref<10240xf32, #tpu.memory_space<vmem>>[vector<16xi32>], vector<16xf32>,
      %add3A_378 = arith.constant 64 : i32
      %add3A_379 = arith.addi %mul3A_356, %add3A_378 : i32
      %get3A_380 = arith.index_cast %add3A_379 : i32 to index
      %get3A_381 = tpu.vector_load %arg9[%get3A_380] {strides = array<i32>} : memref<4880xi32, #tpu.memory_space<vmem>>, vector<16xi32>,
      tpu.vector_store_idx %arg17[%get3A_381], %broadcast_in_dim3A_9 {add = true} : memref<10240xf32, #tpu.memory_space<vmem>>[vector<16xi32>], vector<16xf32>,
      %mul3A_382 = arith.constant 80 : i32
      %mul3A_383 = arith.muli %add3A_342, %mul3A_382 : i32
      %add3A_384 = arith.addi %mul3A_6, %mul3A_383 : i32
      %dma_start3A_385 = arith.constant 0 : i32
      %dma_start3A_386 = tpu.memref_slice %arg7[%add3A_384, %dma_start3A_385] : memref<156160x128xf32, #tpu.memory_space<hbm>> -> memref<80x128xf32, #tpu.memory_space<hbm>>
      %dma_start3A_387 = arith.constant 0 : i32
      %dma_start3A_388 = tpu.memref_slice %arg7[%add3A_384, %dma_start3A_387] : memref<156160x128xf32, #tpu.memory_space<hbm>> -> memref<80x128xf32, #tpu.memory_space<hbm>>
      tpu.enqueue_dma source(%arg13 : memref<80x128xf32, #tpu.memory_space<vmem>>) target(%dma_start3A_388 : memref<80x128xf32, #tpu.memory_space<hbm>>) target_semaphore(%arg25 : memref<!tpu.dma_semaphore, #tpu.memory_space<semaphore_mem>>)
      %dma_wait3A_389 = arith.constant 0 : i32
      %dma_wait3A_390 = tpu.memref_slice %arg7[%mul3A_6, %dma_wait3A_389] : memref<156160x128xf32, #tpu.memory_space<hbm>> -> memref<80x128xf32, #tpu.memory_space<hbm>>
      %dma_wait3A_391 = arith.constant 0 : i32
      %dma_wait3A_392 = tpu.memref_slice %arg7[%mul3A_6, %dma_wait3A_391] : memref<156160x128xf32, #tpu.memory_space<hbm>> -> memref<80x128xf32, #tpu.memory_space<hbm>>
      tpu.wait_dma2 semaphore(%arg24 : memref<!tpu.dma_semaphore, #tpu.memory_space<semaphore_mem>>) src(%arg11 : memref<80x128xf32, #tpu.memory_space<vmem>>) dst(%dma_wait3A_392 : memref<80x128xf32, #tpu.memory_space<hbm>>)
      %add3A_393 = arith.constant 2 : i32
      %add3A_394 = arith.addi %add3A_342, %add3A_393 : i32
      %mul3A_395 = arith.constant 80 : i32
      %mul3A_396 = arith.muli %add3A_394, %mul3A_395 : i32
      %dma_start3A_397 = tpu.memref_slice %arg9[%mul3A_396] : memref<4880xi32, #tpu.memory_space<vmem>> -> memref<80xi32, #tpu.memory_space<vmem>>
      %dma_start3A_398 = arith.constant 0 : i32
      %dma_start3A_399 = arith.constant 0 : i32
      %dma_start3A_400 = tpu.memref_slice %arg2[%dma_start3A_398, %dma_start3A_399] : memref<10000x128xf32, #tpu.memory_space<hbm>> -> memref<10000x128xf32, #tpu.memory_space<hbm>>
      tpu.enqueue_indirect_dma source(%dma_start3A_400 : memref<10000x128xf32, #tpu.memory_space<hbm>>) target(%arg11 : memref<80x128xf32, #tpu.memory_space<vmem>>) offsets(%dma_start3A_397 : memref<80xi32, #tpu.memory_space<vmem>>) semaphore(%arg18 : memref<!tpu.dma_semaphore, #tpu.memory_space<semaphore_mem>>)
      %dma_start3A_401 = tpu.memref_slice %arg10[%mul3A_396] : memref<4880xi32, #tpu.memory_space<vmem>> -> memref<80xi32, #tpu.memory_space<vmem>>
      %dma_start3A_402 = arith.constant 0 : i32
      %dma_start3A_403 = arith.constant 0 : i32
      %dma_start3A_404 = tpu.memref_slice %arg3[%dma_start3A_402, %dma_start3A_403] : memref<10000x128xf32, #tpu.memory_space<hbm>> -> memref<10000x128xf32, #tpu.memory_space<hbm>>
      tpu.enqueue_indirect_dma source(%dma_start3A_404 : memref<10000x128xf32, #tpu.memory_space<hbm>>) target(%arg12 : memref<80x128xf32, #tpu.memory_space<vmem>>) offsets(%dma_start3A_401 : memref<80xi32, #tpu.memory_space<vmem>>) semaphore(%arg19 : memref<!tpu.dma_semaphore, #tpu.memory_space<semaphore_mem>>)
    }
    %scan3A_125 = arith.constant 19 : i32
    %dma_wait3A_126 = arith.constant 0 : i32
    %dma_wait3A_127 = arith.constant 0 : i32
    %dma_wait3A_128 = tpu.memref_slice %arg2[%dma_wait3A_126, %dma_wait3A_127] : memref<10000x128xf32, #tpu.memory_space<hbm>> -> memref<80x128xf32, #tpu.memory_space<hbm>>
    %dma_wait3A_129 = arith.constant 0 : i32
    %dma_wait3A_130 = arith.constant 0 : i32
    %dma_wait3A_131 = tpu.memref_slice %arg2[%dma_wait3A_129, %dma_wait3A_130] : memref<10000x128xf32, #tpu.memory_space<hbm>> -> memref<80x128xf32, #tpu.memory_space<hbm>>
    tpu.wait_dma2 semaphore(%arg22 : memref<!tpu.dma_semaphore, #tpu.memory_space<semaphore_mem>>) src(%dma_wait3A_131 : memref<80x128xf32, #tpu.memory_space<hbm>>) dst(%arg15 : memref<80x128xf32, #tpu.memory_space<vmem>>)
    %dma_wait3A_132 = arith.constant 0 : i32
    %dma_wait3A_133 = arith.constant 0 : i32
    %dma_wait3A_134 = tpu.memref_slice %arg3[%dma_wait3A_132, %dma_wait3A_133] : memref<10000x128xf32, #tpu.memory_space<hbm>> -> memref<80x128xf32, #tpu.memory_space<hbm>>
    %dma_wait3A_135 = arith.constant 0 : i32
    %dma_wait3A_136 = arith.constant 0 : i32
    %dma_wait3A_137 = tpu.memref_slice %arg3[%dma_wait3A_135, %dma_wait3A_136] : memref<10000x128xf32, #tpu.memory_space<hbm>> -> memref<80x128xf32, #tpu.memory_space<hbm>>
    tpu.wait_dma2 semaphore(%arg23 : memref<!tpu.dma_semaphore, #tpu.memory_space<semaphore_mem>>) src(%dma_wait3A_137 : memref<80x128xf32, #tpu.memory_space<hbm>>) dst(%arg16 : memref<80x128xf32, #tpu.memory_space<vmem>>)
    %scan3A_138 = arith.constant 0 : i32
    %scan3A_139 = arith.constant 80 : i32
    %scan3A_140 = arith.addi %scan3A_138, %scan3A_139 : i32
    %scan3A_141 = arith.constant 1 : i32
    scf.for %scan3A_204 = %scan3A_138 to %scan3A_140 step %scan3A_141  : i32 {
      %mul3A_205 = arith.constant 1 : i32
      %mul3A_206 = arith.muli %scan3A_204, %mul3A_205 : i32
      %add3A_207 = arith.constant 0 : i32
      %add3A_208 = arith.addi %add3A_207, %mul3A_206 : i32
      %get3A_209 = arith.index_cast %add3A_208 : i32 to index
      %get3A_210 = arith.constant 0 : index
      %get3A_211 = tpu.vector_load %arg15[%get3A_209, %get3A_210] {strides = array<i32>} : memref<80x128xf32, #tpu.memory_space<vmem>>, vector<16xf32>,
      %get3A_212 = arith.index_cast %add3A_208 : i32 to index
      %get3A_213 = arith.constant 0 : index
      %get3A_214 = tpu.vector_load %arg16[%get3A_212, %get3A_213] {strides = array<i32>} : memref<80x128xf32, #tpu.memory_space<vmem>>, vector<16xf32>,
      %add3A_215 = arith.addf %get3A_211, %get3A_214 : vector<16xf32>
      %swap3A = arith.index_cast %add3A_208 : i32 to index
      %swap3A_216 = arith.constant 0 : index
      %swap3A_217 = tpu.vector_load %arg15[%swap3A, %swap3A_216] {strides = array<i32>} : memref<80x128xf32, #tpu.memory_space<vmem>>, vector<16xf32>,
      tpu.vector_store %arg15[%swap3A, %swap3A_216], %add3A_215 {strides = array<i32>} : memref<80x128xf32, #tpu.memory_space<vmem>>, vector<16xf32>,
      %get3A_218 = arith.index_cast %add3A_208 : i32 to index
      %get3A_219 = arith.constant 16 : index
      %get3A_220 = tpu.vector_load %arg15[%get3A_218, %get3A_219] {strides = array<i32>} : memref<80x128xf32, #tpu.memory_space<vmem>>, vector<16xf32>,
      %get3A_221 = arith.index_cast %add3A_208 : i32 to index
      %get3A_222 = arith.constant 16 : index
      %get3A_223 = tpu.vector_load %arg16[%get3A_221, %get3A_222] {strides = array<i32>} : memref<80x128xf32, #tpu.memory_space<vmem>>, vector<16xf32>,
      %add3A_224 = arith.addf %get3A_220, %get3A_223 : vector<16xf32>
      %swap3A_225 = arith.index_cast %add3A_208 : i32 to index
      %swap3A_226 = arith.constant 16 : index
      %swap3A_227 = tpu.vector_load %arg15[%swap3A_225, %swap3A_226] {strides = array<i32>} : memref<80x128xf32, #tpu.memory_space<vmem>>, vector<16xf32>,
      tpu.vector_store %arg15[%swap3A_225, %swap3A_226], %add3A_224 {strides = array<i32>} : memref<80x128xf32, #tpu.memory_space<vmem>>, vector<16xf32>,
      %get3A_228 = arith.index_cast %add3A_208 : i32 to index
      %get3A_229 = arith.constant 32 : index
      %get3A_230 = tpu.vector_load %arg15[%get3A_228, %get3A_229] {strides = array<i32>} : memref<80x128xf32, #tpu.memory_space<vmem>>, vector<16xf32>,
      %get3A_231 = arith.index_cast %add3A_208 : i32 to index
      %get3A_232 = arith.constant 32 : index
      %get3A_233 = tpu.vector_load %arg16[%get3A_231, %get3A_232] {strides = array<i32>} : memref<80x128xf32, #tpu.memory_space<vmem>>, vector<16xf32>,
      %add3A_234 = arith.addf %get3A_230, %get3A_233 : vector<16xf32>
      %swap3A_235 = arith.index_cast %add3A_208 : i32 to index
      %swap3A_236 = arith.constant 32 : index
      %swap3A_237 = tpu.vector_load %arg15[%swap3A_235, %swap3A_236] {strides = array<i32>} : memref<80x128xf32, #tpu.memory_space<vmem>>, vector<16xf32>,
      tpu.vector_store %arg15[%swap3A_235, %swap3A_236], %add3A_234 {strides = array<i32>} : memref<80x128xf32, #tpu.memory_space<vmem>>, vector<16xf32>,
      %get3A_238 = arith.index_cast %add3A_208 : i32 to index
      %get3A_239 = arith.constant 48 : index
      %get3A_240 = tpu.vector_load %arg15[%get3A_238, %get3A_239] {strides = array<i32>} : memref<80x128xf32, #tpu.memory_space<vmem>>, vector<16xf32>,
      %get3A_241 = arith.index_cast %add3A_208 : i32 to index
      %get3A_242 = arith.constant 48 : index
      %get3A_243 = tpu.vector_load %arg16[%get3A_241, %get3A_242] {strides = array<i32>} : memref<80x128xf32, #tpu.memory_space<vmem>>, vector<16xf32>,
      %add3A_244 = arith.addf %get3A_240, %get3A_243 : vector<16xf32>
      %swap3A_245 = arith.index_cast %add3A_208 : i32 to index
      %swap3A_246 = arith.constant 48 : index
      %swap3A_247 = tpu.vector_load %arg15[%swap3A_245, %swap3A_246] {strides = array<i32>} : memref<80x128xf32, #tpu.memory_space<vmem>>, vector<16xf32>,
      tpu.vector_store %arg15[%swap3A_245, %swap3A_246], %add3A_244 {strides = array<i32>} : memref<80x128xf32, #tpu.memory_space<vmem>>, vector<16xf32>,
      %get3A_248 = arith.index_cast %add3A_208 : i32 to index
      %get3A_249 = arith.constant 64 : index
      %get3A_250 = tpu.vector_load %arg15[%get3A_248, %get3A_249] {strides = array<i32>} : memref<80x128xf32, #tpu.memory_space<vmem>>, vector<16xf32>,
      %get3A_251 = arith.index_cast %add3A_208 : i32 to index
      %get3A_252 = arith.constant 64 : index
      %get3A_253 = tpu.vector_load %arg16[%get3A_251, %get3A_252] {strides = array<i32>} : memref<80x128xf32, #tpu.memory_space<vmem>>, vector<16xf32>,
      %add3A_254 = arith.addf %get3A_250, %get3A_253 : vector<16xf32>
      %swap3A_255 = arith.index_cast %add3A_208 : i32 to index
      %swap3A_256 = arith.constant 64 : index
      %swap3A_257 = tpu.vector_load %arg15[%swap3A_255, %swap3A_256] {strides = array<i32>} : memref<80x128xf32, #tpu.memory_space<vmem>>, vector<16xf32>,
      tpu.vector_store %arg15[%swap3A_255, %swap3A_256], %add3A_254 {strides = array<i32>} : memref<80x128xf32, #tpu.memory_space<vmem>>, vector<16xf32>,
      %get3A_258 = arith.index_cast %add3A_208 : i32 to index
      %get3A_259 = arith.constant 80 : index
      %get3A_260 = tpu.vector_load %arg15[%get3A_258, %get3A_259] {strides = array<i32>} : memref<80x128xf32, #tpu.memory_space<vmem>>, vector<16xf32>,
      %get3A_261 = arith.index_cast %add3A_208 : i32 to index
      %get3A_262 = arith.constant 80 : index
      %get3A_263 = tpu.vector_load %arg16[%get3A_261, %get3A_262] {strides = array<i32>} : memref<80x128xf32, #tpu.memory_space<vmem>>, vector<16xf32>,
      %add3A_264 = arith.addf %get3A_260, %get3A_263 : vector<16xf32>
      %swap3A_265 = arith.index_cast %add3A_208 : i32 to index
      %swap3A_266 = arith.constant 80 : index
      %swap3A_267 = tpu.vector_load %arg15[%swap3A_265, %swap3A_266] {strides = array<i32>} : memref<80x128xf32, #tpu.memory_space<vmem>>, vector<16xf32>,
      tpu.vector_store %arg15[%swap3A_265, %swap3A_266], %add3A_264 {strides = array<i32>} : memref<80x128xf32, #tpu.memory_space<vmem>>, vector<16xf32>,
      %get3A_268 = arith.index_cast %add3A_208 : i32 to index
      %get3A_269 = arith.constant 96 : index
      %get3A_270 = tpu.vector_load %arg15[%get3A_268, %get3A_269] {strides = array<i32>} : memref<80x128xf32, #tpu.memory_space<vmem>>, vector<16xf32>,
      %get3A_271 = arith.index_cast %add3A_208 : i32 to index
      %get3A_272 = arith.constant 96 : index
      %get3A_273 = tpu.vector_load %arg16[%get3A_271, %get3A_272] {strides = array<i32>} : memref<80x128xf32, #tpu.memory_space<vmem>>, vector<16xf32>,
      %add3A_274 = arith.addf %get3A_270, %get3A_273 : vector<16xf32>
      %swap3A_275 = arith.index_cast %add3A_208 : i32 to index
      %swap3A_276 = arith.constant 96 : index
      %swap3A_277 = tpu.vector_load %arg15[%swap3A_275, %swap3A_276] {strides = array<i32>} : memref<80x128xf32, #tpu.memory_space<vmem>>, vector<16xf32>,
      tpu.vector_store %arg15[%swap3A_275, %swap3A_276], %add3A_274 {strides = array<i32>} : memref<80x128xf32, #tpu.memory_space<vmem>>, vector<16xf32>,
      %get3A_278 = arith.index_cast %add3A_208 : i32 to index
      %get3A_279 = arith.constant 112 : index
      %get3A_280 = tpu.vector_load %arg15[%get3A_278, %get3A_279] {strides = array<i32>} : memref<80x128xf32, #tpu.memory_space<vmem>>, vector<16xf32>,
      %get3A_281 = arith.index_cast %add3A_208 : i32 to index
      %get3A_282 = arith.constant 112 : index
      %get3A_283 = tpu.vector_load %arg16[%get3A_281, %get3A_282] {strides = array<i32>} : memref<80x128xf32, #tpu.memory_space<vmem>>, vector<16xf32>,
      %add3A_284 = arith.addf %get3A_280, %get3A_283 : vector<16xf32>
      %swap3A_285 = arith.index_cast %add3A_208 : i32 to index
      %swap3A_286 = arith.constant 112 : index
      %swap3A_287 = tpu.vector_load %arg15[%swap3A_285, %swap3A_286] {strides = array<i32>} : memref<80x128xf32, #tpu.memory_space<vmem>>, vector<16xf32>,
      tpu.vector_store %arg15[%swap3A_285, %swap3A_286], %add3A_284 {strides = array<i32>} : memref<80x128xf32, #tpu.memory_space<vmem>>, vector<16xf32>,
    }
    %scan3A_142 = arith.constant 80 : i32
    %get3A_143 = arith.constant 4720 : index
    %get3A_144 = tpu.vector_load %arg9[%get3A_143] {strides = array<i32>} : memref<4880xi32, #tpu.memory_space<vmem>>, vector<16xi32>,
    tpu.vector_store_idx %arg17[%get3A_144], %broadcast_in_dim3A_9 {add = true} : memref<10240xf32, #tpu.memory_space<vmem>>[vector<16xi32>], vector<16xf32>,
    %get3A_145 = arith.constant 4736 : index
    %get3A_146 = tpu.vector_load %arg9[%get3A_145] {strides = array<i32>} : memref<4880xi32, #tpu.memory_space<vmem>>, vector<16xi32>,
    tpu.vector_store_idx %arg17[%get3A_146], %broadcast_in_dim3A_9 {add = true} : memref<10240xf32, #tpu.memory_space<vmem>>[vector<16xi32>], vector<16xf32>,
    %get3A_147 = arith.constant 4752 : index
    %get3A_148 = tpu.vector_load %arg9[%get3A_147] {strides = array<i32>} : memref<4880xi32, #tpu.memory_space<vmem>>, vector<16xi32>,
    tpu.vector_store_idx %arg17[%get3A_148], %broadcast_in_dim3A_9 {add = true} : memref<10240xf32, #tpu.memory_space<vmem>>[vector<16xi32>], vector<16xf32>,
    %get3A_149 = arith.constant 4768 : index
    %get3A_150 = tpu.vector_load %arg9[%get3A_149] {strides = array<i32>} : memref<4880xi32, #tpu.memory_space<vmem>>, vector<16xi32>,
    tpu.vector_store_idx %arg17[%get3A_150], %broadcast_in_dim3A_9 {add = true} : memref<10240xf32, #tpu.memory_space<vmem>>[vector<16xi32>], vector<16xf32>,
    %get3A_151 = arith.constant 4784 : index
    %get3A_152 = tpu.vector_load %arg9[%get3A_151] {strides = array<i32>} : memref<4880xi32, #tpu.memory_space<vmem>>, vector<16xi32>,
    tpu.vector_store_idx %arg17[%get3A_152], %broadcast_in_dim3A_9 {add = true} : memref<10240xf32, #tpu.memory_space<vmem>>[vector<16xi32>], vector<16xf32>,
    %add3A_153 = arith.constant 4720 : i32
    %add3A_154 = arith.addi %mul3A_6, %add3A_153 : i32
    %dma_start3A_155 = arith.constant 0 : i32
    %dma_start3A_156 = tpu.memref_slice %arg7[%add3A_154, %dma_start3A_155] : memref<156160x128xf32, #tpu.memory_space<hbm>> -> memref<80x128xf32, #tpu.memory_space<hbm>>
    %dma_start3A_157 = arith.constant 0 : i32
    %dma_start3A_158 = tpu.memref_slice %arg7[%add3A_154, %dma_start3A_157] : memref<156160x128xf32, #tpu.memory_space<hbm>> -> memref<80x128xf32, #tpu.memory_space<hbm>>
    tpu.enqueue_dma source(%arg15 : memref<80x128xf32, #tpu.memory_space<vmem>>) target(%dma_start3A_158 : memref<80x128xf32, #tpu.memory_space<hbm>>) target_semaphore(%arg26 : memref<!tpu.dma_semaphore, #tpu.memory_space<semaphore_mem>>)
    %dma_wait3A_159 = arith.constant 0 : i32
    %dma_wait3A_160 = arith.constant 0 : i32
    %dma_wait3A_161 = tpu.memref_slice %arg2[%dma_wait3A_159, %dma_wait3A_160] : memref<10000x128xf32, #tpu.memory_space<hbm>> -> memref<80x128xf32, #tpu.memory_space<hbm>>
    %dma_wait3A_162 = arith.constant 0 : i32
    %dma_wait3A_163 = arith.constant 0 : i32
    %dma_wait3A_164 = tpu.memref_slice %arg2[%dma_wait3A_162, %dma_wait3A_163] : memref<10000x128xf32, #tpu.memory_space<hbm>> -> memref<80x128xf32, #tpu.memory_space<hbm>>
    tpu.wait_dma2 semaphore(%arg18 : memref<!tpu.dma_semaphore, #tpu.memory_space<semaphore_mem>>) src(%dma_wait3A_164 : memref<80x128xf32, #tpu.memory_space<hbm>>) dst(%arg11 : memref<80x128xf32, #tpu.memory_space<vmem>>)
    %dma_wait3A_165 = arith.constant 0 : i32
    %dma_wait3A_166 = arith.constant 0 : i32
    %dma_wait3A_167 = tpu.memref_slice %arg3[%dma_wait3A_165, %dma_wait3A_166] : memref<10000x128xf32, #tpu.memory_space<hbm>> -> memref<80x128xf32, #tpu.memory_space<hbm>>
    %dma_wait3A_168 = arith.constant 0 : i32
    %dma_wait3A_169 = arith.constant 0 : i32
    %dma_wait3A_170 = tpu.memref_slice %arg3[%dma_wait3A_168, %dma_wait3A_169] : memref<10000x128xf32, #tpu.memory_space<hbm>> -> memref<80x128xf32, #tpu.memory_space<hbm>>
    tpu.wait_dma2 semaphore(%arg19 : memref<!tpu.dma_semaphore, #tpu.memory_space<semaphore_mem>>) src(%dma_wait3A_170 : memref<80x128xf32, #tpu.memory_space<hbm>>) dst(%arg12 : memref<80x128xf32, #tpu.memory_space<vmem>>)
    %scan3A_171 = arith.constant 0 : i32
    %scan3A_172 = arith.constant 80 : i32
    %scan3A_173 = arith.addi %scan3A_171, %scan3A_172 : i32
    %scan3A_174 = arith.constant 1 : i32
    scf.for %scan3A_204 = %scan3A_171 to %scan3A_173 step %scan3A_174  : i32 {
      %mul3A_205 = arith.constant 1 : i32
      %mul3A_206 = arith.muli %scan3A_204, %mul3A_205 : i32
      %add3A_207 = arith.constant 0 : i32
      %add3A_208 = arith.addi %add3A_207, %mul3A_206 : i32
      %get3A_209 = arith.index_cast %add3A_208 : i32 to index
      %get3A_210 = arith.constant 0 : index
      %get3A_211 = tpu.vector_load %arg11[%get3A_209, %get3A_210] {strides = array<i32>} : memref<80x128xf32, #tpu.memory_space<vmem>>, vector<16xf32>,
      %get3A_212 = arith.index_cast %add3A_208 : i32 to index
      %get3A_213 = arith.constant 0 : index
      %get3A_214 = tpu.vector_load %arg12[%get3A_212, %get3A_213] {strides = array<i32>} : memref<80x128xf32, #tpu.memory_space<vmem>>, vector<16xf32>,
      %add3A_215 = arith.addf %get3A_211, %get3A_214 : vector<16xf32>
      %swap3A = arith.index_cast %add3A_208 : i32 to index
      %swap3A_216 = arith.constant 0 : index
      %swap3A_217 = tpu.vector_load %arg11[%swap3A, %swap3A_216] {strides = array<i32>} : memref<80x128xf32, #tpu.memory_space<vmem>>, vector<16xf32>,
      tpu.vector_store %arg11[%swap3A, %swap3A_216], %add3A_215 {strides = array<i32>} : memref<80x128xf32, #tpu.memory_space<vmem>>, vector<16xf32>,
      %get3A_218 = arith.index_cast %add3A_208 : i32 to index
      %get3A_219 = arith.constant 16 : index
      %get3A_220 = tpu.vector_load %arg11[%get3A_218, %get3A_219] {strides = array<i32>} : memref<80x128xf32, #tpu.memory_space<vmem>>, vector<16xf32>,
      %get3A_221 = arith.index_cast %add3A_208 : i32 to index
      %get3A_222 = arith.constant 16 : index
      %get3A_223 = tpu.vector_load %arg12[%get3A_221, %get3A_222] {strides = array<i32>} : memref<80x128xf32, #tpu.memory_space<vmem>>, vector<16xf32>,
      %add3A_224 = arith.addf %get3A_220, %get3A_223 : vector<16xf32>
      %swap3A_225 = arith.index_cast %add3A_208 : i32 to index
      %swap3A_226 = arith.constant 16 : index
      %swap3A_227 = tpu.vector_load %arg11[%swap3A_225, %swap3A_226] {strides = array<i32>} : memref<80x128xf32, #tpu.memory_space<vmem>>, vector<16xf32>,
      tpu.vector_store %arg11[%swap3A_225, %swap3A_226], %add3A_224 {strides = array<i32>} : memref<80x128xf32, #tpu.memory_space<vmem>>, vector<16xf32>,
      %get3A_228 = arith.index_cast %add3A_208 : i32 to index
      %get3A_229 = arith.constant 32 : index
      %get3A_230 = tpu.vector_load %arg11[%get3A_228, %get3A_229] {strides = array<i32>} : memref<80x128xf32, #tpu.memory_space<vmem>>, vector<16xf32>,
      %get3A_231 = arith.index_cast %add3A_208 : i32 to index
      %get3A_232 = arith.constant 32 : index
      %get3A_233 = tpu.vector_load %arg12[%get3A_231, %get3A_232] {strides = array<i32>} : memref<80x128xf32, #tpu.memory_space<vmem>>, vector<16xf32>,
      %add3A_234 = arith.addf %get3A_230, %get3A_233 : vector<16xf32>
      %swap3A_235 = arith.index_cast %add3A_208 : i32 to index
      %swap3A_236 = arith.constant 32 : index
      %swap3A_237 = tpu.vector_load %arg11[%swap3A_235, %swap3A_236] {strides = array<i32>} : memref<80x128xf32, #tpu.memory_space<vmem>>, vector<16xf32>,
      tpu.vector_store %arg11[%swap3A_235, %swap3A_236], %add3A_234 {strides = array<i32>} : memref<80x128xf32, #tpu.memory_space<vmem>>, vector<16xf32>,
      %get3A_238 = arith.index_cast %add3A_208 : i32 to index
      %get3A_239 = arith.constant 48 : index
      %get3A_240 = tpu.vector_load %arg11[%get3A_238, %get3A_239] {strides = array<i32>} : memref<80x128xf32, #tpu.memory_space<vmem>>, vector<16xf32>,
      %get3A_241 = arith.index_cast %add3A_208 : i32 to index
      %get3A_242 = arith.constant 48 : index
      %get3A_243 = tpu.vector_load %arg12[%get3A_241, %get3A_242] {strides = array<i32>} : memref<80x128xf32, #tpu.memory_space<vmem>>, vector<16xf32>,
      %add3A_244 = arith.addf %get3A_240, %get3A_243 : vector<16xf32>
      %swap3A_245 = arith.index_cast %add3A_208 : i32 to index
      %swap3A_246 = arith.constant 48 : index
      %swap3A_247 = tpu.vector_load %arg11[%swap3A_245, %swap3A_246] {strides = array<i32>} : memref<80x128xf32, #tpu.memory_space<vmem>>, vector<16xf32>,
      tpu.vector_store %arg11[%swap3A_245, %swap3A_246], %add3A_244 {strides = array<i32>} : memref<80x128xf32, #tpu.memory_space<vmem>>, vector<16xf32>,
      %get3A_248 = arith.index_cast %add3A_208 : i32 to index
      %get3A_249 = arith.constant 64 : index
      %get3A_250 = tpu.vector_load %arg11[%get3A_248, %get3A_249] {strides = array<i32>} : memref<80x128xf32, #tpu.memory_space<vmem>>, vector<16xf32>,
      %get3A_251 = arith.index_cast %add3A_208 : i32 to index
      %get3A_252 = arith.constant 64 : index
      %get3A_253 = tpu.vector_load %arg12[%get3A_251, %get3A_252] {strides = array<i32>} : memref<80x128xf32, #tpu.memory_space<vmem>>, vector<16xf32>,
      %add3A_254 = arith.addf %get3A_250, %get3A_253 : vector<16xf32>
      %swap3A_255 = arith.index_cast %add3A_208 : i32 to index
      %swap3A_256 = arith.constant 64 : index
      %swap3A_257 = tpu.vector_load %arg11[%swap3A_255, %swap3A_256] {strides = array<i32>} : memref<80x128xf32, #tpu.memory_space<vmem>>, vector<16xf32>,
      tpu.vector_store %arg11[%swap3A_255, %swap3A_256], %add3A_254 {strides = array<i32>} : memref<80x128xf32, #tpu.memory_space<vmem>>, vector<16xf32>,
      %get3A_258 = arith.index_cast %add3A_208 : i32 to index
      %get3A_259 = arith.constant 80 : index
      %get3A_260 = tpu.vector_load %arg11[%get3A_258, %get3A_259] {strides = array<i32>} : memref<80x128xf32, #tpu.memory_space<vmem>>, vector<16xf32>,
      %get3A_261 = arith.index_cast %add3A_208 : i32 to index
      %get3A_262 = arith.constant 80 : index
      %get3A_263 = tpu.vector_load %arg12[%get3A_261, %get3A_262] {strides = array<i32>} : memref<80x128xf32, #tpu.memory_space<vmem>>, vector<16xf32>,
      %add3A_264 = arith.addf %get3A_260, %get3A_263 : vector<16xf32>
      %swap3A_265 = arith.index_cast %add3A_208 : i32 to index
      %swap3A_266 = arith.constant 80 : index
      %swap3A_267 = tpu.vector_load %arg11[%swap3A_265, %swap3A_266] {strides = array<i32>} : memref<80x128xf32, #tpu.memory_space<vmem>>, vector<16xf32>,
      tpu.vector_store %arg11[%swap3A_265, %swap3A_266], %add3A_264 {strides = array<i32>} : memref<80x128xf32, #tpu.memory_space<vmem>>, vector<16xf32>,
      %get3A_268 = arith.index_cast %add3A_208 : i32 to index
      %get3A_269 = arith.constant 96 : index
      %get3A_270 = tpu.vector_load %arg11[%get3A_268, %get3A_269] {strides = array<i32>} : memref<80x128xf32, #tpu.memory_space<vmem>>, vector<16xf32>,
      %get3A_271 = arith.index_cast %add3A_208 : i32 to index
      %get3A_272 = arith.constant 96 : index
      %get3A_273 = tpu.vector_load %arg12[%get3A_271, %get3A_272] {strides = array<i32>} : memref<80x128xf32, #tpu.memory_space<vmem>>, vector<16xf32>,
      %add3A_274 = arith.addf %get3A_270, %get3A_273 : vector<16xf32>
      %swap3A_275 = arith.index_cast %add3A_208 : i32 to index
      %swap3A_276 = arith.constant 96 : index
      %swap3A_277 = tpu.vector_load %arg11[%swap3A_275, %swap3A_276] {strides = array<i32>} : memref<80x128xf32, #tpu.memory_space<vmem>>, vector<16xf32>,
      tpu.vector_store %arg11[%swap3A_275, %swap3A_276], %add3A_274 {strides = array<i32>} : memref<80x128xf32, #tpu.memory_space<vmem>>, vector<16xf32>,
      %get3A_278 = arith.index_cast %add3A_208 : i32 to index
      %get3A_279 = arith.constant 112 : index
      %get3A_280 = tpu.vector_load %arg11[%get3A_278, %get3A_279] {strides = array<i32>} : memref<80x128xf32, #tpu.memory_space<vmem>>, vector<16xf32>,
      %get3A_281 = arith.index_cast %add3A_208 : i32 to index
      %get3A_282 = arith.constant 112 : index
      %get3A_283 = tpu.vector_load %arg12[%get3A_281, %get3A_282] {strides = array<i32>} : memref<80x128xf32, #tpu.memory_space<vmem>>, vector<16xf32>,
      %add3A_284 = arith.addf %get3A_280, %get3A_283 : vector<16xf32>
      %swap3A_285 = arith.index_cast %add3A_208 : i32 to index
      %swap3A_286 = arith.constant 112 : index
      %swap3A_287 = tpu.vector_load %arg11[%swap3A_285, %swap3A_286] {strides = array<i32>} : memref<80x128xf32, #tpu.memory_space<vmem>>, vector<16xf32>,
      tpu.vector_store %arg11[%swap3A_285, %swap3A_286], %add3A_284 {strides = array<i32>} : memref<80x128xf32, #tpu.memory_space<vmem>>, vector<16xf32>,
    }
    %scan3A_175 = arith.constant 80 : i32
    %get3A_176 = arith.constant 4800 : index
    %get3A_177 = tpu.vector_load %arg9[%get3A_176] {strides = array<i32>} : memref<4880xi32, #tpu.memory_space<vmem>>, vector<16xi32>,
    tpu.vector_store_idx %arg17[%get3A_177], %broadcast_in_dim3A_9 {add = true} : memref<10240xf32, #tpu.memory_space<vmem>>[vector<16xi32>], vector<16xf32>,
    %get3A_178 = arith.constant 4816 : index
    %get3A_179 = tpu.vector_load %arg9[%get3A_178] {strides = array<i32>} : memref<4880xi32, #tpu.memory_space<vmem>>, vector<16xi32>,
    tpu.vector_store_idx %arg17[%get3A_179], %broadcast_in_dim3A_9 {add = true} : memref<10240xf32, #tpu.memory_space<vmem>>[vector<16xi32>], vector<16xf32>,
    %get3A_180 = arith.constant 4832 : index
    %get3A_181 = tpu.vector_load %arg9[%get3A_180] {strides = array<i32>} : memref<4880xi32, #tpu.memory_space<vmem>>, vector<16xi32>,
    tpu.vector_store_idx %arg17[%get3A_181], %broadcast_in_dim3A_9 {add = true} : memref<10240xf32, #tpu.memory_space<vmem>>[vector<16xi32>], vector<16xf32>,
    %get3A_182 = arith.constant 4848 : index
    %get3A_183 = tpu.vector_load %arg9[%get3A_182] {strides = array<i32>} : memref<4880xi32, #tpu.memory_space<vmem>>, vector<16xi32>,
    tpu.vector_store_idx %arg17[%get3A_183], %broadcast_in_dim3A_9 {add = true} : memref<10240xf32, #tpu.memory_space<vmem>>[vector<16xi32>], vector<16xf32>,
    %get3A_184 = arith.constant 4864 : index
    %get3A_185 = tpu.vector_load %arg9[%get3A_184] {strides = array<i32>} : memref<4880xi32, #tpu.memory_space<vmem>>, vector<16xi32>,
    tpu.vector_store_idx %arg17[%get3A_185], %broadcast_in_dim3A_9 {add = true} : memref<10240xf32, #tpu.memory_space<vmem>>[vector<16xi32>], vector<16xf32>,
    %add3A_186 = arith.constant 4800 : i32
    %add3A_187 = arith.addi %mul3A_6, %add3A_186 : i32
    %dma_start3A_188 = arith.constant 0 : i32
    %dma_start3A_189 = tpu.memref_slice %arg7[%add3A_187, %dma_start3A_188] : memref<156160x128xf32, #tpu.memory_space<hbm>> -> memref<80x128xf32, #tpu.memory_space<hbm>>
    %dma_start3A_190 = arith.constant 0 : i32
    %dma_start3A_191 = tpu.memref_slice %arg7[%add3A_187, %dma_start3A_190] : memref<156160x128xf32, #tpu.memory_space<hbm>> -> memref<80x128xf32, #tpu.memory_space<hbm>>
    tpu.enqueue_dma source(%arg11 : memref<80x128xf32, #tpu.memory_space<vmem>>) target(%dma_start3A_191 : memref<80x128xf32, #tpu.memory_space<hbm>>) target_semaphore(%arg24 : memref<!tpu.dma_semaphore, #tpu.memory_space<semaphore_mem>>)
    %dma_wait3A_192 = arith.constant 0 : i32
    %dma_wait3A_193 = tpu.memref_slice %arg7[%mul3A_6, %dma_wait3A_192] : memref<156160x128xf32, #tpu.memory_space<hbm>> -> memref<80x128xf32, #tpu.memory_space<hbm>>
    %dma_wait3A_194 = arith.constant 0 : i32
    %dma_wait3A_195 = tpu.memref_slice %arg7[%mul3A_6, %dma_wait3A_194] : memref<156160x128xf32, #tpu.memory_space<hbm>> -> memref<80x128xf32, #tpu.memory_space<hbm>>
    tpu.wait_dma2 semaphore(%arg25 : memref<!tpu.dma_semaphore, #tpu.memory_space<semaphore_mem>>) src(%arg13 : memref<80x128xf32, #tpu.memory_space<vmem>>) dst(%dma_wait3A_195 : memref<80x128xf32, #tpu.memory_space<hbm>>)
    %dma_wait3A_196 = arith.constant 0 : i32
    %dma_wait3A_197 = tpu.memref_slice %arg7[%mul3A_6, %dma_wait3A_196] : memref<156160x128xf32, #tpu.memory_space<hbm>> -> memref<80x128xf32, #tpu.memory_space<hbm>>
    %dma_wait3A_198 = arith.constant 0 : i32
    %dma_wait3A_199 = tpu.memref_slice %arg7[%mul3A_6, %dma_wait3A_198] : memref<156160x128xf32, #tpu.memory_space<hbm>> -> memref<80x128xf32, #tpu.memory_space<hbm>>
    tpu.wait_dma2 semaphore(%arg26 : memref<!tpu.dma_semaphore, #tpu.memory_space<semaphore_mem>>) src(%arg15 : memref<80x128xf32, #tpu.memory_space<vmem>>) dst(%dma_wait3A_199 : memref<80x128xf32, #tpu.memory_space<hbm>>)
    %dma_wait3A_200 = arith.constant 0 : i32
    %dma_wait3A_201 = tpu.memref_slice %arg7[%mul3A_6, %dma_wait3A_200] : memref<156160x128xf32, #tpu.memory_space<hbm>> -> memref<80x128xf32, #tpu.memory_space<hbm>>
    %dma_wait3A_202 = arith.constant 0 : i32
    %dma_wait3A_203 = tpu.memref_slice %arg7[%mul3A_6, %dma_wait3A_202] : memref<156160x128xf32, #tpu.memory_space<hbm>> -> memref<80x128xf32, #tpu.memory_space<hbm>>
    tpu.wait_dma2 semaphore(%arg24 : memref<!tpu.dma_semaphore, #tpu.memory_space<semaphore_mem>>) src(%arg11 : memref<80x128xf32, #tpu.memory_space<vmem>>) dst(%dma_wait3A_203 : memref<80x128xf32, #tpu.memory_space<hbm>>)
    "tpu.region"() ({
      %run_scoped3A = tpu.sem_alloc : memref<!tpu.dma_semaphore, #tpu.memory_space<semaphore_mem>>
      %dma_start3A_204 = arith.constant 0 : i32
      %dma_start3A_205 = tpu.memref_slice %arg8[%add3A, %dma_start3A_204] : memref<32x10240xf32, #tpu.memory_space<hbm>> -> memref<1x10240xf32, #tpu.memory_space<hbm>>
      %dma_start3A_206 = tpu.memref_squeeze %dma_start3A_205 : memref<1x10240xf32, #tpu.memory_space<hbm>> -> memref<10240xf32, #tpu.memory_space<hbm>>
      %dma_start3A_207 = arith.constant 0 : i32
      %dma_start3A_208 = tpu.memref_slice %arg8[%add3A, %dma_start3A_207] : memref<32x10240xf32, #tpu.memory_space<hbm>> -> memref<1x10240xf32, #tpu.memory_space<hbm>>
      %dma_start3A_209 = tpu.memref_squeeze %dma_start3A_208 : memref<1x10240xf32, #tpu.memory_space<hbm>> -> memref<10240xf32, #tpu.memory_space<hbm>>
      tpu.enqueue_dma source(%arg17 : memref<10240xf32, #tpu.memory_space<vmem>>) target(%dma_start3A_209 : memref<10240xf32, #tpu.memory_space<hbm>>) target_semaphore(%run_scoped3A : memref<!tpu.dma_semaphore, #tpu.memory_space<semaphore_mem>>)
      %dma_wait3A_210 = arith.constant 0 : i32
      %dma_wait3A_211 = tpu.memref_slice %arg8[%add3A, %dma_wait3A_210] : memref<32x10240xf32, #tpu.memory_space<hbm>> -> memref<1x10240xf32, #tpu.memory_space<hbm>>
      %dma_wait3A_212 = tpu.memref_squeeze %dma_wait3A_211 : memref<1x10240xf32, #tpu.memory_space<hbm>> -> memref<10240xf32, #tpu.memory_space<hbm>>
      %dma_wait3A_213 = arith.constant 0 : i32
      %dma_wait3A_214 = tpu.memref_slice %arg8[%add3A, %dma_wait3A_213] : memref<32x10240xf32, #tpu.memory_space<hbm>> -> memref<1x10240xf32, #tpu.memory_space<hbm>>
      %dma_wait3A_215 = tpu.memref_squeeze %dma_wait3A_214 : memref<1x10240xf32, #tpu.memory_space<hbm>> -> memref<10240xf32, #tpu.memory_space<hbm>>
      tpu.wait_dma2 semaphore(%run_scoped3A : memref<!tpu.dma_semaphore, #tpu.memory_space<semaphore_mem>>) src(%arg17 : memref<10240xf32, #tpu.memory_space<vmem>>) dst(%dma_wait3A_215 : memref<10240xf32, #tpu.memory_space<hbm>>)
      tpu.yield
    }) : () -> ()
    return
  }
}

#map = affine_map<(d0, d1) -> (0, 0)>
#map1 = affine_map<(d0, d1) -> (0, 0, 0)>
module attributes {stable_mosaic.version = 14 : i64} {
  func.func @scatter(%arg0: i32, %arg1: i32, %arg2: memref<163840x128xf32, #tpu.memory_space<hbm>>, %arg3: memref<32x125x80xi32, #tpu.memory_space<hbm>>, %arg4: memref<32x10240xf32, #tpu.memory_space<hbm>>, %arg5: memref<2x10240x128xf32, #tpu.memory_space<hbm>>, %arg6: memref<64x80xi32, #tpu.memory_space<vmem>>, %arg7: memref<80x128xf32, #tpu.memory_space<vmem>>, %arg8: memref<80x128xf32, #tpu.memory_space<vmem>>, %arg9: memref<64x128xf32, #tpu.memory_space<vmem>>, %arg10: memref<10240x128xf32, #tpu.memory_space<vmem_shared>>, %arg11: memref<!tpu.dma_semaphore, #tpu.memory_space<semaphore_mem>>, %arg12: memref<!tpu.dma_semaphore, #tpu.memory_space<semaphore_mem>>) attributes {dimension_semantics = [#tpu.dimension_semantics<core_parallel>, #tpu.dimension_semantics<subcore_parallel>], iteration_bounds = array<i64: 2, 16>, scalar_prefetch = 0 : i64, scratch_operands = 7 : i64, tpu.core_type = #tpu.core_type<sc_vector_subcore>, window_params = [{transform_indices = #map}, {transform_indices = #map1}, {transform_indices = #map}, {transform_indices = #map1}]} {
    %mul3A = arith.constant 2 : i32
    %mul3A_0 = arith.muli %arg1, %mul3A : i32
    %add3A = arith.addi %mul3A_0, %arg0 : i32
    %mul3A_1 = arith.constant 640 : i32
    %mul3A_2 = arith.muli %arg1, %mul3A_1 : i32
    %mul3A_3 = arith.constant 5120 : i32
    %mul3A_4 = arith.muli %add3A, %mul3A_3 : i32
    "tpu.region"() ({
      %run_scoped3A_49 = tpu.sem_alloc : memref<!tpu.dma_semaphore, #tpu.memory_space<semaphore_mem>>
      %dma_start3A_50 = arith.constant 0 : i32
      %dma_start3A_51 = arith.constant 0 : i32
      %dma_start3A_52 = tpu.memref_slice %arg3[%add3A, %dma_start3A_50, %dma_start3A_51] : memref<32x125x80xi32, #tpu.memory_space<hbm>> -> memref<1x64x80xi32, #tpu.memory_space<hbm>>
      %dma_start3A_53 = tpu.memref_squeeze %dma_start3A_52 : memref<1x64x80xi32, #tpu.memory_space<hbm>> -> memref<64x80xi32, #tpu.memory_space<hbm>>
      %dma_start3A_54 = arith.constant 0 : i32
      %dma_start3A_55 = arith.constant 0 : i32
      %dma_start3A_56 = tpu.memref_slice %arg3[%add3A, %dma_start3A_54, %dma_start3A_55] : memref<32x125x80xi32, #tpu.memory_space<hbm>> -> memref<1x64x80xi32, #tpu.memory_space<hbm>>
      %dma_start3A_57 = tpu.memref_squeeze %dma_start3A_56 : memref<1x64x80xi32, #tpu.memory_space<hbm>> -> memref<64x80xi32, #tpu.memory_space<hbm>>
      tpu.enqueue_dma source(%dma_start3A_57 : memref<64x80xi32, #tpu.memory_space<hbm>>) target(%arg6 : memref<64x80xi32, #tpu.memory_space<vmem>>) target_semaphore(%run_scoped3A_49 : memref<!tpu.dma_semaphore, #tpu.memory_space<semaphore_mem>>)
      %dma_wait3A_58 = arith.constant 0 : i32
      %dma_wait3A_59 = arith.constant 0 : i32
      %dma_wait3A_60 = tpu.memref_slice %arg3[%add3A, %dma_wait3A_58, %dma_wait3A_59] : memref<32x125x80xi32, #tpu.memory_space<hbm>> -> memref<1x64x80xi32, #tpu.memory_space<hbm>>
      %dma_wait3A_61 = tpu.memref_squeeze %dma_wait3A_60 : memref<1x64x80xi32, #tpu.memory_space<hbm>> -> memref<64x80xi32, #tpu.memory_space<hbm>>
      %dma_wait3A_62 = arith.constant 0 : i32
      %dma_wait3A_63 = arith.constant 0 : i32
      %dma_wait3A_64 = tpu.memref_slice %arg3[%add3A, %dma_wait3A_62, %dma_wait3A_63] : memref<32x125x80xi32, #tpu.memory_space<hbm>> -> memref<1x64x80xi32, #tpu.memory_space<hbm>>
      %dma_wait3A_65 = tpu.memref_squeeze %dma_wait3A_64 : memref<1x64x80xi32, #tpu.memory_space<hbm>> -> memref<64x80xi32, #tpu.memory_space<hbm>>
      tpu.wait_dma2 semaphore(%run_scoped3A_49 : memref<!tpu.dma_semaphore, #tpu.memory_space<semaphore_mem>>) src(%dma_wait3A_65 : memref<64x80xi32, #tpu.memory_space<hbm>>) dst(%arg6 : memref<64x80xi32, #tpu.memory_space<vmem>>)
      tpu.yield
    }) : () -> ()
    %broadcast_in_dim3A = arith.constant 0.000000e+00 : f32
    %broadcast_in_dim3A_5 = vector.broadcast %broadcast_in_dim3A : f32 to vector<16xf32>
    %scan3A = arith.constant 0 : i32
    %scan3A_6 = arith.constant 64 : i32
    %scan3A_7 = arith.addi %scan3A, %scan3A_6 : i32
    %scan3A_8 = arith.constant 1 : i32
    scf.for %scan3A_49 = %scan3A to %scan3A_7 step %scan3A_8  : i32 {
      %mul3A_50 = arith.constant 1 : i32
      %mul3A_51 = arith.muli %scan3A_49, %mul3A_50 : i32
      %add3A_52 = arith.constant 0 : i32
      %add3A_53 = arith.addi %add3A_52, %mul3A_51 : i32
      %swap3A = arith.index_cast %add3A_53 : i32 to index
      %swap3A_54 = arith.constant 0 : index
      %swap3A_55 = tpu.vector_load %arg9[%swap3A, %swap3A_54] {strides = array<i32>} : memref<64x128xf32, #tpu.memory_space<vmem>>, vector<1x16xf32>,
      %swap3A_56 = vector.shape_cast %swap3A_55 : vector<1x16xf32> to vector<16xf32>
      %swap3A_57 = vector.shape_cast %broadcast_in_dim3A_5 : vector<16xf32> to vector<1x16xf32>
      tpu.vector_store %arg9[%swap3A, %swap3A_54], %swap3A_57 {strides = array<i32>} : memref<64x128xf32, #tpu.memory_space<vmem>>, vector<1x16xf32>,
      %swap3A_58 = arith.index_cast %add3A_53 : i32 to index
      %swap3A_59 = arith.constant 16 : index
      %swap3A_60 = tpu.vector_load %arg9[%swap3A_58, %swap3A_59] {strides = array<i32>} : memref<64x128xf32, #tpu.memory_space<vmem>>, vector<1x16xf32>,
      %swap3A_61 = vector.shape_cast %swap3A_60 : vector<1x16xf32> to vector<16xf32>
      %swap3A_62 = vector.shape_cast %broadcast_in_dim3A_5 : vector<16xf32> to vector<1x16xf32>
      tpu.vector_store %arg9[%swap3A_58, %swap3A_59], %swap3A_62 {strides = array<i32>} : memref<64x128xf32, #tpu.memory_space<vmem>>, vector<1x16xf32>,
      %swap3A_63 = arith.index_cast %add3A_53 : i32 to index
      %swap3A_64 = arith.constant 32 : index
      %swap3A_65 = tpu.vector_load %arg9[%swap3A_63, %swap3A_64] {strides = array<i32>} : memref<64x128xf32, #tpu.memory_space<vmem>>, vector<1x16xf32>,
      %swap3A_66 = vector.shape_cast %swap3A_65 : vector<1x16xf32> to vector<16xf32>
      %swap3A_67 = vector.shape_cast %broadcast_in_dim3A_5 : vector<16xf32> to vector<1x16xf32>
      tpu.vector_store %arg9[%swap3A_63, %swap3A_64], %swap3A_67 {strides = array<i32>} : memref<64x128xf32, #tpu.memory_space<vmem>>, vector<1x16xf32>,
      %swap3A_68 = arith.index_cast %add3A_53 : i32 to index
      %swap3A_69 = arith.constant 48 : index
      %swap3A_70 = tpu.vector_load %arg9[%swap3A_68, %swap3A_69] {strides = array<i32>} : memref<64x128xf32, #tpu.memory_space<vmem>>, vector<1x16xf32>,
      %swap3A_71 = vector.shape_cast %swap3A_70 : vector<1x16xf32> to vector<16xf32>
      %swap3A_72 = vector.shape_cast %broadcast_in_dim3A_5 : vector<16xf32> to vector<1x16xf32>
      tpu.vector_store %arg9[%swap3A_68, %swap3A_69], %swap3A_72 {strides = array<i32>} : memref<64x128xf32, #tpu.memory_space<vmem>>, vector<1x16xf32>,
      %swap3A_73 = arith.index_cast %add3A_53 : i32 to index
      %swap3A_74 = arith.constant 64 : index
      %swap3A_75 = tpu.vector_load %arg9[%swap3A_73, %swap3A_74] {strides = array<i32>} : memref<64x128xf32, #tpu.memory_space<vmem>>, vector<1x16xf32>,
      %swap3A_76 = vector.shape_cast %swap3A_75 : vector<1x16xf32> to vector<16xf32>
      %swap3A_77 = vector.shape_cast %broadcast_in_dim3A_5 : vector<16xf32> to vector<1x16xf32>
      tpu.vector_store %arg9[%swap3A_73, %swap3A_74], %swap3A_77 {strides = array<i32>} : memref<64x128xf32, #tpu.memory_space<vmem>>, vector<1x16xf32>,
      %swap3A_78 = arith.index_cast %add3A_53 : i32 to index
      %swap3A_79 = arith.constant 80 : index
      %swap3A_80 = tpu.vector_load %arg9[%swap3A_78, %swap3A_79] {strides = array<i32>} : memref<64x128xf32, #tpu.memory_space<vmem>>, vector<1x16xf32>,
      %swap3A_81 = vector.shape_cast %swap3A_80 : vector<1x16xf32> to vector<16xf32>
      %swap3A_82 = vector.shape_cast %broadcast_in_dim3A_5 : vector<16xf32> to vector<1x16xf32>
      tpu.vector_store %arg9[%swap3A_78, %swap3A_79], %swap3A_82 {strides = array<i32>} : memref<64x128xf32, #tpu.memory_space<vmem>>, vector<1x16xf32>,
      %swap3A_83 = arith.index_cast %add3A_53 : i32 to index
      %swap3A_84 = arith.constant 96 : index
      %swap3A_85 = tpu.vector_load %arg9[%swap3A_83, %swap3A_84] {strides = array<i32>} : memref<64x128xf32, #tpu.memory_space<vmem>>, vector<1x16xf32>,
      %swap3A_86 = vector.shape_cast %swap3A_85 : vector<1x16xf32> to vector<16xf32>
      %swap3A_87 = vector.shape_cast %broadcast_in_dim3A_5 : vector<16xf32> to vector<1x16xf32>
      tpu.vector_store %arg9[%swap3A_83, %swap3A_84], %swap3A_87 {strides = array<i32>} : memref<64x128xf32, #tpu.memory_space<vmem>>, vector<1x16xf32>,
      %swap3A_88 = arith.index_cast %add3A_53 : i32 to index
      %swap3A_89 = arith.constant 112 : index
      %swap3A_90 = tpu.vector_load %arg9[%swap3A_88, %swap3A_89] {strides = array<i32>} : memref<64x128xf32, #tpu.memory_space<vmem>>, vector<1x16xf32>,
      %swap3A_91 = vector.shape_cast %swap3A_90 : vector<1x16xf32> to vector<16xf32>
      %swap3A_92 = vector.shape_cast %broadcast_in_dim3A_5 : vector<16xf32> to vector<1x16xf32>
      tpu.vector_store %arg9[%swap3A_88, %swap3A_89], %swap3A_92 {strides = array<i32>} : memref<64x128xf32, #tpu.memory_space<vmem>>, vector<1x16xf32>,
    }
    %scan3A_9 = arith.constant 64 : i32
    %scan3A_10 = arith.constant 0 : i32
    %scan3A_11 = arith.constant 10 : i32
    %scan3A_12 = arith.addi %scan3A_10, %scan3A_11 : i32
    %scan3A_13 = arith.constant 1 : i32
    scf.for %scan3A_49 = %scan3A_10 to %scan3A_12 step %scan3A_13  : i32 {
      %mul3A_50 = arith.constant 1 : i32
      %mul3A_51 = arith.muli %scan3A_49, %mul3A_50 : i32
      %add3A_52 = arith.constant 0 : i32
      %add3A_53 = arith.addi %add3A_52, %mul3A_51 : i32
      %mul3A_54 = arith.constant 64 : i32
      %mul3A_55 = arith.muli %add3A_53, %mul3A_54 : i32
      %add3A_56 = arith.addi %mul3A_2, %mul3A_55 : i32
      "tpu.region"() ({
        %run_scoped3A_57 = tpu.sem_alloc : memref<!tpu.dma_semaphore, #tpu.memory_space<semaphore_mem>>
        %dma_start3A_58 = arith.constant 0 : i32
        %dma_start3A_59 = tpu.memref_slice %arg10[%add3A_56, %dma_start3A_58] : memref<10240x128xf32, #tpu.memory_space<vmem_shared>> -> memref<64x128xf32, #tpu.memory_space<vmem_shared>>
        %dma_start3A_60 = arith.constant 0 : i32
        %dma_start3A_61 = tpu.memref_slice %arg10[%add3A_56, %dma_start3A_60] : memref<10240x128xf32, #tpu.memory_space<vmem_shared>> -> memref<64x128xf32, #tpu.memory_space<vmem_shared>>
        tpu.enqueue_dma source(%arg9 : memref<64x128xf32, #tpu.memory_space<vmem>>) target(%dma_start3A_61 : memref<64x128xf32, #tpu.memory_space<vmem_shared>>) target_semaphore(%run_scoped3A_57 : memref<!tpu.dma_semaphore, #tpu.memory_space<semaphore_mem>>)
        %dma_wait3A_62 = arith.constant 0 : i32
        %dma_wait3A_63 = tpu.memref_slice %arg10[%add3A_56, %dma_wait3A_62] : memref<10240x128xf32, #tpu.memory_space<vmem_shared>> -> memref<64x128xf32, #tpu.memory_space<vmem_shared>>
        %dma_wait3A_64 = arith.constant 0 : i32
        %dma_wait3A_65 = tpu.memref_slice %arg10[%add3A_56, %dma_wait3A_64] : memref<10240x128xf32, #tpu.memory_space<vmem_shared>> -> memref<64x128xf32, #tpu.memory_space<vmem_shared>>
        tpu.wait_dma2 semaphore(%run_scoped3A_57 : memref<!tpu.dma_semaphore, #tpu.memory_space<semaphore_mem>>) src(%arg9 : memref<64x128xf32, #tpu.memory_space<vmem>>) dst(%dma_wait3A_65 : memref<64x128xf32, #tpu.memory_space<vmem_shared>>)
        tpu.yield
      }) : () -> ()
    }
    %scan3A_14 = arith.constant 10 : i32
    %barrier3A = arith.constant 0 : index
    tpu.barrier barrier_id(%barrier3A)
    %add3A_15 = arith.constant 0 : i32
    %add3A_16 = arith.addi %mul3A_4, %add3A_15 : i32
    %dma_start3A = arith.constant 0 : i32
    %dma_start3A_17 = tpu.memref_slice %arg2[%add3A_16, %dma_start3A] : memref<163840x128xf32, #tpu.memory_space<hbm>> -> memref<80x128xf32, #tpu.memory_space<hbm>>
    %dma_start3A_18 = arith.constant 0 : i32
    %dma_start3A_19 = tpu.memref_slice %arg2[%add3A_16, %dma_start3A_18] : memref<163840x128xf32, #tpu.memory_space<hbm>> -> memref<80x128xf32, #tpu.memory_space<hbm>>
    tpu.enqueue_dma source(%dma_start3A_19 : memref<80x128xf32, #tpu.memory_space<hbm>>) target(%arg7 : memref<80x128xf32, #tpu.memory_space<vmem>>) target_semaphore(%arg11 : memref<!tpu.dma_semaphore, #tpu.memory_space<semaphore_mem>>)
    %scan3A_20 = arith.constant 0 : i32
    %scan3A_21 = arith.constant 31 : i32
    %scan3A_22 = arith.addi %scan3A_20, %scan3A_21 : i32
    %scan3A_23 = arith.constant 1 : i32
    scf.for %scan3A_49 = %scan3A_20 to %scan3A_22 step %scan3A_23  : i32 {
      %mul3A_50 = arith.constant 1 : i32
      %mul3A_51 = arith.muli %scan3A_49, %mul3A_50 : i32
      %add3A_52 = arith.constant 0 : i32
      %add3A_53 = arith.addi %add3A_52, %mul3A_51 : i32
      %mul3A_54 = arith.constant 2 : i32
      %mul3A_55 = arith.muli %add3A_53, %mul3A_54 : i32
      %add3A_56 = arith.constant 1 : i32
      %add3A_57 = arith.addi %mul3A_55, %add3A_56 : i32
      %mul3A_58 = arith.constant 80 : i32
      %mul3A_59 = arith.muli %add3A_57, %mul3A_58 : i32
      %add3A_60 = arith.addi %mul3A_4, %mul3A_59 : i32
      %dma_start3A_61 = arith.constant 0 : i32
      %dma_start3A_62 = tpu.memref_slice %arg2[%add3A_60, %dma_start3A_61] : memref<163840x128xf32, #tpu.memory_space<hbm>> -> memref<80x128xf32, #tpu.memory_space<hbm>>
      %dma_start3A_63 = arith.constant 0 : i32
      %dma_start3A_64 = tpu.memref_slice %arg2[%add3A_60, %dma_start3A_63] : memref<163840x128xf32, #tpu.memory_space<hbm>> -> memref<80x128xf32, #tpu.memory_space<hbm>>
      tpu.enqueue_dma source(%dma_start3A_64 : memref<80x128xf32, #tpu.memory_space<hbm>>) target(%arg8 : memref<80x128xf32, #tpu.memory_space<vmem>>) target_semaphore(%arg12 : memref<!tpu.dma_semaphore, #tpu.memory_space<semaphore_mem>>)
      %dma_wait3A_65 = arith.constant 0 : i32
      %dma_wait3A_66 = arith.constant 0 : i32
      %dma_wait3A_67 = tpu.memref_slice %arg2[%dma_wait3A_65, %dma_wait3A_66] : memref<163840x128xf32, #tpu.memory_space<hbm>> -> memref<80x128xf32, #tpu.memory_space<hbm>>
      %dma_wait3A_68 = arith.constant 0 : i32
      %dma_wait3A_69 = arith.constant 0 : i32
      %dma_wait3A_70 = tpu.memref_slice %arg2[%dma_wait3A_68, %dma_wait3A_69] : memref<163840x128xf32, #tpu.memory_space<hbm>> -> memref<80x128xf32, #tpu.memory_space<hbm>>
      tpu.wait_dma2 semaphore(%arg11 : memref<!tpu.dma_semaphore, #tpu.memory_space<semaphore_mem>>) src(%dma_wait3A_70 : memref<80x128xf32, #tpu.memory_space<hbm>>) dst(%arg7 : memref<80x128xf32, #tpu.memory_space<vmem>>)
      "tpu.region"() ({
        %run_scoped3A_88 = tpu.sem_alloc : memref<!tpu.dma_semaphore, #tpu.memory_space<semaphore_mem>>
        %dma_start3A_89 = arith.constant 0 : i32
        %dma_start3A_90 = tpu.memref_slice %arg6[%mul3A_55, %dma_start3A_89] : memref<64x80xi32, #tpu.memory_space<vmem>> -> memref<1x80xi32, #tpu.memory_space<vmem>>
        %dma_start3A_91 = tpu.memref_squeeze %dma_start3A_90 : memref<1x80xi32, #tpu.memory_space<vmem>> -> memref<80xi32, #tpu.memory_space<vmem>>
        %dma_start3A_92 = arith.constant 0 : i32
        %dma_start3A_93 = arith.constant 0 : i32
        %dma_start3A_94 = tpu.memref_slice %arg10[%dma_start3A_92, %dma_start3A_93] : memref<10240x128xf32, #tpu.memory_space<vmem_shared>> -> memref<10240x128xf32, #tpu.memory_space<vmem_shared>>
        tpu.enqueue_indirect_dma source(%arg7 : memref<80x128xf32, #tpu.memory_space<vmem>>) target(%dma_start3A_94 : memref<10240x128xf32, #tpu.memory_space<vmem_shared>>) offsets(%dma_start3A_91 : memref<80xi32, #tpu.memory_space<vmem>>) semaphore(%run_scoped3A_88 : memref<!tpu.dma_semaphore, #tpu.memory_space<semaphore_mem>>) {add = true}
        %dma_wait3A_95 = arith.constant 0 : i32
        %dma_wait3A_96 = tpu.memref_slice %arg6[%mul3A_55, %dma_wait3A_95] : memref<64x80xi32, #tpu.memory_space<vmem>> -> memref<1x80xi32, #tpu.memory_space<vmem>>
        %dma_wait3A_97 = tpu.memref_squeeze %dma_wait3A_96 : memref<1x80xi32, #tpu.memory_space<vmem>> -> memref<80xi32, #tpu.memory_space<vmem>>
        %dma_wait3A_98 = arith.constant 0 : i32
        %dma_wait3A_99 = arith.constant 0 : i32
        %dma_wait3A_100 = tpu.memref_slice %arg10[%dma_wait3A_98, %dma_wait3A_99] : memref<10240x128xf32, #tpu.memory_space<vmem_shared>> -> memref<10240x128xf32, #tpu.memory_space<vmem_shared>>
        tpu.wait_indirect_dma semaphore(%run_scoped3A_88 : memref<!tpu.dma_semaphore, #tpu.memory_space<semaphore_mem>>) src(%arg7 : memref<80x128xf32, #tpu.memory_space<vmem>>) dst(%dma_wait3A_100 : memref<10240x128xf32, #tpu.memory_space<vmem_shared>>)
        tpu.yield
      }) : () -> ()
      %add3A_71 = arith.constant 2 : i32
      %add3A_72 = arith.addi %mul3A_55, %add3A_71 : i32
      %mul3A_73 = arith.constant 80 : i32
      %mul3A_74 = arith.muli %add3A_72, %mul3A_73 : i32
      %add3A_75 = arith.addi %mul3A_4, %mul3A_74 : i32
      %dma_start3A_76 = arith.constant 0 : i32
      %dma_start3A_77 = tpu.memref_slice %arg2[%add3A_75, %dma_start3A_76] : memref<163840x128xf32, #tpu.memory_space<hbm>> -> memref<80x128xf32, #tpu.memory_space<hbm>>
      %dma_start3A_78 = arith.constant 0 : i32
      %dma_start3A_79 = tpu.memref_slice %arg2[%add3A_75, %dma_start3A_78] : memref<163840x128xf32, #tpu.memory_space<hbm>> -> memref<80x128xf32, #tpu.memory_space<hbm>>
      tpu.enqueue_dma source(%dma_start3A_79 : memref<80x128xf32, #tpu.memory_space<hbm>>) target(%arg7 : memref<80x128xf32, #tpu.memory_space<vmem>>) target_semaphore(%arg11 : memref<!tpu.dma_semaphore, #tpu.memory_space<semaphore_mem>>)
      %dma_wait3A_80 = arith.constant 0 : i32
      %dma_wait3A_81 = arith.constant 0 : i32
      %dma_wait3A_82 = tpu.memref_slice %arg2[%dma_wait3A_80, %dma_wait3A_81] : memref<163840x128xf32, #tpu.memory_space<hbm>> -> memref<80x128xf32, #tpu.memory_space<hbm>>
      %dma_wait3A_83 = arith.constant 0 : i32
      %dma_wait3A_84 = arith.constant 0 : i32
      %dma_wait3A_85 = tpu.memref_slice %arg2[%dma_wait3A_83, %dma_wait3A_84] : memref<163840x128xf32, #tpu.memory_space<hbm>> -> memref<80x128xf32, #tpu.memory_space<hbm>>
      tpu.wait_dma2 semaphore(%arg12 : memref<!tpu.dma_semaphore, #tpu.memory_space<semaphore_mem>>) src(%dma_wait3A_85 : memref<80x128xf32, #tpu.memory_space<hbm>>) dst(%arg8 : memref<80x128xf32, #tpu.memory_space<vmem>>)
      %add3A_86 = arith.constant 1 : i32
      %add3A_87 = arith.addi %mul3A_55, %add3A_86 : i32
      "tpu.region"() ({
        %run_scoped3A_88 = tpu.sem_alloc : memref<!tpu.dma_semaphore, #tpu.memory_space<semaphore_mem>>
        %dma_start3A_89 = arith.constant 0 : i32
        %dma_start3A_90 = tpu.memref_slice %arg6[%add3A_87, %dma_start3A_89] : memref<64x80xi32, #tpu.memory_space<vmem>> -> memref<1x80xi32, #tpu.memory_space<vmem>>
        %dma_start3A_91 = tpu.memref_squeeze %dma_start3A_90 : memref<1x80xi32, #tpu.memory_space<vmem>> -> memref<80xi32, #tpu.memory_space<vmem>>
        %dma_start3A_92 = arith.constant 0 : i32
        %dma_start3A_93 = arith.constant 0 : i32
        %dma_start3A_94 = tpu.memref_slice %arg10[%dma_start3A_92, %dma_start3A_93] : memref<10240x128xf32, #tpu.memory_space<vmem_shared>> -> memref<10240x128xf32, #tpu.memory_space<vmem_shared>>
        tpu.enqueue_indirect_dma source(%arg8 : memref<80x128xf32, #tpu.memory_space<vmem>>) target(%dma_start3A_94 : memref<10240x128xf32, #tpu.memory_space<vmem_shared>>) offsets(%dma_start3A_91 : memref<80xi32, #tpu.memory_space<vmem>>) semaphore(%run_scoped3A_88 : memref<!tpu.dma_semaphore, #tpu.memory_space<semaphore_mem>>) {add = true}
        %dma_wait3A_95 = arith.constant 0 : i32
        %dma_wait3A_96 = tpu.memref_slice %arg6[%add3A_87, %dma_wait3A_95] : memref<64x80xi32, #tpu.memory_space<vmem>> -> memref<1x80xi32, #tpu.memory_space<vmem>>
        %dma_wait3A_97 = tpu.memref_squeeze %dma_wait3A_96 : memref<1x80xi32, #tpu.memory_space<vmem>> -> memref<80xi32, #tpu.memory_space<vmem>>
        %dma_wait3A_98 = arith.constant 0 : i32
        %dma_wait3A_99 = arith.constant 0 : i32
        %dma_wait3A_100 = tpu.memref_slice %arg10[%dma_wait3A_98, %dma_wait3A_99] : memref<10240x128xf32, #tpu.memory_space<vmem_shared>> -> memref<10240x128xf32, #tpu.memory_space<vmem_shared>>
        tpu.wait_indirect_dma semaphore(%run_scoped3A_88 : memref<!tpu.dma_semaphore, #tpu.memory_space<semaphore_mem>>) src(%arg8 : memref<80x128xf32, #tpu.memory_space<vmem>>) dst(%dma_wait3A_100 : memref<10240x128xf32, #tpu.memory_space<vmem_shared>>)
        tpu.yield
      }) : () -> ()
    }
    %scan3A_24 = arith.constant 31 : i32
    %add3A_25 = arith.constant 5040 : i32
    %add3A_26 = arith.addi %mul3A_4, %add3A_25 : i32
    %dma_start3A_27 = arith.constant 0 : i32
    %dma_start3A_28 = tpu.memref_slice %arg2[%add3A_26, %dma_start3A_27] : memref<163840x128xf32, #tpu.memory_space<hbm>> -> memref<80x128xf32, #tpu.memory_space<hbm>>
    %dma_start3A_29 = arith.constant 0 : i32
    %dma_start3A_30 = tpu.memref_slice %arg2[%add3A_26, %dma_start3A_29] : memref<163840x128xf32, #tpu.memory_space<hbm>> -> memref<80x128xf32, #tpu.memory_space<hbm>>
    tpu.enqueue_dma source(%dma_start3A_30 : memref<80x128xf32, #tpu.memory_space<hbm>>) target(%arg8 : memref<80x128xf32, #tpu.memory_space<vmem>>) target_semaphore(%arg12 : memref<!tpu.dma_semaphore, #tpu.memory_space<semaphore_mem>>)
    %dma_wait3A = arith.constant 0 : i32
    %dma_wait3A_31 = arith.constant 0 : i32
    %dma_wait3A_32 = tpu.memref_slice %arg2[%dma_wait3A, %dma_wait3A_31] : memref<163840x128xf32, #tpu.memory_space<hbm>> -> memref<80x128xf32, #tpu.memory_space<hbm>>
    %dma_wait3A_33 = arith.constant 0 : i32
    %dma_wait3A_34 = arith.constant 0 : i32
    %dma_wait3A_35 = tpu.memref_slice %arg2[%dma_wait3A_33, %dma_wait3A_34] : memref<163840x128xf32, #tpu.memory_space<hbm>> -> memref<80x128xf32, #tpu.memory_space<hbm>>
    tpu.wait_dma2 semaphore(%arg11 : memref<!tpu.dma_semaphore, #tpu.memory_space<semaphore_mem>>) src(%dma_wait3A_35 : memref<80x128xf32, #tpu.memory_space<hbm>>) dst(%arg7 : memref<80x128xf32, #tpu.memory_space<vmem>>)
    %run_scoped3A = arith.constant 62 : i32
    "tpu.region"() ({
      %run_scoped3A_49 = tpu.sem_alloc : memref<!tpu.dma_semaphore, #tpu.memory_space<semaphore_mem>>
      %dma_start3A_50 = arith.constant 0 : i32
      %dma_start3A_51 = tpu.memref_slice %arg6[%run_scoped3A, %dma_start3A_50] : memref<64x80xi32, #tpu.memory_space<vmem>> -> memref<1x80xi32, #tpu.memory_space<vmem>>
      %dma_start3A_52 = tpu.memref_squeeze %dma_start3A_51 : memref<1x80xi32, #tpu.memory_space<vmem>> -> memref<80xi32, #tpu.memory_space<vmem>>
      %dma_start3A_53 = arith.constant 0 : i32
      %dma_start3A_54 = arith.constant 0 : i32
      %dma_start3A_55 = tpu.memref_slice %arg10[%dma_start3A_53, %dma_start3A_54] : memref<10240x128xf32, #tpu.memory_space<vmem_shared>> -> memref<10240x128xf32, #tpu.memory_space<vmem_shared>>
      tpu.enqueue_indirect_dma source(%arg7 : memref<80x128xf32, #tpu.memory_space<vmem>>) target(%dma_start3A_55 : memref<10240x128xf32, #tpu.memory_space<vmem_shared>>) offsets(%dma_start3A_52 : memref<80xi32, #tpu.memory_space<vmem>>) semaphore(%run_scoped3A_49 : memref<!tpu.dma_semaphore, #tpu.memory_space<semaphore_mem>>) {add = true}
      %dma_wait3A_56 = arith.constant 0 : i32
      %dma_wait3A_57 = tpu.memref_slice %arg6[%run_scoped3A, %dma_wait3A_56] : memref<64x80xi32, #tpu.memory_space<vmem>> -> memref<1x80xi32, #tpu.memory_space<vmem>>
      %dma_wait3A_58 = tpu.memref_squeeze %dma_wait3A_57 : memref<1x80xi32, #tpu.memory_space<vmem>> -> memref<80xi32, #tpu.memory_space<vmem>>
      %dma_wait3A_59 = arith.constant 0 : i32
      %dma_wait3A_60 = arith.constant 0 : i32
      %dma_wait3A_61 = tpu.memref_slice %arg10[%dma_wait3A_59, %dma_wait3A_60] : memref<10240x128xf32, #tpu.memory_space<vmem_shared>> -> memref<10240x128xf32, #tpu.memory_space<vmem_shared>>
      tpu.wait_indirect_dma semaphore(%run_scoped3A_49 : memref<!tpu.dma_semaphore, #tpu.memory_space<semaphore_mem>>) src(%arg7 : memref<80x128xf32, #tpu.memory_space<vmem>>) dst(%dma_wait3A_61 : memref<10240x128xf32, #tpu.memory_space<vmem_shared>>)
      tpu.yield
    }) : () -> ()
    %dma_wait3A_36 = arith.constant 0 : i32
    %dma_wait3A_37 = arith.constant 0 : i32
    %dma_wait3A_38 = tpu.memref_slice %arg2[%dma_wait3A_36, %dma_wait3A_37] : memref<163840x128xf32, #tpu.memory_space<hbm>> -> memref<80x128xf32, #tpu.memory_space<hbm>>
    %dma_wait3A_39 = arith.constant 0 : i32
    %dma_wait3A_40 = arith.constant 0 : i32
    %dma_wait3A_41 = tpu.memref_slice %arg2[%dma_wait3A_39, %dma_wait3A_40] : memref<163840x128xf32, #tpu.memory_space<hbm>> -> memref<80x128xf32, #tpu.memory_space<hbm>>
    tpu.wait_dma2 semaphore(%arg12 : memref<!tpu.dma_semaphore, #tpu.memory_space<semaphore_mem>>) src(%dma_wait3A_41 : memref<80x128xf32, #tpu.memory_space<hbm>>) dst(%arg8 : memref<80x128xf32, #tpu.memory_space<vmem>>)
    %run_scoped3A_42 = arith.constant 63 : i32
    "tpu.region"() ({
      %run_scoped3A_49 = tpu.sem_alloc : memref<!tpu.dma_semaphore, #tpu.memory_space<semaphore_mem>>
      %dma_start3A_50 = arith.constant 0 : i32
      %dma_start3A_51 = tpu.memref_slice %arg6[%run_scoped3A_42, %dma_start3A_50] : memref<64x80xi32, #tpu.memory_space<vmem>> -> memref<1x80xi32, #tpu.memory_space<vmem>>
      %dma_start3A_52 = tpu.memref_squeeze %dma_start3A_51 : memref<1x80xi32, #tpu.memory_space<vmem>> -> memref<80xi32, #tpu.memory_space<vmem>>
      %dma_start3A_53 = arith.constant 0 : i32
      %dma_start3A_54 = arith.constant 0 : i32
      %dma_start3A_55 = tpu.memref_slice %arg10[%dma_start3A_53, %dma_start3A_54] : memref<10240x128xf32, #tpu.memory_space<vmem_shared>> -> memref<10240x128xf32, #tpu.memory_space<vmem_shared>>
      tpu.enqueue_indirect_dma source(%arg8 : memref<80x128xf32, #tpu.memory_space<vmem>>) target(%dma_start3A_55 : memref<10240x128xf32, #tpu.memory_space<vmem_shared>>) offsets(%dma_start3A_52 : memref<80xi32, #tpu.memory_space<vmem>>) semaphore(%run_scoped3A_49 : memref<!tpu.dma_semaphore, #tpu.memory_space<semaphore_mem>>) {add = true}
      %dma_wait3A_56 = arith.constant 0 : i32
      %dma_wait3A_57 = tpu.memref_slice %arg6[%run_scoped3A_42, %dma_wait3A_56] : memref<64x80xi32, #tpu.memory_space<vmem>> -> memref<1x80xi32, #tpu.memory_space<vmem>>
      %dma_wait3A_58 = tpu.memref_squeeze %dma_wait3A_57 : memref<1x80xi32, #tpu.memory_space<vmem>> -> memref<80xi32, #tpu.memory_space<vmem>>
      %dma_wait3A_59 = arith.constant 0 : i32
      %dma_wait3A_60 = arith.constant 0 : i32
      %dma_wait3A_61 = tpu.memref_slice %arg10[%dma_wait3A_59, %dma_wait3A_60] : memref<10240x128xf32, #tpu.memory_space<vmem_shared>> -> memref<10240x128xf32, #tpu.memory_space<vmem_shared>>
      tpu.wait_indirect_dma semaphore(%run_scoped3A_49 : memref<!tpu.dma_semaphore, #tpu.memory_space<semaphore_mem>>) src(%arg8 : memref<80x128xf32, #tpu.memory_space<vmem>>) dst(%dma_wait3A_61 : memref<10240x128xf32, #tpu.memory_space<vmem_shared>>)
      tpu.yield
    }) : () -> ()
    %barrier3A_43 = arith.constant 0 : index
    tpu.barrier barrier_id(%barrier3A_43)
    %scan3A_44 = arith.constant 0 : i32
    %scan3A_45 = arith.constant 10 : i32
    %scan3A_46 = arith.addi %scan3A_44, %scan3A_45 : i32
    %scan3A_47 = arith.constant 1 : i32
    scf.for %scan3A_49 = %scan3A_44 to %scan3A_46 step %scan3A_47  : i32 {
      %mul3A_50 = arith.constant 1 : i32
      %mul3A_51 = arith.muli %scan3A_49, %mul3A_50 : i32
      %add3A_52 = arith.constant 0 : i32
      %add3A_53 = arith.addi %add3A_52, %mul3A_51 : i32
      %mul3A_54 = arith.constant 64 : i32
      %mul3A_55 = arith.muli %add3A_53, %mul3A_54 : i32
      %add3A_56 = arith.addi %mul3A_2, %mul3A_55 : i32
      "tpu.region"() ({
        %run_scoped3A_57 = tpu.sem_alloc : memref<!tpu.dma_semaphore, #tpu.memory_space<semaphore_mem>>
        %dma_start3A_58 = arith.constant 0 : i32
        %dma_start3A_59 = tpu.memref_slice %arg10[%add3A_56, %dma_start3A_58] : memref<10240x128xf32, #tpu.memory_space<vmem_shared>> -> memref<64x128xf32, #tpu.memory_space<vmem_shared>>
        %dma_start3A_60 = arith.constant 0 : i32
        %dma_start3A_61 = tpu.memref_slice %arg10[%add3A_56, %dma_start3A_60] : memref<10240x128xf32, #tpu.memory_space<vmem_shared>> -> memref<64x128xf32, #tpu.memory_space<vmem_shared>>
        tpu.enqueue_dma source(%dma_start3A_61 : memref<64x128xf32, #tpu.memory_space<vmem_shared>>) target(%arg9 : memref<64x128xf32, #tpu.memory_space<vmem>>) target_semaphore(%run_scoped3A_57 : memref<!tpu.dma_semaphore, #tpu.memory_space<semaphore_mem>>)
        %dma_wait3A_62 = arith.constant 0 : i32
        %dma_wait3A_63 = tpu.memref_slice %arg10[%add3A_56, %dma_wait3A_62] : memref<10240x128xf32, #tpu.memory_space<vmem_shared>> -> memref<64x128xf32, #tpu.memory_space<vmem_shared>>
        %dma_wait3A_64 = arith.constant 0 : i32
        %dma_wait3A_65 = tpu.memref_slice %arg10[%add3A_56, %dma_wait3A_64] : memref<10240x128xf32, #tpu.memory_space<vmem_shared>> -> memref<64x128xf32, #tpu.memory_space<vmem_shared>>
        tpu.wait_dma2 semaphore(%run_scoped3A_57 : memref<!tpu.dma_semaphore, #tpu.memory_space<semaphore_mem>>) src(%dma_wait3A_65 : memref<64x128xf32, #tpu.memory_space<vmem_shared>>) dst(%arg9 : memref<64x128xf32, #tpu.memory_space<vmem>>)
        tpu.yield
      }) : () -> ()
      "tpu.region"() ({
        %run_scoped3A_57 = tpu.sem_alloc : memref<!tpu.dma_semaphore, #tpu.memory_space<semaphore_mem>>
        %dma_start3A_58 = arith.constant 0 : i32
        %dma_start3A_59 = tpu.memref_slice %arg5[%arg0, %add3A_56, %dma_start3A_58] : memref<2x10240x128xf32, #tpu.memory_space<hbm>> -> memref<1x64x128xf32, #tpu.memory_space<hbm>>
        %dma_start3A_60 = tpu.memref_squeeze %dma_start3A_59 : memref<1x64x128xf32, #tpu.memory_space<hbm>> -> memref<64x128xf32, #tpu.memory_space<hbm>>
        %dma_start3A_61 = arith.constant 0 : i32
        %dma_start3A_62 = tpu.memref_slice %arg5[%arg0, %add3A_56, %dma_start3A_61] : memref<2x10240x128xf32, #tpu.memory_space<hbm>> -> memref<1x64x128xf32, #tpu.memory_space<hbm>>
        %dma_start3A_63 = tpu.memref_squeeze %dma_start3A_62 : memref<1x64x128xf32, #tpu.memory_space<hbm>> -> memref<64x128xf32, #tpu.memory_space<hbm>>
        tpu.enqueue_dma source(%arg9 : memref<64x128xf32, #tpu.memory_space<vmem>>) target(%dma_start3A_63 : memref<64x128xf32, #tpu.memory_space<hbm>>) target_semaphore(%run_scoped3A_57 : memref<!tpu.dma_semaphore, #tpu.memory_space<semaphore_mem>>)
        %dma_wait3A_64 = arith.constant 0 : i32
        %dma_wait3A_65 = tpu.memref_slice %arg5[%arg0, %add3A_56, %dma_wait3A_64] : memref<2x10240x128xf32, #tpu.memory_space<hbm>> -> memref<1x64x128xf32, #tpu.memory_space<hbm>>
        %dma_wait3A_66 = tpu.memref_squeeze %dma_wait3A_65 : memref<1x64x128xf32, #tpu.memory_space<hbm>> -> memref<64x128xf32, #tpu.memory_space<hbm>>
        %dma_wait3A_67 = arith.constant 0 : i32
        %dma_wait3A_68 = tpu.memref_slice %arg5[%arg0, %add3A_56, %dma_wait3A_67] : memref<2x10240x128xf32, #tpu.memory_space<hbm>> -> memref<1x64x128xf32, #tpu.memory_space<hbm>>
        %dma_wait3A_69 = tpu.memref_squeeze %dma_wait3A_68 : memref<1x64x128xf32, #tpu.memory_space<hbm>> -> memref<64x128xf32, #tpu.memory_space<hbm>>
        tpu.wait_dma2 semaphore(%run_scoped3A_57 : memref<!tpu.dma_semaphore, #tpu.memory_space<semaphore_mem>>) src(%arg9 : memref<64x128xf32, #tpu.memory_space<vmem>>) dst(%dma_wait3A_69 : memref<64x128xf32, #tpu.memory_space<hbm>>)
        tpu.yield
      }) : () -> ()
    }
    %scan3A_48 = arith.constant 10 : i32
    return
  }
}

#map = affine_map<(d0, d1) -> (0, 0)>
#map1 = affine_map<(d0, d1) -> (0, 0, 0)>
module attributes {stable_mosaic.version = 14 : i64} {
  func.func @scatter(%arg0: i32, %arg1: i32, %arg2: memref<156160x128xf32, #tpu.memory_space<hbm>>, %arg3: memref<32x125x80xi32, #tpu.memory_space<hbm>>, %arg4: memref<2x10240x128xf32, #tpu.memory_space<hbm>>, %arg5: memref<2x10240x128xf32, #tpu.memory_space<hbm>>, %arg6: memref<61x80xi32, #tpu.memory_space<vmem>>, %arg7: memref<80x128xf32, #tpu.memory_space<vmem>>, %arg8: memref<80x128xf32, #tpu.memory_space<vmem>>, %arg9: memref<64x128xf32, #tpu.memory_space<vmem>>, %arg10: memref<10240x128xf32, #tpu.memory_space<vmem_shared>>, %arg11: memref<!tpu.dma_semaphore, #tpu.memory_space<semaphore_mem>>, %arg12: memref<!tpu.dma_semaphore, #tpu.memory_space<semaphore_mem>>) attributes {dimension_semantics = [#tpu.dimension_semantics<core_parallel>, #tpu.dimension_semantics<subcore_parallel>], iteration_bounds = array<i64: 2, 16>, scalar_prefetch = 0 : i64, scratch_operands = 7 : i64, tpu.core_type = #tpu.core_type<sc_vector_subcore>, window_params = [{transform_indices = #map}, {transform_indices = #map1}, {transform_indices = #map1}, {transform_indices = #map1}]} {
    %mul3A = arith.constant 2 : i32
    %mul3A_0 = arith.muli %arg1, %mul3A : i32
    %add3A = arith.addi %mul3A_0, %arg0 : i32
    %mul3A_1 = arith.constant 640 : i32
    %mul3A_2 = arith.muli %arg1, %mul3A_1 : i32
    %mul3A_3 = arith.constant 4880 : i32
    %mul3A_4 = arith.muli %add3A, %mul3A_3 : i32
    "tpu.region"() ({
      %run_scoped3A_36 = tpu.sem_alloc : memref<!tpu.dma_semaphore, #tpu.memory_space<semaphore_mem>>
      %dma_start3A_37 = arith.constant 64 : i32
      %dma_start3A_38 = arith.constant 0 : i32
      %dma_start3A_39 = tpu.memref_slice %arg3[%add3A, %dma_start3A_37, %dma_start3A_38] : memref<32x125x80xi32, #tpu.memory_space<hbm>> -> memref<1x61x80xi32, #tpu.memory_space<hbm>>
      %dma_start3A_40 = tpu.memref_squeeze %dma_start3A_39 : memref<1x61x80xi32, #tpu.memory_space<hbm>> -> memref<61x80xi32, #tpu.memory_space<hbm>>
      %dma_start3A_41 = arith.constant 64 : i32
      %dma_start3A_42 = arith.constant 0 : i32
      %dma_start3A_43 = tpu.memref_slice %arg3[%add3A, %dma_start3A_41, %dma_start3A_42] : memref<32x125x80xi32, #tpu.memory_space<hbm>> -> memref<1x61x80xi32, #tpu.memory_space<hbm>>
      %dma_start3A_44 = tpu.memref_squeeze %dma_start3A_43 : memref<1x61x80xi32, #tpu.memory_space<hbm>> -> memref<61x80xi32, #tpu.memory_space<hbm>>
      tpu.enqueue_dma source(%dma_start3A_44 : memref<61x80xi32, #tpu.memory_space<hbm>>) target(%arg6 : memref<61x80xi32, #tpu.memory_space<vmem>>) target_semaphore(%run_scoped3A_36 : memref<!tpu.dma_semaphore, #tpu.memory_space<semaphore_mem>>)
      %dma_wait3A_45 = arith.constant 64 : i32
      %dma_wait3A_46 = arith.constant 0 : i32
      %dma_wait3A_47 = tpu.memref_slice %arg3[%add3A, %dma_wait3A_45, %dma_wait3A_46] : memref<32x125x80xi32, #tpu.memory_space<hbm>> -> memref<1x61x80xi32, #tpu.memory_space<hbm>>
      %dma_wait3A_48 = tpu.memref_squeeze %dma_wait3A_47 : memref<1x61x80xi32, #tpu.memory_space<hbm>> -> memref<61x80xi32, #tpu.memory_space<hbm>>
      %dma_wait3A_49 = arith.constant 64 : i32
      %dma_wait3A_50 = arith.constant 0 : i32
      %dma_wait3A_51 = tpu.memref_slice %arg3[%add3A, %dma_wait3A_49, %dma_wait3A_50] : memref<32x125x80xi32, #tpu.memory_space<hbm>> -> memref<1x61x80xi32, #tpu.memory_space<hbm>>
      %dma_wait3A_52 = tpu.memref_squeeze %dma_wait3A_51 : memref<1x61x80xi32, #tpu.memory_space<hbm>> -> memref<61x80xi32, #tpu.memory_space<hbm>>
      tpu.wait_dma2 semaphore(%run_scoped3A_36 : memref<!tpu.dma_semaphore, #tpu.memory_space<semaphore_mem>>) src(%dma_wait3A_52 : memref<61x80xi32, #tpu.memory_space<hbm>>) dst(%arg6 : memref<61x80xi32, #tpu.memory_space<vmem>>)
      tpu.yield
    }) : () -> ()
    %broadcast_in_dim3A = arith.constant 0.000000e+00 : f32
    %broadcast_in_dim3A_5 = vector.broadcast %broadcast_in_dim3A : f32 to vector<16xf32>
    %scan3A = arith.constant 0 : i32
    %scan3A_6 = arith.constant 64 : i32
    %scan3A_7 = arith.addi %scan3A, %scan3A_6 : i32
    %scan3A_8 = arith.constant 1 : i32
    scf.for %scan3A_36 = %scan3A to %scan3A_7 step %scan3A_8  : i32 {
      %mul3A_37 = arith.constant 1 : i32
      %mul3A_38 = arith.muli %scan3A_36, %mul3A_37 : i32
      %add3A_39 = arith.constant 0 : i32
      %add3A_40 = arith.addi %add3A_39, %mul3A_38 : i32
      %swap3A = arith.index_cast %add3A_40 : i32 to index
      %swap3A_41 = arith.constant 0 : index
      %swap3A_42 = tpu.vector_load %arg9[%swap3A, %swap3A_41] {strides = array<i32>} : memref<64x128xf32, #tpu.memory_space<vmem>>, vector<1x16xf32>,
      %swap3A_43 = vector.shape_cast %swap3A_42 : vector<1x16xf32> to vector<16xf32>
      %swap3A_44 = vector.shape_cast %broadcast_in_dim3A_5 : vector<16xf32> to vector<1x16xf32>
      tpu.vector_store %arg9[%swap3A, %swap3A_41], %swap3A_44 {strides = array<i32>} : memref<64x128xf32, #tpu.memory_space<vmem>>, vector<1x16xf32>,
      %swap3A_45 = arith.index_cast %add3A_40 : i32 to index
      %swap3A_46 = arith.constant 16 : index
      %swap3A_47 = tpu.vector_load %arg9[%swap3A_45, %swap3A_46] {strides = array<i32>} : memref<64x128xf32, #tpu.memory_space<vmem>>, vector<1x16xf32>,
      %swap3A_48 = vector.shape_cast %swap3A_47 : vector<1x16xf32> to vector<16xf32>
      %swap3A_49 = vector.shape_cast %broadcast_in_dim3A_5 : vector<16xf32> to vector<1x16xf32>
      tpu.vector_store %arg9[%swap3A_45, %swap3A_46], %swap3A_49 {strides = array<i32>} : memref<64x128xf32, #tpu.memory_space<vmem>>, vector<1x16xf32>,
      %swap3A_50 = arith.index_cast %add3A_40 : i32 to index
      %swap3A_51 = arith.constant 32 : index
      %swap3A_52 = tpu.vector_load %arg9[%swap3A_50, %swap3A_51] {strides = array<i32>} : memref<64x128xf32, #tpu.memory_space<vmem>>, vector<1x16xf32>,
      %swap3A_53 = vector.shape_cast %swap3A_52 : vector<1x16xf32> to vector<16xf32>
      %swap3A_54 = vector.shape_cast %broadcast_in_dim3A_5 : vector<16xf32> to vector<1x16xf32>
      tpu.vector_store %arg9[%swap3A_50, %swap3A_51], %swap3A_54 {strides = array<i32>} : memref<64x128xf32, #tpu.memory_space<vmem>>, vector<1x16xf32>,
      %swap3A_55 = arith.index_cast %add3A_40 : i32 to index
      %swap3A_56 = arith.constant 48 : index
      %swap3A_57 = tpu.vector_load %arg9[%swap3A_55, %swap3A_56] {strides = array<i32>} : memref<64x128xf32, #tpu.memory_space<vmem>>, vector<1x16xf32>,
      %swap3A_58 = vector.shape_cast %swap3A_57 : vector<1x16xf32> to vector<16xf32>
      %swap3A_59 = vector.shape_cast %broadcast_in_dim3A_5 : vector<16xf32> to vector<1x16xf32>
      tpu.vector_store %arg9[%swap3A_55, %swap3A_56], %swap3A_59 {strides = array<i32>} : memref<64x128xf32, #tpu.memory_space<vmem>>, vector<1x16xf32>,
      %swap3A_60 = arith.index_cast %add3A_40 : i32 to index
      %swap3A_61 = arith.constant 64 : index
      %swap3A_62 = tpu.vector_load %arg9[%swap3A_60, %swap3A_61] {strides = array<i32>} : memref<64x128xf32, #tpu.memory_space<vmem>>, vector<1x16xf32>,
      %swap3A_63 = vector.shape_cast %swap3A_62 : vector<1x16xf32> to vector<16xf32>
      %swap3A_64 = vector.shape_cast %broadcast_in_dim3A_5 : vector<16xf32> to vector<1x16xf32>
      tpu.vector_store %arg9[%swap3A_60, %swap3A_61], %swap3A_64 {strides = array<i32>} : memref<64x128xf32, #tpu.memory_space<vmem>>, vector<1x16xf32>,
      %swap3A_65 = arith.index_cast %add3A_40 : i32 to index
      %swap3A_66 = arith.constant 80 : index
      %swap3A_67 = tpu.vector_load %arg9[%swap3A_65, %swap3A_66] {strides = array<i32>} : memref<64x128xf32, #tpu.memory_space<vmem>>, vector<1x16xf32>,
      %swap3A_68 = vector.shape_cast %swap3A_67 : vector<1x16xf32> to vector<16xf32>
      %swap3A_69 = vector.shape_cast %broadcast_in_dim3A_5 : vector<16xf32> to vector<1x16xf32>
      tpu.vector_store %arg9[%swap3A_65, %swap3A_66], %swap3A_69 {strides = array<i32>} : memref<64x128xf32, #tpu.memory_space<vmem>>, vector<1x16xf32>,
      %swap3A_70 = arith.index_cast %add3A_40 : i32 to index
      %swap3A_71 = arith.constant 96 : index
      %swap3A_72 = tpu.vector_load %arg9[%swap3A_70, %swap3A_71] {strides = array<i32>} : memref<64x128xf32, #tpu.memory_space<vmem>>, vector<1x16xf32>,
      %swap3A_73 = vector.shape_cast %swap3A_72 : vector<1x16xf32> to vector<16xf32>
      %swap3A_74 = vector.shape_cast %broadcast_in_dim3A_5 : vector<16xf32> to vector<1x16xf32>
      tpu.vector_store %arg9[%swap3A_70, %swap3A_71], %swap3A_74 {strides = array<i32>} : memref<64x128xf32, #tpu.memory_space<vmem>>, vector<1x16xf32>,
      %swap3A_75 = arith.index_cast %add3A_40 : i32 to index
      %swap3A_76 = arith.constant 112 : index
      %swap3A_77 = tpu.vector_load %arg9[%swap3A_75, %swap3A_76] {strides = array<i32>} : memref<64x128xf32, #tpu.memory_space<vmem>>, vector<1x16xf32>,
      %swap3A_78 = vector.shape_cast %swap3A_77 : vector<1x16xf32> to vector<16xf32>
      %swap3A_79 = vector.shape_cast %broadcast_in_dim3A_5 : vector<16xf32> to vector<1x16xf32>
      tpu.vector_store %arg9[%swap3A_75, %swap3A_76], %swap3A_79 {strides = array<i32>} : memref<64x128xf32, #tpu.memory_space<vmem>>, vector<1x16xf32>,
    }
    %scan3A_9 = arith.constant 64 : i32
    %scan3A_10 = arith.constant 0 : i32
    %scan3A_11 = arith.constant 10 : i32
    %scan3A_12 = arith.addi %scan3A_10, %scan3A_11 : i32
    %scan3A_13 = arith.constant 1 : i32
    scf.for %scan3A_36 = %scan3A_10 to %scan3A_12 step %scan3A_13  : i32 {
      %mul3A_37 = arith.constant 1 : i32
      %mul3A_38 = arith.muli %scan3A_36, %mul3A_37 : i32
      %add3A_39 = arith.constant 0 : i32
      %add3A_40 = arith.addi %add3A_39, %mul3A_38 : i32
      %mul3A_41 = arith.constant 64 : i32
      %mul3A_42 = arith.muli %add3A_40, %mul3A_41 : i32
      %add3A_43 = arith.addi %mul3A_2, %mul3A_42 : i32
      "tpu.region"() ({
        %run_scoped3A_44 = tpu.sem_alloc : memref<!tpu.dma_semaphore, #tpu.memory_space<semaphore_mem>>
        %dma_start3A_45 = arith.constant 0 : i32
        %dma_start3A_46 = tpu.memref_slice %arg10[%add3A_43, %dma_start3A_45] : memref<10240x128xf32, #tpu.memory_space<vmem_shared>> -> memref<64x128xf32, #tpu.memory_space<vmem_shared>>
        %dma_start3A_47 = arith.constant 0 : i32
        %dma_start3A_48 = tpu.memref_slice %arg10[%add3A_43, %dma_start3A_47] : memref<10240x128xf32, #tpu.memory_space<vmem_shared>> -> memref<64x128xf32, #tpu.memory_space<vmem_shared>>
        tpu.enqueue_dma source(%arg9 : memref<64x128xf32, #tpu.memory_space<vmem>>) target(%dma_start3A_48 : memref<64x128xf32, #tpu.memory_space<vmem_shared>>) target_semaphore(%run_scoped3A_44 : memref<!tpu.dma_semaphore, #tpu.memory_space<semaphore_mem>>)
        %dma_wait3A_49 = arith.constant 0 : i32
        %dma_wait3A_50 = tpu.memref_slice %arg10[%add3A_43, %dma_wait3A_49] : memref<10240x128xf32, #tpu.memory_space<vmem_shared>> -> memref<64x128xf32, #tpu.memory_space<vmem_shared>>
        %dma_wait3A_51 = arith.constant 0 : i32
        %dma_wait3A_52 = tpu.memref_slice %arg10[%add3A_43, %dma_wait3A_51] : memref<10240x128xf32, #tpu.memory_space<vmem_shared>> -> memref<64x128xf32, #tpu.memory_space<vmem_shared>>
        tpu.wait_dma2 semaphore(%run_scoped3A_44 : memref<!tpu.dma_semaphore, #tpu.memory_space<semaphore_mem>>) src(%arg9 : memref<64x128xf32, #tpu.memory_space<vmem>>) dst(%dma_wait3A_52 : memref<64x128xf32, #tpu.memory_space<vmem_shared>>)
        tpu.yield
      }) : () -> ()
    }
    %scan3A_14 = arith.constant 10 : i32
    %barrier3A = arith.constant 0 : index
    tpu.barrier barrier_id(%barrier3A)
    %add3A_15 = arith.constant 0 : i32
    %add3A_16 = arith.addi %mul3A_4, %add3A_15 : i32
    %dma_start3A = arith.constant 0 : i32
    %dma_start3A_17 = tpu.memref_slice %arg2[%add3A_16, %dma_start3A] : memref<156160x128xf32, #tpu.memory_space<hbm>> -> memref<80x128xf32, #tpu.memory_space<hbm>>
    %dma_start3A_18 = arith.constant 0 : i32
    %dma_start3A_19 = tpu.memref_slice %arg2[%add3A_16, %dma_start3A_18] : memref<156160x128xf32, #tpu.memory_space<hbm>> -> memref<80x128xf32, #tpu.memory_space<hbm>>
    tpu.enqueue_dma source(%dma_start3A_19 : memref<80x128xf32, #tpu.memory_space<hbm>>) target(%arg7 : memref<80x128xf32, #tpu.memory_space<vmem>>) target_semaphore(%arg11 : memref<!tpu.dma_semaphore, #tpu.memory_space<semaphore_mem>>)
    %scan3A_20 = arith.constant 0 : i32
    %scan3A_21 = arith.constant 30 : i32
    %scan3A_22 = arith.addi %scan3A_20, %scan3A_21 : i32
    %scan3A_23 = arith.constant 1 : i32
    scf.for %scan3A_36 = %scan3A_20 to %scan3A_22 step %scan3A_23  : i32 {
      %mul3A_37 = arith.constant 1 : i32
      %mul3A_38 = arith.muli %scan3A_36, %mul3A_37 : i32
      %add3A_39 = arith.constant 0 : i32
      %add3A_40 = arith.addi %add3A_39, %mul3A_38 : i32
      %mul3A_41 = arith.constant 2 : i32
      %mul3A_42 = arith.muli %add3A_40, %mul3A_41 : i32
      %add3A_43 = arith.constant 1 : i32
      %add3A_44 = arith.addi %mul3A_42, %add3A_43 : i32
      %mul3A_45 = arith.constant 80 : i32
      %mul3A_46 = arith.muli %add3A_44, %mul3A_45 : i32
      %add3A_47 = arith.addi %mul3A_4, %mul3A_46 : i32
      %dma_start3A_48 = arith.constant 0 : i32
      %dma_start3A_49 = tpu.memref_slice %arg2[%add3A_47, %dma_start3A_48] : memref<156160x128xf32, #tpu.memory_space<hbm>> -> memref<80x128xf32, #tpu.memory_space<hbm>>
      %dma_start3A_50 = arith.constant 0 : i32
      %dma_start3A_51 = tpu.memref_slice %arg2[%add3A_47, %dma_start3A_50] : memref<156160x128xf32, #tpu.memory_space<hbm>> -> memref<80x128xf32, #tpu.memory_space<hbm>>
      tpu.enqueue_dma source(%dma_start3A_51 : memref<80x128xf32, #tpu.memory_space<hbm>>) target(%arg8 : memref<80x128xf32, #tpu.memory_space<vmem>>) target_semaphore(%arg12 : memref<!tpu.dma_semaphore, #tpu.memory_space<semaphore_mem>>)
      %dma_wait3A_52 = arith.constant 0 : i32
      %dma_wait3A_53 = arith.constant 0 : i32
      %dma_wait3A_54 = tpu.memref_slice %arg2[%dma_wait3A_52, %dma_wait3A_53] : memref<156160x128xf32, #tpu.memory_space<hbm>> -> memref<80x128xf32, #tpu.memory_space<hbm>>
      %dma_wait3A_55 = arith.constant 0 : i32
      %dma_wait3A_56 = arith.constant 0 : i32
      %dma_wait3A_57 = tpu.memref_slice %arg2[%dma_wait3A_55, %dma_wait3A_56] : memref<156160x128xf32, #tpu.memory_space<hbm>> -> memref<80x128xf32, #tpu.memory_space<hbm>>
      tpu.wait_dma2 semaphore(%arg11 : memref<!tpu.dma_semaphore, #tpu.memory_space<semaphore_mem>>) src(%dma_wait3A_57 : memref<80x128xf32, #tpu.memory_space<hbm>>) dst(%arg7 : memref<80x128xf32, #tpu.memory_space<vmem>>)
      "tpu.region"() ({
        %run_scoped3A_75 = tpu.sem_alloc : memref<!tpu.dma_semaphore, #tpu.memory_space<semaphore_mem>>
        %dma_start3A_76 = arith.constant 0 : i32
        %dma_start3A_77 = tpu.memref_slice %arg6[%mul3A_42, %dma_start3A_76] : memref<61x80xi32, #tpu.memory_space<vmem>> -> memref<1x80xi32, #tpu.memory_space<vmem>>
        %dma_start3A_78 = tpu.memref_squeeze %dma_start3A_77 : memref<1x80xi32, #tpu.memory_space<vmem>> -> memref<80xi32, #tpu.memory_space<vmem>>
        %dma_start3A_79 = arith.constant 0 : i32
        %dma_start3A_80 = arith.constant 0 : i32
        %dma_start3A_81 = tpu.memref_slice %arg10[%dma_start3A_79, %dma_start3A_80] : memref<10240x128xf32, #tpu.memory_space<vmem_shared>> -> memref<10240x128xf32, #tpu.memory_space<vmem_shared>>
        tpu.enqueue_indirect_dma source(%arg7 : memref<80x128xf32, #tpu.memory_space<vmem>>) target(%dma_start3A_81 : memref<10240x128xf32, #tpu.memory_space<vmem_shared>>) offsets(%dma_start3A_78 : memref<80xi32, #tpu.memory_space<vmem>>) semaphore(%run_scoped3A_75 : memref<!tpu.dma_semaphore, #tpu.memory_space<semaphore_mem>>) {add = true}
        %dma_wait3A_82 = arith.constant 0 : i32
        %dma_wait3A_83 = tpu.memref_slice %arg6[%mul3A_42, %dma_wait3A_82] : memref<61x80xi32, #tpu.memory_space<vmem>> -> memref<1x80xi32, #tpu.memory_space<vmem>>
        %dma_wait3A_84 = tpu.memref_squeeze %dma_wait3A_83 : memref<1x80xi32, #tpu.memory_space<vmem>> -> memref<80xi32, #tpu.memory_space<vmem>>
        %dma_wait3A_85 = arith.constant 0 : i32
        %dma_wait3A_86 = arith.constant 0 : i32
        %dma_wait3A_87 = tpu.memref_slice %arg10[%dma_wait3A_85, %dma_wait3A_86] : memref<10240x128xf32, #tpu.memory_space<vmem_shared>> -> memref<10240x128xf32, #tpu.memory_space<vmem_shared>>
        tpu.wait_indirect_dma semaphore(%run_scoped3A_75 : memref<!tpu.dma_semaphore, #tpu.memory_space<semaphore_mem>>) src(%arg7 : memref<80x128xf32, #tpu.memory_space<vmem>>) dst(%dma_wait3A_87 : memref<10240x128xf32, #tpu.memory_space<vmem_shared>>)
        tpu.yield
      }) : () -> ()
      %add3A_58 = arith.constant 2 : i32
      %add3A_59 = arith.addi %mul3A_42, %add3A_58 : i32
      %mul3A_60 = arith.constant 80 : i32
      %mul3A_61 = arith.muli %add3A_59, %mul3A_60 : i32
      %add3A_62 = arith.addi %mul3A_4, %mul3A_61 : i32
      %dma_start3A_63 = arith.constant 0 : i32
      %dma_start3A_64 = tpu.memref_slice %arg2[%add3A_62, %dma_start3A_63] : memref<156160x128xf32, #tpu.memory_space<hbm>> -> memref<80x128xf32, #tpu.memory_space<hbm>>
      %dma_start3A_65 = arith.constant 0 : i32
      %dma_start3A_66 = tpu.memref_slice %arg2[%add3A_62, %dma_start3A_65] : memref<156160x128xf32, #tpu.memory_space<hbm>> -> memref<80x128xf32, #tpu.memory_space<hbm>>
      tpu.enqueue_dma source(%dma_start3A_66 : memref<80x128xf32, #tpu.memory_space<hbm>>) target(%arg7 : memref<80x128xf32, #tpu.memory_space<vmem>>) target_semaphore(%arg11 : memref<!tpu.dma_semaphore, #tpu.memory_space<semaphore_mem>>)
      %dma_wait3A_67 = arith.constant 0 : i32
      %dma_wait3A_68 = arith.constant 0 : i32
      %dma_wait3A_69 = tpu.memref_slice %arg2[%dma_wait3A_67, %dma_wait3A_68] : memref<156160x128xf32, #tpu.memory_space<hbm>> -> memref<80x128xf32, #tpu.memory_space<hbm>>
      %dma_wait3A_70 = arith.constant 0 : i32
      %dma_wait3A_71 = arith.constant 0 : i32
      %dma_wait3A_72 = tpu.memref_slice %arg2[%dma_wait3A_70, %dma_wait3A_71] : memref<156160x128xf32, #tpu.memory_space<hbm>> -> memref<80x128xf32, #tpu.memory_space<hbm>>
      tpu.wait_dma2 semaphore(%arg12 : memref<!tpu.dma_semaphore, #tpu.memory_space<semaphore_mem>>) src(%dma_wait3A_72 : memref<80x128xf32, #tpu.memory_space<hbm>>) dst(%arg8 : memref<80x128xf32, #tpu.memory_space<vmem>>)
      %add3A_73 = arith.constant 1 : i32
      %add3A_74 = arith.addi %mul3A_42, %add3A_73 : i32
      "tpu.region"() ({
        %run_scoped3A_75 = tpu.sem_alloc : memref<!tpu.dma_semaphore, #tpu.memory_space<semaphore_mem>>
        %dma_start3A_76 = arith.constant 0 : i32
        %dma_start3A_77 = tpu.memref_slice %arg6[%add3A_74, %dma_start3A_76] : memref<61x80xi32, #tpu.memory_space<vmem>> -> memref<1x80xi32, #tpu.memory_space<vmem>>
        %dma_start3A_78 = tpu.memref_squeeze %dma_start3A_77 : memref<1x80xi32, #tpu.memory_space<vmem>> -> memref<80xi32, #tpu.memory_space<vmem>>
        %dma_start3A_79 = arith.constant 0 : i32
        %dma_start3A_80 = arith.constant 0 : i32
        %dma_start3A_81 = tpu.memref_slice %arg10[%dma_start3A_79, %dma_start3A_80] : memref<10240x128xf32, #tpu.memory_space<vmem_shared>> -> memref<10240x128xf32, #tpu.memory_space<vmem_shared>>
        tpu.enqueue_indirect_dma source(%arg8 : memref<80x128xf32, #tpu.memory_space<vmem>>) target(%dma_start3A_81 : memref<10240x128xf32, #tpu.memory_space<vmem_shared>>) offsets(%dma_start3A_78 : memref<80xi32, #tpu.memory_space<vmem>>) semaphore(%run_scoped3A_75 : memref<!tpu.dma_semaphore, #tpu.memory_space<semaphore_mem>>) {add = true}
        %dma_wait3A_82 = arith.constant 0 : i32
        %dma_wait3A_83 = tpu.memref_slice %arg6[%add3A_74, %dma_wait3A_82] : memref<61x80xi32, #tpu.memory_space<vmem>> -> memref<1x80xi32, #tpu.memory_space<vmem>>
        %dma_wait3A_84 = tpu.memref_squeeze %dma_wait3A_83 : memref<1x80xi32, #tpu.memory_space<vmem>> -> memref<80xi32, #tpu.memory_space<vmem>>
        %dma_wait3A_85 = arith.constant 0 : i32
        %dma_wait3A_86 = arith.constant 0 : i32
        %dma_wait3A_87 = tpu.memref_slice %arg10[%dma_wait3A_85, %dma_wait3A_86] : memref<10240x128xf32, #tpu.memory_space<vmem_shared>> -> memref<10240x128xf32, #tpu.memory_space<vmem_shared>>
        tpu.wait_indirect_dma semaphore(%run_scoped3A_75 : memref<!tpu.dma_semaphore, #tpu.memory_space<semaphore_mem>>) src(%arg8 : memref<80x128xf32, #tpu.memory_space<vmem>>) dst(%dma_wait3A_87 : memref<10240x128xf32, #tpu.memory_space<vmem_shared>>)
        tpu.yield
      }) : () -> ()
    }
    %scan3A_24 = arith.constant 30 : i32
    %dma_wait3A = arith.constant 0 : i32
    %dma_wait3A_25 = arith.constant 0 : i32
    %dma_wait3A_26 = tpu.memref_slice %arg2[%dma_wait3A, %dma_wait3A_25] : memref<156160x128xf32, #tpu.memory_space<hbm>> -> memref<80x128xf32, #tpu.memory_space<hbm>>
    %dma_wait3A_27 = arith.constant 0 : i32
    %dma_wait3A_28 = arith.constant 0 : i32
    %dma_wait3A_29 = tpu.memref_slice %arg2[%dma_wait3A_27, %dma_wait3A_28] : memref<156160x128xf32, #tpu.memory_space<hbm>> -> memref<80x128xf32, #tpu.memory_space<hbm>>
    tpu.wait_dma2 semaphore(%arg11 : memref<!tpu.dma_semaphore, #tpu.memory_space<semaphore_mem>>) src(%dma_wait3A_29 : memref<80x128xf32, #tpu.memory_space<hbm>>) dst(%arg7 : memref<80x128xf32, #tpu.memory_space<vmem>>)
    %run_scoped3A = arith.constant 60 : i32
    "tpu.region"() ({
      %run_scoped3A_36 = tpu.sem_alloc : memref<!tpu.dma_semaphore, #tpu.memory_space<semaphore_mem>>
      %dma_start3A_37 = arith.constant 0 : i32
      %dma_start3A_38 = tpu.memref_slice %arg6[%run_scoped3A, %dma_start3A_37] : memref<61x80xi32, #tpu.memory_space<vmem>> -> memref<1x80xi32, #tpu.memory_space<vmem>>
      %dma_start3A_39 = tpu.memref_squeeze %dma_start3A_38 : memref<1x80xi32, #tpu.memory_space<vmem>> -> memref<80xi32, #tpu.memory_space<vmem>>
      %dma_start3A_40 = arith.constant 0 : i32
      %dma_start3A_41 = arith.constant 0 : i32
      %dma_start3A_42 = tpu.memref_slice %arg10[%dma_start3A_40, %dma_start3A_41] : memref<10240x128xf32, #tpu.memory_space<vmem_shared>> -> memref<10240x128xf32, #tpu.memory_space<vmem_shared>>
      tpu.enqueue_indirect_dma source(%arg7 : memref<80x128xf32, #tpu.memory_space<vmem>>) target(%dma_start3A_42 : memref<10240x128xf32, #tpu.memory_space<vmem_shared>>) offsets(%dma_start3A_39 : memref<80xi32, #tpu.memory_space<vmem>>) semaphore(%run_scoped3A_36 : memref<!tpu.dma_semaphore, #tpu.memory_space<semaphore_mem>>) {add = true}
      %dma_wait3A_43 = arith.constant 0 : i32
      %dma_wait3A_44 = tpu.memref_slice %arg6[%run_scoped3A, %dma_wait3A_43] : memref<61x80xi32, #tpu.memory_space<vmem>> -> memref<1x80xi32, #tpu.memory_space<vmem>>
      %dma_wait3A_45 = tpu.memref_squeeze %dma_wait3A_44 : memref<1x80xi32, #tpu.memory_space<vmem>> -> memref<80xi32, #tpu.memory_space<vmem>>
      %dma_wait3A_46 = arith.constant 0 : i32
      %dma_wait3A_47 = arith.constant 0 : i32
      %dma_wait3A_48 = tpu.memref_slice %arg10[%dma_wait3A_46, %dma_wait3A_47] : memref<10240x128xf32, #tpu.memory_space<vmem_shared>> -> memref<10240x128xf32, #tpu.memory_space<vmem_shared>>
      tpu.wait_indirect_dma semaphore(%run_scoped3A_36 : memref<!tpu.dma_semaphore, #tpu.memory_space<semaphore_mem>>) src(%arg7 : memref<80x128xf32, #tpu.memory_space<vmem>>) dst(%dma_wait3A_48 : memref<10240x128xf32, #tpu.memory_space<vmem_shared>>)
      tpu.yield
    }) : () -> ()
    %barrier3A_30 = arith.constant 0 : index
    tpu.barrier barrier_id(%barrier3A_30)
    %scan3A_31 = arith.constant 0 : i32
    %scan3A_32 = arith.constant 10 : i32
    %scan3A_33 = arith.addi %scan3A_31, %scan3A_32 : i32
    %scan3A_34 = arith.constant 1 : i32
    scf.for %scan3A_36 = %scan3A_31 to %scan3A_33 step %scan3A_34  : i32 {
      %mul3A_37 = arith.constant 1 : i32
      %mul3A_38 = arith.muli %scan3A_36, %mul3A_37 : i32
      %add3A_39 = arith.constant 0 : i32
      %add3A_40 = arith.addi %add3A_39, %mul3A_38 : i32
      %mul3A_41 = arith.constant 64 : i32
      %mul3A_42 = arith.muli %add3A_40, %mul3A_41 : i32
      %add3A_43 = arith.addi %mul3A_2, %mul3A_42 : i32
      "tpu.region"() ({
        %run_scoped3A_44 = tpu.sem_alloc : memref<!tpu.dma_semaphore, #tpu.memory_space<semaphore_mem>>
        %dma_start3A_45 = arith.constant 0 : i32
        %dma_start3A_46 = tpu.memref_slice %arg10[%add3A_43, %dma_start3A_45] : memref<10240x128xf32, #tpu.memory_space<vmem_shared>> -> memref<64x128xf32, #tpu.memory_space<vmem_shared>>
        %dma_start3A_47 = arith.constant 0 : i32
        %dma_start3A_48 = tpu.memref_slice %arg10[%add3A_43, %dma_start3A_47] : memref<10240x128xf32, #tpu.memory_space<vmem_shared>> -> memref<64x128xf32, #tpu.memory_space<vmem_shared>>
        tpu.enqueue_dma source(%dma_start3A_48 : memref<64x128xf32, #tpu.memory_space<vmem_shared>>) target(%arg9 : memref<64x128xf32, #tpu.memory_space<vmem>>) target_semaphore(%run_scoped3A_44 : memref<!tpu.dma_semaphore, #tpu.memory_space<semaphore_mem>>)
        %dma_wait3A_49 = arith.constant 0 : i32
        %dma_wait3A_50 = tpu.memref_slice %arg10[%add3A_43, %dma_wait3A_49] : memref<10240x128xf32, #tpu.memory_space<vmem_shared>> -> memref<64x128xf32, #tpu.memory_space<vmem_shared>>
        %dma_wait3A_51 = arith.constant 0 : i32
        %dma_wait3A_52 = tpu.memref_slice %arg10[%add3A_43, %dma_wait3A_51] : memref<10240x128xf32, #tpu.memory_space<vmem_shared>> -> memref<64x128xf32, #tpu.memory_space<vmem_shared>>
        tpu.wait_dma2 semaphore(%run_scoped3A_44 : memref<!tpu.dma_semaphore, #tpu.memory_space<semaphore_mem>>) src(%dma_wait3A_52 : memref<64x128xf32, #tpu.memory_space<vmem_shared>>) dst(%arg9 : memref<64x128xf32, #tpu.memory_space<vmem>>)
        tpu.yield
      }) : () -> ()
      "tpu.region"() ({
        %run_scoped3A_44 = tpu.sem_alloc : memref<!tpu.dma_semaphore, #tpu.memory_space<semaphore_mem>>
        %dma_start3A_45 = arith.constant 0 : i32
        %dma_start3A_46 = tpu.memref_slice %arg5[%arg0, %add3A_43, %dma_start3A_45] : memref<2x10240x128xf32, #tpu.memory_space<hbm>> -> memref<1x64x128xf32, #tpu.memory_space<hbm>>
        %dma_start3A_47 = tpu.memref_squeeze %dma_start3A_46 : memref<1x64x128xf32, #tpu.memory_space<hbm>> -> memref<64x128xf32, #tpu.memory_space<hbm>>
        %dma_start3A_48 = arith.constant 0 : i32
        %dma_start3A_49 = tpu.memref_slice %arg5[%arg0, %add3A_43, %dma_start3A_48] : memref<2x10240x128xf32, #tpu.memory_space<hbm>> -> memref<1x64x128xf32, #tpu.memory_space<hbm>>
        %dma_start3A_50 = tpu.memref_squeeze %dma_start3A_49 : memref<1x64x128xf32, #tpu.memory_space<hbm>> -> memref<64x128xf32, #tpu.memory_space<hbm>>
        tpu.enqueue_dma source(%arg9 : memref<64x128xf32, #tpu.memory_space<vmem>>) target(%dma_start3A_50 : memref<64x128xf32, #tpu.memory_space<hbm>>) target_semaphore(%run_scoped3A_44 : memref<!tpu.dma_semaphore, #tpu.memory_space<semaphore_mem>>)
        %dma_wait3A_51 = arith.constant 0 : i32
        %dma_wait3A_52 = tpu.memref_slice %arg5[%arg0, %add3A_43, %dma_wait3A_51] : memref<2x10240x128xf32, #tpu.memory_space<hbm>> -> memref<1x64x128xf32, #tpu.memory_space<hbm>>
        %dma_wait3A_53 = tpu.memref_squeeze %dma_wait3A_52 : memref<1x64x128xf32, #tpu.memory_space<hbm>> -> memref<64x128xf32, #tpu.memory_space<hbm>>
        %dma_wait3A_54 = arith.constant 0 : i32
        %dma_wait3A_55 = tpu.memref_slice %arg5[%arg0, %add3A_43, %dma_wait3A_54] : memref<2x10240x128xf32, #tpu.memory_space<hbm>> -> memref<1x64x128xf32, #tpu.memory_space<hbm>>
        %dma_wait3A_56 = tpu.memref_squeeze %dma_wait3A_55 : memref<1x64x128xf32, #tpu.memory_space<hbm>> -> memref<64x128xf32, #tpu.memory_space<hbm>>
        tpu.wait_dma2 semaphore(%run_scoped3A_44 : memref<!tpu.dma_semaphore, #tpu.memory_space<semaphore_mem>>) src(%arg9 : memref<64x128xf32, #tpu.memory_space<vmem>>) dst(%dma_wait3A_56 : memref<64x128xf32, #tpu.memory_space<hbm>>)
        tpu.yield
      }) : () -> ()
    }
    %scan3A_35 = arith.constant 10 : i32
    return
  }
}

module attributes {stable_mosaic.version = 14 : i64} {
  func.func @_ab_body(%arg0: i32, %arg1: memref<1000x128xf32, #tpu.memory_space<vmem>>, %arg2: memref<128x128xf32, #tpu.memory_space<vmem>>, %arg3: memref<128x128xf32, #tpu.memory_space<vmem>>, %arg4: memref<1000x128xf32, #tpu.memory_space<vmem>>, %arg5: memref<1000x128xf32, #tpu.memory_space<vmem>>) attributes {dimension_semantics = [#tpu.dimension_semantics<arbitrary>], iteration_bounds = array<i64: 10>, scalar_prefetch = 0 : i64, scratch_operands = 0 : i64, tpu.core_type = #tpu.core_type<tc>, window_params = [{transform_indices = @transform_0, window_bounds = array<i64: 1000, 128>}, {pipeline_mode = #tpu.pipeline_mode<synchronous>, transform_indices = @transform_1, window_bounds = array<i64: 128, 128>}, {pipeline_mode = #tpu.pipeline_mode<synchronous>, transform_indices = @transform_2, window_bounds = array<i64: 128, 128>}, {transform_indices = @transform_3, window_bounds = array<i64: 1000, 128>}, {transform_indices = @transform_4, window_bounds = array<i64: 1000, 128>}]} {
    %get3A = arith.constant 0 : index
    %get3A_0 = arith.constant 0 : index
    %get3A_1 = vector.load %arg1[%get3A, %get3A_0] : memref<1000x128xf32, #tpu.memory_space<vmem>>, vector<1000x128xf32>
    %get3A_2 = arith.constant 0 : index
    %get3A_3 = arith.constant 0 : index
    %get3A_4 = vector.load %arg2[%get3A_2, %get3A_3] : memref<128x128xf32, #tpu.memory_space<vmem>>, vector<128x128xf32>
    %dot_general3A = arith.constant dense<0.000000e+00> : vector<1000x128xf32>
    %dot_general3A_5 = tpu.matmul %get3A_1, %get3A_4, %dot_general3A {dimension_numbers = #tpu.dot_dimension_numbers<[1], [0], [0], [1], [0, 0, 1, 1], [], []>, transpose_lhs_hint = false} : vector<1000x128xf32>, vector<128x128xf32>, vector<1000x128xf32> -> vector<1000x128xf32>
    %swap3A = arith.constant 0 : index
    %swap3A_6 = arith.constant 0 : index
    %swap3A_7 = vector.load %arg4[%swap3A, %swap3A_6] : memref<1000x128xf32, #tpu.memory_space<vmem>>, vector<1000x128xf32>
    tpu.vector_store %arg4[%swap3A, %swap3A_6], %dot_general3A_5 {strides = array<i32>} : memref<1000x128xf32, #tpu.memory_space<vmem>>, vector<1000x128xf32>,
    %get3A_8 = arith.constant 0 : index
    %get3A_9 = arith.constant 0 : index
    %get3A_10 = vector.load %arg3[%get3A_8, %get3A_9] : memref<128x128xf32, #tpu.memory_space<vmem>>, vector<128x128xf32>
    %dot_general3A_11 = arith.constant dense<0.000000e+00> : vector<1000x128xf32>
    %dot_general3A_12 = tpu.matmul %get3A_1, %get3A_10, %dot_general3A_11 {dimension_numbers = #tpu.dot_dimension_numbers<[1], [0], [0], [1], [0, 0, 1, 1], [], []>, transpose_lhs_hint = false} : vector<1000x128xf32>, vector<128x128xf32>, vector<1000x128xf32> -> vector<1000x128xf32>
    %swap3A_13 = arith.constant 0 : index
    %swap3A_14 = arith.constant 0 : index
    %swap3A_15 = vector.load %arg5[%swap3A_13, %swap3A_14] : memref<1000x128xf32, #tpu.memory_space<vmem>>, vector<1000x128xf32>
    tpu.vector_store %arg5[%swap3A_13, %swap3A_14], %dot_general3A_12 {strides = array<i32>} : memref<1000x128xf32, #tpu.memory_space<vmem>>, vector<1000x128xf32>,
    return
  }
  func.func @transform_0(%arg0: i32) -> (i32, i32) {
    %c0_i32 = arith.constant 0 : i32
    %c0_i32_0 = arith.constant 0 : i32
    return %arg0, %c0_i32 : i32, i32
  }
  func.func @transform_1(%arg0: i32) -> (i32, i32) {
    %c0_i32 = arith.constant 0 : i32
    %c0_i32_0 = arith.constant 0 : i32
    %c0_i32_1 = arith.constant 0 : i32
    return %c0_i32, %c0_i32_0 : i32, i32
  }
  func.func @transform_2(%arg0: i32) -> (i32, i32) {
    %c0_i32 = arith.constant 0 : i32
    %c0_i32_0 = arith.constant 0 : i32
    %c0_i32_1 = arith.constant 0 : i32
    return %c0_i32, %c0_i32_0 : i32, i32
  }
  func.func @transform_3(%arg0: i32) -> (i32, i32) {
    %c0_i32 = arith.constant 0 : i32
    %c0_i32_0 = arith.constant 0 : i32
    return %arg0, %c0_i32 : i32, i32
  }
  func.func @transform_4(%arg0: i32) -> (i32, i32) {
    %c0_i32 = arith.constant 0 : i32
    %c0_i32_0 = arith.constant 0 : i32
    return %arg0, %c0_i32 : i32, i32
  }
}

module attributes {stable_mosaic.version = 14 : i64} {
  func.func @_mlp_body(%arg0: i32, %arg1: memref<2560x128xf32, #tpu.memory_space<vmem>>, %arg2: memref<1x128xf32, #tpu.memory_space<vmem>>, %arg3: memref<128x128xf32, #tpu.memory_space<vmem>>, %arg4: memref<1x128xf32, #tpu.memory_space<vmem>>, %arg5: memref<128x128xf32, #tpu.memory_space<vmem>>, %arg6: memref<1x128xf32, #tpu.memory_space<vmem>>, %arg7: memref<2560x128xf32, #tpu.memory_space<vmem>>) attributes {dimension_semantics = [#tpu.dimension_semantics<arbitrary>], iteration_bounds = array<i64: 64>, scalar_prefetch = 0 : i64, scratch_operands = 0 : i64, tpu.core_type = #tpu.core_type<tc>, window_params = [{transform_indices = @transform_0, window_bounds = array<i64: 2560, 128>}, {pipeline_mode = #tpu.pipeline_mode<synchronous>, transform_indices = @transform_1, window_bounds = array<i64: 1, 128>}, {pipeline_mode = #tpu.pipeline_mode<synchronous>, transform_indices = @transform_2, window_bounds = array<i64: 128, 128>}, {pipeline_mode = #tpu.pipeline_mode<synchronous>, transform_indices = @transform_3, window_bounds = array<i64: 1, 128>}, {pipeline_mode = #tpu.pipeline_mode<synchronous>, transform_indices = @transform_4, window_bounds = array<i64: 128, 128>}, {pipeline_mode = #tpu.pipeline_mode<synchronous>, transform_indices = @transform_5, window_bounds = array<i64: 1, 128>}, {transform_indices = @transform_6, window_bounds = array<i64: 2560, 128>}]} {
    %get3A = arith.constant 0 : index
    %get3A_0 = arith.constant 0 : index
    %get3A_1 = vector.load %arg1[%get3A, %get3A_0] : memref<2560x128xf32, #tpu.memory_space<vmem>>, vector<2560x128xf32>
    %get3A_2 = arith.constant 0 : index
    %get3A_3 = arith.constant 0 : index
    %get3A_4 = vector.load %arg2[%get3A_2, %get3A_3] : memref<1x128xf32, #tpu.memory_space<vmem>>, vector<1x128xf32>
    %add3A = vector.broadcast %get3A_4 : vector<1x128xf32> to vector<2560x128xf32>
    %add3A_5 = arith.addf %get3A_1, %add3A : vector<2560x128xf32>
    %max3A = arith.constant 0.000000e+00 : f32
    %max3A_6 = vector.broadcast %max3A : f32 to vector<2560x128xf32>
    %max3A_7 = arith.maximumf %add3A_5, %max3A_6 : vector<2560x128xf32>
    %get3A_8 = arith.constant 0 : index
    %get3A_9 = arith.constant 0 : index
    %get3A_10 = vector.load %arg3[%get3A_8, %get3A_9] : memref<128x128xf32, #tpu.memory_space<vmem>>, vector<128x128xf32>
    %dot_general3A = arith.constant dense<0.000000e+00> : vector<2560x128xf32>
    %dot_general3A_11 = tpu.matmul %max3A_7, %get3A_10, %dot_general3A {dimension_numbers = #tpu.dot_dimension_numbers<[1], [0], [0], [1], [0, 0, 1, 1], [], []>, transpose_lhs_hint = false} : vector<2560x128xf32>, vector<128x128xf32>, vector<2560x128xf32> -> vector<2560x128xf32>
    %get3A_12 = arith.constant 0 : index
    %get3A_13 = arith.constant 0 : index
    %get3A_14 = vector.load %arg4[%get3A_12, %get3A_13] : memref<1x128xf32, #tpu.memory_space<vmem>>, vector<1x128xf32>
    %add3A_15 = vector.broadcast %get3A_14 : vector<1x128xf32> to vector<2560x128xf32>
    %add3A_16 = arith.addf %dot_general3A_11, %add3A_15 : vector<2560x128xf32>
    %get3A_17 = arith.constant 0 : index
    %get3A_18 = arith.constant 0 : index
    %get3A_19 = vector.load %arg5[%get3A_17, %get3A_18] : memref<128x128xf32, #tpu.memory_space<vmem>>, vector<128x128xf32>
    %dot_general3A_20 = arith.constant dense<0.000000e+00> : vector<2560x128xf32>
    %dot_general3A_21 = tpu.matmul %add3A_16, %get3A_19, %dot_general3A_20 {dimension_numbers = #tpu.dot_dimension_numbers<[1], [0], [0], [1], [0, 0, 1, 1], [], []>, transpose_lhs_hint = false} : vector<2560x128xf32>, vector<128x128xf32>, vector<2560x128xf32> -> vector<2560x128xf32>
    %get3A_22 = arith.constant 0 : index
    %get3A_23 = arith.constant 0 : index
    %get3A_24 = vector.load %arg6[%get3A_22, %get3A_23] : memref<1x128xf32, #tpu.memory_space<vmem>>, vector<1x128xf32>
    %add3A_25 = vector.broadcast %get3A_24 : vector<1x128xf32> to vector<2560x128xf32>
    %add3A_26 = arith.addf %dot_general3A_21, %add3A_25 : vector<2560x128xf32>
    %logistic3A = arith.negf %add3A_26 : vector<2560x128xf32>
    %logistic3A_27 = math.exp %logistic3A : vector<2560x128xf32>
    %logistic3A_28 = arith.constant 1.000000e+00 : f32
    %logistic3A_29 = vector.broadcast %logistic3A_28 : f32 to vector<2560x128xf32>
    %logistic3A_30 = arith.addf %logistic3A_29, %logistic3A_27 : vector<2560x128xf32>
    %logistic3A_31 = arith.divf %logistic3A_29, %logistic3A_30 : vector<2560x128xf32>
    %mul3A = arith.mulf %add3A_16, %logistic3A_31 : vector<2560x128xf32>
    %swap3A = arith.constant 0 : index
    %swap3A_32 = arith.constant 0 : index
    %swap3A_33 = vector.load %arg7[%swap3A, %swap3A_32] : memref<2560x128xf32, #tpu.memory_space<vmem>>, vector<2560x128xf32>
    tpu.vector_store %arg7[%swap3A, %swap3A_32], %mul3A {strides = array<i32>} : memref<2560x128xf32, #tpu.memory_space<vmem>>, vector<2560x128xf32>,
    return
  }
  func.func @transform_0(%arg0: i32) -> (i32, i32) {
    %c0_i32 = arith.constant 0 : i32
    %c0_i32_0 = arith.constant 0 : i32
    return %arg0, %c0_i32 : i32, i32
  }
  func.func @transform_1(%arg0: i32) -> (i32, i32) {
    %c0_i32 = arith.constant 0 : i32
    %c0_i32_0 = arith.constant 0 : i32
    %c0_i32_1 = arith.constant 0 : i32
    return %c0_i32, %c0_i32_0 : i32, i32
  }
  func.func @transform_2(%arg0: i32) -> (i32, i32) {
    %c0_i32 = arith.constant 0 : i32
    %c0_i32_0 = arith.constant 0 : i32
    %c0_i32_1 = arith.constant 0 : i32
    return %c0_i32, %c0_i32_0 : i32, i32
  }
  func.func @transform_3(%arg0: i32) -> (i32, i32) {
    %c0_i32 = arith.constant 0 : i32
    %c0_i32_0 = arith.constant 0 : i32
    %c0_i32_1 = arith.constant 0 : i32
    return %c0_i32, %c0_i32_0 : i32, i32
  }
  func.func @transform_4(%arg0: i32) -> (i32, i32) {
    %c0_i32 = arith.constant 0 : i32
    %c0_i32_0 = arith.constant 0 : i32
    %c0_i32_1 = arith.constant 0 : i32
    return %c0_i32, %c0_i32_0 : i32, i32
  }
  func.func @transform_5(%arg0: i32) -> (i32, i32) {
    %c0_i32 = arith.constant 0 : i32
    %c0_i32_0 = arith.constant 0 : i32
    %c0_i32_1 = arith.constant 0 : i32
    return %c0_i32, %c0_i32_0 : i32, i32
  }
  func.func @transform_6(%arg0: i32) -> (i32, i32) {
    %c0_i32 = arith.constant 0 : i32
    %c0_i32_0 = arith.constant 0 : i32
    return %arg0, %c0_i32 : i32, i32
  }
}

module attributes {stable_mosaic.version = 14 : i64} {
  func.func @_mlp_body(%arg0: i32, %arg1: memref<2560x128xf32, #tpu.memory_space<vmem>>, %arg2: memref<1x128xf32, #tpu.memory_space<vmem>>, %arg3: memref<128x128xf32, #tpu.memory_space<vmem>>, %arg4: memref<1x128xf32, #tpu.memory_space<vmem>>, %arg5: memref<128x128xf32, #tpu.memory_space<vmem>>, %arg6: memref<1x128xf32, #tpu.memory_space<vmem>>, %arg7: memref<2560x128xf32, #tpu.memory_space<vmem>>) attributes {dimension_semantics = [#tpu.dimension_semantics<arbitrary>], iteration_bounds = array<i64: 61>, scalar_prefetch = 0 : i64, scratch_operands = 0 : i64, tpu.core_type = #tpu.core_type<tc>, window_params = [{transform_indices = @transform_0, window_bounds = array<i64: 2560, 128>}, {pipeline_mode = #tpu.pipeline_mode<synchronous>, transform_indices = @transform_1, window_bounds = array<i64: 1, 128>}, {pipeline_mode = #tpu.pipeline_mode<synchronous>, transform_indices = @transform_2, window_bounds = array<i64: 128, 128>}, {pipeline_mode = #tpu.pipeline_mode<synchronous>, transform_indices = @transform_3, window_bounds = array<i64: 1, 128>}, {pipeline_mode = #tpu.pipeline_mode<synchronous>, transform_indices = @transform_4, window_bounds = array<i64: 128, 128>}, {pipeline_mode = #tpu.pipeline_mode<synchronous>, transform_indices = @transform_5, window_bounds = array<i64: 1, 128>}, {transform_indices = @transform_6, window_bounds = array<i64: 2560, 128>}]} {
    %get3A = arith.constant 0 : index
    %get3A_0 = arith.constant 0 : index
    %get3A_1 = vector.load %arg1[%get3A, %get3A_0] : memref<2560x128xf32, #tpu.memory_space<vmem>>, vector<2560x128xf32>
    %get3A_2 = arith.constant 0 : index
    %get3A_3 = arith.constant 0 : index
    %get3A_4 = vector.load %arg2[%get3A_2, %get3A_3] : memref<1x128xf32, #tpu.memory_space<vmem>>, vector<1x128xf32>
    %add3A = vector.broadcast %get3A_4 : vector<1x128xf32> to vector<2560x128xf32>
    %add3A_5 = arith.addf %get3A_1, %add3A : vector<2560x128xf32>
    %max3A = arith.constant 0.000000e+00 : f32
    %max3A_6 = vector.broadcast %max3A : f32 to vector<2560x128xf32>
    %max3A_7 = arith.maximumf %add3A_5, %max3A_6 : vector<2560x128xf32>
    %get3A_8 = arith.constant 0 : index
    %get3A_9 = arith.constant 0 : index
    %get3A_10 = vector.load %arg3[%get3A_8, %get3A_9] : memref<128x128xf32, #tpu.memory_space<vmem>>, vector<128x128xf32>
    %dot_general3A = arith.constant dense<0.000000e+00> : vector<2560x128xf32>
    %dot_general3A_11 = tpu.matmul %max3A_7, %get3A_10, %dot_general3A {dimension_numbers = #tpu.dot_dimension_numbers<[1], [0], [0], [1], [0, 0, 1, 1], [], []>, transpose_lhs_hint = false} : vector<2560x128xf32>, vector<128x128xf32>, vector<2560x128xf32> -> vector<2560x128xf32>
    %get3A_12 = arith.constant 0 : index
    %get3A_13 = arith.constant 0 : index
    %get3A_14 = vector.load %arg4[%get3A_12, %get3A_13] : memref<1x128xf32, #tpu.memory_space<vmem>>, vector<1x128xf32>
    %add3A_15 = vector.broadcast %get3A_14 : vector<1x128xf32> to vector<2560x128xf32>
    %add3A_16 = arith.addf %dot_general3A_11, %add3A_15 : vector<2560x128xf32>
    %get3A_17 = arith.constant 0 : index
    %get3A_18 = arith.constant 0 : index
    %get3A_19 = vector.load %arg5[%get3A_17, %get3A_18] : memref<128x128xf32, #tpu.memory_space<vmem>>, vector<128x128xf32>
    %dot_general3A_20 = arith.constant dense<0.000000e+00> : vector<2560x128xf32>
    %dot_general3A_21 = tpu.matmul %add3A_16, %get3A_19, %dot_general3A_20 {dimension_numbers = #tpu.dot_dimension_numbers<[1], [0], [0], [1], [0, 0, 1, 1], [], []>, transpose_lhs_hint = false} : vector<2560x128xf32>, vector<128x128xf32>, vector<2560x128xf32> -> vector<2560x128xf32>
    %get3A_22 = arith.constant 0 : index
    %get3A_23 = arith.constant 0 : index
    %get3A_24 = vector.load %arg6[%get3A_22, %get3A_23] : memref<1x128xf32, #tpu.memory_space<vmem>>, vector<1x128xf32>
    %add3A_25 = vector.broadcast %get3A_24 : vector<1x128xf32> to vector<2560x128xf32>
    %add3A_26 = arith.addf %dot_general3A_21, %add3A_25 : vector<2560x128xf32>
    %logistic3A = arith.negf %add3A_26 : vector<2560x128xf32>
    %logistic3A_27 = math.exp %logistic3A : vector<2560x128xf32>
    %logistic3A_28 = arith.constant 1.000000e+00 : f32
    %logistic3A_29 = vector.broadcast %logistic3A_28 : f32 to vector<2560x128xf32>
    %logistic3A_30 = arith.addf %logistic3A_29, %logistic3A_27 : vector<2560x128xf32>
    %logistic3A_31 = arith.divf %logistic3A_29, %logistic3A_30 : vector<2560x128xf32>
    %mul3A = arith.mulf %add3A_16, %logistic3A_31 : vector<2560x128xf32>
    %swap3A = arith.constant 0 : index
    %swap3A_32 = arith.constant 0 : index
    %swap3A_33 = vector.load %arg7[%swap3A, %swap3A_32] : memref<2560x128xf32, #tpu.memory_space<vmem>>, vector<2560x128xf32>
    tpu.vector_store %arg7[%swap3A, %swap3A_32], %mul3A {strides = array<i32>} : memref<2560x128xf32, #tpu.memory_space<vmem>>, vector<2560x128xf32>,
    return
  }
  func.func @transform_0(%arg0: i32) -> (i32, i32) {
    %c0_i32 = arith.constant 0 : i32
    %c0_i32_0 = arith.constant 0 : i32
    return %arg0, %c0_i32 : i32, i32
  }
  func.func @transform_1(%arg0: i32) -> (i32, i32) {
    %c0_i32 = arith.constant 0 : i32
    %c0_i32_0 = arith.constant 0 : i32
    %c0_i32_1 = arith.constant 0 : i32
    return %c0_i32, %c0_i32_0 : i32, i32
  }
  func.func @transform_2(%arg0: i32) -> (i32, i32) {
    %c0_i32 = arith.constant 0 : i32
    %c0_i32_0 = arith.constant 0 : i32
    %c0_i32_1 = arith.constant 0 : i32
    return %c0_i32, %c0_i32_0 : i32, i32
  }
  func.func @transform_3(%arg0: i32) -> (i32, i32) {
    %c0_i32 = arith.constant 0 : i32
    %c0_i32_0 = arith.constant 0 : i32
    %c0_i32_1 = arith.constant 0 : i32
    return %c0_i32, %c0_i32_0 : i32, i32
  }
  func.func @transform_4(%arg0: i32) -> (i32, i32) {
    %c0_i32 = arith.constant 0 : i32
    %c0_i32_0 = arith.constant 0 : i32
    %c0_i32_1 = arith.constant 0 : i32
    return %c0_i32, %c0_i32_0 : i32, i32
  }
  func.func @transform_5(%arg0: i32) -> (i32, i32) {
    %c0_i32 = arith.constant 0 : i32
    %c0_i32_0 = arith.constant 0 : i32
    %c0_i32_1 = arith.constant 0 : i32
    return %c0_i32, %c0_i32_0 : i32, i32
  }
  func.func @transform_6(%arg0: i32) -> (i32, i32) {
    %c0_i32 = arith.constant 0 : i32
    %c0_i32_0 = arith.constant 0 : i32
    return %arg0, %c0_i32 : i32, i32
  }
}

module attributes {stable_mosaic.version = 14 : i64} {
  func.func @_fin_body(%arg0: i32, %arg1: memref<1024x128xf32, #tpu.memory_space<vmem>>, %arg2: memref<1024x128xf32, #tpu.memory_space<vmem>>, %arg3: memref<1024x128xf32, #tpu.memory_space<vmem>>, %arg4: memref<1024x128xf32, #tpu.memory_space<vmem>>, %arg5: memref<64x1024xf32, #tpu.memory_space<vmem>>, %arg6: memref<1024x128xf32, #tpu.memory_space<vmem>>) attributes {dimension_semantics = [#tpu.dimension_semantics<arbitrary>], iteration_bounds = array<i64: 10>, scalar_prefetch = 0 : i64, scratch_operands = 0 : i64, tpu.core_type = #tpu.core_type<tc>, window_params = [{transform_indices = @transform_0, window_bounds = array<i64: 1024, 128>}, {transform_indices = @transform_1, window_bounds = array<i64: 1024, 128>}, {transform_indices = @transform_2, window_bounds = array<i64: 1024, 128>}, {transform_indices = @transform_3, window_bounds = array<i64: 1024, 128>}, {transform_indices = @transform_4, window_bounds = array<i64: 64, 1024>}, {transform_indices = @transform_5, window_bounds = array<i64: 1024, 128>}]} {
    %broadcast_in_dim3A = arith.constant 1.000000e+00 : f32
    %broadcast_in_dim3A_0 = vector.broadcast %broadcast_in_dim3A : f32 to vector<64x1xf32>
    %get3A = arith.constant 0 : index
    %get3A_1 = arith.constant 0 : index
    %get3A_2 = vector.load %arg5[%get3A, %get3A_1] : memref<64x1024xf32, #tpu.memory_space<vmem>>, vector<64x1024xf32>
    %dot_general3A = arith.constant dense<0.000000e+00> : vector<1024x1xf32>
    %dot_general3A_3 = tpu.matmul %get3A_2, %broadcast_in_dim3A_0, %dot_general3A {dimension_numbers = #tpu.dot_dimension_numbers<[0], [0], [1], [1], [0, 1, 1, 1], [], []>, transpose_lhs_hint = false} : vector<64x1024xf32>, vector<64x1xf32>, vector<1024x1xf32> -> vector<1024x1xf32>
    %get3A_4 = arith.constant 0 : index
    %get3A_5 = arith.constant 0 : index
    %get3A_6 = vector.load %arg1[%get3A_4, %get3A_5] : memref<1024x128xf32, #tpu.memory_space<vmem>>, vector<1024x128xf32>
    %get3A_7 = arith.constant 0 : index
    %get3A_8 = arith.constant 0 : index
    %get3A_9 = vector.load %arg2[%get3A_7, %get3A_8] : memref<1024x128xf32, #tpu.memory_space<vmem>>, vector<1024x128xf32>
    %add3A = arith.addf %get3A_6, %get3A_9 : vector<1024x128xf32>
    %get3A_10 = arith.constant 0 : index
    %get3A_11 = arith.constant 0 : index
    %get3A_12 = vector.load %arg3[%get3A_10, %get3A_11] : memref<1024x128xf32, #tpu.memory_space<vmem>>, vector<1024x128xf32>
    %get3A_13 = arith.constant 0 : index
    %get3A_14 = arith.constant 0 : index
    %get3A_15 = vector.load %arg4[%get3A_13, %get3A_14] : memref<1024x128xf32, #tpu.memory_space<vmem>>, vector<1024x128xf32>
    %add3A_16 = arith.addf %get3A_12, %get3A_15 : vector<1024x128xf32>
    %add3A_17 = arith.addf %add3A, %add3A_16 : vector<1024x128xf32>
    %max3A = arith.constant 1.000000e+00 : f32
    %max3A_18 = vector.broadcast %max3A : f32 to vector<1024x1xf32>
    %max3A_19 = arith.maximumf %dot_general3A_3, %max3A_18 : vector<1024x1xf32>
    %div3A = vector.broadcast %max3A_19 : vector<1024x1xf32> to vector<1024x128xf32>
    %div3A_20 = arith.divf %add3A_17, %div3A : vector<1024x128xf32>
    %swap3A = arith.constant 0 : index
    %swap3A_21 = arith.constant 0 : index
    %swap3A_22 = vector.load %arg6[%swap3A, %swap3A_21] : memref<1024x128xf32, #tpu.memory_space<vmem>>, vector<1024x128xf32>
    tpu.vector_store %arg6[%swap3A, %swap3A_21], %div3A_20 {strides = array<i32>} : memref<1024x128xf32, #tpu.memory_space<vmem>>, vector<1024x128xf32>,
    return
  }
  func.func @transform_0(%arg0: i32) -> (i32, i32) {
    %c0_i32 = arith.constant 0 : i32
    %c0_i32_0 = arith.constant 0 : i32
    return %arg0, %c0_i32 : i32, i32
  }
  func.func @transform_1(%arg0: i32) -> (i32, i32) {
    %c0_i32 = arith.constant 0 : i32
    %c0_i32_0 = arith.constant 0 : i32
    return %arg0, %c0_i32 : i32, i32
  }
  func.func @transform_2(%arg0: i32) -> (i32, i32) {
    %c0_i32 = arith.constant 0 : i32
    %c0_i32_0 = arith.constant 0 : i32
    return %arg0, %c0_i32 : i32, i32
  }
  func.func @transform_3(%arg0: i32) -> (i32, i32) {
    %c0_i32 = arith.constant 0 : i32
    %c0_i32_0 = arith.constant 0 : i32
    return %arg0, %c0_i32 : i32, i32
  }
  func.func @transform_4(%arg0: i32) -> (i32, i32) {
    %c0_i32 = arith.constant 0 : i32
    %c0_i32_0 = arith.constant 0 : i32
    return %c0_i32, %arg0 : i32, i32
  }
  func.func @transform_5(%arg0: i32) -> (i32, i32) {
    %c0_i32 = arith.constant 0 : i32
    %c0_i32_0 = arith.constant 0 : i32
    return %arg0, %c0_i32 : i32, i32
  }
}

</mosaic_0001>

<sc_bundles>
// kernel: kernel.10.cloned.1.call-start
scs
__scs_entry_jumppad:
0x0: {  	(pc) =	sbr.rel $0x88, $3  }
0x1: {  	(tag) =	ssettag $0x0;
	lr =	simm.s32 $0x1  }
0x2: {  	[smem:$0x3F99] =	sst lr;
	_ =	strace $0xD0000000  }
0x3: {  	_ = 	snop  }
0x4: {  	_ = 	snop  }
0x5: {  	_ = 	snop  }
0x6: {  	_ = 	snop  }
0x7: {  	_ = 	snop  }
__scs_overlays_trampoline_lowered:
0x8: {  	[smem:$0x3FA8] =	sst s0  }
0x9: {  	[smem:$0x3FA9] =	sst s1  }
0xa: {  	[smem:$0x3FAA] =	sst s2  }
0xb: {  	[smem:$0x3FAB] =	sst s3  }
0xc: {  	[smem:$0x3FAC] =	sst s4  }
0xd: {  	[smem:$0x3FAD] =	sst s5  }
0xe: {  	[smem:$0x3FAE] =	sst s6  }
0xf: {  	[smem:$0x3FAF] =	sst s7  }
0x10: {  	[smem:$0x3FB0] =	sst s8  }
0x11: {  	[smem:$0x3FB1] =	sst s9;
	s0 =	simm.s32 @!p0 $0x0  }
0x12: {  	s1 =	sld [smem:$0x3F97];
	s0 =	simm.s32 @p0 $0x1  }
0x13: {  	[smem:$0x3FB2] =	sst s0;
	s0 =	simm.s32 @!p1 $0x0  }
0x14: {  	s2 =	sld [smem:$0x3F96];
	s0 =	simm.s32 @p1 $0x1  }
0x15: {  	[smem:$0x3FB3] =	sst s0;
	s0 =	simm.s32 @!p2 $0x0  }
0x16: {  	s3 =	sld [smem:$0x3FDB];
	s0 =	simm.s32 @p2 $0x1  }
0x17: {  	s4 =	simm.s32 $0x1BF5;
	[smem:$0x3FB5] =	sst s0  }
0x18: {  	s0 =	sld [smem:$0x3F98];
	_ =	swait.ge [sflag:s4], $0x0  }
0x19: {  	s7 =	sld [smem:$0x3F99]  }
0x1a: {  	s8 =	sadd.s32 $0xFFFFE003, lr  }
0x1b: {  	s9 =	sadd.s32 $0xFFFFFEF7, lr;
	s5 =	simm.s32 $0xFFFFFFFF;
	p2 =	slt.u32 s8, $0xFFFFF086  }
0x1c: {  	p1 =	slt.u32 s9, $0xF7A;
	s5 =	simm.s32 @!p2 $0x0  }
0x1d: {  	s5 =	simm.s32 @p1 $0x1;
	p0 =	seq.s32 s7, s2  }
0x1e: {  	s7 =	smul.u32 @!p0 $0xF7A, s2;
	p2 =	seq.s32 @!p0 s5, $0x0  }
0x1f: {  	s9 =	smul.u32 $0xF7A, s1;
	s8 =	simm.s32 @!p0 $0x1BF5;
	p2 =	por !p2, p0  }
0x20: {  	[sflag:s8] =	ssyncset.s32 @!p0 $0xFFFFF086;
	s6 =	sadd.s32 @!p0 s3, s7;
	s7 =	simm.s32 @!p0 $0x108  }
0x21: {  	s3 =	sadd.s32 s3, s9;
	s6 =	sadd.s32 @!p0 $0x88, s6;
	s7 =	simm.s32 @p2 $0x1082  }
0x22: {  	[simem:s7], [sflag:s8] =	dma.local @!p0 [hbm:s6], $0xF7A  }
0x23: {  	s9 =	sor.u32 $0xD0000000, s2;
	s6 =	simm.s32 $0x108;
	_ =	swait.ge @!p0 [sflag:s8], $0x0  }
0x24: {  	s3 =	sadd.s32 $0x88, s3;
	s6 =	simm.s32 @!p1 $0x1082;
	[sflag:s4] =	ssyncset.s32 $0xFFFFF086  }
0x25: {  	[simem:s6], [sflag:s4] =	dma.local [hbm:s3], $0xF7A  }
0x26: {  	[smem:$0x3F99] =	sst s1;
	(tag) =	ssettag s2;
	_ =	strace s9  }
0x27: {  	s1 =	sld [smem:$0x3FA9]  }
0x28: {  	s2 =	sld [smem:$0x3FAA]  }
0x29: {  	s4 =	sld [smem:$0x3FAC]  }
0x2a: {  	p0 =	seq.s32 s5, $0x0;
	s5 =	sld [smem:$0x3FAD]  }
0x2b: {  	s6 =	sld [smem:$0x3FAE]  }
0x2c: {  	s7 =	sld [smem:$0x3FAF]  }
0x2d: {  	s3 =	simm.s32 $0x108;
	s8 =	sld [smem:$0x3FB0]  }
0x2e: {  	s3 =	simm.s32 @!p0 $0x1082;
	s9 =	sld [smem:$0x3FB1]  }
0x2f: {  	lr =	sadd.s32 s0, s3;
	s0 =	sld [smem:$0x3FA8]  }
0x30: {  	s3 =	sld [smem:$0x3FAB]  }
0x31: {  	[smem:$0x3FB4] =	sst s10  }
0x32: {  	s10 =	sld [smem:$0x3FB2];
	_ =	sdelay $0x3  }
0x33: {  	p0 =	seq.s32 s10, $0x1;
	s10 =	sld [smem:$0x3FB4];
	_ =	sdelay $0x3  }
0x34: {  	[smem:$0x3FB4] =	sst s10  }
0x35: {  	s10 =	sld [smem:$0x3FB3];
	_ =	sdelay $0x3  }
0x36: {  	p1 =	seq.s32 s10, $0x1;
	s10 =	sld [smem:$0x3FB4];
	_ =	sdelay $0x3  }
0x37: {  	[smem:$0x3FB4] =	sst s10  }
0x38: {  	s10 =	sld [smem:$0x3FB5]  }
0x39: {  	_ = 	snop;
	(pc) =	sbr.ind lr, $3  }
0x3a: {  	_ = 	snop  }
0x3b: {  	_ = 	snop  }
0x3c: {  	p2 =	seq.s32 s10, $0x1;
	s10 =	sld [smem:$0x3FB4]  }
0x3d: {  	_ =	shalt  }
0x3e: {  	_ =	shalt  }
0x3f: {  	_ =	shalt  }
0x40: {  	_ =	shalt  }
0x41: {  	_ =	shalt  }
0x42: {  	_ =	shalt  }
0x43: {  	_ =	shalt  }
0x44: {  	_ =	shalt  }
0x45: {  	_ =	shalt  }
0x46: {  	_ =	shalt  }
0x47: {  	_ =	shalt  }
0x48: {  	_ =	shalt  }
0x49: {  	_ =	shalt  }
0x4a: {  	_ =	shalt  }
0x4b: {  	_ =	shalt  }
0x4c: {  	_ =	shalt  }
0x4d: {  	_ =	shalt  }
0x4e: {  	_ =	shalt  }
0x4f: {  	_ =	shalt  }
0x50: {  	_ =	shalt  }
0x51: {  	_ =	shalt  }
0x52: {  	_ =	shalt  }
0x53: {  	_ =	shalt  }
0x54: {  	_ =	shalt  }
0x55: {  	_ =	shalt  }
0x56: {  	_ =	shalt  }
0x57: {  	_ =	shalt  }
0x58: {  	_ =	shalt  }
0x59: {  	_ =	shalt  }
0x5a: {  	_ =	shalt  }
0x5b: {  	_ =	shalt  }
0x5c: {  	_ =	shalt  }
0x5d: {  	_ =	shalt  }
0x5e: {  	_ =	shalt  }
0x5f: {  	_ =	shalt  }
0x60: {  	_ =	shalt  }
0x61: {  	_ =	shalt  }
0x62: {  	_ =	shalt  }
0x63: {  	_ =	shalt  }
0x64: {  	_ =	shalt  }
0x65: {  	_ =	shalt  }
0x66: {  	_ =	shalt  }
0x67: {  	_ =	shalt  }
0x68: {  	_ =	shalt  }
0x69: {  	_ =	shalt  }
0x6a: {  	_ =	shalt  }
0x6b: {  	_ =	shalt  }
0x6c: {  	_ =	shalt  }
0x6d: {  	_ =	shalt  }
0x6e: {  	_ =	shalt  }
0x6f: {  	_ =	shalt  }
0x70: {  	_ =	shalt  }
0x71: {  	_ =	shalt  }
0x72: {  	_ =	shalt  }
0x73: {  	_ =	shalt  }
0x74: {  	_ =	shalt  }
0x75: {  	_ =	shalt  }
0x76: {  	_ =	shalt  }
0x77: {  	_ =	shalt  }
0x78: {  	_ =	shalt  }
0x79: {  	_ =	shalt  }
0x7a: {  	_ =	shalt  }
0x7b: {  	_ =	shalt  }
0x7c: {  	_ =	shalt  }
0x7d: {  	_ =	shalt  }
0x7e: {  	_ =	shalt  }
0x7f: {  	_ =	shalt  }
0x80: {  	_ =	shalt  }
0x81: {  	_ =	shalt  }
0x82: {  	_ =	shalt  }
0x83: {  	_ =	shalt  }
0x84: {  	_ =	shalt  }
0x85: {  	_ =	shalt  }
0x86: {  	_ =	shalt  }
0x87: {  	_ =	shalt  }
.Lfunc_end0:
.L_simem_size_0:
called_computation_lowered:
.L_overlay_start_0:
0x88: {  	s2 =	sld [smem:$0x3FD9]  }
0x89: {  	s3 =	sld [smem:$0x3FFE];
	_ =	sdelay $0x1  }
0x8a: {  	s1 =	srdreg.scid  }
0x8b: {  	s0 =	sand.u32 $0x1, s1  }
0x8c: {  	s17 =	sshll.u32 s0, $0xA;
	s2 =	sadd.s32 s3, s2  }
0x8d: {  	s2 =	sadd.s32 s2, s17  }
0x8e: {  	[smem:$0x3FC0] =	sst s2  }
0x8f: {  	_ = 	snop  }
0x90: {  	s2 =	sld [smem:$0x3FD0];
	(tm) =	ssettm $0x1  }
0x91: {  	s18 =	sld [smem:$0x3FFB];
	_ =	sdelay $0x3  }
0x92: {  	_ =	strace s18  }
0x93: {  	s3 =	sld [smem:$0x3FFC];
	_ =	sdelay $0x3  }
0x94: {  	_ =	strace s3  }
0x95: {  	s3 =	sld [smem:$0x3FFD];
	_ =	sdelay $0x3  }
0x96: {  	_ =	strace s3  }
0x97: {  	_ =	strace $0x8FFFFFFF  }
0x98: {  	s19 =	sld [smem:$0x3FDB];
	_ =	sdelay $0x1  }
0x99: {  	s4 =	simm.s32 $_scs_section_size  }
0x9a: {  	s5 =	simm.s32 $_size__tile_overlayer_lowered;
	s6 =	simm.s32 $_tile_overlayer_lowered  }
0x9b: {  	s22 =	simm.s32 $0x1BFF;
	s21 =	sshll.u32 s6, $0x1;
	s3 =	sadd.s32 s4, s19  }
0x9c: {  	s7 =	simm.s32 $0x0;
	s20 =	sshll.u32 s5, $0x1;
	s5 =	sadd.s32 s21, s3  }
0x9d: {  	[timem:s7], [sflag:s22] =	dma.local [hbm:s5], s20  }
0x9e: {  	_ =	swait.ge [sflag:s22], s20  }
0x9f: {  	s4 =	ssub.s32 $0x0, s20;
	[sflag:s22] =	ssyncset.done $0x0  }
0xa0: {  	[sflag:s22] =	ssyncadd.s32 s4;
	_ =	sdelay $0x1  }
0xa1: {  	s23 =	simm.s32 $0x1B8B  }
0xa2: {  	_ =	swait.ge [sflag:s23], $0x1  }
0xa3: {  	[sflag:s23] =	ssyncset.done $0x0  }
0xa4: {  	s25 =	simm.s32 $0x1B8E;
	s24 =	sld [smem:$0x3FFE];
	[sflag:s23] =	ssyncadd.s32 $0xFFFFFFFF  }
0xa5: {  	s26 =	simm.s32 $execute0_lowered;
	[smem:$0x3FD2] =	sst s25  }
0xa6: {  	s5 =	sshll.u32 s26, $0x1;
	_ =	strace $0x80000046;
	[dreg:$0x1] =	wrdreg $0xFFFFFFFF  }
0xa7: {  	s28 =	simm.s32 $_size_execute0_lowered;
	s3 =	sadd.s32 s3, s5;
	[dreg:$0x0] =	wrdreg $0x0  }
0xa8: {  	s5 =	sshll.u32 s28, $0x1;
	[dreg:$0x2] =	wrdreg s3  }
0xa9: {  	[dreg:$0x3] =	wrdreg s5  }
0xaa: {  	[dreg:$0x4] =	wrdreg $0xC0  }
0xab: {  	_ =	task [dreg:s7], $0x5FFFF  }
0xac: {  	[dreg:$0x1] =	wrdreg $0xFFFFFFFF  }
0xad: {  	[dreg:$0x0] =	wrdreg $0x60  }
0xae: {  	[dreg:$0x2] =	wrdreg s2  }
0xaf: {  	[dreg:$0x3] =	wrdreg s24  }
0xb0: {  	[dreg:$0x4] =	wrdreg $0x9  }
0xb1: {  	_ =	task.clear_ibuf [dreg:s7], $0x5FFFF;
	_ =	strace $0x90000046  }
0xb2: {  	s29 =	simm.s32 $0x9;
	_ =	strace $0x80000048  }
0xb3: {  	_ =	swait.ge [sflag:s29], $0x1  }
0xb4: {  	[sflag:s29] =	ssyncadd.s32 $0xFFFFFFFF  }
0xb5: {  	_ =	strace $0x90000048  }
0xb6: {  	_ =	sfence  }
0xb7: {  	s30 =	sld [smem:$0x0];
	_ =	sdelay $0x2  }
0xb8: {  	s31 =	sshll.u32 s1, $0xD;
	s1 =	sshrl.u32 s1, $0x2  }
0xb9: {  	s3 =	sand.u32 $0x4000, s31;
	s1 =	sadd.s32 s1, s30  }
0xba: {  	s0 =	sor.u32 s3, s0;
	s1 =	sshll.u32 s1, $0x11  }
0xbb: {  	s0 =	sor.u32 s1, s0  }
0xbc: {  	s0 =	sadd.s32 $0x8F2B, s0  }
0xbd: {  	[sflag:s0] =	ssyncadd.remote.s32 $0x1  }
0xbe: {  	_ =	sfence.sel $0xFFFF  }
0xbf: {  	[dreg:$0x0] =	wrdreg $0xFFFFFFFF;
	(pc) =	sbr.abs _section_cstart, $3  }
0xc0: {  	[dreg:$0x1] =	wrdreg $0xFFFFFFFF  }
0xc1: {  	_ =	task.clear_ibuf [dreg:s7], $0x2FFFF;
	_ =	strace $0x9FFFFFFF  }
0xc2: {  	(tm) =	ssettm $0x7FFFFFFF  }
0xc3: {  	_ =	shalt  }
tec
execute0_lowered:
.L_overlay_start_1:
0x0: {  	(tag) =	ssettag $0x1  }
0x1: {  	s2 =	rddreg [dreg:$0x0];
	s0 =	srdreg.scid  }
0x2: {  	s4 =	stileid.u32;
	s1 =	rddreg [dreg:$0x1];
	s17 =	simm.s32 $0x50  }
0x3: {  	s18 =	simm.s32 $0x2800;
	s19 =	simm.s32 $0x5000;
	s20 =	simm.s32 $0x7800  }
0x4: {  	s28 =	simm.s32 $0xC800;
	s30 =	simm.s32 $0xF000;
	s31 =	simm.s32 $0x3  }
0x5: {  	s0 =	sand.u32 $0x1, s0;
	s3 =	sshll.u32 s4, $0x1;
	s4 =	sshrl.u32 s4, $0x2  }
0x6: {  	s29 =	simm.s32 $0x5;
	s6 =	sor.u32 s0, s3;
	s7 =	smul.u32 $0x14000, s4  }
0x7: {  	s16 =	simm.s32 $0x9;
	s3 =	simm.s32 $0x0;
	s5 =	smul.u32 $0x4E2, s6  }
0x8: {  	s4 =	sadd.s32 $0x17400, s1;
	s0 =	ssub.s32 $0x2, s0;
	s21 =	smul.u32 $0xA0000, s6  }
0x9: {  	[smem:$0x7FF] =	sst s3;
	s8 =	sshll.u32 s6, $0x7;
	s10 =	smul.u32 $0x14000, s6  }
0xa: {  	s22 =	sshrl.u32 s0, $0x1;
	s6 =	smul.u32 $0x1400, s6;
	_ =	strace $0x80000047  }
0xb: {  	s8 =	sand.u32 $0x380, s8;
	s0 =	ssub.s32 s0, s22;
	s22 =	simm.s32 $0xA000  }
0xc: {  	s9 =	sadd.s32 s5, s1;
	s5 =	sadd.s32 $0x3E600, s1;
	s7 =	sor.u32 s7, s8  }
0xd: {  	s23 =	sshrl.u32 s21, $0x3;
	s0 =	smax.u32 s0, $0x1;
	s21 =	simm.s32 $0x6  }
0xe: {  	s7 =	sshrl.u32 s7, $0x3;
	s24 =	sadd.s32 $0xD600, s9;
	[dreg:$0xa] =	wrdreg s0  }
0xf: {  	s25 =	sadd.s32 s5, s10;
	s9 =	sadd.s32 $0x3800, s9;
	[dreg:$0x3] =	wrdreg s24  }
0x10: {  	s10 =	simm.s32 $0x1400;
	s1 =	sadd.s32 s7, s1;
	[dreg:$0x5] =	wrdreg s9  }
0x11: {  	s7 =	sadd.s32 s5, s23;
	[dreg:$0x4] =	wrdreg s25;
	s8 =	sadd.s32 $0x500, s25  }
0x12: {  	s0 =	simm.s32 $0x7;
	[dreg:$0x6] =	wrdreg s8;
	s26 =	sadd.s32 $0x13600, s7  }
0x13: {  	s9 =	simm.s32 $0xA;
	s7 =	sadd.s32 $0x13B00, s7;
	[dreg:$0x7] =	wrdreg s26  }
0x14: {  	s23 =	simm.s32 $0x1;
	s1 =	sadd.s32 $0x2BE600, s1;
	[dreg:$0x8] =	wrdreg s7  }
0x15: {  	s24 =	simm.s32 $0x2;
	s25 =	simm.s32 $0x11800;
	[dreg:$0x9] =	wrdreg s1  }
0x16: {  	v0 =	vimm.f32 $0.0e+00;
	v1 =	vimm.f32 $1.000000000e+00;
	s1 =	simm.s32 $0x4;
	s26 =	simm.s32 $0x8;
	s7 =	simm.s32 $0x0  }
.LBB2_1:
0x17: {  	s8 =	rddreg [dreg:$0x3]  }
0x18: {  	[tilespmem:s3], [sflag:$0xA] =	stream.linear.gather [hbm4b:s8+s3], $0x1400, $0x38;
	[tilespmem:$0x14000] =	vst v63  }
0x19: {  	_ =	swait.ge [sflag:s9], $0x1400  }
0x1a: {  	[sflag:s9] =	ssyncset.done $0x0  }
0x1b: {  	s15 =	rddreg [dreg:$0x5];
	[sflag:s9] =	ssyncadd.s32 $0xFFFFEC00  }
0x1c: {  	[tilespmem:s10], [sflag:$0xA] =	stream.linear.gather [hbm4b:s15+s3], $0x1400, $0x38;
	[tilespmem:$0x14000] =	vst v63  }
0x1d: {  	_ =	swait.ge [sflag:s9], $0x1400  }
0x1e: {  	[sflag:s9] =	ssyncset.done $0x0  }
0x1f: {  	s8 =	simm.s32 $0x40;
	[sflag:s9] =	ssyncadd.s32 $0xFFFFEC00;
	s9 =	simm.s32 $0x0  }
.LBB2_2:
0x20: {  	p0 =	sne.s32 s8, $0x9FC0;
	[tilespmem:s9+$0x11800] =	vst v0;
	s9 =	smov.u32 s8;
	s8 =	sadd.s32 $0x40, s8  }
.Ltmp0:
0x21: {  	(pc) =	sbr.rel @p0 .LBB2_2-.Ltmp0, $2  }
0x22: {  	_ =	sdelay $0x2  }
0x23: {  	s9 =	sshra.s32 s9, $0x2  }
0x24: {  	[tilespmem:s9+$0x11800] =	vst v0;
	s8 =	simm.s32 $0x0  }
0x25: {  	[tilespmem:s18], [sflag:$0x1] =	stream.indirect.gather [hbm4b:s2+s17], $0x80, s8, s17, $0xb8;
	[tilespmem:$0x14000] =	vst v63  }
0x26: {  	_ = 	snop  }
0x27: {  	[tilespmem:s19], [sflag:$0x2] =	stream.indirect.gather [hbm4b:s4+s17], $0x80, s10, s17, $0xb8;
	[tilespmem:$0x14000] =	vst v63  }
0x28: {  	_ = 	snop  }
0x29: {  	[tilespmem:s20], [sflag:$0x3] =	stream.indirect.gather [hbm4b:s2+s17], $0x80, s17, s17, $0xb8;
	[tilespmem:$0x14000] =	vst v63  }
0x2a: {  	s15 =	simm.s32 $0x1450  }
0x2b: {  	[tilespmem:s22], [sflag:$0x4] =	stream.indirect.gather [hbm4b:s4+s17], $0x80, s15, s17, $0xb8;
	[tilespmem:$0x14000] =	vst v63  }
0x2c: {  	_ =	swait.ge [sflag:s23], $0x2800  }
0x2d: {  	[sflag:s23] =	ssyncset.done $0x0  }
0x2e: {  	[sflag:s23] =	ssyncadd.s32 $0xFFFFD800  }
0x2f: {  	_ =	swait.ge [sflag:s24], $0x2800  }
0x30: {  	[sflag:s24] =	ssyncset.done $0x0  }
0x31: {  	s9 =	simm.s32 $0x0;
	[sflag:s24] =	ssyncadd.s32 $0xFFFFD800  }
0x32: {  	v9 =	vld [tilespmem:s9+$0x5000]  }
0x33: {  	v13 =	vld [tilespmem:s9+$0x5010]  }
0x34: {  	v7 =	vld [tilespmem:s9+$0x5020]  }
0x35: {  	v6 =	vld [tilespmem:s9+$0x5030]  }
0x36: {  	v5 =	vld [tilespmem:s9+$0x5040]  }
0x37: {  	v4 =	vld [tilespmem:s9+$0x5050]  }
0x38: {  	v3 =	vld [tilespmem:s9+$0x5060]  }
0x39: {  	v2 =	vld [tilespmem:s9+$0x5070]  }
0x3a: {  	v14 =	vld [tilespmem:s9+$0x2800]  }
0x3b: {  	v15 =	vld [tilespmem:s9+$0x2810]  }
0x3c: {  	v12 =	vld [tilespmem:s9+$0x2820]  }
0x3d: {  	v11 =	vld [tilespmem:s9+$0x2830]  }
0x3e: {  	v10 =	vld [tilespmem:s9+$0x2840]  }
0x3f: {  	v8 =	vld [tilespmem:s9+$0x2850];
	v14 =	vadd.f32 v9, v14  }
0x40: {  	s10 =	simm.s32 $0x200;
	v13 =	vadd.f32 v13, v15;
	v9 =	vld [tilespmem:s9+$0x2860]  }
.LBB2_4:
0x41: {  	s8 =	sshra.s32 s10, $0x2;
	p0 =	sne.s32 s10, $0x9E00;
	[tilespmem:s9+$0x2800] =	vst v14;
	v7 =	vadd.f32 v7, v12;
	v12 =	vld [tilespmem:s9+$0x2870]  }
0x42: {  	v14 =	vld [tilespmem:s8+$0x5000];
	[tilespmem:s9+$0x2810] =	vst v13;
	v6 =	vadd.f32 v6, v11  }
0x43: {  	v13 =	vld [tilespmem:s8+$0x5010];
	[tilespmem:s9+$0x2820] =	vst v7;
	v5 =	vadd.f32 v5, v10  }
0x44: {  	v7 =	vld [tilespmem:s8+$0x5020];
	[tilespmem:s9+$0x2830] =	vst v6;
	v4 =	vadd.f32 v4, v8  }
0x45: {  	v6 =	vld [tilespmem:s8+$0x5030];
	[tilespmem:s9+$0x2840] =	vst v5;
	v3 =	vadd.f32 v3, v9  }
0x46: {  	v5 =	vld [tilespmem:s8+$0x5040];
	[tilespmem:s9+$0x2850] =	vst v4;
	v2 =	vadd.f32 v2, v12  }
0x47: {  	v4 =	vld [tilespmem:s8+$0x5050];
	[tilespmem:s9+$0x2860] =	vst v3  }
0x48: {  	v3 =	vld [tilespmem:s8+$0x5060];
	[tilespmem:s9+$0x2870] =	vst v2;
	s9 =	smov.u32 s8  }
0x49: {  	v2 =	vld [tilespmem:s9+$0x5070]  }
0x4a: {  	v8 =	vld [tilespmem:s9+$0x2800]  }
0x4b: {  	v9 =	vld [tilespmem:s9+$0x2810]  }
.Ltmp1:
0x4c: {  	v12 =	vld [tilespmem:s9+$0x2820];
	(pc) =	sbr.rel @p0 .LBB2_4-.Ltmp1, $4  }
0x4d: {  	v11 =	vld [tilespmem:s9+$0x2830]  }
0x4e: {  	v10 =	vld [tilespmem:s9+$0x2840]  }
0x4f: {  	v14 =	vadd.f32 v14, v8;
	v8 =	vld [tilespmem:s9+$0x2850]  }
0x50: {  	s10 =	sadd.s32 $0x200, s10;
	v13 =	vadd.f32 v13, v9;
	v9 =	vld [tilespmem:s9+$0x2860]  }
0x51: {  	[tilespmem:s9+$0x2800] =	vst v14;
	v7 =	vadd.f32 v7, v12;
	v12 =	vld [tilespmem:s9+$0x2870]  }
0x52: {  	[tilespmem:s9+$0x2810] =	vst v13;
	v6 =	vadd.f32 v6, v11  }
0x53: {  	[tilespmem:s9+$0x2820] =	vst v7;
	v5 =	vadd.f32 v5, v10  }
0x54: {  	[tilespmem:s9+$0x2830] =	vst v6;
	v4 =	vadd.f32 v4, v8  }
0x55: {  	[tilespmem:s9+$0x2840] =	vst v5;
	v3 =	vadd.f32 v3, v9  }
0x56: {  	[tilespmem:s9+$0x2850] =	vst v4;
	v2 =	vadd.f32 v2, v12  }
0x57: {  	[tilespmem:s9+$0x2860] =	vst v3  }
0x58: {  	[tilespmem:s9+$0x2870] =	vst v2  }
0x59: {  	v2 =	vld [tilespmem:$0x0];
	_ =	sdelay $0x7  }
0x5a: {  	[tilespmem:v2+s25+$0x0] =	vst.idx.add.f32.msk $0xffff, v1  }
0x5b: {  	v2 =	vld [tilespmem:$0x10];
	_ =	sdelay $0x7  }
0x5c: {  	[tilespmem:v2+s25+$0x0] =	vst.idx.add.f32.msk $0xffff, v1  }
0x5d: {  	v2 =	vld [tilespmem:$0x20];
	_ =	sdelay $0x7  }
0x5e: {  	[tilespmem:v2+s25+$0x0] =	vst.idx.add.f32.msk $0xffff, v1  }
0x5f: {  	v2 =	vld [tilespmem:$0x30];
	_ =	sdelay $0x7  }
0x60: {  	[tilespmem:v2+s25+$0x0] =	vst.idx.add.f32.msk $0xffff, v1  }
0x61: {  	v2 =	vld [tilespmem:$0x40];
	_ =	sdelay $0x7  }
0x62: {  	s8 =	simm.s32 $0x0;
	s13 =	rddreg [dreg:$0x4];
	[tilespmem:v2+s25+$0x0] =	vst.idx.add.f32.msk $0xffff, v1  }
0x63: {  	[hbm4b:s13+s8] =	stream.linear.scatter [tilespmem:s18], [sflag:$0x7], $0x2800, $0x38;
	[tilespmem:$0x14000] =	vst v63  }
0x64: {  	s14 =	simm.s32 $0xA0  }
0x65: {  	[tilespmem:s28], [sflag:$0x5] =	stream.indirect.gather [hbm4b:s2+s17], $0x80, s14, s17, $0xb8;
	[tilespmem:$0x14000] =	vst v63  }
0x66: {  	s15 =	simm.s32 $0x14A0  }
0x67: {  	[tilespmem:s30], [sflag:$0x6] =	stream.indirect.gather [hbm4b:s4+s17], $0x80, s15, s17, $0xb8;
	[tilespmem:$0x14000] =	vst v63  }
0x68: {  	_ =	swait.ge [sflag:s31], $0x2800  }
0x69: {  	[sflag:s31] =	ssyncset.done $0x0  }
0x6a: {  	[sflag:s31] =	ssyncadd.s32 $0xFFFFD800  }
0x6b: {  	_ =	swait.ge [sflag:s1], $0x2800  }
0x6c: {  	[sflag:s1] =	ssyncset.done $0x0  }
0x6d: {  	s9 =	simm.s32 $0x0;
	[sflag:s1] =	ssyncadd.s32 $0xFFFFD800  }
0x6e: {  	v9 =	vld [tilespmem:s9+$0xA000]  }
0x6f: {  	v13 =	vld [tilespmem:s9+$0xA010]  }
0x70: {  	v7 =	vld [tilespmem:s9+$0xA020]  }
0x71: {  	v6 =	vld [tilespmem:s9+$0xA030]  }
0x72: {  	v5 =	vld [tilespmem:s9+$0xA040]  }
0x73: {  	v4 =	vld [tilespmem:s9+$0xA050]  }
0x74: {  	v3 =	vld [tilespmem:s9+$0xA060]  }
0x75: {  	v2 =	vld [tilespmem:s9+$0xA070]  }
0x76: {  	v14 =	vld [tilespmem:s9+$0x7800]  }
0x77: {  	v15 =	vld [tilespmem:s9+$0x7810]  }
0x78: {  	v12 =	vld [tilespmem:s9+$0x7820]  }
0x79: {  	v11 =	vld [tilespmem:s9+$0x7830]  }
0x7a: {  	v10 =	vld [tilespmem:s9+$0x7840]  }
0x7b: {  	v8 =	vld [tilespmem:s9+$0x7850];
	v14 =	vadd.f32 v9, v14  }
0x7c: {  	s10 =	simm.s32 $0x200;
	v13 =	vadd.f32 v13, v15;
	v9 =	vld [tilespmem:s9+$0x7860]  }
.LBB2_6:
0x7d: {  	s8 =	sshra.s32 s10, $0x2;
	p0 =	sne.s32 s10, $0x9E00;
	[tilespmem:s9+$0x7800] =	vst v14;
	v7 =	vadd.f32 v7, v12;
	v12 =	vld [tilespmem:s9+$0x7870]  }
0x7e: {  	v14 =	vld [tilespmem:s8+$0xA000];
	[tilespmem:s9+$0x7810] =	vst v13;
	v6 =	vadd.f32 v6, v11  }
0x7f: {  	v13 =	vld [tilespmem:s8+$0xA010];
	[tilespmem:s9+$0x7820] =	vst v7;
	v5 =	vadd.f32 v5, v10  }
0x80: {  	v7 =	vld [tilespmem:s8+$0xA020];
	[tilespmem:s9+$0x7830] =	vst v6;
	v4 =	vadd.f32 v4, v8  }
0x81: {  	v6 =	vld [tilespmem:s8+$0xA030];
	[tilespmem:s9+$0x7840] =	vst v5;
	v3 =	vadd.f32 v3, v9  }
0x82: {  	v5 =	vld [tilespmem:s8+$0xA040];
	[tilespmem:s9+$0x7850] =	vst v4;
	v2 =	vadd.f32 v2, v12  }
0x83: {  	v4 =	vld [tilespmem:s8+$0xA050];
	[tilespmem:s9+$0x7860] =	vst v3  }
0x84: {  	v3 =	vld [tilespmem:s8+$0xA060];
	[tilespmem:s9+$0x7870] =	vst v2;
	s9 =	smov.u32 s8  }
0x85: {  	v2 =	vld [tilespmem:s9+$0xA070]  }
0x86: {  	v8 =	vld [tilespmem:s9+$0x7800]  }
0x87: {  	v9 =	vld [tilespmem:s9+$0x7810]  }
.Ltmp2:
0x88: {  	v12 =	vld [tilespmem:s9+$0x7820];
	(pc) =	sbr.rel @p0 .LBB2_6-.Ltmp2, $4  }
0x89: {  	v11 =	vld [tilespmem:s9+$0x7830]  }
0x8a: {  	v10 =	vld [tilespmem:s9+$0x7840]  }
0x8b: {  	v14 =	vadd.f32 v14, v8;
	v8 =	vld [tilespmem:s9+$0x7850]  }
0x8c: {  	s10 =	sadd.s32 $0x200, s10;
	v13 =	vadd.f32 v13, v9;
	v9 =	vld [tilespmem:s9+$0x7860]  }
0x8d: {  	[tilespmem:s9+$0x7800] =	vst v14;
	v7 =	vadd.f32 v7, v12;
	v63 =	vld [tilespmem:s9+$0x7870]  }
0x8e: {  	[tilespmem:s9+$0x7810] =	vst v13;
	v6 =	vadd.f32 v6, v11  }
0x8f: {  	[tilespmem:s9+$0x7820] =	vst v7;
	v5 =	vadd.f32 v5, v10  }
0x90: {  	[tilespmem:s9+$0x7830] =	vst v6;
	v4 =	vadd.f32 v4, v8  }
0x91: {  	[tilespmem:s9+$0x7840] =	vst v5;
	v3 =	vadd.f32 v3, v9  }
0x92: {  	[tilespmem:s9+$0x7850] =	vst v4;
	v2 =	vadd.f32 v2, v63  }
0x93: {  	[tilespmem:s9+$0x7860] =	vst v3  }
0x94: {  	[tilespmem:s9+$0x7870] =	vst v2  }
0x95: {  	v2 =	vld [tilespmem:$0x50];
	_ =	sdelay $0x7  }
0x96: {  	[tilespmem:v2+s25+$0x0] =	vst.idx.add.f32.msk $0xffff, v1  }
0x97: {  	v2 =	vld [tilespmem:$0x60];
	_ =	sdelay $0x7  }
0x98: {  	[tilespmem:v2+s25+$0x0] =	vst.idx.add.f32.msk $0xffff, v1  }
0x99: {  	v2 =	vld [tilespmem:$0x70];
	_ =	sdelay $0x7  }
0x9a: {  	[tilespmem:v2+s25+$0x0] =	vst.idx.add.f32.msk $0xffff, v1  }
0x9b: {  	v2 =	vld [tilespmem:$0x80];
	_ =	sdelay $0x7  }
0x9c: {  	[tilespmem:v2+s25+$0x0] =	vst.idx.add.f32.msk $0xffff, v1  }
0x9d: {  	v2 =	vld [tilespmem:$0x90];
	_ =	sdelay $0x7  }
0x9e: {  	s8 =	rddreg [dreg:$0x6];
	s9 =	simm.s32 $0x0;
	[tilespmem:v2+s25+$0x0] =	vst.idx.add.f32.msk $0xffff, v1  }
0x9f: {  	[hbm4b:s8+s9] =	stream.linear.scatter [tilespmem:s20], [sflag:$0x8], $0x2800, $0x38;
	[tilespmem:$0x14000] =	vst v63  }
0xa0: {  	_ =	swait.ge [sflag:s0], $0x2800  }
0xa1: {  	[sflag:s0] =	ssyncset.done $0x0  }
0xa2: {  	s14 =	simm.s32 $0xF0;
	[sflag:s0] =	ssyncadd.s32 $0xFFFFD800  }
0xa3: {  	[tilespmem:s18], [sflag:$0x1] =	stream.indirect.gather [hbm4b:s2+s17], $0x80, s14, s17, $0xb8;
	[tilespmem:$0x14000] =	vst v63  }
0xa4: {  	s15 =	simm.s32 $0x14F0  }
0xa5: {  	[tilespmem:s19], [sflag:$0x2] =	stream.indirect.gather [hbm4b:s4+s17], $0x80, s15, s17, $0xb8;
	[tilespmem:$0x14000] =	vst v63  }
.LBB2_8:
0xa6: {  	_ =	swait.ge [sflag:s29], $0x2800  }
0xa7: {  	[sflag:s29] =	ssyncset.done $0x0  }
0xa8: {  	[sflag:s29] =	ssyncadd.s32 $0xFFFFD800  }
0xa9: {  	_ =	swait.ge [sflag:s21], $0x2800  }
0xaa: {  	[sflag:s21] =	ssyncset.done $0x0  }
0xab: {  	s11 =	simm.s32 $0x0;
	[sflag:s21] =	ssyncadd.s32 $0xFFFFD800  }
0xac: {  	v9 =	vld [tilespmem:s11+$0xF000]  }
0xad: {  	v13 =	vld [tilespmem:s11+$0xF010]  }
0xae: {  	v7 =	vld [tilespmem:s11+$0xF020]  }
0xaf: {  	v6 =	vld [tilespmem:s11+$0xF030]  }
0xb0: {  	v5 =	vld [tilespmem:s11+$0xF040]  }
0xb1: {  	v4 =	vld [tilespmem:s11+$0xF050]  }
0xb2: {  	v3 =	vld [tilespmem:s11+$0xF060]  }
0xb3: {  	v2 =	vld [tilespmem:s11+$0xF070]  }
0xb4: {  	v14 =	vld [tilespmem:s11+$0xC800]  }
0xb5: {  	v15 =	vld [tilespmem:s11+$0xC810]  }
0xb6: {  	v12 =	vld [tilespmem:s11+$0xC820]  }
0xb7: {  	v11 =	vld [tilespmem:s11+$0xC830]  }
0xb8: {  	v10 =	vld [tilespmem:s11+$0xC840]  }
0xb9: {  	v8 =	vld [tilespmem:s11+$0xC850];
	v14 =	vadd.f32 v9, v14  }
0xba: {  	s10 =	simm.s32 $0x200;
	v13 =	vadd.f32 v13, v15;
	v9 =	vld [tilespmem:s11+$0xC860]  }
.LBB2_9:
0xbb: {  	s8 =	sshra.s32 s10, $0x2;
	p0 =	sne.s32 s10, $0x9E00;
	[tilespmem:s11+$0xC800] =	vst v14;
	v7 =	vadd.f32 v7, v12;
	v12 =	vld [tilespmem:s11+$0xC870]  }
0xbc: {  	v14 =	vld [tilespmem:s8+$0xF000];
	[tilespmem:s11+$0xC810] =	vst v13;
	v6 =	vadd.f32 v6, v11  }
0xbd: {  	v13 =	vld [tilespmem:s8+$0xF010];
	[tilespmem:s11+$0xC820] =	vst v7;
	v5 =	vadd.f32 v5, v10  }
0xbe: {  	v7 =	vld [tilespmem:s8+$0xF020];
	[tilespmem:s11+$0xC830] =	vst v6;
	v4 =	vadd.f32 v4, v8  }
0xbf: {  	v6 =	vld [tilespmem:s8+$0xF030];
	[tilespmem:s11+$0xC840] =	vst v5;
	v3 =	vadd.f32 v3, v9  }
0xc0: {  	v5 =	vld [tilespmem:s8+$0xF040];
	[tilespmem:s11+$0xC850] =	vst v4;
	v2 =	vadd.f32 v2, v12  }
0xc1: {  	v4 =	vld [tilespmem:s8+$0xF050];
	[tilespmem:s11+$0xC860] =	vst v3  }
0xc2: {  	v3 =	vld [tilespmem:s8+$0xF060];
	[tilespmem:s11+$0xC870] =	vst v2;
	s11 =	smov.u32 s8  }
0xc3: {  	v2 =	vld [tilespmem:s11+$0xF070]  }
0xc4: {  	v8 =	vld [tilespmem:s11+$0xC800]  }
0xc5: {  	v9 =	vld [tilespmem:s11+$0xC810]  }
.Ltmp3:
0xc6: {  	v12 =	vld [tilespmem:s11+$0xC820];
	(pc) =	sbr.rel @p0 .LBB2_9-.Ltmp3, $4  }
0xc7: {  	v11 =	vld [tilespmem:s11+$0xC830]  }
0xc8: {  	v10 =	vld [tilespmem:s11+$0xC840]  }
0xc9: {  	v14 =	vadd.f32 v14, v8;
	v8 =	vld [tilespmem:s11+$0xC850]  }
0xca: {  	s10 =	sadd.s32 $0x200, s10;
	v13 =	vadd.f32 v13, v9;
	v9 =	vld [tilespmem:s11+$0xC860]  }
0xcb: {  	[tilespmem:s11+$0xC800] =	vst v14;
	v7 =	vadd.f32 v7, v12;
	v12 =	vld [tilespmem:s11+$0xC870]  }
0xcc: {  	[tilespmem:s11+$0xC810] =	vst v13;
	v6 =	vadd.f32 v6, v11  }
0xcd: {  	[tilespmem:s11+$0xC820] =	vst v7;
	v5 =	vadd.f32 v5, v10  }
0xce: {  	[tilespmem:s11+$0xC830] =	vst v6;
	v4 =	vadd.f32 v4, v8  }
0xcf: {  	[tilespmem:s11+$0xC840] =	vst v5;
	v3 =	vadd.f32 v3, v9  }
0xd0: {  	[tilespmem:s11+$0xC850] =	vst v4;
	v2 =	vadd.f32 v2, v12  }
0xd1: {  	s10 =	smul.u32 $0xF0, s9;
	[tilespmem:s11+$0xC860] =	vst v3  }
0xd2: {  	[tilespmem:s11+$0xC870] =	vst v2  }
0xd3: {  	v2 =	vld [tilespmem:s10+$0xA0];
	_ =	sdelay $0x7  }
0xd4: {  	[tilespmem:v2+s25+$0x0] =	vst.idx.add.f32.msk $0xffff, v1  }
0xd5: {  	v2 =	vld [tilespmem:s10+$0xB0];
	_ =	sdelay $0x7  }
0xd6: {  	[tilespmem:v2+s25+$0x0] =	vst.idx.add.f32.msk $0xffff, v1  }
0xd7: {  	v2 =	vld [tilespmem:s10+$0xC0];
	_ =	sdelay $0x7  }
0xd8: {  	[tilespmem:v2+s25+$0x0] =	vst.idx.add.f32.msk $0xffff, v1  }
0xd9: {  	v2 =	vld [tilespmem:s10+$0xD0];
	_ =	sdelay $0x7  }
0xda: {  	[tilespmem:v2+s25+$0x0] =	vst.idx.add.f32.msk $0xffff, v1  }
0xdb: {  	v2 =	vld [tilespmem:s10+$0xE0];
	_ =	sdelay $0x4  }
0xdc: {  	s8 =	sadd.s32 $0xA0, s10  }
0xdd: {  	s8 =	sadd.s32 s6, s8  }
0xde: {  	s8 =	sshll.u32 s8, $0x4  }
0xdf: {  	s14 =	simm.s32 $0x0;
	s8 =	sadd.s32 s5, s8;
	[tilespmem:v2+s25+$0x0] =	vst.idx.add.f32.msk $0xffff, v1  }
0xe0: {  	[hbm4b:s8+s14] =	stream.linear.scatter [tilespmem:s28], [sflag:$0x9], $0x2800, $0x38;
	[tilespmem:$0x14000] =	vst v63  }
0xe1: {  	_ =	swait.ge [sflag:s26], $0x2800  }
0xe2: {  	[sflag:s26] =	ssyncset.done $0x0  }
0xe3: {  	s11 =	sadd.s32 $0x140, s10;
	[sflag:s26] =	ssyncadd.s32 $0xFFFFD800  }
0xe4: {  	[tilespmem:s20], [sflag:$0x3] =	stream.indirect.gather [hbm4b:s2+s17], $0x80, s11, s17, $0xb8;
	[tilespmem:$0x14000] =	vst v63  }
0xe5: {  	s15 =	sadd.s32 $0x1540, s10  }
0xe6: {  	[tilespmem:s22], [sflag:$0x4] =	stream.indirect.gather [hbm4b:s4+s17], $0x80, s15, s17, $0xb8;
	[tilespmem:$0x14000] =	vst v63  }
0xe7: {  	_ =	swait.ge [sflag:s23], $0x2800  }
0xe8: {  	[sflag:s23] =	ssyncset.done $0x0  }
0xe9: {  	[sflag:s23] =	ssyncadd.s32 $0xFFFFD800  }
0xea: {  	_ =	swait.ge [sflag:s24], $0x2800  }
0xeb: {  	[sflag:s24] =	ssyncset.done $0x0  }
0xec: {  	s12 =	simm.s32 $0x0;
	[sflag:s24] =	ssyncadd.s32 $0xFFFFD800  }
0xed: {  	v9 =	vld [tilespmem:s12+$0x5000]  }
0xee: {  	v13 =	vld [tilespmem:s12+$0x5010]  }
0xef: {  	v7 =	vld [tilespmem:s12+$0x5020]  }
0xf0: {  	v6 =	vld [tilespmem:s12+$0x5030]  }
0xf1: {  	v5 =	vld [tilespmem:s12+$0x5040]  }
0xf2: {  	v4 =	vld [tilespmem:s12+$0x5050]  }
0xf3: {  	v3 =	vld [tilespmem:s12+$0x5060]  }
0xf4: {  	v2 =	vld [tilespmem:s12+$0x5070]  }
0xf5: {  	v14 =	vld [tilespmem:s12+$0x2800]  }
0xf6: {  	v15 =	vld [tilespmem:s12+$0x2810]  }
0xf7: {  	v12 =	vld [tilespmem:s12+$0x2820]  }
0xf8: {  	v11 =	vld [tilespmem:s12+$0x2830]  }
0xf9: {  	v10 =	vld [tilespmem:s12+$0x2840]  }
0xfa: {  	v8 =	vld [tilespmem:s12+$0x2850];
	v14 =	vadd.f32 v9, v14  }
0xfb: {  	s13 =	simm.s32 $0x200;
	v13 =	vadd.f32 v13, v15;
	v9 =	vld [tilespmem:s12+$0x2860]  }
.LBB2_11:
0xfc: {  	s8 =	sshra.s32 s13, $0x2;
	p0 =	sne.s32 s13, $0x9E00;
	[tilespmem:s12+$0x2800] =	vst v14;
	v7 =	vadd.f32 v7, v12;
	v12 =	vld [tilespmem:s12+$0x2870]  }
0xfd: {  	v14 =	vld [tilespmem:s8+$0x5000];
	[tilespmem:s12+$0x2810] =	vst v13;
	v6 =	vadd.f32 v6, v11  }
0xfe: {  	v13 =	vld [tilespmem:s8+$0x5010];
	[tilespmem:s12+$0x2820] =	vst v7;
	v5 =	vadd.f32 v5, v10  }
0xff: {  	v7 =	vld [tilespmem:s8+$0x5020];
	[tilespmem:s12+$0x2830] =	vst v6;
	v4 =	vadd.f32 v4, v8  }
0x100: {  	v6 =	vld [tilespmem:s8+$0x5030];
	[tilespmem:s12+$0x2840] =	vst v5;
	v3 =	vadd.f32 v3, v9  }
0x101: {  	v5 =	vld [tilespmem:s8+$0x5040];
	[tilespmem:s12+$0x2850] =	vst v4;
	v2 =	vadd.f32 v2, v12  }
0x102: {  	v4 =	vld [tilespmem:s8+$0x5050];
	[tilespmem:s12+$0x2860] =	vst v3  }
0x103: {  	v3 =	vld [tilespmem:s8+$0x5060];
	[tilespmem:s12+$0x2870] =	vst v2;
	s12 =	smov.u32 s8  }
0x104: {  	v2 =	vld [tilespmem:s12+$0x5070]  }
0x105: {  	v8 =	vld [tilespmem:s12+$0x2800]  }
0x106: {  	v9 =	vld [tilespmem:s12+$0x2810]  }
.Ltmp4:
0x107: {  	v12 =	vld [tilespmem:s12+$0x2820];
	(pc) =	sbr.rel @p0 .LBB2_11-.Ltmp4, $4  }
0x108: {  	v11 =	vld [tilespmem:s12+$0x2830]  }
0x109: {  	v10 =	vld [tilespmem:s12+$0x2840]  }
0x10a: {  	v14 =	vadd.f32 v14, v8;
	v8 =	vld [tilespmem:s12+$0x2850]  }
0x10b: {  	s13 =	sadd.s32 $0x200, s13;
	v13 =	vadd.f32 v13, v9;
	v9 =	vld [tilespmem:s12+$0x2860]  }
0x10c: {  	[tilespmem:s12+$0x2800] =	vst v14;
	v7 =	vadd.f32 v7, v12;
	v12 =	vld [tilespmem:s12+$0x2870]  }
0x10d: {  	[tilespmem:s12+$0x2810] =	vst v13;
	v6 =	vadd.f32 v6, v11  }
0x10e: {  	[tilespmem:s12+$0x2820] =	vst v7;
	v5 =	vadd.f32 v5, v10  }
0x10f: {  	[tilespmem:s12+$0x2830] =	vst v6;
	v4 =	vadd.f32 v4, v8  }
0x110: {  	[tilespmem:s12+$0x2840] =	vst v5;
	v3 =	vadd.f32 v3, v9  }
0x111: {  	[tilespmem:s12+$0x2850] =	vst v4;
	v2 =	vadd.f32 v2, v12  }
0x112: {  	[tilespmem:s12+$0x2860] =	vst v3  }
0x113: {  	[tilespmem:s12+$0x2870] =	vst v2  }
0x114: {  	v2 =	vld [tilespmem:s10+$0xF0];
	_ =	sdelay $0x6  }
0x115: {  	s13 =	sand.u32 $0x70, s10;
	s12 =	sand.u32 $0x1F80, s10  }
0x116: {  	s8 =	sor.u32 s13, s12;
	[tilespmem:v2+s25+$0x0] =	vst.idx.add.f32.msk $0xffff, v1  }
0x117: {  	v2 =	vld [tilespmem:s8+$0x100];
	_ =	sdelay $0x7  }
0x118: {  	[tilespmem:v2+s25+$0x0] =	vst.idx.add.f32.msk $0xffff, v1  }
0x119: {  	v2 =	vld [tilespmem:s10+$0x110];
	_ =	sdelay $0x7  }
0x11a: {  	[tilespmem:v2+s25+$0x0] =	vst.idx.add.f32.msk $0xffff, v1  }
0x11b: {  	v2 =	vld [tilespmem:s10+$0x120];
	_ =	sdelay $0x7  }
0x11c: {  	[tilespmem:v2+s25+$0x0] =	vst.idx.add.f32.msk $0xffff, v1  }
0x11d: {  	v2 =	vld [tilespmem:s10+$0x130];
	_ =	sdelay $0x4  }
0x11e: {  	s15 =	sadd.s32 $0xF0, s10  }
0x11f: {  	s8 =	sadd.s32 s6, s15  }
0x120: {  	s8 =	sshll.u32 s8, $0x4  }
0x121: {  	s14 =	simm.s32 $0x0;
	s8 =	sadd.s32 s5, s8;
	[tilespmem:v2+s25+$0x0] =	vst.idx.add.f32.msk $0xffff, v1  }
0x122: {  	[hbm4b:s8+s14] =	stream.linear.scatter [tilespmem:s18], [sflag:$0x7], $0x2800, $0x38;
	[tilespmem:$0x14000] =	vst v63  }
0x123: {  	_ =	swait.ge [sflag:s16], $0x2800  }
0x124: {  	[sflag:s16] =	ssyncset.done $0x0  }
0x125: {  	s14 =	sadd.s32 $0x190, s10;
	[sflag:s16] =	ssyncadd.s32 $0xFFFFD800  }
0x126: {  	[tilespmem:s28], [sflag:$0x5] =	stream.indirect.gather [hbm4b:s2+s17], $0x80, s14, s17, $0xb8;
	[tilespmem:$0x14000] =	vst v63  }
0x127: {  	s15 =	sadd.s32 $0x1590, s10  }
0x128: {  	[tilespmem:s30], [sflag:$0x6] =	stream.indirect.gather [hbm4b:s4+s17], $0x80, s15, s17, $0xb8;
	[tilespmem:$0x14000] =	vst v63  }
0x129: {  	_ =	swait.ge [sflag:s31], $0x2800  }
0x12a: {  	[sflag:s31] =	ssyncset.done $0x0  }
0x12b: {  	[sflag:s31] =	ssyncadd.s32 $0xFFFFD800  }
0x12c: {  	_ =	swait.ge [sflag:s1], $0x2800  }
0x12d: {  	[sflag:s1] =	ssyncset.done $0x0  }
0x12e: {  	s14 =	simm.s32 $0x0;
	[sflag:s1] =	ssyncadd.s32 $0xFFFFD800  }
0x12f: {  	v9 =	vld [tilespmem:s14+$0xA000]  }
0x130: {  	v13 =	vld [tilespmem:s14+$0xA010]  }
0x131: {  	v7 =	vld [tilespmem:s14+$0xA020]  }
0x132: {  	v6 =	vld [tilespmem:s14+$0xA030]  }
0x133: {  	v5 =	vld [tilespmem:s14+$0xA040]  }
0x134: {  	v4 =	vld [tilespmem:s14+$0xA050]  }
0x135: {  	v3 =	vld [tilespmem:s14+$0xA060]  }
0x136: {  	v2 =	vld [tilespmem:s14+$0xA070]  }
0x137: {  	v14 =	vld [tilespmem:s14+$0x7800]  }
0x138: {  	v15 =	vld [tilespmem:s14+$0x7810]  }
0x139: {  	v12 =	vld [tilespmem:s14+$0x7820]  }
0x13a: {  	v11 =	vld [tilespmem:s14+$0x7830]  }
0x13b: {  	v10 =	vld [tilespmem:s14+$0x7840]  }
0x13c: {  	v8 =	vld [tilespmem:s14+$0x7850];
	v14 =	vadd.f32 v9, v14  }
0x13d: {  	s8 =	simm.s32 $0x200;
	v13 =	vadd.f32 v13, v15;
	v9 =	vld [tilespmem:s14+$0x7860]  }
.LBB2_13:
0x13e: {  	s15 =	sshra.s32 s8, $0x2;
	p0 =	sne.s32 s8, $0x9E00;
	[tilespmem:s14+$0x7800] =	vst v14;
	v7 =	vadd.f32 v7, v12;
	v12 =	vld [tilespmem:s14+$0x7870]  }
0x13f: {  	v14 =	vld [tilespmem:s15+$0xA000];
	[tilespmem:s14+$0x7810] =	vst v13;
	v6 =	vadd.f32 v6, v11  }
0x140: {  	v13 =	vld [tilespmem:s15+$0xA010];
	[tilespmem:s14+$0x7820] =	vst v7;
	v5 =	vadd.f32 v5, v10  }
0x141: {  	v7 =	vld [tilespmem:s15+$0xA020];
	[tilespmem:s14+$0x7830] =	vst v6;
	v4 =	vadd.f32 v4, v8  }
0x142: {  	v6 =	vld [tilespmem:s15+$0xA030];
	[tilespmem:s14+$0x7840] =	vst v5;
	v3 =	vadd.f32 v3, v9  }
0x143: {  	v5 =	vld [tilespmem:s15+$0xA040];
	[tilespmem:s14+$0x7850] =	vst v4;
	v2 =	vadd.f32 v2, v12  }
0x144: {  	v4 =	vld [tilespmem:s15+$0xA050];
	[tilespmem:s14+$0x7860] =	vst v3  }
0x145: {  	v3 =	vld [tilespmem:s15+$0xA060];
	[tilespmem:s14+$0x7870] =	vst v2;
	s14 =	smov.u32 s15  }
0x146: {  	v2 =	vld [tilespmem:s14+$0xA070]  }
0x147: {  	v8 =	vld [tilespmem:s14+$0x7800]  }
0x148: {  	v9 =	vld [tilespmem:s14+$0x7810]  }
.Ltmp5:
0x149: {  	v12 =	vld [tilespmem:s14+$0x7820];
	(pc) =	sbr.rel @p0 .LBB2_13-.Ltmp5, $4  }
0x14a: {  	v11 =	vld [tilespmem:s14+$0x7830]  }
0x14b: {  	v10 =	vld [tilespmem:s14+$0x7840]  }
0x14c: {  	v14 =	vadd.f32 v14, v8;
	v8 =	vld [tilespmem:s14+$0x7850]  }
0x14d: {  	s8 =	sadd.s32 $0x200, s8;
	v13 =	vadd.f32 v13, v9;
	v9 =	vld [tilespmem:s14+$0x7860]  }
0x14e: {  	[tilespmem:s14+$0x7800] =	vst v14;
	v7 =	vadd.f32 v7, v12;
	v63 =	vld [tilespmem:s14+$0x7870]  }
0x14f: {  	[tilespmem:s14+$0x7810] =	vst v13;
	v6 =	vadd.f32 v6, v11  }
0x150: {  	[tilespmem:s14+$0x7820] =	vst v7;
	v5 =	vadd.f32 v5, v10  }
0x151: {  	[tilespmem:s14+$0x7830] =	vst v6;
	v4 =	vadd.f32 v4, v8  }
0x152: {  	[tilespmem:s14+$0x7840] =	vst v5;
	v3 =	vadd.f32 v3, v9  }
0x153: {  	[tilespmem:s14+$0x7850] =	vst v4;
	v2 =	vadd.f32 v2, v63  }
0x154: {  	[tilespmem:s14+$0x7860] =	vst v3  }
0x155: {  	[tilespmem:s14+$0x7870] =	vst v2  }
0x156: {  	v2 =	vld [tilespmem:s10+$0x140];
	_ =	sdelay $0x7  }
0x157: {  	[tilespmem:v2+s25+$0x0] =	vst.idx.add.f32.msk $0xffff, v1  }
0x158: {  	v2 =	vld [tilespmem:s10+$0x150];
	_ =	sdelay $0x7  }
0x159: {  	[tilespmem:v2+s25+$0x0] =	vst.idx.add.f32.msk $0xffff, v1  }
0x15a: {  	v2 =	vld [tilespmem:s10+$0x160];
	_ =	sdelay $0x7  }
0x15b: {  	[tilespmem:v2+s25+$0x0] =	vst.idx.add.f32.msk $0xffff, v1  }
0x15c: {  	v2 =	vld [tilespmem:s10+$0x170];
	_ =	sdelay $0x7  }
0x15d: {  	s8 =	sadd.s32 s13, s12;
	[tilespmem:v2+s25+$0x0] =	vst.idx.add.f32.msk $0xffff, v1  }
0x15e: {  	v2 =	vld [tilespmem:s8+$0x180];
	_ =	sdelay $0x5  }
0x15f: {  	s13 =	sadd.s32 s6, s11  }
0x160: {  	s8 =	sshll.u32 s13, $0x4  }
0x161: {  	s9 =	sadd.s32 $0x1, s9;
	s8 =	sadd.s32 s5, s8;
	[tilespmem:v2+s25+$0x0] =	vst.idx.add.f32.msk $0xffff, v1  }
0x162: {  	[hbm4b:s8+s3] =	stream.linear.scatter [tilespmem:s20], [sflag:$0x8], $0x2800, $0x38;
	[tilespmem:$0x14000] =	vst v63  }
0x163: {  	p0 =	sne.s32 s9, $0x14;
	_ =	swait.ge [sflag:s0], $0x2800  }
.Ltmp6:
0x164: {  	[sflag:s0] =	ssyncset.done $0x0;
	(pc) =	sbr.rel @p0 .LBB2_8-.Ltmp6, $4  }
0x165: {  	s14 =	sadd.s32 $0x1E0, s10;
	[sflag:s0] =	ssyncadd.s32 $0xFFFFD800  }
0x166: {  	[tilespmem:s18], [sflag:$0x1] =	stream.indirect.gather [hbm4b:s2+s17], $0x80, s14, s17, $0xb8;
	[tilespmem:$0x14000] =	vst v63  }
0x167: {  	s15 =	sadd.s32 $0x15E0, s10  }
0x168: {  	[tilespmem:s19], [sflag:$0x2] =	stream.indirect.gather [hbm4b:s4+s17], $0x80, s15, s17, $0xb8;
	[tilespmem:$0x14000] =	vst v63  }
0x169: {  	_ =	swait.ge [sflag:s29], $0x2800  }
0x16a: {  	[sflag:s29] =	ssyncset.done $0x0  }
0x16b: {  	[sflag:s29] =	ssyncadd.s32 $0xFFFFD800  }
0x16c: {  	_ =	swait.ge [sflag:s21], $0x2800  }
0x16d: {  	[sflag:s21] =	ssyncset.done $0x0  }
0x16e: {  	s9 =	simm.s32 $0x0;
	[sflag:s21] =	ssyncadd.s32 $0xFFFFD800  }
0x16f: {  	v9 =	vld [tilespmem:s9+$0xF000]  }
0x170: {  	v13 =	vld [tilespmem:s9+$0xF010]  }
0x171: {  	v7 =	vld [tilespmem:s9+$0xF020]  }
0x172: {  	v6 =	vld [tilespmem:s9+$0xF030]  }
0x173: {  	v5 =	vld [tilespmem:s9+$0xF040]  }
0x174: {  	v4 =	vld [tilespmem:s9+$0xF050]  }
0x175: {  	v3 =	vld [tilespmem:s9+$0xF060]  }
0x176: {  	v2 =	vld [tilespmem:s9+$0xF070]  }
0x177: {  	v14 =	vld [tilespmem:s9+$0xC800]  }
0x178: {  	v15 =	vld [tilespmem:s9+$0xC810]  }
0x179: {  	v12 =	vld [tilespmem:s9+$0xC820]  }
0x17a: {  	v11 =	vld [tilespmem:s9+$0xC830]  }
0x17b: {  	v10 =	vld [tilespmem:s9+$0xC840]  }
0x17c: {  	v8 =	vld [tilespmem:s9+$0xC850];
	v14 =	vadd.f32 v9, v14  }
0x17d: {  	s8 =	simm.s32 $0x200;
	v13 =	vadd.f32 v13, v15;
	v9 =	vld [tilespmem:s9+$0xC860]  }
.LBB2_16:
0x17e: {  	s10 =	sshra.s32 s8, $0x2;
	p0 =	sne.s32 s8, $0x9E00;
	[tilespmem:s9+$0xC800] =	vst v14;
	v7 =	vadd.f32 v7, v12;
	v12 =	vld [tilespmem:s9+$0xC870]  }
0x17f: {  	v14 =	vld [tilespmem:s10+$0xF000];
	[tilespmem:s9+$0xC810] =	vst v13;
	v6 =	vadd.f32 v6, v11  }
0x180: {  	v13 =	vld [tilespmem:s10+$0xF010];
	[tilespmem:s9+$0xC820] =	vst v7;
	v5 =	vadd.f32 v5, v10  }
0x181: {  	v7 =	vld [tilespmem:s10+$0xF020];
	[tilespmem:s9+$0xC830] =	vst v6;
	v4 =	vadd.f32 v4, v8  }
0x182: {  	v6 =	vld [tilespmem:s10+$0xF030];
	[tilespmem:s9+$0xC840] =	vst v5;
	v3 =	vadd.f32 v3, v9  }
0x183: {  	v5 =	vld [tilespmem:s10+$0xF040];
	[tilespmem:s9+$0xC850] =	vst v4;
	v2 =	vadd.f32 v2, v12  }
0x184: {  	v4 =	vld [tilespmem:s10+$0xF050];
	[tilespmem:s9+$0xC860] =	vst v3  }
0x185: {  	v3 =	vld [tilespmem:s10+$0xF060];
	[tilespmem:s9+$0xC870] =	vst v2;
	s9 =	smov.u32 s10  }
0x186: {  	v2 =	vld [tilespmem:s9+$0xF070]  }
0x187: {  	v8 =	vld [tilespmem:s9+$0xC800]  }
0x188: {  	v9 =	vld [tilespmem:s9+$0xC810]  }
.Ltmp7:
0x189: {  	v12 =	vld [tilespmem:s9+$0xC820];
	(pc) =	sbr.rel @p0 .LBB2_16-.Ltmp7, $4  }
0x18a: {  	v11 =	vld [tilespmem:s9+$0xC830]  }
0x18b: {  	v10 =	vld [tilespmem:s9+$0xC840]  }
0x18c: {  	v14 =	vadd.f32 v14, v8;
	v8 =	vld [tilespmem:s9+$0xC850]  }
0x18d: {  	s8 =	sadd.s32 $0x200, s8;
	v13 =	vadd.f32 v13, v9;
	v9 =	vld [tilespmem:s9+$0xC860]  }
0x18e: {  	[tilespmem:s9+$0xC800] =	vst v14;
	v7 =	vadd.f32 v7, v12;
	v12 =	vld [tilespmem:s9+$0xC870]  }
0x18f: {  	[tilespmem:s9+$0xC810] =	vst v13;
	v6 =	vadd.f32 v6, v11  }
0x190: {  	[tilespmem:s9+$0xC820] =	vst v7;
	v5 =	vadd.f32 v5, v10  }
0x191: {  	[tilespmem:s9+$0xC830] =	vst v6;
	v4 =	vadd.f32 v4, v8  }
0x192: {  	[tilespmem:s9+$0xC840] =	vst v5;
	v3 =	vadd.f32 v3, v9  }
0x193: {  	[tilespmem:s9+$0xC850] =	vst v4;
	v2 =	vadd.f32 v2, v12  }
0x194: {  	[tilespmem:s9+$0xC860] =	vst v3  }
0x195: {  	[tilespmem:s9+$0xC870] =	vst v2  }
0x196: {  	v2 =	vld [tilespmem:$0x1360];
	_ =	sdelay $0x7  }
0x197: {  	[tilespmem:v2+s25+$0x0] =	vst.idx.add.f32.msk $0xffff, v1  }
0x198: {  	v2 =	vld [tilespmem:$0x1370];
	_ =	sdelay $0x7  }
0x199: {  	[tilespmem:v2+s25+$0x0] =	vst.idx.add.f32.msk $0xffff, v1  }
0x19a: {  	v2 =	vld [tilespmem:$0x1380];
	_ =	sdelay $0x7  }
0x19b: {  	[tilespmem:v2+s25+$0x0] =	vst.idx.add.f32.msk $0xffff, v1  }
0x19c: {  	v2 =	vld [tilespmem:$0x1390];
	_ =	sdelay $0x7  }
0x19d: {  	[tilespmem:v2+s25+$0x0] =	vst.idx.add.f32.msk $0xffff, v1  }
0x19e: {  	v2 =	vld [tilespmem:$0x13A0];
	_ =	sdelay $0x7  }
0x19f: {  	s8 =	simm.s32 $0x0;
	s15 =	rddreg [dreg:$0x7];
	[tilespmem:v2+s25+$0x0] =	vst.idx.add.f32.msk $0xffff, v1  }
0x1a0: {  	[hbm4b:s15+s8] =	stream.linear.scatter [tilespmem:s28], [sflag:$0x9], $0x2800, $0x38;
	[tilespmem:$0x14000] =	vst v63  }
0x1a1: {  	_ =	swait.ge [sflag:s23], $0x2800  }
0x1a2: {  	[sflag:s23] =	ssyncset.done $0x0  }
0x1a3: {  	[sflag:s23] =	ssyncadd.s32 $0xFFFFD800  }
0x1a4: {  	_ =	swait.ge [sflag:s24], $0x2800  }
0x1a5: {  	[sflag:s24] =	ssyncset.done $0x0  }
0x1a6: {  	s9 =	simm.s32 $0x0;
	[sflag:s24] =	ssyncadd.s32 $0xFFFFD800  }
0x1a7: {  	v9 =	vld [tilespmem:s9+$0x5000]  }
0x1a8: {  	v13 =	vld [tilespmem:s9+$0x5010]  }
0x1a9: {  	v7 =	vld [tilespmem:s9+$0x5020]  }
0x1aa: {  	v6 =	vld [tilespmem:s9+$0x5030]  }
0x1ab: {  	v5 =	vld [tilespmem:s9+$0x5040]  }
0x1ac: {  	v4 =	vld [tilespmem:s9+$0x5050]  }
0x1ad: {  	v3 =	vld [tilespmem:s9+$0x5060]  }
0x1ae: {  	v2 =	vld [tilespmem:s9+$0x5070]  }
0x1af: {  	v14 =	vld [tilespmem:s9+$0x2800]  }
0x1b0: {  	v15 =	vld [tilespmem:s9+$0x2810]  }
0x1b1: {  	v12 =	vld [tilespmem:s9+$0x2820]  }
0x1b2: {  	v11 =	vld [tilespmem:s9+$0x2830]  }
0x1b3: {  	v10 =	vld [tilespmem:s9+$0x2840]  }
0x1b4: {  	v8 =	vld [tilespmem:s9+$0x2850];
	v14 =	vadd.f32 v9, v14  }
0x1b5: {  	s8 =	simm.s32 $0x200;
	v13 =	vadd.f32 v13, v15;
	v9 =	vld [tilespmem:s9+$0x2860]  }
.LBB2_18:
0x1b6: {  	s10 =	sshra.s32 s8, $0x2;
	p0 =	sne.s32 s8, $0x9E00;
	[tilespmem:s9+$0x2800] =	vst v14;
	v7 =	vadd.f32 v7, v12;
	v12 =	vld [tilespmem:s9+$0x2870]  }
0x1b7: {  	v14 =	vld [tilespmem:s10+$0x5000];
	[tilespmem:s9+$0x2810] =	vst v13;
	v6 =	vadd.f32 v6, v11  }
0x1b8: {  	v13 =	vld [tilespmem:s10+$0x5010];
	[tilespmem:s9+$0x2820] =	vst v7;
	v5 =	vadd.f32 v5, v10  }
0x1b9: {  	v7 =	vld [tilespmem:s10+$0x5020];
	[tilespmem:s9+$0x2830] =	vst v6;
	v4 =	vadd.f32 v4, v8  }
0x1ba: {  	v6 =	vld [tilespmem:s10+$0x5030];
	[tilespmem:s9+$0x2840] =	vst v5;
	v3 =	vadd.f32 v3, v9  }
0x1bb: {  	v5 =	vld [tilespmem:s10+$0x5040];
	[tilespmem:s9+$0x2850] =	vst v4;
	v2 =	vadd.f32 v2, v12  }
0x1bc: {  	v4 =	vld [tilespmem:s10+$0x5050];
	[tilespmem:s9+$0x2860] =	vst v3  }
0x1bd: {  	v3 =	vld [tilespmem:s10+$0x5060];
	[tilespmem:s9+$0x2870] =	vst v2;
	s9 =	smov.u32 s10  }
0x1be: {  	v2 =	vld [tilespmem:s9+$0x5070]  }
0x1bf: {  	v8 =	vld [tilespmem:s9+$0x2800]  }
0x1c0: {  	v9 =	vld [tilespmem:s9+$0x2810]  }
.Ltmp8:
0x1c1: {  	v12 =	vld [tilespmem:s9+$0x2820];
	(pc) =	sbr.rel @p0 .LBB2_18-.Ltmp8, $4  }
0x1c2: {  	v11 =	vld [tilespmem:s9+$0x2830]  }
0x1c3: {  	v10 =	vld [tilespmem:s9+$0x2840]  }
0x1c4: {  	v14 =	vadd.f32 v14, v8;
	v8 =	vld [tilespmem:s9+$0x2850]  }
0x1c5: {  	s8 =	sadd.s32 $0x200, s8;
	v13 =	vadd.f32 v13, v9;
	v9 =	vld [tilespmem:s9+$0x2860]  }
0x1c6: {  	[tilespmem:s9+$0x2800] =	vst v14;
	v7 =	vadd.f32 v7, v12;
	v63 =	vld [tilespmem:s9+$0x2870]  }
0x1c7: {  	[tilespmem:s9+$0x2810] =	vst v13;
	v6 =	vadd.f32 v6, v11  }
0x1c8: {  	[tilespmem:s9+$0x2820] =	vst v7;
	v5 =	vadd.f32 v5, v10  }
0x1c9: {  	[tilespmem:s9+$0x2830] =	vst v6;
	v4 =	vadd.f32 v4, v8  }
0x1ca: {  	[tilespmem:s9+$0x2840] =	vst v5;
	v3 =	vadd.f32 v3, v9  }
0x1cb: {  	[tilespmem:s9+$0x2850] =	vst v4;
	v2 =	vadd.f32 v2, v63  }
0x1cc: {  	[tilespmem:s9+$0x2860] =	vst v3  }
0x1cd: {  	[tilespmem:s9+$0x2870] =	vst v2  }
0x1ce: {  	v2 =	vld [tilespmem:$0x13B0];
	_ =	sdelay $0x7  }
0x1cf: {  	[tilespmem:v2+s25+$0x0] =	vst.idx.add.f32.msk $0xffff, v1  }
0x1d0: {  	v2 =	vld [tilespmem:$0x13C0];
	_ =	sdelay $0x7  }
0x1d1: {  	[tilespmem:v2+s25+$0x0] =	vst.idx.add.f32.msk $0xffff, v1  }
0x1d2: {  	v2 =	vld [tilespmem:$0x13D0];
	_ =	sdelay $0x7  }
0x1d3: {  	[tilespmem:v2+s25+$0x0] =	vst.idx.add.f32.msk $0xffff, v1  }
0x1d4: {  	v2 =	vld [tilespmem:$0x13E0];
	_ =	sdelay $0x7  }
0x1d5: {  	[tilespmem:v2+s25+$0x0] =	vst.idx.add.f32.msk $0xffff, v1  }
0x1d6: {  	v2 =	vld [tilespmem:$0x13F0];
	_ =	sdelay $0x7  }
0x1d7: {  	s8 =	rddreg [dreg:$0x8];
	[tilespmem:v2+s25+$0x0] =	vst.idx.add.f32.msk $0xffff, v1  }
0x1d8: {  	[hbm4b:s8+s3] =	stream.linear.scatter [tilespmem:s18], [sflag:$0x7], $0x2800, $0x38;
	[tilespmem:$0x14000] =	vst v63  }
0x1d9: {  	_ =	swait.ge [sflag:s26], $0x2800  }
0x1da: {  	[sflag:s26] =	ssyncset.done $0x0  }
0x1db: {  	[sflag:s26] =	ssyncadd.s32 $0xFFFFD800  }
0x1dc: {  	_ =	swait.ge [sflag:s16], $0x2800  }
0x1dd: {  	[sflag:s16] =	ssyncset.done $0x0  }
0x1de: {  	[sflag:s16] =	ssyncadd.s32 $0xFFFFD800  }
0x1df: {  	_ =	swait.ge [sflag:s0], $0x2800  }
0x1e0: {  	s14 =	simm.s32 $0x80;
	s10 =	simm.s32 $0x400;
	[sflag:s0] =	ssyncset.done $0x0  }
0x1e1: {  	s9 =	simm.s32 $0xA;
	s13 =	rddreg [dreg:$0x9];
	[sflag:s0] =	ssyncadd.s32 $0xFFFFD800  }
0x1e2: {  	[hbm4b:s13+s14] =	stream.strided.scatter [tilespmem:s25], [sflag:$0xA], $0x2800, s10, s14, $0x38;
	[tilespmem:$0x14000] =	vst v63  }
0x1e3: {  	_ =	swait.ge [sflag:s9], $0x2800  }
0x1e4: {  	s7 =	sadd.s32 $0x1, s7;
	s15 =	rddreg [dreg:$0xa]  }
0x1e5: {  	p0 =	sne.s32 s7, s15  }
.Ltmp9:
0x1e6: {  	_ = 	snop;
	(pc) =	sbr.rel @p0 .LBB2_1-.Ltmp9, $3  }
0x1e7: {  	_ =	sdelay $0x1  }
0x1e8: {  	[sflag:s9] =	ssyncset.done $0x0  }
0x1e9: {  	s10 =	simm.s32 $0x1400;
	[sflag:s9] =	ssyncadd.s32 $0xFFFFD800  }
0x1ea: {  	_ =	sfence.sel $0x180000  }
0x1eb: {  	[bflag:$0x0] =	sbarrier.arrive $0xFFFF  }
0x1ec: {  	_ =	strace $0x90000047  }
0x1ed: {  	s0 =	stileid.u32;
	[bflag:$0x2] =	sbarrier.arrive $0xFFFF  }
0x1ee: {  	p0 =	sne.s32 s0, $0x0;
	s0 =	rddreg [dreg:$0x2]  }
0x1ef: {  	s0 =	sadd.s32 @!p0 $0x100000, s0  }
0x1f0: {  	[sflag:s0] =	ssyncadd.tile.s32 @!p0 $0x1;
	_ =	shalt  }
.Lfunc_end2:
_tile_overlayer_lowered:
.L_overlay_start_2:
0x1f1: {  	(tag) =	ssettag $0x2  }
0x1f2: {  	s0 =	rddreg [dreg:$0x0];
	s2 =	stileid.u32  }
0x1f3: {  	s1 =	rddreg [dreg:$0x1];
	p0 =	sne.s32 s2, $0x0  }
0x1f4: {  	s3 =	rddreg [dreg:$0x2];
	[bflag:$0x3] =	sbarrier.arrive $0xFFFF;
	s2 =	simm.s32 @!p0 $0x1C0A  }
0x1f5: {  	[timem:s3], [sflag:s2] =	dma.local @!p0 [hbm:s0], s1  }
0x1f6: {  	s0 =	simm.s32 @!p0 $0xA  }
0x1f7: {  	_ =	swait.ge @!p0 [sflag:s0], s1  }
0x1f8: {  	s1 =	ssub.s32 @!p0 $0x0, s1;
	[sflag:s0] =	ssyncset.done @!p0 $0x0  }
0x1f9: {  	[sflag:s0] =	ssyncadd.s32 @!p0 s1  }
0x1fa: {  	[bflag:$0x3] =	sbarrier.arrive $0xFFFF  }
0x1fb: {  	_ =	shalt  }

// kernel: kernel.13.cloned.1.call-start
scs
__scs_entry_jumppad:
0x0: {  	(pc) =	sbr.rel $0x88, $3  }
0x1: {  	(tag) =	ssettag $0x0;
	lr =	simm.s32 $0x1  }
0x2: {  	[smem:$0x3F99] =	sst lr;
	_ =	strace $0xD0000000  }
0x3: {  	_ = 	snop  }
0x4: {  	_ = 	snop  }
0x5: {  	_ = 	snop  }
0x6: {  	_ = 	snop  }
0x7: {  	_ = 	snop  }
__scs_overlays_trampoline_lowered:
0x8: {  	[smem:$0x3FA8] =	sst s0  }
0x9: {  	[smem:$0x3FA9] =	sst s1  }
0xa: {  	[smem:$0x3FAA] =	sst s2  }
0xb: {  	[smem:$0x3FAB] =	sst s3  }
0xc: {  	[smem:$0x3FAC] =	sst s4  }
0xd: {  	[smem:$0x3FAD] =	sst s5  }
0xe: {  	[smem:$0x3FAE] =	sst s6  }
0xf: {  	[smem:$0x3FAF] =	sst s7  }
0x10: {  	[smem:$0x3FB0] =	sst s8  }
0x11: {  	[smem:$0x3FB1] =	sst s9;
	s0 =	simm.s32 @!p0 $0x0  }
0x12: {  	s1 =	sld [smem:$0x3F97];
	s0 =	simm.s32 @p0 $0x1  }
0x13: {  	[smem:$0x3FB2] =	sst s0;
	s0 =	simm.s32 @!p1 $0x0  }
0x14: {  	s2 =	sld [smem:$0x3F96];
	s0 =	simm.s32 @p1 $0x1  }
0x15: {  	[smem:$0x3FB3] =	sst s0;
	s0 =	simm.s32 @!p2 $0x0  }
0x16: {  	s3 =	sld [smem:$0x3FDB];
	s0 =	simm.s32 @p2 $0x1  }
0x17: {  	s4 =	simm.s32 $0x1BF5;
	[smem:$0x3FB5] =	sst s0  }
0x18: {  	s0 =	sld [smem:$0x3F98];
	_ =	swait.ge [sflag:s4], $0x0  }
0x19: {  	s7 =	sld [smem:$0x3F99]  }
0x1a: {  	s8 =	sadd.s32 $0xFFFFE003, lr  }
0x1b: {  	s9 =	sadd.s32 $0xFFFFFEF7, lr;
	s5 =	simm.s32 $0xFFFFFFFF;
	p2 =	slt.u32 s8, $0xFFFFF086  }
0x1c: {  	p1 =	slt.u32 s9, $0xF7A;
	s5 =	simm.s32 @!p2 $0x0  }
0x1d: {  	s5 =	simm.s32 @p1 $0x1;
	p0 =	seq.s32 s7, s2  }
0x1e: {  	s7 =	smul.u32 @!p0 $0xF7A, s2;
	p2 =	seq.s32 @!p0 s5, $0x0  }
0x1f: {  	s9 =	smul.u32 $0xF7A, s1;
	s8 =	simm.s32 @!p0 $0x1BF5;
	p2 =	por !p2, p0  }
0x20: {  	[sflag:s8] =	ssyncset.s32 @!p0 $0xFFFFF086;
	s6 =	sadd.s32 @!p0 s3, s7;
	s7 =	simm.s32 @!p0 $0x108  }
0x21: {  	s3 =	sadd.s32 s3, s9;
	s6 =	sadd.s32 @!p0 $0x88, s6;
	s7 =	simm.s32 @p2 $0x1082  }
0x22: {  	[simem:s7], [sflag:s8] =	dma.local @!p0 [hbm:s6], $0xF7A  }
0x23: {  	s9 =	sor.u32 $0xD0000000, s2;
	s6 =	simm.s32 $0x108;
	_ =	swait.ge @!p0 [sflag:s8], $0x0  }
0x24: {  	s3 =	sadd.s32 $0x88, s3;
	s6 =	simm.s32 @!p1 $0x1082;
	[sflag:s4] =	ssyncset.s32 $0xFFFFF086  }
0x25: {  	[simem:s6], [sflag:s4] =	dma.local [hbm:s3], $0xF7A  }
0x26: {  	[smem:$0x3F99] =	sst s1;
	(tag) =	ssettag s2;
	_ =	strace s9  }
0x27: {  	s1 =	sld [smem:$0x3FA9]  }
0x28: {  	s2 =	sld [smem:$0x3FAA]  }
0x29: {  	s4 =	sld [smem:$0x3FAC]  }
0x2a: {  	p0 =	seq.s32 s5, $0x0;
	s5 =	sld [smem:$0x3FAD]  }
0x2b: {  	s6 =	sld [smem:$0x3FAE]  }
0x2c: {  	s7 =	sld [smem:$0x3FAF]  }
0x2d: {  	s3 =	simm.s32 $0x108;
	s8 =	sld [smem:$0x3FB0]  }
0x2e: {  	s3 =	simm.s32 @!p0 $0x1082;
	s9 =	sld [smem:$0x3FB1]  }
0x2f: {  	lr =	sadd.s32 s0, s3;
	s0 =	sld [smem:$0x3FA8]  }
0x30: {  	s3 =	sld [smem:$0x3FAB]  }
0x31: {  	[smem:$0x3FB4] =	sst s10  }
0x32: {  	s10 =	sld [smem:$0x3FB2];
	_ =	sdelay $0x3  }
0x33: {  	p0 =	seq.s32 s10, $0x1;
	s10 =	sld [smem:$0x3FB4];
	_ =	sdelay $0x3  }
0x34: {  	[smem:$0x3FB4] =	sst s10  }
0x35: {  	s10 =	sld [smem:$0x3FB3];
	_ =	sdelay $0x3  }
0x36: {  	p1 =	seq.s32 s10, $0x1;
	s10 =	sld [smem:$0x3FB4];
	_ =	sdelay $0x3  }
0x37: {  	[smem:$0x3FB4] =	sst s10  }
0x38: {  	s10 =	sld [smem:$0x3FB5]  }
0x39: {  	_ = 	snop;
	(pc) =	sbr.ind lr, $3  }
0x3a: {  	_ = 	snop  }
0x3b: {  	_ = 	snop  }
0x3c: {  	p2 =	seq.s32 s10, $0x1;
	s10 =	sld [smem:$0x3FB4]  }
0x3d: {  	_ =	shalt  }
0x3e: {  	_ =	shalt  }
0x3f: {  	_ =	shalt  }
0x40: {  	_ =	shalt  }
0x41: {  	_ =	shalt  }
0x42: {  	_ =	shalt  }
0x43: {  	_ =	shalt  }
0x44: {  	_ =	shalt  }
0x45: {  	_ =	shalt  }
0x46: {  	_ =	shalt  }
0x47: {  	_ =	shalt  }
0x48: {  	_ =	shalt  }
0x49: {  	_ =	shalt  }
0x4a: {  	_ =	shalt  }
0x4b: {  	_ =	shalt  }
0x4c: {  	_ =	shalt  }
0x4d: {  	_ =	shalt  }
0x4e: {  	_ =	shalt  }
0x4f: {  	_ =	shalt  }
0x50: {  	_ =	shalt  }
0x51: {  	_ =	shalt  }
0x52: {  	_ =	shalt  }
0x53: {  	_ =	shalt  }
0x54: {  	_ =	shalt  }
0x55: {  	_ =	shalt  }
0x56: {  	_ =	shalt  }
0x57: {  	_ =	shalt  }
0x58: {  	_ =	shalt  }
0x59: {  	_ =	shalt  }
0x5a: {  	_ =	shalt  }
0x5b: {  	_ =	shalt  }
0x5c: {  	_ =	shalt  }
0x5d: {  	_ =	shalt  }
0x5e: {  	_ =	shalt  }
0x5f: {  	_ =	shalt  }
0x60: {  	_ =	shalt  }
0x61: {  	_ =	shalt  }
0x62: {  	_ =	shalt  }
0x63: {  	_ =	shalt  }
0x64: {  	_ =	shalt  }
0x65: {  	_ =	shalt  }
0x66: {  	_ =	shalt  }
0x67: {  	_ =	shalt  }
0x68: {  	_ =	shalt  }
0x69: {  	_ =	shalt  }
0x6a: {  	_ =	shalt  }
0x6b: {  	_ =	shalt  }
0x6c: {  	_ =	shalt  }
0x6d: {  	_ =	shalt  }
0x6e: {  	_ =	shalt  }
0x6f: {  	_ =	shalt  }
0x70: {  	_ =	shalt  }
0x71: {  	_ =	shalt  }
0x72: {  	_ =	shalt  }
0x73: {  	_ =	shalt  }
0x74: {  	_ =	shalt  }
0x75: {  	_ =	shalt  }
0x76: {  	_ =	shalt  }
0x77: {  	_ =	shalt  }
0x78: {  	_ =	shalt  }
0x79: {  	_ =	shalt  }
0x7a: {  	_ =	shalt  }
0x7b: {  	_ =	shalt  }
0x7c: {  	_ =	shalt  }
0x7d: {  	_ =	shalt  }
0x7e: {  	_ =	shalt  }
0x7f: {  	_ =	shalt  }
0x80: {  	_ =	shalt  }
0x81: {  	_ =	shalt  }
0x82: {  	_ =	shalt  }
0x83: {  	_ =	shalt  }
0x84: {  	_ =	shalt  }
0x85: {  	_ =	shalt  }
0x86: {  	_ =	shalt  }
0x87: {  	_ =	shalt  }
.Lfunc_end0:
.L_simem_size_0:
called_computation.1_lowered:
.L_overlay_start_0:
0x88: {  	s2 =	sld [smem:$0x3FD9]  }
0x89: {  	s3 =	sld [smem:$0x3FFE];
	_ =	sdelay $0x1  }
0x8a: {  	s1 =	srdreg.scid  }
0x8b: {  	s0 =	sand.u32 $0x1, s1  }
0x8c: {  	s17 =	sshll.u32 s0, $0xA;
	s2 =	sadd.s32 s3, s2  }
0x8d: {  	s2 =	sadd.s32 s2, s17  }
0x8e: {  	[smem:$0x3FC0] =	sst s2  }
0x8f: {  	_ = 	snop  }
0x90: {  	s2 =	sld [smem:$0x3FD0];
	(tm) =	ssettm $0x1  }
0x91: {  	s18 =	sld [smem:$0x3FFB];
	_ =	sdelay $0x3  }
0x92: {  	_ =	strace s18  }
0x93: {  	s3 =	sld [smem:$0x3FFC];
	_ =	sdelay $0x3  }
0x94: {  	_ =	strace s3  }
0x95: {  	s3 =	sld [smem:$0x3FFD];
	_ =	sdelay $0x3  }
0x96: {  	_ =	strace s3  }
0x97: {  	_ =	strace $0x8FFFFFFF  }
0x98: {  	s19 =	sld [smem:$0x3FDB];
	_ =	sdelay $0x1  }
0x99: {  	s4 =	simm.s32 $_scs_section_size  }
0x9a: {  	s5 =	simm.s32 $_size__tile_overlayer_lowered;
	s6 =	simm.s32 $_tile_overlayer_lowered  }
0x9b: {  	s22 =	simm.s32 $0x1BFF;
	s21 =	sshll.u32 s6, $0x1;
	s3 =	sadd.s32 s4, s19  }
0x9c: {  	s7 =	simm.s32 $0x0;
	s20 =	sshll.u32 s5, $0x1;
	s5 =	sadd.s32 s21, s3  }
0x9d: {  	[timem:s7], [sflag:s22] =	dma.local [hbm:s5], s20  }
0x9e: {  	_ =	swait.ge [sflag:s22], s20  }
0x9f: {  	s4 =	ssub.s32 $0x0, s20;
	[sflag:s22] =	ssyncset.done $0x0  }
0xa0: {  	[sflag:s22] =	ssyncadd.s32 s4;
	_ =	sdelay $0x1  }
0xa1: {  	s23 =	simm.s32 $0x1B8B  }
0xa2: {  	_ =	swait.ge [sflag:s23], $0x1  }
0xa3: {  	[sflag:s23] =	ssyncset.done $0x0  }
0xa4: {  	s25 =	simm.s32 $0x1B8E;
	s24 =	sld [smem:$0x3FFE];
	[sflag:s23] =	ssyncadd.s32 $0xFFFFFFFF  }
0xa5: {  	s26 =	simm.s32 $execute0_lowered;
	[smem:$0x3FD2] =	sst s25  }
0xa6: {  	s5 =	sshll.u32 s26, $0x1;
	_ =	strace $0x80000049;
	[dreg:$0x1] =	wrdreg $0xFFFFFFFF  }
0xa7: {  	s28 =	simm.s32 $_size_execute0_lowered;
	s3 =	sadd.s32 s3, s5;
	[dreg:$0x0] =	wrdreg $0x0  }
0xa8: {  	s5 =	sshll.u32 s28, $0x1;
	[dreg:$0x2] =	wrdreg s3  }
0xa9: {  	[dreg:$0x3] =	wrdreg s5  }
0xaa: {  	[dreg:$0x4] =	wrdreg $0xC0  }
0xab: {  	_ =	task [dreg:s7], $0x5FFFF  }
0xac: {  	[dreg:$0x1] =	wrdreg $0xFFFFFFFF  }
0xad: {  	[dreg:$0x0] =	wrdreg $0x60  }
0xae: {  	[dreg:$0x2] =	wrdreg s2  }
0xaf: {  	[dreg:$0x3] =	wrdreg s24  }
0xb0: {  	[dreg:$0x4] =	wrdreg $0x9  }
0xb1: {  	_ =	task.clear_ibuf [dreg:s7], $0x5FFFF;
	_ =	strace $0x90000049  }
0xb2: {  	s29 =	simm.s32 $0x9;
	_ =	strace $0x8000004B  }
0xb3: {  	_ =	swait.ge [sflag:s29], $0x1  }
0xb4: {  	[sflag:s29] =	ssyncadd.s32 $0xFFFFFFFF  }
0xb5: {  	_ =	strace $0x9000004B  }
0xb6: {  	_ =	sfence  }
0xb7: {  	s30 =	sld [smem:$0x0];
	_ =	sdelay $0x2  }
0xb8: {  	s31 =	sshll.u32 s1, $0xD;
	s1 =	sshrl.u32 s1, $0x2  }
0xb9: {  	s3 =	sand.u32 $0x4000, s31;
	s1 =	sadd.s32 s1, s30  }
0xba: {  	s0 =	sor.u32 s3, s0;
	s1 =	sshll.u32 s1, $0x11  }
0xbb: {  	s0 =	sor.u32 s1, s0  }
0xbc: {  	s0 =	sadd.s32 $0x8F2B, s0  }
0xbd: {  	[sflag:s0] =	ssyncadd.remote.s32 $0x1  }
0xbe: {  	_ =	sfence.sel $0xFFFF  }
0xbf: {  	[dreg:$0x0] =	wrdreg $0xFFFFFFFF;
	(pc) =	sbr.abs _section_cstart, $3  }
0xc0: {  	[dreg:$0x1] =	wrdreg $0xFFFFFFFF  }
0xc1: {  	_ =	task.clear_ibuf [dreg:s7], $0x2FFFF;
	_ =	strace $0x9FFFFFFF  }
0xc2: {  	(tm) =	ssettm $0x7FFFFFFF  }
0xc3: {  	_ =	shalt  }
tec
execute0_lowered:
.L_overlay_start_1:
0x0: {  	(tag) =	ssettag $0x1  }
0x1: {  	s2 =	rddreg [dreg:$0x0]  }
0x2: {  	s0 =	rddreg [dreg:$0x1];
	s1 =	srdreg.scid  }
0x3: {  	s5 =	stileid.u32;
	s3 =	simm.s32 $0x0;
	s28 =	simm.s32 $0xC700  }
0x4: {  	s30 =	simm.s32 $0xEF00;
	s31 =	simm.s32 $0x3;
	s29 =	simm.s32 $0x5  }
0x5: {  	s1 =	sand.u32 $0x1, s1;
	s4 =	sshll.u32 s5, $0x1;
	s16 =	sshrl.u32 s5, $0x2  }
0x6: {  	[smem:$0x7FF] =	sst s3;
	s5 =	sadd.s32 $0x2C8600, s0;
	s7 =	sor.u32 s1, s4  }
0x7: {  	s6 =	smul.u32 $0x14000, s16;
	_ =	strace $0x8000004A;
	s4 =	sadd.s32 $0x17400, s0  }
0x8: {  	s1 =	ssub.s32 $0x2, s1;
	s16 =	simm.s32 $0x9;
	s18 =	smul.u32 $0x2710, s7  }
0x9: {  	s17 =	sshll.u32 s7, $0x7;
	s19 =	sshrl.u32 s1, $0x1;
	s10 =	smul.u32 $0x98800, s7  }
0xa: {  	s8 =	sand.u32 $0x380, s17;
	s1 =	ssub.s32 s1, s19;
	s17 =	simm.s32 $0x50  }
0xb: {  	s19 =	simm.s32 $0x4F00;
	s6 =	sor.u32 s6, s8;
	s8 =	sshrl.u32 s18, $0x3  }
0xc: {  	s20 =	sshrl.u32 s10, $0x3;
	s26 =	smax.u32 s1, $0x1;
	s10 =	simm.s32 $0x1380  }
0xd: {  	s18 =	simm.s32 $0x2700;
	s1 =	simm.s32 $0x7;
	s6 =	sshrl.u32 s6, $0x3  }
0xe: {  	s22 =	sadd.s32 s5, s20;
	[dreg:$0xa] =	wrdreg s26;
	s20 =	simm.s32 $0x7700  }
0xf: {  	s26 =	simm.s32 $0x8;
	s9 =	sadd.s32 s6, s0;
	s6 =	smul.u32 $0x1310, s7  }
0x10: {  	s0 =	sadd.s32 s0, s8;
	s7 =	smul.u32 $0x13100, s7;
	s23 =	sadd.s32 $0x500, s22  }
0x11: {  	s24 =	sadd.s32 $0x12700, s22;
	s21 =	sadd.s32 $0xD880, s0;
	[dreg:$0x6] =	wrdreg s23  }
0x12: {  	s0 =	sadd.s32 $0x3A80, s0;
	[dreg:$0x7] =	wrdreg s24;
	s25 =	sadd.s32 $0x52A600, s9  }
0x13: {  	s9 =	simm.s32 $0xA;
	s23 =	simm.s32 $0x1;
	[dreg:$0x3] =	wrdreg s21  }
0x14: {  	s24 =	simm.s32 $0x2;
	[dreg:$0x4] =	wrdreg s0;
	s7 =	sadd.s32 s5, s7  }
0x15: {  	s0 =	sadd.s32 $0x12C00, s22;
	[dreg:$0x9] =	wrdreg s25;
	s22 =	simm.s32 $0x9F00  }
0x16: {  	s25 =	simm.s32 $0x11700;
	s21 =	simm.s32 $0x6;
	[dreg:$0x5] =	wrdreg s7  }
0x17: {  	v0 =	vimm.f32 $0.0e+00;
	v1 =	vimm.f32 $1.000000000e+00;
	[dreg:$0x8] =	wrdreg s0;
	s0 =	simm.s32 $0x4;
	s7 =	simm.s32 $0x0  }
.LBB2_1:
0x18: {  	s8 =	rddreg [dreg:$0x3]  }
0x19: {  	[tilespmem:s3], [sflag:$0xA] =	stream.linear.gather [hbm4b:s8+s3], $0x1310, $0x38;
	[tilespmem:$0x13F00] =	vst v63  }
0x1a: {  	_ =	swait.ge [sflag:s9], $0x1310  }
0x1b: {  	[sflag:s9] =	ssyncset.done $0x0  }
0x1c: {  	s15 =	rddreg [dreg:$0x4];
	[sflag:s9] =	ssyncadd.s32 $0xFFFFECF0  }
0x1d: {  	[tilespmem:s10], [sflag:$0xA] =	stream.linear.gather [hbm4b:s15+s3], $0x1310, $0x38;
	[tilespmem:$0x13F00] =	vst v63  }
0x1e: {  	_ =	swait.ge [sflag:s9], $0x1310  }
0x1f: {  	[sflag:s9] =	ssyncset.done $0x0  }
0x20: {  	s8 =	simm.s32 $0x40;
	[sflag:s9] =	ssyncadd.s32 $0xFFFFECF0;
	s9 =	simm.s32 $0x0  }
.LBB2_2:
0x21: {  	p0 =	sne.s32 s8, $0x9FC0;
	[tilespmem:s9+$0x11700] =	vst v0;
	s9 =	smov.u32 s8;
	s8 =	sadd.s32 $0x40, s8  }
.Ltmp0:
0x22: {  	(pc) =	sbr.rel @p0 .LBB2_2-.Ltmp0, $2  }
0x23: {  	_ =	sdelay $0x2  }
0x24: {  	s9 =	sshra.s32 s9, $0x2  }
0x25: {  	[tilespmem:s9+$0x11700] =	vst v0;
	s8 =	simm.s32 $0x0  }
0x26: {  	[tilespmem:s18], [sflag:$0x1] =	stream.indirect.gather [hbm4b:s2+s17], $0x80, s8, s17, $0xb8;
	[tilespmem:$0x13F00] =	vst v63  }
0x27: {  	_ = 	snop  }
0x28: {  	[tilespmem:s19], [sflag:$0x2] =	stream.indirect.gather [hbm4b:s4+s17], $0x80, s10, s17, $0xb8;
	[tilespmem:$0x13F00] =	vst v63  }
0x29: {  	_ = 	snop  }
0x2a: {  	[tilespmem:s20], [sflag:$0x3] =	stream.indirect.gather [hbm4b:s2+s17], $0x80, s17, s17, $0xb8;
	[tilespmem:$0x13F00] =	vst v63  }
0x2b: {  	s15 =	simm.s32 $0x13D0  }
0x2c: {  	[tilespmem:s22], [sflag:$0x4] =	stream.indirect.gather [hbm4b:s4+s17], $0x80, s15, s17, $0xb8;
	[tilespmem:$0x13F00] =	vst v63  }
0x2d: {  	_ =	swait.ge [sflag:s23], $0x2800  }
0x2e: {  	[sflag:s23] =	ssyncset.done $0x0  }
0x2f: {  	[sflag:s23] =	ssyncadd.s32 $0xFFFFD800  }
0x30: {  	_ =	swait.ge [sflag:s24], $0x2800  }
0x31: {  	[sflag:s24] =	ssyncset.done $0x0  }
0x32: {  	s8 =	simm.s32 $0x0;
	[sflag:s24] =	ssyncadd.s32 $0xFFFFD800  }
0x33: {  	v9 =	vld [tilespmem:s8+$0x4F00]  }
0x34: {  	v13 =	vld [tilespmem:s8+$0x4F10]  }
0x35: {  	v7 =	vld [tilespmem:s8+$0x4F20]  }
0x36: {  	v6 =	vld [tilespmem:s8+$0x4F30]  }
0x37: {  	v5 =	vld [tilespmem:s8+$0x4F40]  }
0x38: {  	v4 =	vld [tilespmem:s8+$0x4F50]  }
0x39: {  	v3 =	vld [tilespmem:s8+$0x4F60]  }
0x3a: {  	v2 =	vld [tilespmem:s8+$0x4F70]  }
0x3b: {  	v14 =	vld [tilespmem:s8+$0x2700]  }
0x3c: {  	v15 =	vld [tilespmem:s8+$0x2710]  }
0x3d: {  	v12 =	vld [tilespmem:s8+$0x2720]  }
0x3e: {  	v11 =	vld [tilespmem:s8+$0x2730]  }
0x3f: {  	v10 =	vld [tilespmem:s8+$0x2740]  }
0x40: {  	v8 =	vld [tilespmem:s8+$0x2750];
	v14 =	vadd.f32 v9, v14  }
0x41: {  	s9 =	simm.s32 $0x200;
	v13 =	vadd.f32 v13, v15;
	v9 =	vld [tilespmem:s8+$0x2760]  }
.LBB2_4:
0x42: {  	s10 =	sshra.s32 s9, $0x2;
	p0 =	sne.s32 s9, $0x9E00;
	[tilespmem:s8+$0x2700] =	vst v14;
	v7 =	vadd.f32 v7, v12;
	v12 =	vld [tilespmem:s8+$0x2770]  }
0x43: {  	v14 =	vld [tilespmem:s10+$0x4F00];
	[tilespmem:s8+$0x2710] =	vst v13;
	v6 =	vadd.f32 v6, v11  }
0x44: {  	v13 =	vld [tilespmem:s10+$0x4F10];
	[tilespmem:s8+$0x2720] =	vst v7;
	v5 =	vadd.f32 v5, v10  }
0x45: {  	v7 =	vld [tilespmem:s10+$0x4F20];
	[tilespmem:s8+$0x2730] =	vst v6;
	v4 =	vadd.f32 v4, v8  }
0x46: {  	v6 =	vld [tilespmem:s10+$0x4F30];
	[tilespmem:s8+$0x2740] =	vst v5;
	v3 =	vadd.f32 v3, v9  }
0x47: {  	v5 =	vld [tilespmem:s10+$0x4F40];
	[tilespmem:s8+$0x2750] =	vst v4;
	v2 =	vadd.f32 v2, v12  }
0x48: {  	v4 =	vld [tilespmem:s10+$0x4F50];
	[tilespmem:s8+$0x2760] =	vst v3  }
0x49: {  	v3 =	vld [tilespmem:s10+$0x4F60];
	[tilespmem:s8+$0x2770] =	vst v2;
	s8 =	smov.u32 s10  }
0x4a: {  	v2 =	vld [tilespmem:s8+$0x4F70]  }
0x4b: {  	v8 =	vld [tilespmem:s8+$0x2700]  }
0x4c: {  	v9 =	vld [tilespmem:s8+$0x2710]  }
.Ltmp1:
0x4d: {  	v12 =	vld [tilespmem:s8+$0x2720];
	(pc) =	sbr.rel @p0 .LBB2_4-.Ltmp1, $4  }
0x4e: {  	v11 =	vld [tilespmem:s8+$0x2730]  }
0x4f: {  	v10 =	vld [tilespmem:s8+$0x2740]  }
0x50: {  	v14 =	vadd.f32 v14, v8;
	v8 =	vld [tilespmem:s8+$0x2750]  }
0x51: {  	s9 =	sadd.s32 $0x200, s9;
	v13 =	vadd.f32 v13, v9;
	v9 =	vld [tilespmem:s8+$0x2760]  }
0x52: {  	[tilespmem:s8+$0x2700] =	vst v14;
	v7 =	vadd.f32 v7, v12;
	v12 =	vld [tilespmem:s8+$0x2770]  }
0x53: {  	[tilespmem:s8+$0x2710] =	vst v13;
	v6 =	vadd.f32 v6, v11  }
0x54: {  	[tilespmem:s8+$0x2720] =	vst v7;
	v5 =	vadd.f32 v5, v10  }
0x55: {  	[tilespmem:s8+$0x2730] =	vst v6;
	v4 =	vadd.f32 v4, v8  }
0x56: {  	[tilespmem:s8+$0x2740] =	vst v5;
	v3 =	vadd.f32 v3, v9  }
0x57: {  	[tilespmem:s8+$0x2750] =	vst v4;
	v2 =	vadd.f32 v2, v12  }
0x58: {  	[tilespmem:s8+$0x2760] =	vst v3  }
0x59: {  	[tilespmem:s8+$0x2770] =	vst v2  }
0x5a: {  	v2 =	vld [tilespmem:$0x0];
	_ =	sdelay $0x7  }
0x5b: {  	[tilespmem:v2+s25+$0x0] =	vst.idx.add.f32.msk $0xffff, v1  }
0x5c: {  	v2 =	vld [tilespmem:$0x10];
	_ =	sdelay $0x7  }
0x5d: {  	[tilespmem:v2+s25+$0x0] =	vst.idx.add.f32.msk $0xffff, v1  }
0x5e: {  	v2 =	vld [tilespmem:$0x20];
	_ =	sdelay $0x7  }
0x5f: {  	[tilespmem:v2+s25+$0x0] =	vst.idx.add.f32.msk $0xffff, v1  }
0x60: {  	v2 =	vld [tilespmem:$0x30];
	_ =	sdelay $0x7  }
0x61: {  	[tilespmem:v2+s25+$0x0] =	vst.idx.add.f32.msk $0xffff, v1  }
0x62: {  	v2 =	vld [tilespmem:$0x40];
	_ =	sdelay $0x7  }
0x63: {  	s13 =	simm.s32 $0x0;
	s9 =	rddreg [dreg:$0x5];
	[tilespmem:v2+s25+$0x0] =	vst.idx.add.f32.msk $0xffff, v1  }
0x64: {  	[hbm4b:s9+s13] =	stream.linear.scatter [tilespmem:s18], [sflag:$0x7], $0x2800, $0x38;
	[tilespmem:$0x13F00] =	vst v63  }
0x65: {  	s14 =	simm.s32 $0xA0  }
0x66: {  	[tilespmem:s28], [sflag:$0x5] =	stream.indirect.gather [hbm4b:s2+s17], $0x80, s14, s17, $0xb8;
	[tilespmem:$0x13F00] =	vst v63  }
0x67: {  	s15 =	simm.s32 $0x1420  }
0x68: {  	[tilespmem:s30], [sflag:$0x6] =	stream.indirect.gather [hbm4b:s4+s17], $0x80, s15, s17, $0xb8;
	[tilespmem:$0x13F00] =	vst v63  }
0x69: {  	_ =	swait.ge [sflag:s31], $0x2800  }
0x6a: {  	[sflag:s31] =	ssyncset.done $0x0  }
0x6b: {  	[sflag:s31] =	ssyncadd.s32 $0xFFFFD800  }
0x6c: {  	_ =	swait.ge [sflag:s0], $0x2800  }
0x6d: {  	[sflag:s0] =	ssyncset.done $0x0  }
0x6e: {  	s8 =	simm.s32 $0x0;
	[sflag:s0] =	ssyncadd.s32 $0xFFFFD800  }
0x6f: {  	v9 =	vld [tilespmem:s8+$0x9F00]  }
0x70: {  	v13 =	vld [tilespmem:s8+$0x9F10]  }
0x71: {  	v7 =	vld [tilespmem:s8+$0x9F20]  }
0x72: {  	v6 =	vld [tilespmem:s8+$0x9F30]  }
0x73: {  	v5 =	vld [tilespmem:s8+$0x9F40]  }
0x74: {  	v4 =	vld [tilespmem:s8+$0x9F50]  }
0x75: {  	v3 =	vld [tilespmem:s8+$0x9F60]  }
0x76: {  	v2 =	vld [tilespmem:s8+$0x9F70]  }
0x77: {  	v14 =	vld [tilespmem:s8+$0x7700]  }
0x78: {  	v15 =	vld [tilespmem:s8+$0x7710]  }
0x79: {  	v12 =	vld [tilespmem:s8+$0x7720]  }
0x7a: {  	v11 =	vld [tilespmem:s8+$0x7730]  }
0x7b: {  	v10 =	vld [tilespmem:s8+$0x7740]  }
0x7c: {  	v8 =	vld [tilespmem:s8+$0x7750];
	v14 =	vadd.f32 v9, v14  }
0x7d: {  	s9 =	simm.s32 $0x200;
	v13 =	vadd.f32 v13, v15;
	v9 =	vld [tilespmem:s8+$0x7760]  }
.LBB2_6:
0x7e: {  	s10 =	sshra.s32 s9, $0x2;
	p0 =	sne.s32 s9, $0x9E00;
	[tilespmem:s8+$0x7700] =	vst v14;
	v7 =	vadd.f32 v7, v12;
	v12 =	vld [tilespmem:s8+$0x7770]  }
0x7f: {  	v14 =	vld [tilespmem:s10+$0x9F00];
	[tilespmem:s8+$0x7710] =	vst v13;
	v6 =	vadd.f32 v6, v11  }
0x80: {  	v13 =	vld [tilespmem:s10+$0x9F10];
	[tilespmem:s8+$0x7720] =	vst v7;
	v5 =	vadd.f32 v5, v10  }
0x81: {  	v7 =	vld [tilespmem:s10+$0x9F20];
	[tilespmem:s8+$0x7730] =	vst v6;
	v4 =	vadd.f32 v4, v8  }
0x82: {  	v6 =	vld [tilespmem:s10+$0x9F30];
	[tilespmem:s8+$0x7740] =	vst v5;
	v3 =	vadd.f32 v3, v9  }
0x83: {  	v5 =	vld [tilespmem:s10+$0x9F40];
	[tilespmem:s8+$0x7750] =	vst v4;
	v2 =	vadd.f32 v2, v12  }
0x84: {  	v4 =	vld [tilespmem:s10+$0x9F50];
	[tilespmem:s8+$0x7760] =	vst v3  }
0x85: {  	v3 =	vld [tilespmem:s10+$0x9F60];
	[tilespmem:s8+$0x7770] =	vst v2;
	s8 =	smov.u32 s10  }
0x86: {  	v2 =	vld [tilespmem:s8+$0x9F70]  }
0x87: {  	v8 =	vld [tilespmem:s8+$0x7700]  }
0x88: {  	v9 =	vld [tilespmem:s8+$0x7710]  }
.Ltmp2:
0x89: {  	v12 =	vld [tilespmem:s8+$0x7720];
	(pc) =	sbr.rel @p0 .LBB2_6-.Ltmp2, $4  }
0x8a: {  	v11 =	vld [tilespmem:s8+$0x7730]  }
0x8b: {  	v10 =	vld [tilespmem:s8+$0x7740]  }
0x8c: {  	v14 =	vadd.f32 v14, v8;
	v8 =	vld [tilespmem:s8+$0x7750]  }
0x8d: {  	s9 =	sadd.s32 $0x200, s9;
	v13 =	vadd.f32 v13, v9;
	v9 =	vld [tilespmem:s8+$0x7760]  }
0x8e: {  	[tilespmem:s8+$0x7700] =	vst v14;
	v7 =	vadd.f32 v7, v12;
	v63 =	vld [tilespmem:s8+$0x7770]  }
0x8f: {  	[tilespmem:s8+$0x7710] =	vst v13;
	v6 =	vadd.f32 v6, v11  }
0x90: {  	[tilespmem:s8+$0x7720] =	vst v7;
	v5 =	vadd.f32 v5, v10  }
0x91: {  	[tilespmem:s8+$0x7730] =	vst v6;
	v4 =	vadd.f32 v4, v8  }
0x92: {  	[tilespmem:s8+$0x7740] =	vst v5;
	v3 =	vadd.f32 v3, v9  }
0x93: {  	[tilespmem:s8+$0x7750] =	vst v4;
	v2 =	vadd.f32 v2, v63  }
0x94: {  	[tilespmem:s8+$0x7760] =	vst v3  }
0x95: {  	[tilespmem:s8+$0x7770] =	vst v2  }
0x96: {  	v2 =	vld [tilespmem:$0x50];
	_ =	sdelay $0x7  }
0x97: {  	[tilespmem:v2+s25+$0x0] =	vst.idx.add.f32.msk $0xffff, v1  }
0x98: {  	v2 =	vld [tilespmem:$0x60];
	_ =	sdelay $0x7  }
0x99: {  	[tilespmem:v2+s25+$0x0] =	vst.idx.add.f32.msk $0xffff, v1  }
0x9a: {  	v2 =	vld [tilespmem:$0x70];
	_ =	sdelay $0x7  }
0x9b: {  	[tilespmem:v2+s25+$0x0] =	vst.idx.add.f32.msk $0xffff, v1  }
0x9c: {  	v2 =	vld [tilespmem:$0x80];
	_ =	sdelay $0x7  }
0x9d: {  	[tilespmem:v2+s25+$0x0] =	vst.idx.add.f32.msk $0xffff, v1  }
0x9e: {  	v2 =	vld [tilespmem:$0x90];
	_ =	sdelay $0x7  }
0x9f: {  	s9 =	rddreg [dreg:$0x6];
	s8 =	simm.s32 $0x0;
	[tilespmem:v2+s25+$0x0] =	vst.idx.add.f32.msk $0xffff, v1  }
0xa0: {  	[hbm4b:s9+s8] =	stream.linear.scatter [tilespmem:s20], [sflag:$0x8], $0x2800, $0x38;
	[tilespmem:$0x13F00] =	vst v63  }
0xa1: {  	_ =	swait.ge [sflag:s1], $0x2800  }
0xa2: {  	[sflag:s1] =	ssyncset.done $0x0  }
0xa3: {  	s14 =	simm.s32 $0xF0;
	[sflag:s1] =	ssyncadd.s32 $0xFFFFD800  }
0xa4: {  	[tilespmem:s18], [sflag:$0x1] =	stream.indirect.gather [hbm4b:s2+s17], $0x80, s14, s17, $0xb8;
	[tilespmem:$0x13F00] =	vst v63  }
0xa5: {  	s15 =	simm.s32 $0x1470  }
0xa6: {  	[tilespmem:s19], [sflag:$0x2] =	stream.indirect.gather [hbm4b:s4+s17], $0x80, s15, s17, $0xb8;
	[tilespmem:$0x13F00] =	vst v63  }
.LBB2_8:
0xa7: {  	_ =	swait.ge [sflag:s29], $0x2800  }
0xa8: {  	[sflag:s29] =	ssyncset.done $0x0  }
0xa9: {  	[sflag:s29] =	ssyncadd.s32 $0xFFFFD800  }
0xaa: {  	_ =	swait.ge [sflag:s21], $0x2800  }
0xab: {  	[sflag:s21] =	ssyncset.done $0x0  }
0xac: {  	s10 =	simm.s32 $0x0;
	[sflag:s21] =	ssyncadd.s32 $0xFFFFD800  }
0xad: {  	v9 =	vld [tilespmem:s10+$0xEF00]  }
0xae: {  	v13 =	vld [tilespmem:s10+$0xEF10]  }
0xaf: {  	v7 =	vld [tilespmem:s10+$0xEF20]  }
0xb0: {  	v6 =	vld [tilespmem:s10+$0xEF30]  }
0xb1: {  	v5 =	vld [tilespmem:s10+$0xEF40]  }
0xb2: {  	v4 =	vld [tilespmem:s10+$0xEF50]  }
0xb3: {  	v3 =	vld [tilespmem:s10+$0xEF60]  }
0xb4: {  	v2 =	vld [tilespmem:s10+$0xEF70]  }
0xb5: {  	v14 =	vld [tilespmem:s10+$0xC700]  }
0xb6: {  	v15 =	vld [tilespmem:s10+$0xC710]  }
0xb7: {  	v12 =	vld [tilespmem:s10+$0xC720]  }
0xb8: {  	v11 =	vld [tilespmem:s10+$0xC730]  }
0xb9: {  	v10 =	vld [tilespmem:s10+$0xC740]  }
0xba: {  	v8 =	vld [tilespmem:s10+$0xC750];
	v14 =	vadd.f32 v9, v14  }
0xbb: {  	s9 =	simm.s32 $0x200;
	v13 =	vadd.f32 v13, v15;
	v9 =	vld [tilespmem:s10+$0xC760]  }
.LBB2_9:
0xbc: {  	s11 =	sshra.s32 s9, $0x2;
	p0 =	sne.s32 s9, $0x9E00;
	[tilespmem:s10+$0xC700] =	vst v14;
	v7 =	vadd.f32 v7, v12;
	v12 =	vld [tilespmem:s10+$0xC770]  }
0xbd: {  	v14 =	vld [tilespmem:s11+$0xEF00];
	[tilespmem:s10+$0xC710] =	vst v13;
	v6 =	vadd.f32 v6, v11  }
0xbe: {  	v13 =	vld [tilespmem:s11+$0xEF10];
	[tilespmem:s10+$0xC720] =	vst v7;
	v5 =	vadd.f32 v5, v10  }
0xbf: {  	v7 =	vld [tilespmem:s11+$0xEF20];
	[tilespmem:s10+$0xC730] =	vst v6;
	v4 =	vadd.f32 v4, v8  }
0xc0: {  	v6 =	vld [tilespmem:s11+$0xEF30];
	[tilespmem:s10+$0xC740] =	vst v5;
	v3 =	vadd.f32 v3, v9  }
0xc1: {  	v5 =	vld [tilespmem:s11+$0xEF40];
	[tilespmem:s10+$0xC750] =	vst v4;
	v2 =	vadd.f32 v2, v12  }
0xc2: {  	v4 =	vld [tilespmem:s11+$0xEF50];
	[tilespmem:s10+$0xC760] =	vst v3  }
0xc3: {  	v3 =	vld [tilespmem:s11+$0xEF60];
	[tilespmem:s10+$0xC770] =	vst v2;
	s10 =	smov.u32 s11  }
0xc4: {  	v2 =	vld [tilespmem:s10+$0xEF70]  }
0xc5: {  	v8 =	vld [tilespmem:s10+$0xC700]  }
0xc6: {  	v9 =	vld [tilespmem:s10+$0xC710]  }
.Ltmp3:
0xc7: {  	v12 =	vld [tilespmem:s10+$0xC720];
	(pc) =	sbr.rel @p0 .LBB2_9-.Ltmp3, $4  }
0xc8: {  	v11 =	vld [tilespmem:s10+$0xC730]  }
0xc9: {  	v10 =	vld [tilespmem:s10+$0xC740]  }
0xca: {  	v14 =	vadd.f32 v14, v8;
	v8 =	vld [tilespmem:s10+$0xC750]  }
0xcb: {  	s9 =	sadd.s32 $0x200, s9;
	v13 =	vadd.f32 v13, v9;
	v9 =	vld [tilespmem:s10+$0xC760]  }
0xcc: {  	[tilespmem:s10+$0xC700] =	vst v14;
	v7 =	vadd.f32 v7, v12;
	v12 =	vld [tilespmem:s10+$0xC770]  }
0xcd: {  	[tilespmem:s10+$0xC710] =	vst v13;
	v6 =	vadd.f32 v6, v11  }
0xce: {  	[tilespmem:s10+$0xC720] =	vst v7;
	v5 =	vadd.f32 v5, v10  }
0xcf: {  	[tilespmem:s10+$0xC730] =	vst v6;
	v4 =	vadd.f32 v4, v8  }
0xd0: {  	[tilespmem:s10+$0xC740] =	vst v5;
	v3 =	vadd.f32 v3, v9  }
0xd1: {  	[tilespmem:s10+$0xC750] =	vst v4;
	v2 =	vadd.f32 v2, v12  }
0xd2: {  	s9 =	smul.u32 $0xF0, s8;
	[tilespmem:s10+$0xC760] =	vst v3  }
0xd3: {  	[tilespmem:s10+$0xC770] =	vst v2  }
0xd4: {  	v2 =	vld [tilespmem:s9+$0xA0];
	_ =	sdelay $0x7  }
0xd5: {  	[tilespmem:v2+s25+$0x0] =	vst.idx.add.f32.msk $0xffff, v1  }
0xd6: {  	v2 =	vld [tilespmem:s9+$0xB0];
	_ =	sdelay $0x7  }
0xd7: {  	[tilespmem:v2+s25+$0x0] =	vst.idx.add.f32.msk $0xffff, v1  }
0xd8: {  	v2 =	vld [tilespmem:s9+$0xC0];
	_ =	sdelay $0x7  }
0xd9: {  	[tilespmem:v2+s25+$0x0] =	vst.idx.add.f32.msk $0xffff, v1  }
0xda: {  	v2 =	vld [tilespmem:s9+$0xD0];
	_ =	sdelay $0x7  }
0xdb: {  	[tilespmem:v2+s25+$0x0] =	vst.idx.add.f32.msk $0xffff, v1  }
0xdc: {  	v2 =	vld [tilespmem:s9+$0xE0];
	_ =	sdelay $0x4  }
0xdd: {  	s14 =	sadd.s32 $0xA0, s9  }
0xde: {  	s10 =	sadd.s32 s6, s14  }
0xdf: {  	s10 =	sshll.u32 s10, $0x4  }
0xe0: {  	s11 =	simm.s32 $0x0;
	s10 =	sadd.s32 s5, s10;
	[tilespmem:v2+s25+$0x0] =	vst.idx.add.f32.msk $0xffff, v1  }
0xe1: {  	[hbm4b:s10+s11] =	stream.linear.scatter [tilespmem:s28], [sflag:$0x9], $0x2800, $0x38;
	[tilespmem:$0x13F00] =	vst v63  }
0xe2: {  	_ =	swait.ge [sflag:s26], $0x2800  }
0xe3: {  	[sflag:s26] =	ssyncset.done $0x0  }
0xe4: {  	s10 =	sadd.s32 $0x140, s9;
	[sflag:s26] =	ssyncadd.s32 $0xFFFFD800  }
0xe5: {  	[tilespmem:s20], [sflag:$0x3] =	stream.indirect.gather [hbm4b:s2+s17], $0x80, s10, s17, $0xb8;
	[tilespmem:$0x13F00] =	vst v63  }
0xe6: {  	s15 =	sadd.s32 $0x14C0, s9  }
0xe7: {  	[tilespmem:s22], [sflag:$0x4] =	stream.indirect.gather [hbm4b:s4+s17], $0x80, s15, s17, $0xb8;
	[tilespmem:$0x13F00] =	vst v63  }
0xe8: {  	_ =	swait.ge [sflag:s23], $0x2800  }
0xe9: {  	[sflag:s23] =	ssyncset.done $0x0  }
0xea: {  	[sflag:s23] =	ssyncadd.s32 $0xFFFFD800  }
0xeb: {  	_ =	swait.ge [sflag:s24], $0x2800  }
0xec: {  	[sflag:s24] =	ssyncset.done $0x0  }
0xed: {  	s11 =	simm.s32 $0x0;
	[sflag:s24] =	ssyncadd.s32 $0xFFFFD800  }
0xee: {  	v9 =	vld [tilespmem:s11+$0x4F00]  }
0xef: {  	v13 =	vld [tilespmem:s11+$0x4F10]  }
0xf0: {  	v7 =	vld [tilespmem:s11+$0x4F20]  }
0xf1: {  	v6 =	vld [tilespmem:s11+$0x4F30]  }
0xf2: {  	v5 =	vld [tilespmem:s11+$0x4F40]  }
0xf3: {  	v4 =	vld [tilespmem:s11+$0x4F50]  }
0xf4: {  	v3 =	vld [tilespmem:s11+$0x4F60]  }
0xf5: {  	v2 =	vld [tilespmem:s11+$0x4F70]  }
0xf6: {  	v14 =	vld [tilespmem:s11+$0x2700]  }
0xf7: {  	v15 =	vld [tilespmem:s11+$0x2710]  }
0xf8: {  	v12 =	vld [tilespmem:s11+$0x2720]  }
0xf9: {  	v11 =	vld [tilespmem:s11+$0x2730]  }
0xfa: {  	v10 =	vld [tilespmem:s11+$0x2740]  }
0xfb: {  	v8 =	vld [tilespmem:s11+$0x2750];
	v14 =	vadd.f32 v9, v14  }
0xfc: {  	s12 =	simm.s32 $0x200;
	v13 =	vadd.f32 v13, v15;
	v9 =	vld [tilespmem:s11+$0x2760]  }
.LBB2_11:
0xfd: {  	s13 =	sshra.s32 s12, $0x2;
	p0 =	sne.s32 s12, $0x9E00;
	[tilespmem:s11+$0x2700] =	vst v14;
	v7 =	vadd.f32 v7, v12;
	v12 =	vld [tilespmem:s11+$0x2770]  }
0xfe: {  	v14 =	vld [tilespmem:s13+$0x4F00];
	[tilespmem:s11+$0x2710] =	vst v13;
	v6 =	vadd.f32 v6, v11  }
0xff: {  	v13 =	vld [tilespmem:s13+$0x4F10];
	[tilespmem:s11+$0x2720] =	vst v7;
	v5 =	vadd.f32 v5, v10  }
0x100: {  	v7 =	vld [tilespmem:s13+$0x4F20];
	[tilespmem:s11+$0x2730] =	vst v6;
	v4 =	vadd.f32 v4, v8  }
0x101: {  	v6 =	vld [tilespmem:s13+$0x4F30];
	[tilespmem:s11+$0x2740] =	vst v5;
	v3 =	vadd.f32 v3, v9  }
0x102: {  	v5 =	vld [tilespmem:s13+$0x4F40];
	[tilespmem:s11+$0x2750] =	vst v4;
	v2 =	vadd.f32 v2, v12  }
0x103: {  	v4 =	vld [tilespmem:s13+$0x4F50];
	[tilespmem:s11+$0x2760] =	vst v3  }
0x104: {  	v3 =	vld [tilespmem:s13+$0x4F60];
	[tilespmem:s11+$0x2770] =	vst v2;
	s11 =	smov.u32 s13  }
0x105: {  	v2 =	vld [tilespmem:s11+$0x4F70]  }
0x106: {  	v8 =	vld [tilespmem:s11+$0x2700]  }
0x107: {  	v9 =	vld [tilespmem:s11+$0x2710]  }
.Ltmp4:
0x108: {  	v12 =	vld [tilespmem:s11+$0x2720];
	(pc) =	sbr.rel @p0 .LBB2_11-.Ltmp4, $4  }
0x109: {  	v11 =	vld [tilespmem:s11+$0x2730]  }
0x10a: {  	v10 =	vld [tilespmem:s11+$0x2740]  }
0x10b: {  	v14 =	vadd.f32 v14, v8;
	v8 =	vld [tilespmem:s11+$0x2750]  }
0x10c: {  	s12 =	sadd.s32 $0x200, s12;
	v13 =	vadd.f32 v13, v9;
	v9 =	vld [tilespmem:s11+$0x2760]  }
0x10d: {  	[tilespmem:s11+$0x2700] =	vst v14;
	v7 =	vadd.f32 v7, v12;
	v12 =	vld [tilespmem:s11+$0x2770]  }
0x10e: {  	[tilespmem:s11+$0x2710] =	vst v13;
	v6 =	vadd.f32 v6, v11  }
0x10f: {  	[tilespmem:s11+$0x2720] =	vst v7;
	v5 =	vadd.f32 v5, v10  }
0x110: {  	[tilespmem:s11+$0x2730] =	vst v6;
	v4 =	vadd.f32 v4, v8  }
0x111: {  	[tilespmem:s11+$0x2740] =	vst v5;
	v3 =	vadd.f32 v3, v9  }
0x112: {  	[tilespmem:s11+$0x2750] =	vst v4;
	v2 =	vadd.f32 v2, v12  }
0x113: {  	[tilespmem:s11+$0x2760] =	vst v3  }
0x114: {  	[tilespmem:s11+$0x2770] =	vst v2  }
0x115: {  	v2 =	vld [tilespmem:s9+$0xF0];
	_ =	sdelay $0x6  }
0x116: {  	s12 =	sand.u32 $0x70, s9;
	s11 =	sand.u32 $0x1F80, s9  }
0x117: {  	s13 =	sor.u32 s12, s11;
	[tilespmem:v2+s25+$0x0] =	vst.idx.add.f32.msk $0xffff, v1  }
0x118: {  	v2 =	vld [tilespmem:s13+$0x100];
	_ =	sdelay $0x7  }
0x119: {  	[tilespmem:v2+s25+$0x0] =	vst.idx.add.f32.msk $0xffff, v1  }
0x11a: {  	v2 =	vld [tilespmem:s9+$0x110];
	_ =	sdelay $0x7  }
0x11b: {  	[tilespmem:v2+s25+$0x0] =	vst.idx.add.f32.msk $0xffff, v1  }
0x11c: {  	v2 =	vld [tilespmem:s9+$0x120];
	_ =	sdelay $0x7  }
0x11d: {  	[tilespmem:v2+s25+$0x0] =	vst.idx.add.f32.msk $0xffff, v1  }
0x11e: {  	v2 =	vld [tilespmem:s9+$0x130];
	_ =	sdelay $0x4  }
0x11f: {  	s15 =	sadd.s32 $0xF0, s9  }
0x120: {  	s13 =	sadd.s32 s6, s15  }
0x121: {  	s13 =	sshll.u32 s13, $0x4  }
0x122: {  	s14 =	simm.s32 $0x0;
	s13 =	sadd.s32 s5, s13;
	[tilespmem:v2+s25+$0x0] =	vst.idx.add.f32.msk $0xffff, v1  }
0x123: {  	[hbm4b:s13+s14] =	stream.linear.scatter [tilespmem:s18], [sflag:$0x7], $0x2800, $0x38;
	[tilespmem:$0x13F00] =	vst v63  }
0x124: {  	_ =	swait.ge [sflag:s16], $0x2800  }
0x125: {  	[sflag:s16] =	ssyncset.done $0x0  }
0x126: {  	s14 =	sadd.s32 $0x190, s9;
	[sflag:s16] =	ssyncadd.s32 $0xFFFFD800  }
0x127: {  	[tilespmem:s28], [sflag:$0x5] =	stream.indirect.gather [hbm4b:s2+s17], $0x80, s14, s17, $0xb8;
	[tilespmem:$0x13F00] =	vst v63  }
0x128: {  	s15 =	sadd.s32 $0x1510, s9  }
0x129: {  	[tilespmem:s30], [sflag:$0x6] =	stream.indirect.gather [hbm4b:s4+s17], $0x80, s15, s17, $0xb8;
	[tilespmem:$0x13F00] =	vst v63  }
0x12a: {  	_ =	swait.ge [sflag:s31], $0x2800  }
0x12b: {  	[sflag:s31] =	ssyncset.done $0x0  }
0x12c: {  	[sflag:s31] =	ssyncadd.s32 $0xFFFFD800  }
0x12d: {  	_ =	swait.ge [sflag:s0], $0x2800  }
0x12e: {  	[sflag:s0] =	ssyncset.done $0x0  }
0x12f: {  	s13 =	simm.s32 $0x0;
	[sflag:s0] =	ssyncadd.s32 $0xFFFFD800  }
0x130: {  	v9 =	vld [tilespmem:s13+$0x9F00]  }
0x131: {  	v13 =	vld [tilespmem:s13+$0x9F10]  }
0x132: {  	v7 =	vld [tilespmem:s13+$0x9F20]  }
0x133: {  	v6 =	vld [tilespmem:s13+$0x9F30]  }
0x134: {  	v5 =	vld [tilespmem:s13+$0x9F40]  }
0x135: {  	v4 =	vld [tilespmem:s13+$0x9F50]  }
0x136: {  	v3 =	vld [tilespmem:s13+$0x9F60]  }
0x137: {  	v2 =	vld [tilespmem:s13+$0x9F70]  }
0x138: {  	v14 =	vld [tilespmem:s13+$0x7700]  }
0x139: {  	v15 =	vld [tilespmem:s13+$0x7710]  }
0x13a: {  	v12 =	vld [tilespmem:s13+$0x7720]  }
0x13b: {  	v11 =	vld [tilespmem:s13+$0x7730]  }
0x13c: {  	v10 =	vld [tilespmem:s13+$0x7740]  }
0x13d: {  	v8 =	vld [tilespmem:s13+$0x7750];
	v14 =	vadd.f32 v9, v14  }
0x13e: {  	s14 =	simm.s32 $0x200;
	v13 =	vadd.f32 v13, v15;
	v9 =	vld [tilespmem:s13+$0x7760]  }
.LBB2_13:
0x13f: {  	s15 =	sshra.s32 s14, $0x2;
	p0 =	sne.s32 s14, $0x9E00;
	[tilespmem:s13+$0x7700] =	vst v14;
	v7 =	vadd.f32 v7, v12;
	v12 =	vld [tilespmem:s13+$0x7770]  }
0x140: {  	v14 =	vld [tilespmem:s15+$0x9F00];
	[tilespmem:s13+$0x7710] =	vst v13;
	v6 =	vadd.f32 v6, v11  }
0x141: {  	v13 =	vld [tilespmem:s15+$0x9F10];
	[tilespmem:s13+$0x7720] =	vst v7;
	v5 =	vadd.f32 v5, v10  }
0x142: {  	v7 =	vld [tilespmem:s15+$0x9F20];
	[tilespmem:s13+$0x7730] =	vst v6;
	v4 =	vadd.f32 v4, v8  }
0x143: {  	v6 =	vld [tilespmem:s15+$0x9F30];
	[tilespmem:s13+$0x7740] =	vst v5;
	v3 =	vadd.f32 v3, v9  }
0x144: {  	v5 =	vld [tilespmem:s15+$0x9F40];
	[tilespmem:s13+$0x7750] =	vst v4;
	v2 =	vadd.f32 v2, v12  }
0x145: {  	v4 =	vld [tilespmem:s15+$0x9F50];
	[tilespmem:s13+$0x7760] =	vst v3  }
0x146: {  	v3 =	vld [tilespmem:s15+$0x9F60];
	[tilespmem:s13+$0x7770] =	vst v2;
	s13 =	smov.u32 s15  }
0x147: {  	v2 =	vld [tilespmem:s13+$0x9F70]  }
0x148: {  	v8 =	vld [tilespmem:s13+$0x7700]  }
0x149: {  	v9 =	vld [tilespmem:s13+$0x7710]  }
.Ltmp5:
0x14a: {  	v12 =	vld [tilespmem:s13+$0x7720];
	(pc) =	sbr.rel @p0 .LBB2_13-.Ltmp5, $4  }
0x14b: {  	v11 =	vld [tilespmem:s13+$0x7730]  }
0x14c: {  	v10 =	vld [tilespmem:s13+$0x7740]  }
0x14d: {  	v14 =	vadd.f32 v14, v8;
	v8 =	vld [tilespmem:s13+$0x7750]  }
0x14e: {  	s14 =	sadd.s32 $0x200, s14;
	v13 =	vadd.f32 v13, v9;
	v9 =	vld [tilespmem:s13+$0x7760]  }
0x14f: {  	[tilespmem:s13+$0x7700] =	vst v14;
	v7 =	vadd.f32 v7, v12;
	v63 =	vld [tilespmem:s13+$0x7770]  }
0x150: {  	[tilespmem:s13+$0x7710] =	vst v13;
	v6 =	vadd.f32 v6, v11  }
0x151: {  	[tilespmem:s13+$0x7720] =	vst v7;
	v5 =	vadd.f32 v5, v10  }
0x152: {  	[tilespmem:s13+$0x7730] =	vst v6;
	v4 =	vadd.f32 v4, v8  }
0x153: {  	[tilespmem:s13+$0x7740] =	vst v5;
	v3 =	vadd.f32 v3, v9  }
0x154: {  	[tilespmem:s13+$0x7750] =	vst v4;
	v2 =	vadd.f32 v2, v63  }
0x155: {  	[tilespmem:s13+$0x7760] =	vst v3  }
0x156: {  	[tilespmem:s13+$0x7770] =	vst v2  }
0x157: {  	v2 =	vld [tilespmem:s9+$0x140];
	_ =	sdelay $0x7  }
0x158: {  	[tilespmem:v2+s25+$0x0] =	vst.idx.add.f32.msk $0xffff, v1  }
0x159: {  	v2 =	vld [tilespmem:s9+$0x150];
	_ =	sdelay $0x7  }
0x15a: {  	[tilespmem:v2+s25+$0x0] =	vst.idx.add.f32.msk $0xffff, v1  }
0x15b: {  	v2 =	vld [tilespmem:s9+$0x160];
	_ =	sdelay $0x7  }
0x15c: {  	[tilespmem:v2+s25+$0x0] =	vst.idx.add.f32.msk $0xffff, v1  }
0x15d: {  	v2 =	vld [tilespmem:s9+$0x170];
	_ =	sdelay $0x7  }
0x15e: {  	s11 =	sadd.s32 s12, s11;
	[tilespmem:v2+s25+$0x0] =	vst.idx.add.f32.msk $0xffff, v1  }
0x15f: {  	v2 =	vld [tilespmem:s11+$0x180];
	_ =	sdelay $0x5  }
0x160: {  	s10 =	sadd.s32 s6, s10  }
0x161: {  	s10 =	sshll.u32 s10, $0x4  }
0x162: {  	s8 =	sadd.s32 $0x1, s8;
	s10 =	sadd.s32 s5, s10;
	[tilespmem:v2+s25+$0x0] =	vst.idx.add.f32.msk $0xffff, v1  }
0x163: {  	[hbm4b:s10+s3] =	stream.linear.scatter [tilespmem:s20], [sflag:$0x8], $0x2800, $0x38;
	[tilespmem:$0x13F00] =	vst v63  }
0x164: {  	p0 =	sne.s32 s8, $0x13;
	_ =	swait.ge [sflag:s1], $0x2800  }
.Ltmp6:
0x165: {  	[sflag:s1] =	ssyncset.done $0x0;
	(pc) =	sbr.rel @p0 .LBB2_8-.Ltmp6, $4  }
0x166: {  	s14 =	sadd.s32 $0x1E0, s9;
	[sflag:s1] =	ssyncadd.s32 $0xFFFFD800  }
0x167: {  	[tilespmem:s18], [sflag:$0x1] =	stream.indirect.gather [hbm4b:s2+s17], $0x80, s14, s17, $0xb8;
	[tilespmem:$0x13F00] =	vst v63  }
0x168: {  	s15 =	sadd.s32 $0x1560, s9  }
0x169: {  	[tilespmem:s19], [sflag:$0x2] =	stream.indirect.gather [hbm4b:s4+s17], $0x80, s15, s17, $0xb8;
	[tilespmem:$0x13F00] =	vst v63  }
0x16a: {  	_ =	swait.ge [sflag:s29], $0x2800  }
0x16b: {  	[sflag:s29] =	ssyncset.done $0x0  }
0x16c: {  	[sflag:s29] =	ssyncadd.s32 $0xFFFFD800  }
0x16d: {  	_ =	swait.ge [sflag:s21], $0x2800  }
0x16e: {  	[sflag:s21] =	ssyncset.done $0x0  }
0x16f: {  	s8 =	simm.s32 $0x0;
	[sflag:s21] =	ssyncadd.s32 $0xFFFFD800  }
0x170: {  	v9 =	vld [tilespmem:s8+$0xEF00]  }
0x171: {  	v13 =	vld [tilespmem:s8+$0xEF10]  }
0x172: {  	v7 =	vld [tilespmem:s8+$0xEF20]  }
0x173: {  	v6 =	vld [tilespmem:s8+$0xEF30]  }
0x174: {  	v5 =	vld [tilespmem:s8+$0xEF40]  }
0x175: {  	v4 =	vld [tilespmem:s8+$0xEF50]  }
0x176: {  	v3 =	vld [tilespmem:s8+$0xEF60]  }
0x177: {  	v2 =	vld [tilespmem:s8+$0xEF70]  }
0x178: {  	v14 =	vld [tilespmem:s8+$0xC700]  }
0x179: {  	v15 =	vld [tilespmem:s8+$0xC710]  }
0x17a: {  	v12 =	vld [tilespmem:s8+$0xC720]  }
0x17b: {  	v11 =	vld [tilespmem:s8+$0xC730]  }
0x17c: {  	v10 =	vld [tilespmem:s8+$0xC740]  }
0x17d: {  	v8 =	vld [tilespmem:s8+$0xC750];
	v14 =	vadd.f32 v9, v14  }
0x17e: {  	s9 =	simm.s32 $0x200;
	v13 =	vadd.f32 v13, v15;
	v9 =	vld [tilespmem:s8+$0xC760]  }
.LBB2_16:
0x17f: {  	s10 =	sshra.s32 s9, $0x2;
	p0 =	sne.s32 s9, $0x9E00;
	[tilespmem:s8+$0xC700] =	vst v14;
	v7 =	vadd.f32 v7, v12;
	v12 =	vld [tilespmem:s8+$0xC770]  }
0x180: {  	v14 =	vld [tilespmem:s10+$0xEF00];
	[tilespmem:s8+$0xC710] =	vst v13;
	v6 =	vadd.f32 v6, v11  }
0x181: {  	v13 =	vld [tilespmem:s10+$0xEF10];
	[tilespmem:s8+$0xC720] =	vst v7;
	v5 =	vadd.f32 v5, v10  }
0x182: {  	v7 =	vld [tilespmem:s10+$0xEF20];
	[tilespmem:s8+$0xC730] =	vst v6;
	v4 =	vadd.f32 v4, v8  }
0x183: {  	v6 =	vld [tilespmem:s10+$0xEF30];
	[tilespmem:s8+$0xC740] =	vst v5;
	v3 =	vadd.f32 v3, v9  }
0x184: {  	v5 =	vld [tilespmem:s10+$0xEF40];
	[tilespmem:s8+$0xC750] =	vst v4;
	v2 =	vadd.f32 v2, v12  }
0x185: {  	v4 =	vld [tilespmem:s10+$0xEF50];
	[tilespmem:s8+$0xC760] =	vst v3  }
0x186: {  	v3 =	vld [tilespmem:s10+$0xEF60];
	[tilespmem:s8+$0xC770] =	vst v2;
	s8 =	smov.u32 s10  }
0x187: {  	v2 =	vld [tilespmem:s8+$0xEF70]  }
0x188: {  	v8 =	vld [tilespmem:s8+$0xC700]  }
0x189: {  	v9 =	vld [tilespmem:s8+$0xC710]  }
.Ltmp7:
0x18a: {  	v12 =	vld [tilespmem:s8+$0xC720];
	(pc) =	sbr.rel @p0 .LBB2_16-.Ltmp7, $4  }
0x18b: {  	v11 =	vld [tilespmem:s8+$0xC730]  }
0x18c: {  	v10 =	vld [tilespmem:s8+$0xC740]  }
0x18d: {  	v14 =	vadd.f32 v14, v8;
	v8 =	vld [tilespmem:s8+$0xC750]  }
0x18e: {  	s9 =	sadd.s32 $0x200, s9;
	v13 =	vadd.f32 v13, v9;
	v9 =	vld [tilespmem:s8+$0xC760]  }
0x18f: {  	[tilespmem:s8+$0xC700] =	vst v14;
	v7 =	vadd.f32 v7, v12;
	v12 =	vld [tilespmem:s8+$0xC770]  }
0x190: {  	[tilespmem:s8+$0xC710] =	vst v13;
	v6 =	vadd.f32 v6, v11  }
0x191: {  	[tilespmem:s8+$0xC720] =	vst v7;
	v5 =	vadd.f32 v5, v10  }
0x192: {  	[tilespmem:s8+$0xC730] =	vst v6;
	v4 =	vadd.f32 v4, v8  }
0x193: {  	[tilespmem:s8+$0xC740] =	vst v5;
	v3 =	vadd.f32 v3, v9  }
0x194: {  	[tilespmem:s8+$0xC750] =	vst v4;
	v2 =	vadd.f32 v2, v12  }
0x195: {  	[tilespmem:s8+$0xC760] =	vst v3  }
0x196: {  	[tilespmem:s8+$0xC770] =	vst v2  }
0x197: {  	v2 =	vld [tilespmem:$0x1270];
	_ =	sdelay $0x7  }
0x198: {  	[tilespmem:v2+s25+$0x0] =	vst.idx.add.f32.msk $0xffff, v1  }
0x199: {  	v2 =	vld [tilespmem:$0x1280];
	_ =	sdelay $0x7  }
0x19a: {  	[tilespmem:v2+s25+$0x0] =	vst.idx.add.f32.msk $0xffff, v1  }
0x19b: {  	v2 =	vld [tilespmem:$0x1290];
	_ =	sdelay $0x7  }
0x19c: {  	[tilespmem:v2+s25+$0x0] =	vst.idx.add.f32.msk $0xffff, v1  }
0x19d: {  	v2 =	vld [tilespmem:$0x12A0];
	_ =	sdelay $0x7  }
0x19e: {  	[tilespmem:v2+s25+$0x0] =	vst.idx.add.f32.msk $0xffff, v1  }
0x19f: {  	v2 =	vld [tilespmem:$0x12B0];
	_ =	sdelay $0x7  }
0x1a0: {  	s15 =	simm.s32 $0x0;
	s9 =	rddreg [dreg:$0x7];
	[tilespmem:v2+s25+$0x0] =	vst.idx.add.f32.msk $0xffff, v1  }
0x1a1: {  	[hbm4b:s9+s15] =	stream.linear.scatter [tilespmem:s28], [sflag:$0x9], $0x2800, $0x38;
	[tilespmem:$0x13F00] =	vst v63  }
0x1a2: {  	_ =	swait.ge [sflag:s23], $0x2800  }
0x1a3: {  	[sflag:s23] =	ssyncset.done $0x0  }
0x1a4: {  	[sflag:s23] =	ssyncadd.s32 $0xFFFFD800  }
0x1a5: {  	_ =	swait.ge [sflag:s24], $0x2800  }
0x1a6: {  	[sflag:s24] =	ssyncset.done $0x0  }
0x1a7: {  	s8 =	simm.s32 $0x0;
	[sflag:s24] =	ssyncadd.s32 $0xFFFFD800  }
0x1a8: {  	v9 =	vld [tilespmem:s8+$0x4F00]  }
0x1a9: {  	v13 =	vld [tilespmem:s8+$0x4F10]  }
0x1aa: {  	v7 =	vld [tilespmem:s8+$0x4F20]  }
0x1ab: {  	v6 =	vld [tilespmem:s8+$0x4F30]  }
0x1ac: {  	v5 =	vld [tilespmem:s8+$0x4F40]  }
0x1ad: {  	v4 =	vld [tilespmem:s8+$0x4F50]  }
0x1ae: {  	v3 =	vld [tilespmem:s8+$0x4F60]  }
0x1af: {  	v2 =	vld [tilespmem:s8+$0x4F70]  }
0x1b0: {  	v14 =	vld [tilespmem:s8+$0x2700]  }
0x1b1: {  	v15 =	vld [tilespmem:s8+$0x2710]  }
0x1b2: {  	v12 =	vld [tilespmem:s8+$0x2720]  }
0x1b3: {  	v11 =	vld [tilespmem:s8+$0x2730]  }
0x1b4: {  	v10 =	vld [tilespmem:s8+$0x2740]  }
0x1b5: {  	v8 =	vld [tilespmem:s8+$0x2750];
	v14 =	vadd.f32 v9, v14  }
0x1b6: {  	s9 =	simm.s32 $0x200;
	v13 =	vadd.f32 v13, v15;
	v9 =	vld [tilespmem:s8+$0x2760]  }
.LBB2_18:
0x1b7: {  	s10 =	sshra.s32 s9, $0x2;
	p0 =	sne.s32 s9, $0x9E00;
	[tilespmem:s8+$0x2700] =	vst v14;
	v7 =	vadd.f32 v7, v12;
	v12 =	vld [tilespmem:s8+$0x2770]  }
0x1b8: {  	v14 =	vld [tilespmem:s10+$0x4F00];
	[tilespmem:s8+$0x2710] =	vst v13;
	v6 =	vadd.f32 v6, v11  }
0x1b9: {  	v13 =	vld [tilespmem:s10+$0x4F10];
	[tilespmem:s8+$0x2720] =	vst v7;
	v5 =	vadd.f32 v5, v10  }
0x1ba: {  	v7 =	vld [tilespmem:s10+$0x4F20];
	[tilespmem:s8+$0x2730] =	vst v6;
	v4 =	vadd.f32 v4, v8  }
0x1bb: {  	v6 =	vld [tilespmem:s10+$0x4F30];
	[tilespmem:s8+$0x2740] =	vst v5;
	v3 =	vadd.f32 v3, v9  }
0x1bc: {  	v5 =	vld [tilespmem:s10+$0x4F40];
	[tilespmem:s8+$0x2750] =	vst v4;
	v2 =	vadd.f32 v2, v12  }
0x1bd: {  	v4 =	vld [tilespmem:s10+$0x4F50];
	[tilespmem:s8+$0x2760] =	vst v3  }
0x1be: {  	v3 =	vld [tilespmem:s10+$0x4F60];
	[tilespmem:s8+$0x2770] =	vst v2;
	s8 =	smov.u32 s10  }
0x1bf: {  	v2 =	vld [tilespmem:s8+$0x4F70]  }
0x1c0: {  	v8 =	vld [tilespmem:s8+$0x2700]  }
0x1c1: {  	v9 =	vld [tilespmem:s8+$0x2710]  }
.Ltmp8:
0x1c2: {  	v12 =	vld [tilespmem:s8+$0x2720];
	(pc) =	sbr.rel @p0 .LBB2_18-.Ltmp8, $4  }
0x1c3: {  	v11 =	vld [tilespmem:s8+$0x2730]  }
0x1c4: {  	v10 =	vld [tilespmem:s8+$0x2740]  }
0x1c5: {  	v14 =	vadd.f32 v14, v8;
	v8 =	vld [tilespmem:s8+$0x2750]  }
0x1c6: {  	s9 =	sadd.s32 $0x200, s9;
	v13 =	vadd.f32 v13, v9;
	v9 =	vld [tilespmem:s8+$0x2760]  }
0x1c7: {  	[tilespmem:s8+$0x2700] =	vst v14;
	v7 =	vadd.f32 v7, v12;
	v63 =	vld [tilespmem:s8+$0x2770]  }
0x1c8: {  	[tilespmem:s8+$0x2710] =	vst v13;
	v6 =	vadd.f32 v6, v11  }
0x1c9: {  	[tilespmem:s8+$0x2720] =	vst v7;
	v5 =	vadd.f32 v5, v10  }
0x1ca: {  	[tilespmem:s8+$0x2730] =	vst v6;
	v4 =	vadd.f32 v4, v8  }
0x1cb: {  	[tilespmem:s8+$0x2740] =	vst v5;
	v3 =	vadd.f32 v3, v9  }
0x1cc: {  	[tilespmem:s8+$0x2750] =	vst v4;
	v2 =	vadd.f32 v2, v63  }
0x1cd: {  	[tilespmem:s8+$0x2760] =	vst v3  }
0x1ce: {  	[tilespmem:s8+$0x2770] =	vst v2  }
0x1cf: {  	v2 =	vld [tilespmem:$0x12C0];
	_ =	sdelay $0x7  }
0x1d0: {  	[tilespmem:v2+s25+$0x0] =	vst.idx.add.f32.msk $0xffff, v1  }
0x1d1: {  	v2 =	vld [tilespmem:$0x12D0];
	_ =	sdelay $0x7  }
0x1d2: {  	[tilespmem:v2+s25+$0x0] =	vst.idx.add.f32.msk $0xffff, v1  }
0x1d3: {  	v2 =	vld [tilespmem:$0x12E0];
	_ =	sdelay $0x7  }
0x1d4: {  	[tilespmem:v2+s25+$0x0] =	vst.idx.add.f32.msk $0xffff, v1  }
0x1d5: {  	v2 =	vld [tilespmem:$0x12F0];
	_ =	sdelay $0x7  }
0x1d6: {  	[tilespmem:v2+s25+$0x0] =	vst.idx.add.f32.msk $0xffff, v1  }
0x1d7: {  	v2 =	vld [tilespmem:$0x1300];
	_ =	sdelay $0x7  }
0x1d8: {  	s13 =	rddreg [dreg:$0x8];
	[tilespmem:v2+s25+$0x0] =	vst.idx.add.f32.msk $0xffff, v1  }
0x1d9: {  	[hbm4b:s13+s3] =	stream.linear.scatter [tilespmem:s18], [sflag:$0x7], $0x2800, $0x38;
	[tilespmem:$0x13F00] =	vst v63  }
0x1da: {  	_ =	swait.ge [sflag:s26], $0x2800  }
0x1db: {  	[sflag:s26] =	ssyncset.done $0x0  }
0x1dc: {  	[sflag:s26] =	ssyncadd.s32 $0xFFFFD800  }
0x1dd: {  	_ =	swait.ge [sflag:s16], $0x2800  }
0x1de: {  	[sflag:s16] =	ssyncset.done $0x0  }
0x1df: {  	[sflag:s16] =	ssyncadd.s32 $0xFFFFD800  }
0x1e0: {  	_ =	swait.ge [sflag:s1], $0x2800  }
0x1e1: {  	s9 =	simm.s32 $0x80;
	[sflag:s1] =	ssyncset.done $0x0  }
0x1e2: {  	s10 =	simm.s32 $0x400;
	s14 =	rddreg [dreg:$0x9];
	[sflag:s1] =	ssyncadd.s32 $0xFFFFD800  }
0x1e3: {  	[hbm4b:s14+s9] =	stream.strided.scatter [tilespmem:s25], [sflag:$0xA], $0x2800, s10, s9, $0x38;
	[tilespmem:$0x13F00] =	vst v63  }
0x1e4: {  	s9 =	simm.s32 $0xA  }
0x1e5: {  	_ =	swait.ge [sflag:s9], $0x2800  }
0x1e6: {  	s7 =	sadd.s32 $0x1, s7;
	s15 =	rddreg [dreg:$0xa]  }
0x1e7: {  	p0 =	sne.s32 s7, s15  }
.Ltmp9:
0x1e8: {  	_ = 	snop;
	(pc) =	sbr.rel @p0 .LBB2_1-.Ltmp9, $3  }
0x1e9: {  	_ =	sdelay $0x1  }
0x1ea: {  	[sflag:s9] =	ssyncset.done $0x0  }
0x1eb: {  	s10 =	simm.s32 $0x1380;
	[sflag:s9] =	ssyncadd.s32 $0xFFFFD800  }
0x1ec: {  	_ =	sfence.sel $0x180000  }
0x1ed: {  	[bflag:$0x0] =	sbarrier.arrive $0xFFFF  }
0x1ee: {  	_ =	strace $0x9000004A  }
0x1ef: {  	s0 =	stileid.u32;
	[bflag:$0x2] =	sbarrier.arrive $0xFFFF  }
0x1f0: {  	p0 =	sne.s32 s0, $0x0;
	s0 =	rddreg [dreg:$0x2]  }
0x1f1: {  	s0 =	sadd.s32 @!p0 $0x100000, s0  }
0x1f2: {  	[sflag:s0] =	ssyncadd.tile.s32 @!p0 $0x1;
	_ =	shalt  }
.Lfunc_end2:
_tile_overlayer_lowered:
.L_overlay_start_2:
0x1f3: {  	(tag) =	ssettag $0x2  }
0x1f4: {  	s0 =	rddreg [dreg:$0x0];
	s2 =	stileid.u32  }
0x1f5: {  	s1 =	rddreg [dreg:$0x1];
	p0 =	sne.s32 s2, $0x0  }
0x1f6: {  	s3 =	rddreg [dreg:$0x2];
	[bflag:$0x3] =	sbarrier.arrive $0xFFFF;
	s2 =	simm.s32 @!p0 $0x1C0A  }
0x1f7: {  	[timem:s3], [sflag:s2] =	dma.local @!p0 [hbm:s0], s1  }
0x1f8: {  	s0 =	simm.s32 @!p0 $0xA  }
0x1f9: {  	_ =	swait.ge @!p0 [sflag:s0], s1  }
0x1fa: {  	s1 =	ssub.s32 @!p0 $0x0, s1;
	[sflag:s0] =	ssyncset.done @!p0 $0x0  }
0x1fb: {  	[sflag:s0] =	ssyncadd.s32 @!p0 s1  }
0x1fc: {  	[bflag:$0x3] =	sbarrier.arrive $0xFFFF  }
0x1fd: {  	_ =	shalt  }

// kernel: kernel.16.cloned.1.call-start
scs
__scs_entry_jumppad:
0x0: {  	(pc) =	sbr.rel $0x88, $3  }
0x1: {  	(tag) =	ssettag $0x0;
	lr =	simm.s32 $0x1  }
0x2: {  	[smem:$0x3F99] =	sst lr;
	_ =	strace $0xD0000000  }
0x3: {  	_ = 	snop  }
0x4: {  	_ = 	snop  }
0x5: {  	_ = 	snop  }
0x6: {  	_ = 	snop  }
0x7: {  	_ = 	snop  }
__scs_overlays_trampoline_lowered:
0x8: {  	[smem:$0x3FA8] =	sst s0  }
0x9: {  	[smem:$0x3FA9] =	sst s1  }
0xa: {  	[smem:$0x3FAA] =	sst s2  }
0xb: {  	[smem:$0x3FAB] =	sst s3  }
0xc: {  	[smem:$0x3FAC] =	sst s4  }
0xd: {  	[smem:$0x3FAD] =	sst s5  }
0xe: {  	[smem:$0x3FAE] =	sst s6  }
0xf: {  	[smem:$0x3FAF] =	sst s7  }
0x10: {  	[smem:$0x3FB0] =	sst s8  }
0x11: {  	[smem:$0x3FB1] =	sst s9;
	s0 =	simm.s32 @!p0 $0x0  }
0x12: {  	s1 =	sld [smem:$0x3F97];
	s0 =	simm.s32 @p0 $0x1  }
0x13: {  	[smem:$0x3FB2] =	sst s0;
	s0 =	simm.s32 @!p1 $0x0  }
0x14: {  	s2 =	sld [smem:$0x3F96];
	s0 =	simm.s32 @p1 $0x1  }
0x15: {  	[smem:$0x3FB3] =	sst s0;
	s0 =	simm.s32 @!p2 $0x0  }
0x16: {  	s3 =	sld [smem:$0x3FDB];
	s0 =	simm.s32 @p2 $0x1  }
0x17: {  	s4 =	simm.s32 $0x1BF5;
	[smem:$0x3FB5] =	sst s0  }
0x18: {  	s0 =	sld [smem:$0x3F98];
	_ =	swait.ge [sflag:s4], $0x0  }
0x19: {  	s7 =	sld [smem:$0x3F99]  }
0x1a: {  	s8 =	sadd.s32 $0xFFFFE003, lr  }
0x1b: {  	s9 =	sadd.s32 $0xFFFFFEF7, lr;
	s5 =	simm.s32 $0xFFFFFFFF;
	p2 =	slt.u32 s8, $0xFFFFF086  }
0x1c: {  	p1 =	slt.u32 s9, $0xF7A;
	s5 =	simm.s32 @!p2 $0x0  }
0x1d: {  	s5 =	simm.s32 @p1 $0x1;
	p0 =	seq.s32 s7, s2  }
0x1e: {  	s7 =	smul.u32 @!p0 $0xF7A, s2;
	p2 =	seq.s32 @!p0 s5, $0x0  }
0x1f: {  	s9 =	smul.u32 $0xF7A, s1;
	s8 =	simm.s32 @!p0 $0x1BF5;
	p2 =	por !p2, p0  }
0x20: {  	[sflag:s8] =	ssyncset.s32 @!p0 $0xFFFFF086;
	s6 =	sadd.s32 @!p0 s3, s7;
	s7 =	simm.s32 @!p0 $0x108  }
0x21: {  	s3 =	sadd.s32 s3, s9;
	s6 =	sadd.s32 @!p0 $0x88, s6;
	s7 =	simm.s32 @p2 $0x1082  }
0x22: {  	[simem:s7], [sflag:s8] =	dma.local @!p0 [hbm:s6], $0xF7A  }
0x23: {  	s9 =	sor.u32 $0xD0000000, s2;
	s6 =	simm.s32 $0x108;
	_ =	swait.ge @!p0 [sflag:s8], $0x0  }
0x24: {  	s3 =	sadd.s32 $0x88, s3;
	s6 =	simm.s32 @!p1 $0x1082;
	[sflag:s4] =	ssyncset.s32 $0xFFFFF086  }
0x25: {  	[simem:s6], [sflag:s4] =	dma.local [hbm:s3], $0xF7A  }
0x26: {  	[smem:$0x3F99] =	sst s1;
	(tag) =	ssettag s2;
	_ =	strace s9  }
0x27: {  	s1 =	sld [smem:$0x3FA9]  }
0x28: {  	s2 =	sld [smem:$0x3FAA]  }
0x29: {  	s4 =	sld [smem:$0x3FAC]  }
0x2a: {  	p0 =	seq.s32 s5, $0x0;
	s5 =	sld [smem:$0x3FAD]  }
0x2b: {  	s6 =	sld [smem:$0x3FAE]  }
0x2c: {  	s7 =	sld [smem:$0x3FAF]  }
0x2d: {  	s3 =	simm.s32 $0x108;
	s8 =	sld [smem:$0x3FB0]  }
0x2e: {  	s3 =	simm.s32 @!p0 $0x1082;
	s9 =	sld [smem:$0x3FB1]  }
0x2f: {  	lr =	sadd.s32 s0, s3;
	s0 =	sld [smem:$0x3FA8]  }
0x30: {  	s3 =	sld [smem:$0x3FAB]  }
0x31: {  	[smem:$0x3FB4] =	sst s10  }
0x32: {  	s10 =	sld [smem:$0x3FB2];
	_ =	sdelay $0x3  }
0x33: {  	p0 =	seq.s32 s10, $0x1;
	s10 =	sld [smem:$0x3FB4];
	_ =	sdelay $0x3  }
0x34: {  	[smem:$0x3FB4] =	sst s10  }
0x35: {  	s10 =	sld [smem:$0x3FB3];
	_ =	sdelay $0x3  }
0x36: {  	p1 =	seq.s32 s10, $0x1;
	s10 =	sld [smem:$0x3FB4];
	_ =	sdelay $0x3  }
0x37: {  	[smem:$0x3FB4] =	sst s10  }
0x38: {  	s10 =	sld [smem:$0x3FB5]  }
0x39: {  	_ = 	snop;
	(pc) =	sbr.ind lr, $3  }
0x3a: {  	_ = 	snop  }
0x3b: {  	_ = 	snop  }
0x3c: {  	p2 =	seq.s32 s10, $0x1;
	s10 =	sld [smem:$0x3FB4]  }
0x3d: {  	_ =	shalt  }
0x3e: {  	_ =	shalt  }
0x3f: {  	_ =	shalt  }
0x40: {  	_ =	shalt  }
0x41: {  	_ =	shalt  }
0x42: {  	_ =	shalt  }
0x43: {  	_ =	shalt  }
0x44: {  	_ =	shalt  }
0x45: {  	_ =	shalt  }
0x46: {  	_ =	shalt  }
0x47: {  	_ =	shalt  }
0x48: {  	_ =	shalt  }
0x49: {  	_ =	shalt  }
0x4a: {  	_ =	shalt  }
0x4b: {  	_ =	shalt  }
0x4c: {  	_ =	shalt  }
0x4d: {  	_ =	shalt  }
0x4e: {  	_ =	shalt  }
0x4f: {  	_ =	shalt  }
0x50: {  	_ =	shalt  }
0x51: {  	_ =	shalt  }
0x52: {  	_ =	shalt  }
0x53: {  	_ =	shalt  }
0x54: {  	_ =	shalt  }
0x55: {  	_ =	shalt  }
0x56: {  	_ =	shalt  }
0x57: {  	_ =	shalt  }
0x58: {  	_ =	shalt  }
0x59: {  	_ =	shalt  }
0x5a: {  	_ =	shalt  }
0x5b: {  	_ =	shalt  }
0x5c: {  	_ =	shalt  }
0x5d: {  	_ =	shalt  }
0x5e: {  	_ =	shalt  }
0x5f: {  	_ =	shalt  }
0x60: {  	_ =	shalt  }
0x61: {  	_ =	shalt  }
0x62: {  	_ =	shalt  }
0x63: {  	_ =	shalt  }
0x64: {  	_ =	shalt  }
0x65: {  	_ =	shalt  }
0x66: {  	_ =	shalt  }
0x67: {  	_ =	shalt  }
0x68: {  	_ =	shalt  }
0x69: {  	_ =	shalt  }
0x6a: {  	_ =	shalt  }
0x6b: {  	_ =	shalt  }
0x6c: {  	_ =	shalt  }
0x6d: {  	_ =	shalt  }
0x6e: {  	_ =	shalt  }
0x6f: {  	_ =	shalt  }
0x70: {  	_ =	shalt  }
0x71: {  	_ =	shalt  }
0x72: {  	_ =	shalt  }
0x73: {  	_ =	shalt  }
0x74: {  	_ =	shalt  }
0x75: {  	_ =	shalt  }
0x76: {  	_ =	shalt  }
0x77: {  	_ =	shalt  }
0x78: {  	_ =	shalt  }
0x79: {  	_ =	shalt  }
0x7a: {  	_ =	shalt  }
0x7b: {  	_ =	shalt  }
0x7c: {  	_ =	shalt  }
0x7d: {  	_ =	shalt  }
0x7e: {  	_ =	shalt  }
0x7f: {  	_ =	shalt  }
0x80: {  	_ =	shalt  }
0x81: {  	_ =	shalt  }
0x82: {  	_ =	shalt  }
0x83: {  	_ =	shalt  }
0x84: {  	_ =	shalt  }
0x85: {  	_ =	shalt  }
0x86: {  	_ =	shalt  }
0x87: {  	_ =	shalt  }
.Lfunc_end0:
.L_simem_size_0:
called_computation.2_lowered:
.L_overlay_start_0:
0x88: {  	s2 =	sld [smem:$0x3FD9]  }
0x89: {  	s3 =	sld [smem:$0x3FFE];
	_ =	sdelay $0x1  }
0x8a: {  	s1 =	srdreg.scid  }
0x8b: {  	s0 =	sand.u32 $0x1, s1  }
0x8c: {  	s16 =	sshll.u32 s0, $0xA;
	s2 =	sadd.s32 s3, s2  }
0x8d: {  	s2 =	sadd.s32 s2, s16  }
0x8e: {  	[smem:$0x3FC0] =	sst s2  }
0x8f: {  	_ = 	snop  }
0x90: {  	(tm) =	ssettm $0x1  }
0x91: {  	s17 =	sld [smem:$0x3FFB];
	_ =	sdelay $0x3  }
0x92: {  	_ =	strace s17  }
0x93: {  	s2 =	sld [smem:$0x3FFC];
	_ =	sdelay $0x3  }
0x94: {  	_ =	strace s2  }
0x95: {  	s2 =	sld [smem:$0x3FFD];
	_ =	sdelay $0x3  }
0x96: {  	_ =	strace s2  }
0x97: {  	_ =	strace $0x8FFFFFFF  }
0x98: {  	s18 =	sld [smem:$0x3FDB];
	_ =	sdelay $0x1  }
0x99: {  	s19 =	simm.s32 $_scs_section_size  }
0x9a: {  	s4 =	simm.s32 $_size__tile_overlayer_lowered;
	s5 =	simm.s32 $_tile_overlayer_lowered  }
0x9b: {  	s22 =	simm.s32 $0x1BFF;
	s21 =	sshll.u32 s5, $0x1;
	s2 =	sadd.s32 s19, s18  }
0x9c: {  	s6 =	simm.s32 $0x0;
	s20 =	sshll.u32 s4, $0x1;
	s4 =	sadd.s32 s21, s2  }
0x9d: {  	[timem:s6], [sflag:s22] =	dma.local [hbm:s4], s20  }
0x9e: {  	_ =	swait.ge [sflag:s22], s20  }
0x9f: {  	s3 =	ssub.s32 $0x0, s20;
	[sflag:s22] =	ssyncset.done $0x0  }
0xa0: {  	[sflag:s22] =	ssyncadd.s32 s3;
	_ =	sdelay $0x1  }
0xa1: {  	s23 =	simm.s32 $0x1B8B  }
0xa2: {  	_ =	swait.ge [sflag:s23], $0x1  }
0xa3: {  	[sflag:s23] =	ssyncset.done $0x0  }
0xa4: {  	s25 =	simm.s32 $0x1B8E;
	s24 =	sld [smem:$0x3FFE];
	[sflag:s23] =	ssyncadd.s32 $0xFFFFFFFF  }
0xa5: {  	s26 =	simm.s32 $execute0_lowered;
	[smem:$0x3FD2] =	sst s25  }
0xa6: {  	s4 =	sshll.u32 s26, $0x1;
	_ =	strace $0x8000004C;
	[dreg:$0x1] =	wrdreg $0xFFFFFFFF  }
0xa7: {  	s28 =	simm.s32 $_size_execute0_lowered;
	s2 =	sadd.s32 s2, s4;
	[dreg:$0x0] =	wrdreg $0x0  }
0xa8: {  	s4 =	sshll.u32 s28, $0x1;
	[dreg:$0x2] =	wrdreg s2  }
0xa9: {  	[dreg:$0x3] =	wrdreg s4  }
0xaa: {  	[dreg:$0x4] =	wrdreg $0xC0  }
0xab: {  	_ =	task [dreg:s6], $0x5FFFF  }
0xac: {  	[dreg:$0x1] =	wrdreg $0xFFFFFFFF  }
0xad: {  	[dreg:$0x0] =	wrdreg $0x60  }
0xae: {  	[dreg:$0x2] =	wrdreg s24  }
0xaf: {  	[dreg:$0x3] =	wrdreg $0x90000  }
0xb0: {  	[dreg:$0x4] =	wrdreg $0x9  }
0xb1: {  	_ =	task.clear_ibuf [dreg:s6], $0x5FFFF;
	_ =	strace $0x9000004C  }
0xb2: {  	s29 =	simm.s32 $0x9;
	_ =	strace $0x8000004E  }
0xb3: {  	_ =	swait.ge [sflag:s29], $0x1  }
0xb4: {  	[sflag:s29] =	ssyncadd.s32 $0xFFFFFFFF  }
0xb5: {  	_ =	strace $0x9000004E  }
0xb6: {  	_ =	sfence  }
0xb7: {  	s30 =	sld [smem:$0x0];
	_ =	sdelay $0x2  }
0xb8: {  	s31 =	sshll.u32 s1, $0xD;
	s1 =	sshrl.u32 s1, $0x2  }
0xb9: {  	s3 =	sand.u32 $0x4000, s31;
	s1 =	sadd.s32 s1, s30  }
0xba: {  	s0 =	sor.u32 s3, s0;
	s1 =	sshll.u32 s1, $0x11  }
0xbb: {  	s0 =	sor.u32 s1, s0  }
0xbc: {  	s0 =	sadd.s32 $0x8F2B, s0  }
0xbd: {  	[sflag:s0] =	ssyncadd.remote.s32 $0x1  }
0xbe: {  	_ =	sfence.sel $0xFFFF  }
0xbf: {  	[dreg:$0x0] =	wrdreg $0xFFFFFFFF;
	(pc) =	sbr.abs _section_cstart, $3  }
0xc0: {  	[dreg:$0x1] =	wrdreg $0xFFFFFFFF  }
0xc1: {  	_ =	task.clear_ibuf [dreg:s6], $0x2FFFF;
	_ =	strace $0x9FFFFFFF  }
0xc2: {  	(tm) =	ssettm $0x7FFFFFFF  }
0xc3: {  	_ =	shalt  }
tec
execute0_lowered:
.L_overlay_start_1:
0x0: {  	(tag) =	ssettag $0x1  }
0x1: {  	s0 =	srdreg.scid;
	s16 =	stileid.u32  }
0x2: {  	s0 =	sand.u32 $0x1, s0;
	s3 =	smul.u32 $0x14000, s16  }
0x3: {  	s4 =	rddreg [dreg:$0x0];
	s1 =	sshll.u32 s16, $0x1;
	s2 =	smul.u32 $0x140000, s0  }
0x4: {  	s1 =	sor.u32 s0, s1;
	s6 =	ssub.s32 $0x2, s0;
	s0 =	smul.u32 $0x14000, s0  }
0x5: {  	s7 =	sadd.s32 $0x3800, s4;
	s5 =	sshll.u32 s1, $0xB;
	s25 =	smul.u32 $0x14000, s1  }
0x6: {  	s8 =	sshrl.u32 s6, $0x1;
	s10 =	sadd.s32 $0x4000, s3;
	s1 =	smul.u32 $0xA0000, s1  }
0x7: {  	s9 =	sadd.s32 s2, s3;
	s6 =	ssub.s32 s6, s8;
	s26 =	sadd.s32 s5, s4  }
0x8: {  	s4 =	sadd.s32 $0x544600, s4;
	s11 =	sshrl.u32 s9, $0x3;
	s9 =	sor.u32 $0x2000, s3  }
0x9: {  	s1 =	sshrl.u32 s1, $0x3;
	s8 =	sadd.s32 s7, s11;
	s12 =	sadd.s32 s2, s9  }
0xa: {  	s11 =	sadd.s32 s2, s10;
	s1 =	sadd.s32 s4, s1;
	[dreg:$0x3] =	wrdreg s8  }
0xb: {  	s8 =	sshrl.u32 s12, $0x3;
	s13 =	sshrl.u32 s11, $0x3;
	s11 =	simm.s32 $0x0  }
0xc: {  	s12 =	sadd.s32 $0x6000, s3;
	s8 =	sadd.s32 s7, s8;
	[smem:$0x7FF] =	sst s11  }
0xd: {  	s1 =	sadd.s32 $0x13B00, s1;
	s14 =	sadd.s32 s2, s12;
	[dreg:$0x4] =	wrdreg s8  }
0xe: {  	s8 =	sadd.s32 s7, s13;
	s15 =	sshrl.u32 s14, $0x3;
	s13 =	sadd.s32 $0x8000, s3  }
0xf: {  	[dreg:$0x5] =	wrdreg s8;
	s8 =	sadd.s32 s7, s15;
	s17 =	sadd.s32 s2, s13  }
0x10: {  	s15 =	sadd.s32 $0xA000, s3;
	[dreg:$0x6] =	wrdreg s8;
	s8 =	sshrl.u32 s17, $0x3  }
0x11: {  	s18 =	sadd.s32 s2, s15;
	s17 =	sadd.s32 $0xC000, s3;
	s8 =	sadd.s32 s7, s8  }
0x12: {  	s19 =	sshrl.u32 s18, $0x3;
	s20 =	sadd.s32 s2, s17;
	s18 =	sadd.s32 $0xE000, s3  }
0x13: {  	[dreg:$0x7] =	wrdreg s8;
	s8 =	sadd.s32 s7, s19;
	s21 =	sshrl.u32 s20, $0x3  }
0x14: {  	s22 =	sadd.s32 s2, s18;
	s19 =	sadd.s32 $0x10000, s3;
	s3 =	sadd.s32 $0x12000, s3  }
0x15: {  	[dreg:$0x8] =	wrdreg s8;
	s8 =	sadd.s32 s7, s21;
	s23 =	sadd.s32 s2, s19  }
0x16: {  	s2 =	sadd.s32 s2, s3;
	[dreg:$0x9] =	wrdreg s8;
	s8 =	sshrl.u32 s22, $0x3  }
0x17: {  	s14 =	rddreg [dreg:$0x1];
	s2 =	sshrl.u32 s2, $0x3;
	s8 =	sadd.s32 s7, s8  }
0x18: {  	s24 =	sshrl.u32 s23, $0x3;
	s2 =	sadd.s32 s7, s2;
	[dreg:$0xa] =	wrdreg s8  }
0x19: {  	s20 =	smul.u32 $0x50000, s16;
	s8 =	sadd.s32 s7, s24;
	[dreg:$0xc] =	wrdreg s2  }
0x1a: {  	s28 =	sadd.s32 s3, s14;
	s7 =	sadd.s32 s4, s25;
	[dreg:$0xb] =	wrdreg s8  }
0x1b: {  	s21 =	sshrl.u32 s20, $0x2;
	s2 =	sadd.s32 $0x534600, s26;
	[dreg:$0xd] =	wrdreg s7  }
0x1c: {  	s22 =	smax.u32 s6, $0x1;
	_ =	strace $0x8000004D;
	[dreg:$0xe] =	wrdreg s2  }
0x1d: {  	s23 =	sadd.s32 s9, s14;
	s6 =	simm.s32 $0x3;
	[dreg:$0xf] =	wrdreg s1  }
0x1e: {  	s9 =	simm.s32 $0x4800;
	s24 =	sadd.s32 s10, s14;
	[dreg:$0x10] =	wrdreg s22  }
0x1f: {  	s25 =	sadd.s32 s12, s14;
	s26 =	sadd.s32 s13, s14;
	[dreg:$0x11] =	wrdreg s23  }
0x20: {  	s10 =	simm.s32 $0x1;
	s12 =	simm.s32 $0x50;
	[dreg:$0x12] =	wrdreg s24  }
0x21: {  	s8 =	smul.u32 $0x28000, s16;
	s16 =	sadd.s32 s21, s14;
	[dreg:$0x13] =	wrdreg s25  }
0x22: {  	s7 =	simm.s32 $0x7000;
	[dreg:$0x14] =	wrdreg s26;
	s23 =	sadd.s32 s15, s14  }
0x23: {  	s24 =	sadd.s32 s17, s14;
	s25 =	sadd.s32 s18, s14;
	s26 =	sadd.s32 s19, s14  }
0x24: {  	s30 =	sadd.s32 $0x2000, s16;
	s31 =	sadd.s32 $0x4000, s16;
	s13 =	sadd.s32 $0x6000, s16  }
0x25: {  	s1 =	sadd.s32 $0xA000, s16;
	s2 =	sadd.s32 $0xC000, s16;
	s3 =	sadd.s32 $0xE000, s16  }
0x26: {  	s5 =	sadd.s32 $0x12000, s16;
	s15 =	simm.s32 $0x2;
	s4 =	sadd.s32 s8, s4  }
0x27: {  	s17 =	simm.s32 $0x0;
	s8 =	simm.s32 $0x2000;
	s0 =	sadd.s32 s0, s4  }
0x28: {  	v0 =	vimm.f32 $0.0e+00;
	s4 =	sadd.s32 $0x10000, s16;
	s29 =	sadd.s32 $0xA00, s0;
	s0 =	sadd.s32 $0x8000, s16  }
.LBB2_1:
0x29: {  	s18 =	rddreg [dreg:$0xe]  }
0x2a: {  	[tilespmem:s11], [sflag:$0x3] =	stream.linear.gather [hbm4b:s18+s11], $0x2000, $0x38;
	[tilespmem:$0x1D000] =	vst v63  }
0x2b: {  	_ =	swait.ge [sflag:s6], $0x2000  }
0x2c: {  	[sflag:s6] =	ssyncset.done $0x0  }
0x2d: {  	s19 =	simm.s32 $0x200;
	s18 =	simm.s32 $0x0;
	[sflag:s6] =	ssyncadd.s32 $0xFFFFE000  }
.LBB2_2:
0x2e: {  	p0 =	sne.s32 s19, $0x7E00;
	[tilespmem:s18+$0x7070] =	vst v0  }
0x2f: {  	[tilespmem:s18+$0x7000] =	vst v0  }
0x30: {  	[tilespmem:s18+$0x7010] =	vst v0  }
.Ltmp0:
0x31: {  	[tilespmem:s18+$0x7020] =	vst v0;
	(pc) =	sbr.rel @p0 .LBB2_2-.Ltmp0, $4  }
0x32: {  	[tilespmem:s18+$0x7030] =	vst v0  }
0x33: {  	[tilespmem:s18+$0x7040] =	vst v0  }
0x34: {  	[tilespmem:s18+$0x7050] =	vst v0  }
0x35: {  	[tilespmem:s18+$0x7060] =	vst v0;
	s18 =	sshra.s32 s19, $0x2;
	s19 =	sadd.s32 $0x200, s19  }
0x36: {  	[tilespmem:s18+$0x7070] =	vst v0  }
0x37: {  	[tilespmem:s18+$0x7000] =	vst v0  }
0x38: {  	[tilespmem:s18+$0x7010] =	vst v0  }
0x39: {  	[tilespmem:s18+$0x7020] =	vst v0  }
0x3a: {  	[tilespmem:s18+$0x7030] =	vst v0  }
0x3b: {  	[tilespmem:s18+$0x7040] =	vst v0  }
0x3c: {  	[tilespmem:s18+$0x7050] =	vst v0  }
0x3d: {  	[tilespmem:s18+$0x7060] =	vst v0  }
0x3e: {  	[spmem:s16] =	stream.linear.scatter [tilespmem:s7], [sflag:$0x3], $0x2000, $0x38;
	[tilespmem:$0x1D000] =	vst v63  }
0x3f: {  	_ =	swait.ge [sflag:s6], $0x2000  }
0x40: {  	[sflag:s6] =	ssyncset.done $0x0  }
0x41: {  	[sflag:s6] =	ssyncadd.s32 $0xFFFFE000  }
0x42: {  	[spmem:s30] =	stream.linear.scatter [tilespmem:s7], [sflag:$0x3], $0x2000, $0x38;
	[tilespmem:$0x1D000] =	vst v63  }
0x43: {  	_ =	swait.ge [sflag:s6], $0x2000  }
0x44: {  	[sflag:s6] =	ssyncset.done $0x0  }
0x45: {  	[sflag:s6] =	ssyncadd.s32 $0xFFFFE000  }
0x46: {  	[spmem:s31] =	stream.linear.scatter [tilespmem:s7], [sflag:$0x3], $0x2000, $0x38;
	[tilespmem:$0x1D000] =	vst v63  }
0x47: {  	_ =	swait.ge [sflag:s6], $0x2000  }
0x48: {  	[sflag:s6] =	ssyncset.done $0x0  }
0x49: {  	[sflag:s6] =	ssyncadd.s32 $0xFFFFE000  }
0x4a: {  	[spmem:s13] =	stream.linear.scatter [tilespmem:s7], [sflag:$0x3], $0x2000, $0x38;
	[tilespmem:$0x1D000] =	vst v63  }
0x4b: {  	_ =	swait.ge [sflag:s6], $0x2000  }
0x4c: {  	[sflag:s6] =	ssyncset.done $0x0  }
0x4d: {  	[sflag:s6] =	ssyncadd.s32 $0xFFFFE000  }
0x4e: {  	[spmem:s0] =	stream.linear.scatter [tilespmem:s7], [sflag:$0x3], $0x2000, $0x38;
	[tilespmem:$0x1D000] =	vst v63  }
0x4f: {  	_ =	swait.ge [sflag:s6], $0x2000  }
0x50: {  	[sflag:s6] =	ssyncset.done $0x0  }
0x51: {  	[sflag:s6] =	ssyncadd.s32 $0xFFFFE000  }
0x52: {  	[spmem:s1] =	stream.linear.scatter [tilespmem:s7], [sflag:$0x3], $0x2000, $0x38;
	[tilespmem:$0x1D000] =	vst v63  }
0x53: {  	_ =	swait.ge [sflag:s6], $0x2000  }
0x54: {  	[sflag:s6] =	ssyncset.done $0x0  }
0x55: {  	[sflag:s6] =	ssyncadd.s32 $0xFFFFE000  }
0x56: {  	[spmem:s2] =	stream.linear.scatter [tilespmem:s7], [sflag:$0x3], $0x2000, $0x38;
	[tilespmem:$0x1D000] =	vst v63  }
0x57: {  	_ =	swait.ge [sflag:s6], $0x2000  }
0x58: {  	[sflag:s6] =	ssyncset.done $0x0  }
0x59: {  	[sflag:s6] =	ssyncadd.s32 $0xFFFFE000  }
0x5a: {  	[spmem:s3] =	stream.linear.scatter [tilespmem:s7], [sflag:$0x3], $0x2000, $0x38;
	[tilespmem:$0x1D000] =	vst v63  }
0x5b: {  	_ =	swait.ge [sflag:s6], $0x2000  }
0x5c: {  	[sflag:s6] =	ssyncset.done $0x0  }
0x5d: {  	[sflag:s6] =	ssyncadd.s32 $0xFFFFE000  }
0x5e: {  	[spmem:s4] =	stream.linear.scatter [tilespmem:s7], [sflag:$0x3], $0x2000, $0x38;
	[tilespmem:$0x1D000] =	vst v63  }
0x5f: {  	_ =	swait.ge [sflag:s6], $0x2000  }
0x60: {  	[sflag:s6] =	ssyncset.done $0x0  }
0x61: {  	[sflag:s6] =	ssyncadd.s32 $0xFFFFE000  }
0x62: {  	[spmem:s5] =	stream.linear.scatter [tilespmem:s7], [sflag:$0x3], $0x2000, $0x38;
	[tilespmem:$0x1D000] =	vst v63  }
0x63: {  	_ =	swait.ge [sflag:s6], $0x2000  }
0x64: {  	[sflag:s6] =	ssyncset.done $0x0  }
0x65: {  	[sflag:s6] =	ssyncadd.s32 $0xFFFFE000  }
0x66: {  	[bflag:$0x0] =	sbarrier.arrive $0xFFFF  }
0x67: {  	s22 =	simm.s32 $0x0;
	s19 =	rddreg [dreg:$0xd]  }
0x68: {  	[tilespmem:s8], [sflag:$0x1] =	stream.linear.gather [hbm4b:s19+s22], $0x2800, $0x38;
	[tilespmem:$0x1D000] =	vst v63  }
0x69: {  	s20 =	sadd.s32 $0xFFFFFB00, s29  }
0x6a: {  	[tilespmem:s9], [sflag:$0x2] =	stream.linear.gather [hbm4b:s20+s11], $0x2800, $0x38;
	[tilespmem:$0x1D000] =	vst v63  }
0x6b: {  	_ =	swait.ge [sflag:s10], $0x2800  }
0x6c: {  	[sflag:s10] =	ssyncset.done $0x0  }
0x6d: {  	s21 =	simm.s32 $0x0;
	[sflag:s10] =	ssyncadd.s32 $0xFFFFD800  }
0x6e: {  	[spmem:s14] =	stream.indirect.scatter.add.f32 [tilespmem:s8], [sflag:$0x3], $0x80, s21, s12, $0xb8;
	[tilespmem:$0x1D000] =	vst v63  }
0x6f: {  	_ =	swait.ge [sflag:s6], $0x2800  }
0x70: {  	[sflag:s6] =	ssyncset.done $0x0  }
0x71: {  	[sflag:s6] =	ssyncadd.s32 $0xFFFFD800  }
0x72: {  	[tilespmem:s8], [sflag:$0x1] =	stream.linear.gather [hbm4b:s29+s11], $0x2800, $0x38;
	[tilespmem:$0x1D000] =	vst v63  }
0x73: {  	_ =	swait.ge [sflag:s15], $0x2800  }
0x74: {  	[sflag:s15] =	ssyncset.done $0x0  }
0x75: {  	s22 =	simm.s32 $0x80;
	[sflag:s15] =	ssyncadd.s32 $0xFFFFD800  }
0x76: {  	[spmem:s14] =	stream.indirect.scatter.add.f32 [tilespmem:s9], [sflag:$0x3], $0x80, s22, s12, $0xb8;
	[tilespmem:$0x1D000] =	vst v63  }
0x77: {  	s18 =	sadd.s32 $0xA00, s29;
	_ =	swait.ge [sflag:s6], $0x2800  }
0x78: {  	s19 =	simm.s32 $0x400;
	s20 =	simm.s32 $0x800;
	[sflag:s6] =	ssyncset.done $0x0  }
.LBB2_4:
0x79: {  	p0 =	sne.s32 s20, $0x7800;
	s21 =	sadd.s32 $0xFFFFFB00, s18;
	[sflag:s6] =	ssyncadd.s32 $0xFFFFD800  }
0x7a: {  	[tilespmem:s9], [sflag:$0x2] =	stream.linear.gather [hbm4b:s21+s11], $0x2800, $0x38;
	[tilespmem:$0x1D000] =	vst v63  }
0x7b: {  	s21 =	smov.u32 s20;
	s20 =	sadd.s32 $0x400, s20;
	_ =	swait.ge [sflag:s10], $0x2800  }
0x7c: {  	[sflag:s10] =	ssyncset.done $0x0  }
0x7d: {  	s22 =	sshra.s32 s19, $0x2;
	s19 =	smov.u32 s21;
	[sflag:s10] =	ssyncadd.s32 $0xFFFFD800  }
0x7e: {  	[spmem:s14] =	stream.indirect.scatter.add.f32 [tilespmem:s8], [sflag:$0x3], $0x80, s22, s12, $0xb8;
	[tilespmem:$0x1D000] =	vst v63  }
0x7f: {  	_ =	swait.ge [sflag:s6], $0x2800  }
0x80: {  	[sflag:s6] =	ssyncset.done $0x0  }
0x81: {  	[sflag:s6] =	ssyncadd.s32 $0xFFFFD800  }
0x82: {  	[tilespmem:s8], [sflag:$0x1] =	stream.linear.gather [hbm4b:s18+s11], $0x2800, $0x38;
	[tilespmem:$0x1D000] =	vst v63  }
0x83: {  	_ =	swait.ge [sflag:s15], $0x2800  }
.Ltmp1:
0x84: {  	[sflag:s15] =	ssyncset.done $0x0;
	(pc) =	sbr.rel @p0 .LBB2_4-.Ltmp1, $4  }
0x85: {  	s21 =	sadd.s32 $0x80, s22;
	[sflag:s15] =	ssyncadd.s32 $0xFFFFD800  }
0x86: {  	[spmem:s14] =	stream.indirect.scatter.add.f32 [tilespmem:s9], [sflag:$0x3], $0x80, s21, s12, $0xb8;
	[tilespmem:$0x1D000] =	vst v63  }
0x87: {  	_ =	swait.ge [sflag:s6], $0x2800  }
0x88: {  	s18 =	sadd.s32 $0xA00, s18;
	[sflag:s6] =	ssyncset.done $0x0  }
0x89: {  	s20 =	sadd.s32 $0xFFFFFB00, s18;
	[sflag:s6] =	ssyncadd.s32 $0xFFFFD800  }
0x8a: {  	[tilespmem:s9], [sflag:$0x2] =	stream.linear.gather [hbm4b:s20+s11], $0x2800, $0x38;
	[tilespmem:$0x1D000] =	vst v63  }
0x8b: {  	_ =	swait.ge [sflag:s10], $0x2800  }
0x8c: {  	[sflag:s10] =	ssyncset.done $0x0  }
0x8d: {  	s19 =	sshra.s32 s19, $0x2;
	[sflag:s10] =	ssyncadd.s32 $0xFFFFD800  }
0x8e: {  	[spmem:s14] =	stream.indirect.scatter.add.f32 [tilespmem:s8], [sflag:$0x3], $0x80, s19, s12, $0xb8;
	[tilespmem:$0x1D000] =	vst v63  }
0x8f: {  	_ =	swait.ge [sflag:s6], $0x2800  }
0x90: {  	[sflag:s6] =	ssyncset.done $0x0  }
0x91: {  	[sflag:s6] =	ssyncadd.s32 $0xFFFFD800  }
0x92: {  	[tilespmem:s8], [sflag:$0x1] =	stream.linear.gather [hbm4b:s18+s11], $0x2800, $0x38;
	[tilespmem:$0x1D000] =	vst v63  }
0x93: {  	_ =	swait.ge [sflag:s15], $0x2800  }
0x94: {  	[sflag:s15] =	ssyncset.done $0x0  }
0x95: {  	s20 =	sadd.s32 $0x80, s19;
	[sflag:s15] =	ssyncadd.s32 $0xFFFFD800  }
0x96: {  	[spmem:s14] =	stream.indirect.scatter.add.f32 [tilespmem:s9], [sflag:$0x3], $0x80, s20, s12, $0xb8;
	[tilespmem:$0x1D000] =	vst v63  }
0x97: {  	_ =	swait.ge [sflag:s6], $0x2800  }
0x98: {  	[sflag:s6] =	ssyncset.done $0x0  }
0x99: {  	s21 =	rddreg [dreg:$0xf];
	[sflag:s6] =	ssyncadd.s32 $0xFFFFD800  }
0x9a: {  	[tilespmem:s9], [sflag:$0x2] =	stream.linear.gather [hbm4b:s21+s11], $0x2800, $0x38;
	[tilespmem:$0x1D000] =	vst v63  }
0x9b: {  	_ =	swait.ge [sflag:s10], $0x2800  }
0x9c: {  	[sflag:s10] =	ssyncset.done $0x0  }
0x9d: {  	s22 =	simm.s32 $0x1F00;
	[sflag:s10] =	ssyncadd.s32 $0xFFFFD800  }
0x9e: {  	[spmem:s14] =	stream.indirect.scatter.add.f32 [tilespmem:s8], [sflag:$0x3], $0x80, s22, s12, $0xb8;
	[tilespmem:$0x1D000] =	vst v63  }
0x9f: {  	_ =	swait.ge [sflag:s6], $0x2800  }
0xa0: {  	[sflag:s6] =	ssyncset.done $0x0  }
0xa1: {  	[sflag:s6] =	ssyncadd.s32 $0xFFFFD800  }
0xa2: {  	_ =	swait.ge [sflag:s15], $0x2800  }
0xa3: {  	[sflag:s15] =	ssyncset.done $0x0  }
0xa4: {  	s19 =	simm.s32 $0x1F80;
	[sflag:s15] =	ssyncadd.s32 $0xFFFFD800  }
0xa5: {  	[spmem:s14] =	stream.indirect.scatter.add.f32 [tilespmem:s9], [sflag:$0x3], $0x80, s19, s12, $0xb8;
	[tilespmem:$0x1D000] =	vst v63  }
0xa6: {  	_ =	swait.ge [sflag:s6], $0x2800  }
0xa7: {  	[sflag:s6] =	ssyncset.done $0x0  }
0xa8: {  	[sflag:s6] =	ssyncadd.s32 $0xFFFFD800  }
0xa9: {  	[bflag:$0x0] =	sbarrier.arrive $0xFFFF  }
0xaa: {  	[tilespmem:s7], [sflag:$0x3] =	stream.linear.gather [spmem:s16], $0x2000, $0x38;
	[tilespmem:$0x1D000] =	vst v63  }
0xab: {  	_ =	swait.ge [sflag:s6], $0x2000  }
0xac: {  	[sflag:s6] =	ssyncset.done $0x0  }
0xad: {  	s20 =	rddreg [dreg:$0x3];
	[sflag:s6] =	ssyncadd.s32 $0xFFFFE000  }
0xae: {  	[hbm4b:s20+s11] =	stream.linear.scatter [tilespmem:s7], [sflag:$0x3], $0x2000, $0x38;
	[tilespmem:$0x1D000] =	vst v63  }
0xaf: {  	_ =	swait.ge [sflag:s6], $0x2000  }
0xb0: {  	[sflag:s6] =	ssyncset.done $0x0  }
0xb1: {  	s21 =	rddreg [dreg:$0x11];
	[sflag:s6] =	ssyncadd.s32 $0xFFFFE000  }
0xb2: {  	[tilespmem:s7], [sflag:$0x3] =	stream.linear.gather [spmem:s21], $0x2000, $0x38;
	[tilespmem:$0x1D000] =	vst v63  }
0xb3: {  	_ =	swait.ge [sflag:s6], $0x2000  }
0xb4: {  	[sflag:s6] =	ssyncset.done $0x0  }
0xb5: {  	s22 =	rddreg [dreg:$0x4];
	[sflag:s6] =	ssyncadd.s32 $0xFFFFE000  }
0xb6: {  	[hbm4b:s22+s11] =	stream.linear.scatter [tilespmem:s7], [sflag:$0x3], $0x2000, $0x38;
	[tilespmem:$0x1D000] =	vst v63  }
0xb7: {  	_ =	swait.ge [sflag:s6], $0x2000  }
0xb8: {  	[sflag:s6] =	ssyncset.done $0x0  }
0xb9: {  	s19 =	rddreg [dreg:$0x12];
	[sflag:s6] =	ssyncadd.s32 $0xFFFFE000  }
0xba: {  	[tilespmem:s7], [sflag:$0x3] =	stream.linear.gather [spmem:s19], $0x2000, $0x38;
	[tilespmem:$0x1D000] =	vst v63  }
0xbb: {  	_ =	swait.ge [sflag:s6], $0x2000  }
0xbc: {  	[sflag:s6] =	ssyncset.done $0x0  }
0xbd: {  	s20 =	rddreg [dreg:$0x5];
	[sflag:s6] =	ssyncadd.s32 $0xFFFFE000  }
0xbe: {  	[hbm4b:s20+s11] =	stream.linear.scatter [tilespmem:s7], [sflag:$0x3], $0x2000, $0x38;
	[tilespmem:$0x1D000] =	vst v63  }
0xbf: {  	_ =	swait.ge [sflag:s6], $0x2000  }
0xc0: {  	[sflag:s6] =	ssyncset.done $0x0  }
0xc1: {  	s21 =	rddreg [dreg:$0x13];
	[sflag:s6] =	ssyncadd.s32 $0xFFFFE000  }
0xc2: {  	[tilespmem:s7], [sflag:$0x3] =	stream.linear.gather [spmem:s21], $0x2000, $0x38;
	[tilespmem:$0x1D000] =	vst v63  }
0xc3: {  	_ =	swait.ge [sflag:s6], $0x2000  }
0xc4: {  	[sflag:s6] =	ssyncset.done $0x0  }
0xc5: {  	s22 =	rddreg [dreg:$0x6];
	[sflag:s6] =	ssyncadd.s32 $0xFFFFE000  }
0xc6: {  	[hbm4b:s22+s11] =	stream.linear.scatter [tilespmem:s7], [sflag:$0x3], $0x2000, $0x38;
	[tilespmem:$0x1D000] =	vst v63  }
0xc7: {  	_ =	swait.ge [sflag:s6], $0x2000  }
0xc8: {  	[sflag:s6] =	ssyncset.done $0x0  }
0xc9: {  	s19 =	rddreg [dreg:$0x14];
	[sflag:s6] =	ssyncadd.s32 $0xFFFFE000  }
0xca: {  	[tilespmem:s7], [sflag:$0x3] =	stream.linear.gather [spmem:s19], $0x2000, $0x38;
	[tilespmem:$0x1D000] =	vst v63  }
0xcb: {  	_ =	swait.ge [sflag:s6], $0x2000  }
0xcc: {  	[sflag:s6] =	ssyncset.done $0x0  }
0xcd: {  	s20 =	rddreg [dreg:$0x7];
	[sflag:s6] =	ssyncadd.s32 $0xFFFFE000  }
0xce: {  	[hbm4b:s20+s11] =	stream.linear.scatter [tilespmem:s7], [sflag:$0x3], $0x2000, $0x38;
	[tilespmem:$0x1D000] =	vst v63  }
0xcf: {  	_ =	swait.ge [sflag:s6], $0x2000  }
0xd0: {  	[sflag:s6] =	ssyncset.done $0x0  }
0xd1: {  	[sflag:s6] =	ssyncadd.s32 $0xFFFFE000  }
0xd2: {  	[tilespmem:s7], [sflag:$0x3] =	stream.linear.gather [spmem:s23], $0x2000, $0x38;
	[tilespmem:$0x1D000] =	vst v63  }
0xd3: {  	_ =	swait.ge [sflag:s6], $0x2000  }
0xd4: {  	[sflag:s6] =	ssyncset.done $0x0  }
0xd5: {  	s21 =	rddreg [dreg:$0x8];
	[sflag:s6] =	ssyncadd.s32 $0xFFFFE000  }
0xd6: {  	[hbm4b:s21+s11] =	stream.linear.scatter [tilespmem:s7], [sflag:$0x3], $0x2000, $0x38;
	[tilespmem:$0x1D000] =	vst v63  }
0xd7: {  	_ =	swait.ge [sflag:s6], $0x2000  }
0xd8: {  	[sflag:s6] =	ssyncset.done $0x0  }
0xd9: {  	[sflag:s6] =	ssyncadd.s32 $0xFFFFE000  }
0xda: {  	[tilespmem:s7], [sflag:$0x3] =	stream.linear.gather [spmem:s24], $0x2000, $0x38;
	[tilespmem:$0x1D000] =	vst v63  }
0xdb: {  	_ =	swait.ge [sflag:s6], $0x2000  }
0xdc: {  	[sflag:s6] =	ssyncset.done $0x0  }
0xdd: {  	s22 =	rddreg [dreg:$0x9];
	[sflag:s6] =	ssyncadd.s32 $0xFFFFE000  }
0xde: {  	[hbm4b:s22+s11] =	stream.linear.scatter [tilespmem:s7], [sflag:$0x3], $0x2000, $0x38;
	[tilespmem:$0x1D000] =	vst v63  }
0xdf: {  	_ =	swait.ge [sflag:s6], $0x2000  }
0xe0: {  	[sflag:s6] =	ssyncset.done $0x0  }
0xe1: {  	[sflag:s6] =	ssyncadd.s32 $0xFFFFE000  }
0xe2: {  	[tilespmem:s7], [sflag:$0x3] =	stream.linear.gather [spmem:s25], $0x2000, $0x38;
	[tilespmem:$0x1D000] =	vst v63  }
0xe3: {  	_ =	swait.ge [sflag:s6], $0x2000  }
0xe4: {  	[sflag:s6] =	ssyncset.done $0x0  }
0xe5: {  	s19 =	rddreg [dreg:$0xa];
	[sflag:s6] =	ssyncadd.s32 $0xFFFFE000  }
0xe6: {  	[hbm4b:s19+s11] =	stream.linear.scatter [tilespmem:s7], [sflag:$0x3], $0x2000, $0x38;
	[tilespmem:$0x1D000] =	vst v63  }
0xe7: {  	_ =	swait.ge [sflag:s6], $0x2000  }
0xe8: {  	[sflag:s6] =	ssyncset.done $0x0  }
0xe9: {  	[sflag:s6] =	ssyncadd.s32 $0xFFFFE000  }
0xea: {  	[tilespmem:s7], [sflag:$0x3] =	stream.linear.gather [spmem:s26], $0x2000, $0x38;
	[tilespmem:$0x1D000] =	vst v63  }
0xeb: {  	_ =	swait.ge [sflag:s6], $0x2000  }
0xec: {  	[sflag:s6] =	ssyncset.done $0x0  }
0xed: {  	s20 =	rddreg [dreg:$0xb];
	[sflag:s6] =	ssyncadd.s32 $0xFFFFE000  }
0xee: {  	[hbm4b:s20+s11] =	stream.linear.scatter [tilespmem:s7], [sflag:$0x3], $0x2000, $0x38;
	[tilespmem:$0x1D000] =	vst v63  }
0xef: {  	_ =	swait.ge [sflag:s6], $0x2000  }
0xf0: {  	[sflag:s6] =	ssyncset.done $0x0  }
0xf1: {  	[sflag:s6] =	ssyncadd.s32 $0xFFFFE000  }
0xf2: {  	[tilespmem:s7], [sflag:$0x3] =	stream.linear.gather [spmem:s28], $0x2000, $0x38;
	[tilespmem:$0x1D000] =	vst v63  }
0xf3: {  	_ =	swait.ge [sflag:s6], $0x2000  }
0xf4: {  	[sflag:s6] =	ssyncset.done $0x0  }
0xf5: {  	s21 =	rddreg [dreg:$0xc];
	[sflag:s6] =	ssyncadd.s32 $0xFFFFE000  }
0xf6: {  	[hbm4b:s21+s11] =	stream.linear.scatter [tilespmem:s7], [sflag:$0x3], $0x2000, $0x38;
	[tilespmem:$0x1D000] =	vst v63  }
0xf7: {  	_ =	swait.ge [sflag:s6], $0x2000  }
0xf8: {  	s17 =	sadd.s32 $0x1, s17;
	s22 =	rddreg [dreg:$0x10]  }
0xf9: {  	p0 =	sne.s32 s17, s22  }
.Ltmp2:
0xfa: {  	_ = 	snop;
	(pc) =	sbr.rel @p0 .LBB2_1-.Ltmp2, $3  }
0xfb: {  	_ =	sdelay $0x1  }
0xfc: {  	[sflag:s6] =	ssyncset.done $0x0  }
0xfd: {  	[sflag:s6] =	ssyncadd.s32 $0xFFFFE000  }
0xfe: {  	_ =	sfence.sel $0x180000  }
0xff: {  	[bflag:$0x0] =	sbarrier.arrive $0xFFFF  }
0x100: {  	_ =	strace $0x9000004D  }
0x101: {  	s0 =	stileid.u32;
	[bflag:$0x2] =	sbarrier.arrive $0xFFFF  }
0x102: {  	p0 =	sne.s32 s0, $0x0;
	s0 =	rddreg [dreg:$0x2]  }
0x103: {  	s0 =	sadd.s32 @!p0 $0x100000, s0  }
0x104: {  	[sflag:s0] =	ssyncadd.tile.s32 @!p0 $0x1;
	_ =	shalt  }
.Lfunc_end2:
_tile_overlayer_lowered:
.L_overlay_start_2:
0x105: {  	(tag) =	ssettag $0x2  }
0x106: {  	s0 =	rddreg [dreg:$0x0];
	s2 =	stileid.u32  }
0x107: {  	s1 =	rddreg [dreg:$0x1];
	p0 =	sne.s32 s2, $0x0  }
0x108: {  	s3 =	rddreg [dreg:$0x2];
	[bflag:$0x3] =	sbarrier.arrive $0xFFFF;
	s2 =	simm.s32 @!p0 $0x1C03  }
0x109: {  	[timem:s3], [sflag:s2] =	dma.local @!p0 [hbm:s0], s1  }
0x10a: {  	s0 =	simm.s32 @!p0 $0x3  }
0x10b: {  	_ =	swait.ge @!p0 [sflag:s0], s1  }
0x10c: {  	s1 =	ssub.s32 @!p0 $0x0, s1;
	[sflag:s0] =	ssyncset.done @!p0 $0x0  }
0x10d: {  	[sflag:s0] =	ssyncadd.s32 @!p0 s1  }
0x10e: {  	[bflag:$0x3] =	sbarrier.arrive $0xFFFF  }
0x10f: {  	_ =	shalt  }

// kernel: kernel.19.cloned.1.call-start
scs
__scs_entry_jumppad:
0x0: {  	(pc) =	sbr.rel $0x88, $3  }
0x1: {  	(tag) =	ssettag $0x0;
	lr =	simm.s32 $0x1  }
0x2: {  	[smem:$0x3F99] =	sst lr;
	_ =	strace $0xD0000000  }
0x3: {  	_ = 	snop  }
0x4: {  	_ = 	snop  }
0x5: {  	_ = 	snop  }
0x6: {  	_ = 	snop  }
0x7: {  	_ = 	snop  }
__scs_overlays_trampoline_lowered:
0x8: {  	[smem:$0x3FA8] =	sst s0  }
0x9: {  	[smem:$0x3FA9] =	sst s1  }
0xa: {  	[smem:$0x3FAA] =	sst s2  }
0xb: {  	[smem:$0x3FAB] =	sst s3  }
0xc: {  	[smem:$0x3FAC] =	sst s4  }
0xd: {  	[smem:$0x3FAD] =	sst s5  }
0xe: {  	[smem:$0x3FAE] =	sst s6  }
0xf: {  	[smem:$0x3FAF] =	sst s7  }
0x10: {  	[smem:$0x3FB0] =	sst s8  }
0x11: {  	[smem:$0x3FB1] =	sst s9;
	s0 =	simm.s32 @!p0 $0x0  }
0x12: {  	s1 =	sld [smem:$0x3F97];
	s0 =	simm.s32 @p0 $0x1  }
0x13: {  	[smem:$0x3FB2] =	sst s0;
	s0 =	simm.s32 @!p1 $0x0  }
0x14: {  	s2 =	sld [smem:$0x3F96];
	s0 =	simm.s32 @p1 $0x1  }
0x15: {  	[smem:$0x3FB3] =	sst s0;
	s0 =	simm.s32 @!p2 $0x0  }
0x16: {  	s3 =	sld [smem:$0x3FDB];
	s0 =	simm.s32 @p2 $0x1  }
0x17: {  	s4 =	simm.s32 $0x1BF5;
	[smem:$0x3FB5] =	sst s0  }
0x18: {  	s0 =	sld [smem:$0x3F98];
	_ =	swait.ge [sflag:s4], $0x0  }
0x19: {  	s7 =	sld [smem:$0x3F99]  }
0x1a: {  	s8 =	sadd.s32 $0xFFFFE003, lr  }
0x1b: {  	s9 =	sadd.s32 $0xFFFFFEF7, lr;
	s5 =	simm.s32 $0xFFFFFFFF;
	p2 =	slt.u32 s8, $0xFFFFF086  }
0x1c: {  	p1 =	slt.u32 s9, $0xF7A;
	s5 =	simm.s32 @!p2 $0x0  }
0x1d: {  	s5 =	simm.s32 @p1 $0x1;
	p0 =	seq.s32 s7, s2  }
0x1e: {  	s7 =	smul.u32 @!p0 $0xF7A, s2;
	p2 =	seq.s32 @!p0 s5, $0x0  }
0x1f: {  	s9 =	smul.u32 $0xF7A, s1;
	s8 =	simm.s32 @!p0 $0x1BF5;
	p2 =	por !p2, p0  }
0x20: {  	[sflag:s8] =	ssyncset.s32 @!p0 $0xFFFFF086;
	s6 =	sadd.s32 @!p0 s3, s7;
	s7 =	simm.s32 @!p0 $0x108  }
0x21: {  	s3 =	sadd.s32 s3, s9;
	s6 =	sadd.s32 @!p0 $0x88, s6;
	s7 =	simm.s32 @p2 $0x1082  }
0x22: {  	[simem:s7], [sflag:s8] =	dma.local @!p0 [hbm:s6], $0xF7A  }
0x23: {  	s9 =	sor.u32 $0xD0000000, s2;
	s6 =	simm.s32 $0x108;
	_ =	swait.ge @!p0 [sflag:s8], $0x0  }
0x24: {  	s3 =	sadd.s32 $0x88, s3;
	s6 =	simm.s32 @!p1 $0x1082;
	[sflag:s4] =	ssyncset.s32 $0xFFFFF086  }
0x25: {  	[simem:s6], [sflag:s4] =	dma.local [hbm:s3], $0xF7A  }
0x26: {  	[smem:$0x3F99] =	sst s1;
	(tag) =	ssettag s2;
	_ =	strace s9  }
0x27: {  	s1 =	sld [smem:$0x3FA9]  }
0x28: {  	s2 =	sld [smem:$0x3FAA]  }
0x29: {  	s4 =	sld [smem:$0x3FAC]  }
0x2a: {  	p0 =	seq.s32 s5, $0x0;
	s5 =	sld [smem:$0x3FAD]  }
0x2b: {  	s6 =	sld [smem:$0x3FAE]  }
0x2c: {  	s7 =	sld [smem:$0x3FAF]  }
0x2d: {  	s3 =	simm.s32 $0x108;
	s8 =	sld [smem:$0x3FB0]  }
0x2e: {  	s3 =	simm.s32 @!p0 $0x1082;
	s9 =	sld [smem:$0x3FB1]  }
0x2f: {  	lr =	sadd.s32 s0, s3;
	s0 =	sld [smem:$0x3FA8]  }
0x30: {  	s3 =	sld [smem:$0x3FAB]  }
0x31: {  	[smem:$0x3FB4] =	sst s10  }
0x32: {  	s10 =	sld [smem:$0x3FB2];
	_ =	sdelay $0x3  }
0x33: {  	p0 =	seq.s32 s10, $0x1;
	s10 =	sld [smem:$0x3FB4];
	_ =	sdelay $0x3  }
0x34: {  	[smem:$0x3FB4] =	sst s10  }
0x35: {  	s10 =	sld [smem:$0x3FB3];
	_ =	sdelay $0x3  }
0x36: {  	p1 =	seq.s32 s10, $0x1;
	s10 =	sld [smem:$0x3FB4];
	_ =	sdelay $0x3  }
0x37: {  	[smem:$0x3FB4] =	sst s10  }
0x38: {  	s10 =	sld [smem:$0x3FB5]  }
0x39: {  	_ = 	snop;
	(pc) =	sbr.ind lr, $3  }
0x3a: {  	_ = 	snop  }
0x3b: {  	_ = 	snop  }
0x3c: {  	p2 =	seq.s32 s10, $0x1;
	s10 =	sld [smem:$0x3FB4]  }
0x3d: {  	_ =	shalt  }
0x3e: {  	_ =	shalt  }
0x3f: {  	_ =	shalt  }
0x40: {  	_ =	shalt  }
0x41: {  	_ =	shalt  }
0x42: {  	_ =	shalt  }
0x43: {  	_ =	shalt  }
0x44: {  	_ =	shalt  }
0x45: {  	_ =	shalt  }
0x46: {  	_ =	shalt  }
0x47: {  	_ =	shalt  }
0x48: {  	_ =	shalt  }
0x49: {  	_ =	shalt  }
0x4a: {  	_ =	shalt  }
0x4b: {  	_ =	shalt  }
0x4c: {  	_ =	shalt  }
0x4d: {  	_ =	shalt  }
0x4e: {  	_ =	shalt  }
0x4f: {  	_ =	shalt  }
0x50: {  	_ =	shalt  }
0x51: {  	_ =	shalt  }
0x52: {  	_ =	shalt  }
0x53: {  	_ =	shalt  }
0x54: {  	_ =	shalt  }
0x55: {  	_ =	shalt  }
0x56: {  	_ =	shalt  }
0x57: {  	_ =	shalt  }
0x58: {  	_ =	shalt  }
0x59: {  	_ =	shalt  }
0x5a: {  	_ =	shalt  }
0x5b: {  	_ =	shalt  }
0x5c: {  	_ =	shalt  }
0x5d: {  	_ =	shalt  }
0x5e: {  	_ =	shalt  }
0x5f: {  	_ =	shalt  }
0x60: {  	_ =	shalt  }
0x61: {  	_ =	shalt  }
0x62: {  	_ =	shalt  }
0x63: {  	_ =	shalt  }
0x64: {  	_ =	shalt  }
0x65: {  	_ =	shalt  }
0x66: {  	_ =	shalt  }
0x67: {  	_ =	shalt  }
0x68: {  	_ =	shalt  }
0x69: {  	_ =	shalt  }
0x6a: {  	_ =	shalt  }
0x6b: {  	_ =	shalt  }
0x6c: {  	_ =	shalt  }
0x6d: {  	_ =	shalt  }
0x6e: {  	_ =	shalt  }
0x6f: {  	_ =	shalt  }
0x70: {  	_ =	shalt  }
0x71: {  	_ =	shalt  }
0x72: {  	_ =	shalt  }
0x73: {  	_ =	shalt  }
0x74: {  	_ =	shalt  }
0x75: {  	_ =	shalt  }
0x76: {  	_ =	shalt  }
0x77: {  	_ =	shalt  }
0x78: {  	_ =	shalt  }
0x79: {  	_ =	shalt  }
0x7a: {  	_ =	shalt  }
0x7b: {  	_ =	shalt  }
0x7c: {  	_ =	shalt  }
0x7d: {  	_ =	shalt  }
0x7e: {  	_ =	shalt  }
0x7f: {  	_ =	shalt  }
0x80: {  	_ =	shalt  }
0x81: {  	_ =	shalt  }
0x82: {  	_ =	shalt  }
0x83: {  	_ =	shalt  }
0x84: {  	_ =	shalt  }
0x85: {  	_ =	shalt  }
0x86: {  	_ =	shalt  }
0x87: {  	_ =	shalt  }
.Lfunc_end0:
.L_simem_size_0:
called_computation.3_lowered:
.L_overlay_start_0:
0x88: {  	s2 =	sld [smem:$0x3FD9]  }
0x89: {  	s3 =	sld [smem:$0x3FFE];
	_ =	sdelay $0x1  }
0x8a: {  	s1 =	srdreg.scid  }
0x8b: {  	s0 =	sand.u32 $0x1, s1  }
0x8c: {  	s16 =	sshll.u32 s0, $0xA;
	s2 =	sadd.s32 s3, s2  }
0x8d: {  	s2 =	sadd.s32 s2, s16  }
0x8e: {  	[smem:$0x3FC0] =	sst s2  }
0x8f: {  	_ = 	snop  }
0x90: {  	(tm) =	ssettm $0x1  }
0x91: {  	s17 =	sld [smem:$0x3FFB];
	_ =	sdelay $0x3  }
0x92: {  	_ =	strace s17  }
0x93: {  	s2 =	sld [smem:$0x3FFC];
	_ =	sdelay $0x3  }
0x94: {  	_ =	strace s2  }
0x95: {  	s2 =	sld [smem:$0x3FFD];
	_ =	sdelay $0x3  }
0x96: {  	_ =	strace s2  }
0x97: {  	_ =	strace $0x8FFFFFFF  }
0x98: {  	s18 =	sld [smem:$0x3FDB];
	_ =	sdelay $0x1  }
0x99: {  	s19 =	simm.s32 $_scs_section_size  }
0x9a: {  	s4 =	simm.s32 $_size__tile_overlayer_lowered;
	s5 =	simm.s32 $_tile_overlayer_lowered  }
0x9b: {  	s22 =	simm.s32 $0x1BFF;
	s21 =	sshll.u32 s5, $0x1;
	s2 =	sadd.s32 s19, s18  }
0x9c: {  	s6 =	simm.s32 $0x0;
	s20 =	sshll.u32 s4, $0x1;
	s4 =	sadd.s32 s21, s2  }
0x9d: {  	[timem:s6], [sflag:s22] =	dma.local [hbm:s4], s20  }
0x9e: {  	_ =	swait.ge [sflag:s22], s20  }
0x9f: {  	s3 =	ssub.s32 $0x0, s20;
	[sflag:s22] =	ssyncset.done $0x0  }
0xa0: {  	[sflag:s22] =	ssyncadd.s32 s3;
	_ =	sdelay $0x1  }
0xa1: {  	s23 =	simm.s32 $0x1B8B  }
0xa2: {  	_ =	swait.ge [sflag:s23], $0x1  }
0xa3: {  	[sflag:s23] =	ssyncset.done $0x0  }
0xa4: {  	s25 =	simm.s32 $0x1B8E;
	s24 =	sld [smem:$0x3FFE];
	[sflag:s23] =	ssyncadd.s32 $0xFFFFFFFF  }
0xa5: {  	s26 =	simm.s32 $execute0_lowered;
	[smem:$0x3FD2] =	sst s25  }
0xa6: {  	s4 =	sshll.u32 s26, $0x1;
	_ =	strace $0x8000004F;
	[dreg:$0x1] =	wrdreg $0xFFFFFFFF  }
0xa7: {  	s28 =	simm.s32 $_size_execute0_lowered;
	s2 =	sadd.s32 s2, s4;
	[dreg:$0x0] =	wrdreg $0x0  }
0xa8: {  	s4 =	sshll.u32 s28, $0x1;
	[dreg:$0x2] =	wrdreg s2  }
0xa9: {  	[dreg:$0x3] =	wrdreg s4  }
0xaa: {  	[dreg:$0x4] =	wrdreg $0xC0  }
0xab: {  	_ =	task [dreg:s6], $0x5FFFF  }
0xac: {  	[dreg:$0x1] =	wrdreg $0xFFFFFFFF  }
0xad: {  	[dreg:$0x0] =	wrdreg $0x60  }
0xae: {  	[dreg:$0x2] =	wrdreg s24  }
0xaf: {  	[dreg:$0x3] =	wrdreg $0x90000  }
0xb0: {  	[dreg:$0x4] =	wrdreg $0x9  }
0xb1: {  	_ =	task.clear_ibuf [dreg:s6], $0x5FFFF;
	_ =	strace $0x9000004F  }
0xb2: {  	s29 =	simm.s32 $0x9;
	_ =	strace $0x80000051  }
0xb3: {  	_ =	swait.ge [sflag:s29], $0x1  }
0xb4: {  	[sflag:s29] =	ssyncadd.s32 $0xFFFFFFFF  }
0xb5: {  	_ =	strace $0x90000051  }
0xb6: {  	_ =	sfence  }
0xb7: {  	s30 =	sld [smem:$0x0];
	_ =	sdelay $0x2  }
0xb8: {  	s31 =	sshll.u32 s1, $0xD;
	s1 =	sshrl.u32 s1, $0x2  }
0xb9: {  	s3 =	sand.u32 $0x4000, s31;
	s1 =	sadd.s32 s1, s30  }
0xba: {  	s0 =	sor.u32 s3, s0;
	s1 =	sshll.u32 s1, $0x11  }
0xbb: {  	s0 =	sor.u32 s1, s0  }
0xbc: {  	s0 =	sadd.s32 $0x8F2B, s0  }
0xbd: {  	[sflag:s0] =	ssyncadd.remote.s32 $0x1  }
0xbe: {  	_ =	sfence.sel $0xFFFF  }
0xbf: {  	[dreg:$0x0] =	wrdreg $0xFFFFFFFF;
	(pc) =	sbr.abs _section_cstart, $3  }
0xc0: {  	[dreg:$0x1] =	wrdreg $0xFFFFFFFF  }
0xc1: {  	_ =	task.clear_ibuf [dreg:s6], $0x2FFFF;
	_ =	strace $0x9FFFFFFF  }
0xc2: {  	(tm) =	ssettm $0x7FFFFFFF  }
0xc3: {  	_ =	shalt  }
tec
execute0_lowered:
.L_overlay_start_1:
0x0: {  	(tag) =	ssettag $0x1  }
0x1: {  	s0 =	rddreg [dreg:$0x0];
	s2 =	srdreg.scid  }
0x2: {  	s19 =	stileid.u32;
	s1 =	simm.s32 $0x0;
	s2 =	sand.u32 $0x1, s2  }
0x3: {  	s3 =	sshll.u32 s19, $0x1;
	[smem:$0x7FF] =	sst s1;
	s8 =	smul.u32 $0x14000, s19  }
0x4: {  	s4 =	sadd.s32 $0x53800, s0;
	s3 =	sor.u32 s2, s3;
	s6 =	smul.u32 $0x140000, s2  }
0x5: {  	s7 =	ssub.s32 $0x2, s2;
	s2 =	smul.u32 $0x13100, s2;
	s5 =	sshll.u32 s3, $0xB  }
0x6: {  	s9 =	sshrl.u32 s7, $0x1;
	s3 =	smul.u32 $0x13100, s3;
	s10 =	sor.u32 $0x2000, s8  }
0x7: {  	s11 =	sadd.s32 $0x6000, s8;
	s5 =	sadd.s32 s5, s0;
	s0 =	sadd.s32 $0x2C8600, s0  }
0x8: {  	s7 =	ssub.s32 s7, s9;
	s12 =	sadd.s32 s6, s8;
	s14 =	sadd.s32 s6, s10  }
0x9: {  	s9 =	sadd.s32 $0x4000, s8;
	s3 =	sadd.s32 s4, s3;
	s13 =	sshrl.u32 s12, $0x3  }
0xa: {  	s15 =	sshrl.u32 s14, $0x3;
	s16 =	sadd.s32 s6, s9;
	s12 =	sadd.s32 s6, s11  }
0xb: {  	s14 =	sadd.s32 $0x8000, s8;
	[dreg:$0x3] =	wrdreg s3;
	s3 =	sadd.s32 s0, s13  }
0xc: {  	s17 =	sshrl.u32 s12, $0x3;
	s18 =	sadd.s32 s6, s14;
	s12 =	sadd.s32 $0xA000, s8  }
0xd: {  	[dreg:$0x4] =	wrdreg s3;
	s3 =	sadd.s32 s0, s15;
	s20 =	sshrl.u32 s18, $0x3  }
0xe: {  	s21 =	sadd.s32 s6, s12;
	s15 =	sadd.s32 $0xC000, s8;
	s18 =	sadd.s32 $0x10000, s8  }
0xf: {  	[dreg:$0x5] =	wrdreg s3;
	s3 =	sshrl.u32 s16, $0x3;
	s13 =	sadd.s32 s6, s15  }
0x10: {  	s16 =	smul.u32 $0x26200, s19;
	s25 =	sadd.s32 s6, s18;
	s3 =	sadd.s32 s0, s3  }
0x11: {  	s22 =	sshrl.u32 s13, $0x3;
	s26 =	sshrl.u32 s25, $0x3;
	[dreg:$0x6] =	wrdreg s3  }
0x12: {  	s3 =	sadd.s32 s0, s17;
	s17 =	sadd.s32 $0xE000, s8;
	s4 =	sadd.s32 s16, s4  }
0x13: {  	s8 =	sadd.s32 $0x12000, s8;
	s16 =	smul.u32 $0x50000, s19;
	[dreg:$0x7] =	wrdreg s3  }
0x14: {  	s3 =	sadd.s32 s0, s20;
	s23 =	sadd.s32 s6, s17;
	s13 =	sadd.s32 s6, s8  }
0x15: {  	s19 =	sadd.s32 s2, s4;
	[dreg:$0x8] =	wrdreg s3;
	s3 =	sshrl.u32 s21, $0x3  }
0x16: {  	s20 =	sadd.s32 $0x534A00, s5;
	s6 =	simm.s32 $0x3;
	s3 =	sadd.s32 s0, s3  }
0x17: {  	s24 =	sshrl.u32 s23, $0x3;
	[dreg:$0x9] =	wrdreg s3;
	s3 =	sadd.s32 s0, s22  }
0x18: {  	s21 =	sshrl.u32 s16, $0x2;
	[dreg:$0xa] =	wrdreg s3;
	s3 =	sadd.s32 s0, s24  }
0x19: {  	s28 =	sadd.s32 $0xA00, s19;
	[dreg:$0xb] =	wrdreg s3;
	s3 =	sadd.s32 s0, s26  }
0x1a: {  	s22 =	smax.u32 s7, $0x1;
	[dreg:$0xc] =	wrdreg s3;
	s3 =	sshrl.u32 s13, $0x3  }
0x1b: {  	s7 =	simm.s32 $0x7000;
	s13 =	rddreg [dreg:$0x1];
	s0 =	sadd.s32 s0, s3  }
0x1c: {  	s16 =	sadd.s32 s21, s13;
	s23 =	sadd.s32 s10, s13;
	s24 =	sadd.s32 s9, s13  }
0x1d: {  	s25 =	sadd.s32 s11, s13;
	s26 =	sadd.s32 s14, s13;
	s9 =	simm.s32 $0x4800  }
0x1e: {  	s10 =	simm.s32 $0x1;
	s11 =	simm.s32 $0x50;
	[dreg:$0xd] =	wrdreg s0  }
0x1f: {  	s14 =	simm.s32 $0x2;
	_ =	strace $0x80000050;
	[dreg:$0xe] =	wrdreg s20  }
0x20: {  	s29 =	sadd.s32 $0x2000, s16;
	s30 =	sadd.s32 $0x4000, s16;
	[dreg:$0xf] =	wrdreg s22  }
0x21: {  	s31 =	sadd.s32 $0x6000, s16;
	s0 =	sadd.s32 $0xA000, s16;
	[dreg:$0x10] =	wrdreg s23  }
0x22: {  	s2 =	sadd.s32 $0xC000, s16;
	s3 =	sadd.s32 $0xE000, s16;
	[dreg:$0x11] =	wrdreg s24  }
0x23: {  	s4 =	sadd.s32 $0x10000, s16;
	s5 =	sadd.s32 $0x12000, s16;
	[dreg:$0x12] =	wrdreg s25  }
0x24: {  	[dreg:$0x13] =	wrdreg s26;
	s22 =	sadd.s32 s12, s13;
	s23 =	sadd.s32 s15, s13  }
0x25: {  	s24 =	sadd.s32 s17, s13;
	s25 =	sadd.s32 s18, s13;
	s26 =	sadd.s32 s8, s13  }
0x26: {  	v0 =	vimm.f32 $0.0e+00;
	s12 =	sadd.s32 $0x8000, s16;
	s8 =	simm.s32 $0x2000;
	s15 =	simm.s32 $0x0  }
.LBB2_1:
0x27: {  	s17 =	rddreg [dreg:$0xe]  }
0x28: {  	[tilespmem:s1], [sflag:$0x3] =	stream.linear.gather [hbm4b:s17+s1], $0x1E80, $0x38;
	[tilespmem:$0x1D000] =	vst v63  }
0x29: {  	_ =	swait.ge [sflag:s6], $0x1E80  }
0x2a: {  	[sflag:s6] =	ssyncset.done $0x0  }
0x2b: {  	s18 =	simm.s32 $0x200;
	s17 =	simm.s32 $0x0;
	[sflag:s6] =	ssyncadd.s32 $0xFFFFE180  }
.LBB2_2:
0x2c: {  	p0 =	sne.s32 s18, $0x7E00;
	[tilespmem:s17+$0x7070] =	vst v0  }
0x2d: {  	[tilespmem:s17+$0x7000] =	vst v0  }
0x2e: {  	[tilespmem:s17+$0x7010] =	vst v0  }
.Ltmp0:
0x2f: {  	[tilespmem:s17+$0x7020] =	vst v0;
	(pc) =	sbr.rel @p0 .LBB2_2-.Ltmp0, $4  }
0x30: {  	[tilespmem:s17+$0x7030] =	vst v0  }
0x31: {  	[tilespmem:s17+$0x7040] =	vst v0  }
0x32: {  	[tilespmem:s17+$0x7050] =	vst v0  }
0x33: {  	[tilespmem:s17+$0x7060] =	vst v0;
	s17 =	sshra.s32 s18, $0x2;
	s18 =	sadd.s32 $0x200, s18  }
0x34: {  	[tilespmem:s17+$0x7070] =	vst v0  }
0x35: {  	[tilespmem:s17+$0x7000] =	vst v0  }
0x36: {  	[tilespmem:s17+$0x7010] =	vst v0  }
0x37: {  	[tilespmem:s17+$0x7020] =	vst v0  }
0x38: {  	[tilespmem:s17+$0x7030] =	vst v0  }
0x39: {  	[tilespmem:s17+$0x7040] =	vst v0  }
0x3a: {  	[tilespmem:s17+$0x7050] =	vst v0  }
0x3b: {  	[tilespmem:s17+$0x7060] =	vst v0  }
0x3c: {  	[spmem:s16] =	stream.linear.scatter [tilespmem:s7], [sflag:$0x3], $0x2000, $0x38;
	[tilespmem:$0x1D000] =	vst v63  }
0x3d: {  	_ =	swait.ge [sflag:s6], $0x2000  }
0x3e: {  	[sflag:s6] =	ssyncset.done $0x0  }
0x3f: {  	[sflag:s6] =	ssyncadd.s32 $0xFFFFE000  }
0x40: {  	[spmem:s29] =	stream.linear.scatter [tilespmem:s7], [sflag:$0x3], $0x2000, $0x38;
	[tilespmem:$0x1D000] =	vst v63  }
0x41: {  	_ =	swait.ge [sflag:s6], $0x2000  }
0x42: {  	[sflag:s6] =	ssyncset.done $0x0  }
0x43: {  	[sflag:s6] =	ssyncadd.s32 $0xFFFFE000  }
0x44: {  	[spmem:s30] =	stream.linear.scatter [tilespmem:s7], [sflag:$0x3], $0x2000, $0x38;
	[tilespmem:$0x1D000] =	vst v63  }
0x45: {  	_ =	swait.ge [sflag:s6], $0x2000  }
0x46: {  	[sflag:s6] =	ssyncset.done $0x0  }
0x47: {  	[sflag:s6] =	ssyncadd.s32 $0xFFFFE000  }
0x48: {  	[spmem:s31] =	stream.linear.scatter [tilespmem:s7], [sflag:$0x3], $0x2000, $0x38;
	[tilespmem:$0x1D000] =	vst v63  }
0x49: {  	_ =	swait.ge [sflag:s6], $0x2000  }
0x4a: {  	[sflag:s6] =	ssyncset.done $0x0  }
0x4b: {  	[sflag:s6] =	ssyncadd.s32 $0xFFFFE000  }
0x4c: {  	[spmem:s12] =	stream.linear.scatter [tilespmem:s7], [sflag:$0x3], $0x2000, $0x38;
	[tilespmem:$0x1D000] =	vst v63  }
0x4d: {  	_ =	swait.ge [sflag:s6], $0x2000  }
0x4e: {  	[sflag:s6] =	ssyncset.done $0x0  }
0x4f: {  	[sflag:s6] =	ssyncadd.s32 $0xFFFFE000  }
0x50: {  	[spmem:s0] =	stream.linear.scatter [tilespmem:s7], [sflag:$0x3], $0x2000, $0x38;
	[tilespmem:$0x1D000] =	vst v63  }
0x51: {  	_ =	swait.ge [sflag:s6], $0x2000  }
0x52: {  	[sflag:s6] =	ssyncset.done $0x0  }
0x53: {  	[sflag:s6] =	ssyncadd.s32 $0xFFFFE000  }
0x54: {  	[spmem:s2] =	stream.linear.scatter [tilespmem:s7], [sflag:$0x3], $0x2000, $0x38;
	[tilespmem:$0x1D000] =	vst v63  }
0x55: {  	_ =	swait.ge [sflag:s6], $0x2000  }
0x56: {  	[sflag:s6] =	ssyncset.done $0x0  }
0x57: {  	[sflag:s6] =	ssyncadd.s32 $0xFFFFE000  }
0x58: {  	[spmem:s3] =	stream.linear.scatter [tilespmem:s7], [sflag:$0x3], $0x2000, $0x38;
	[tilespmem:$0x1D000] =	vst v63  }
0x59: {  	_ =	swait.ge [sflag:s6], $0x2000  }
0x5a: {  	[sflag:s6] =	ssyncset.done $0x0  }
0x5b: {  	[sflag:s6] =	ssyncadd.s32 $0xFFFFE000  }
0x5c: {  	[spmem:s4] =	stream.linear.scatter [tilespmem:s7], [sflag:$0x3], $0x2000, $0x38;
	[tilespmem:$0x1D000] =	vst v63  }
0x5d: {  	_ =	swait.ge [sflag:s6], $0x2000  }
0x5e: {  	[sflag:s6] =	ssyncset.done $0x0  }
0x5f: {  	[sflag:s6] =	ssyncadd.s32 $0xFFFFE000  }
0x60: {  	[spmem:s5] =	stream.linear.scatter [tilespmem:s7], [sflag:$0x3], $0x2000, $0x38;
	[tilespmem:$0x1D000] =	vst v63  }
0x61: {  	_ =	swait.ge [sflag:s6], $0x2000  }
0x62: {  	[sflag:s6] =	ssyncset.done $0x0  }
0x63: {  	[sflag:s6] =	ssyncadd.s32 $0xFFFFE000  }
0x64: {  	[bflag:$0x0] =	sbarrier.arrive $0xFFFF  }
0x65: {  	s21 =	simm.s32 $0x0;
	s18 =	rddreg [dreg:$0x3]  }
0x66: {  	[tilespmem:s8], [sflag:$0x1] =	stream.linear.gather [hbm4b:s18+s21], $0x2800, $0x38;
	[tilespmem:$0x1D000] =	vst v63  }
0x67: {  	s19 =	sadd.s32 $0xFFFFFB00, s28  }
0x68: {  	[tilespmem:s9], [sflag:$0x2] =	stream.linear.gather [hbm4b:s19+s1], $0x2800, $0x38;
	[tilespmem:$0x1D000] =	vst v63  }
0x69: {  	_ =	swait.ge [sflag:s10], $0x2800  }
0x6a: {  	[sflag:s10] =	ssyncset.done $0x0  }
0x6b: {  	s20 =	simm.s32 $0x0;
	[sflag:s10] =	ssyncadd.s32 $0xFFFFD800  }
0x6c: {  	[spmem:s13] =	stream.indirect.scatter.add.f32 [tilespmem:s8], [sflag:$0x3], $0x80, s20, s11, $0xb8;
	[tilespmem:$0x1D000] =	vst v63  }
0x6d: {  	_ =	swait.ge [sflag:s6], $0x2800  }
0x6e: {  	[sflag:s6] =	ssyncset.done $0x0  }
0x6f: {  	[sflag:s6] =	ssyncadd.s32 $0xFFFFD800  }
0x70: {  	[tilespmem:s8], [sflag:$0x1] =	stream.linear.gather [hbm4b:s28+s1], $0x2800, $0x38;
	[tilespmem:$0x1D000] =	vst v63  }
0x71: {  	_ =	swait.ge [sflag:s14], $0x2800  }
0x72: {  	[sflag:s14] =	ssyncset.done $0x0  }
0x73: {  	s21 =	simm.s32 $0x80;
	[sflag:s14] =	ssyncadd.s32 $0xFFFFD800  }
0x74: {  	[spmem:s13] =	stream.indirect.scatter.add.f32 [tilespmem:s9], [sflag:$0x3], $0x80, s21, s11, $0xb8;
	[tilespmem:$0x1D000] =	vst v63  }
0x75: {  	s17 =	sadd.s32 $0xA00, s28;
	_ =	swait.ge [sflag:s6], $0x2800  }
0x76: {  	s18 =	simm.s32 $0x400;
	s19 =	simm.s32 $0x800;
	[sflag:s6] =	ssyncset.done $0x0  }
.LBB2_4:
0x77: {  	p0 =	sne.s32 s19, $0x7400;
	s20 =	sadd.s32 $0xFFFFFB00, s17;
	[sflag:s6] =	ssyncadd.s32 $0xFFFFD800  }
0x78: {  	[tilespmem:s9], [sflag:$0x2] =	stream.linear.gather [hbm4b:s20+s1], $0x2800, $0x38;
	[tilespmem:$0x1D000] =	vst v63  }
0x79: {  	s20 =	smov.u32 s19;
	s19 =	sadd.s32 $0x400, s19;
	_ =	swait.ge [sflag:s10], $0x2800  }
0x7a: {  	[sflag:s10] =	ssyncset.done $0x0  }
0x7b: {  	s21 =	sshra.s32 s18, $0x2;
	s18 =	smov.u32 s20;
	[sflag:s10] =	ssyncadd.s32 $0xFFFFD800  }
0x7c: {  	[spmem:s13] =	stream.indirect.scatter.add.f32 [tilespmem:s8], [sflag:$0x3], $0x80, s21, s11, $0xb8;
	[tilespmem:$0x1D000] =	vst v63  }
0x7d: {  	_ =	swait.ge [sflag:s6], $0x2800  }
0x7e: {  	[sflag:s6] =	ssyncset.done $0x0  }
0x7f: {  	[sflag:s6] =	ssyncadd.s32 $0xFFFFD800  }
0x80: {  	[tilespmem:s8], [sflag:$0x1] =	stream.linear.gather [hbm4b:s17+s1], $0x2800, $0x38;
	[tilespmem:$0x1D000] =	vst v63  }
0x81: {  	_ =	swait.ge [sflag:s14], $0x2800  }
.Ltmp1:
0x82: {  	[sflag:s14] =	ssyncset.done $0x0;
	(pc) =	sbr.rel @p0 .LBB2_4-.Ltmp1, $4  }
0x83: {  	s20 =	sadd.s32 $0x80, s21;
	[sflag:s14] =	ssyncadd.s32 $0xFFFFD800  }
0x84: {  	[spmem:s13] =	stream.indirect.scatter.add.f32 [tilespmem:s9], [sflag:$0x3], $0x80, s20, s11, $0xb8;
	[tilespmem:$0x1D000] =	vst v63  }
0x85: {  	_ =	swait.ge [sflag:s6], $0x2800  }
0x86: {  	s17 =	sadd.s32 $0xA00, s17;
	[sflag:s6] =	ssyncset.done $0x0  }
0x87: {  	s19 =	sadd.s32 $0xFFFFFB00, s17;
	[sflag:s6] =	ssyncadd.s32 $0xFFFFD800  }
0x88: {  	[tilespmem:s9], [sflag:$0x2] =	stream.linear.gather [hbm4b:s19+s1], $0x2800, $0x38;
	[tilespmem:$0x1D000] =	vst v63  }
0x89: {  	_ =	swait.ge [sflag:s10], $0x2800  }
0x8a: {  	[sflag:s10] =	ssyncset.done $0x0  }
0x8b: {  	s18 =	sshra.s32 s18, $0x2;
	[sflag:s10] =	ssyncadd.s32 $0xFFFFD800  }
0x8c: {  	[spmem:s13] =	stream.indirect.scatter.add.f32 [tilespmem:s8], [sflag:$0x3], $0x80, s18, s11, $0xb8;
	[tilespmem:$0x1D000] =	vst v63  }
0x8d: {  	_ =	swait.ge [sflag:s6], $0x2800  }
0x8e: {  	[sflag:s6] =	ssyncset.done $0x0  }
0x8f: {  	[sflag:s6] =	ssyncadd.s32 $0xFFFFD800  }
0x90: {  	[tilespmem:s8], [sflag:$0x1] =	stream.linear.gather [hbm4b:s17+s1], $0x2800, $0x38;
	[tilespmem:$0x1D000] =	vst v63  }
0x91: {  	_ =	swait.ge [sflag:s14], $0x2800  }
0x92: {  	[sflag:s14] =	ssyncset.done $0x0  }
0x93: {  	s21 =	sadd.s32 $0x80, s18;
	[sflag:s14] =	ssyncadd.s32 $0xFFFFD800  }
0x94: {  	[spmem:s13] =	stream.indirect.scatter.add.f32 [tilespmem:s9], [sflag:$0x3], $0x80, s21, s11, $0xb8;
	[tilespmem:$0x1D000] =	vst v63  }
0x95: {  	_ =	swait.ge [sflag:s6], $0x2800  }
0x96: {  	[sflag:s6] =	ssyncset.done $0x0  }
0x97: {  	[sflag:s6] =	ssyncadd.s32 $0xFFFFD800  }
0x98: {  	_ =	swait.ge [sflag:s10], $0x2800  }
0x99: {  	[sflag:s10] =	ssyncset.done $0x0  }
0x9a: {  	s18 =	simm.s32 $0x1E00;
	[sflag:s10] =	ssyncadd.s32 $0xFFFFD800  }
0x9b: {  	[spmem:s13] =	stream.indirect.scatter.add.f32 [tilespmem:s8], [sflag:$0x3], $0x80, s18, s11, $0xb8;
	[tilespmem:$0x1D000] =	vst v63  }
0x9c: {  	_ =	swait.ge [sflag:s6], $0x2800  }
0x9d: {  	[sflag:s6] =	ssyncset.done $0x0  }
0x9e: {  	[sflag:s6] =	ssyncadd.s32 $0xFFFFD800  }
0x9f: {  	[bflag:$0x0] =	sbarrier.arrive $0xFFFF  }
0xa0: {  	[tilespmem:s7], [sflag:$0x3] =	stream.linear.gather [spmem:s16], $0x2000, $0x38;
	[tilespmem:$0x1D000] =	vst v63  }
0xa1: {  	_ =	swait.ge [sflag:s6], $0x2000  }
0xa2: {  	[sflag:s6] =	ssyncset.done $0x0  }
0xa3: {  	s19 =	rddreg [dreg:$0x4];
	[sflag:s6] =	ssyncadd.s32 $0xFFFFE000  }
0xa4: {  	[hbm4b:s19+s1] =	stream.linear.scatter [tilespmem:s7], [sflag:$0x3], $0x2000, $0x38;
	[tilespmem:$0x1D000] =	vst v63  }
0xa5: {  	_ =	swait.ge [sflag:s6], $0x2000  }
0xa6: {  	[sflag:s6] =	ssyncset.done $0x0  }
0xa7: {  	s20 =	rddreg [dreg:$0x10];
	[sflag:s6] =	ssyncadd.s32 $0xFFFFE000  }
0xa8: {  	[tilespmem:s7], [sflag:$0x3] =	stream.linear.gather [spmem:s20], $0x2000, $0x38;
	[tilespmem:$0x1D000] =	vst v63  }
0xa9: {  	_ =	swait.ge [sflag:s6], $0x2000  }
0xaa: {  	[sflag:s6] =	ssyncset.done $0x0  }
0xab: {  	s21 =	rddreg [dreg:$0x5];
	[sflag:s6] =	ssyncadd.s32 $0xFFFFE000  }
0xac: {  	[hbm4b:s21+s1] =	stream.linear.scatter [tilespmem:s7], [sflag:$0x3], $0x2000, $0x38;
	[tilespmem:$0x1D000] =	vst v63  }
0xad: {  	_ =	swait.ge [sflag:s6], $0x2000  }
0xae: {  	[sflag:s6] =	ssyncset.done $0x0  }
0xaf: {  	s18 =	rddreg [dreg:$0x11];
	[sflag:s6] =	ssyncadd.s32 $0xFFFFE000  }
0xb0: {  	[tilespmem:s7], [sflag:$0x3] =	stream.linear.gather [spmem:s18], $0x2000, $0x38;
	[tilespmem:$0x1D000] =	vst v63  }
0xb1: {  	_ =	swait.ge [sflag:s6], $0x2000  }
0xb2: {  	[sflag:s6] =	ssyncset.done $0x0  }
0xb3: {  	s19 =	rddreg [dreg:$0x6];
	[sflag:s6] =	ssyncadd.s32 $0xFFFFE000  }
0xb4: {  	[hbm4b:s19+s1] =	stream.linear.scatter [tilespmem:s7], [sflag:$0x3], $0x2000, $0x38;
	[tilespmem:$0x1D000] =	vst v63  }
0xb5: {  	_ =	swait.ge [sflag:s6], $0x2000  }
0xb6: {  	[sflag:s6] =	ssyncset.done $0x0  }
0xb7: {  	s20 =	rddreg [dreg:$0x12];
	[sflag:s6] =	ssyncadd.s32 $0xFFFFE000  }
0xb8: {  	[tilespmem:s7], [sflag:$0x3] =	stream.linear.gather [spmem:s20], $0x2000, $0x38;
	[tilespmem:$0x1D000] =	vst v63  }
0xb9: {  	_ =	swait.ge [sflag:s6], $0x2000  }
0xba: {  	[sflag:s6] =	ssyncset.done $0x0  }
0xbb: {  	s21 =	rddreg [dreg:$0x7];
	[sflag:s6] =	ssyncadd.s32 $0xFFFFE000  }
0xbc: {  	[hbm4b:s21+s1] =	stream.linear.scatter [tilespmem:s7], [sflag:$0x3], $0x2000, $0x38;
	[tilespmem:$0x1D000] =	vst v63  }
0xbd: {  	_ =	swait.ge [sflag:s6], $0x2000  }
0xbe: {  	[sflag:s6] =	ssyncset.done $0x0  }
0xbf: {  	s18 =	rddreg [dreg:$0x13];
	[sflag:s6] =	ssyncadd.s32 $0xFFFFE000  }
0xc0: {  	[tilespmem:s7], [sflag:$0x3] =	stream.linear.gather [spmem:s18], $0x2000, $0x38;
	[tilespmem:$0x1D000] =	vst v63  }
0xc1: {  	_ =	swait.ge [sflag:s6], $0x2000  }
0xc2: {  	[sflag:s6] =	ssyncset.done $0x0  }
0xc3: {  	s19 =	rddreg [dreg:$0x8];
	[sflag:s6] =	ssyncadd.s32 $0xFFFFE000  }
0xc4: {  	[hbm4b:s19+s1] =	stream.linear.scatter [tilespmem:s7], [sflag:$0x3], $0x2000, $0x38;
	[tilespmem:$0x1D000] =	vst v63  }
0xc5: {  	_ =	swait.ge [sflag:s6], $0x2000  }
0xc6: {  	[sflag:s6] =	ssyncset.done $0x0  }
0xc7: {  	[sflag:s6] =	ssyncadd.s32 $0xFFFFE000  }
0xc8: {  	[tilespmem:s7], [sflag:$0x3] =	stream.linear.gather [spmem:s22], $0x2000, $0x38;
	[tilespmem:$0x1D000] =	vst v63  }
0xc9: {  	_ =	swait.ge [sflag:s6], $0x2000  }
0xca: {  	[sflag:s6] =	ssyncset.done $0x0  }
0xcb: {  	s20 =	rddreg [dreg:$0x9];
	[sflag:s6] =	ssyncadd.s32 $0xFFFFE000  }
0xcc: {  	[hbm4b:s20+s1] =	stream.linear.scatter [tilespmem:s7], [sflag:$0x3], $0x2000, $0x38;
	[tilespmem:$0x1D000] =	vst v63  }
0xcd: {  	_ =	swait.ge [sflag:s6], $0x2000  }
0xce: {  	[sflag:s6] =	ssyncset.done $0x0  }
0xcf: {  	[sflag:s6] =	ssyncadd.s32 $0xFFFFE000  }
0xd0: {  	[tilespmem:s7], [sflag:$0x3] =	stream.linear.gather [spmem:s23], $0x2000, $0x38;
	[tilespmem:$0x1D000] =	vst v63  }
0xd1: {  	_ =	swait.ge [sflag:s6], $0x2000  }
0xd2: {  	[sflag:s6] =	ssyncset.done $0x0  }
0xd3: {  	s21 =	rddreg [dreg:$0xa];
	[sflag:s6] =	ssyncadd.s32 $0xFFFFE000  }
0xd4: {  	[hbm4b:s21+s1] =	stream.linear.scatter [tilespmem:s7], [sflag:$0x3], $0x2000, $0x38;
	[tilespmem:$0x1D000] =	vst v63  }
0xd5: {  	_ =	swait.ge [sflag:s6], $0x2000  }
0xd6: {  	[sflag:s6] =	ssyncset.done $0x0  }
0xd7: {  	[sflag:s6] =	ssyncadd.s32 $0xFFFFE000  }
0xd8: {  	[tilespmem:s7], [sflag:$0x3] =	stream.linear.gather [spmem:s24], $0x2000, $0x38;
	[tilespmem:$0x1D000] =	vst v63  }
0xd9: {  	_ =	swait.ge [sflag:s6], $0x2000  }
0xda: {  	[sflag:s6] =	ssyncset.done $0x0  }
0xdb: {  	s18 =	rddreg [dreg:$0xb];
	[sflag:s6] =	ssyncadd.s32 $0xFFFFE000  }
0xdc: {  	[hbm4b:s18+s1] =	stream.linear.scatter [tilespmem:s7], [sflag:$0x3], $0x2000, $0x38;
	[tilespmem:$0x1D000] =	vst v63  }
0xdd: {  	_ =	swait.ge [sflag:s6], $0x2000  }
0xde: {  	[sflag:s6] =	ssyncset.done $0x0  }
0xdf: {  	[sflag:s6] =	ssyncadd.s32 $0xFFFFE000  }
0xe0: {  	[tilespmem:s7], [sflag:$0x3] =	stream.linear.gather [spmem:s25], $0x2000, $0x38;
	[tilespmem:$0x1D000] =	vst v63  }
0xe1: {  	_ =	swait.ge [sflag:s6], $0x2000  }
0xe2: {  	[sflag:s6] =	ssyncset.done $0x0  }
0xe3: {  	s19 =	rddreg [dreg:$0xc];
	[sflag:s6] =	ssyncadd.s32 $0xFFFFE000  }
0xe4: {  	[hbm4b:s19+s1] =	stream.linear.scatter [tilespmem:s7], [sflag:$0x3], $0x2000, $0x38;
	[tilespmem:$0x1D000] =	vst v63  }
0xe5: {  	_ =	swait.ge [sflag:s6], $0x2000  }
0xe6: {  	[sflag:s6] =	ssyncset.done $0x0  }
0xe7: {  	[sflag:s6] =	ssyncadd.s32 $0xFFFFE000  }
0xe8: {  	[tilespmem:s7], [sflag:$0x3] =	stream.linear.gather [spmem:s26], $0x2000, $0x38;
	[tilespmem:$0x1D000] =	vst v63  }
0xe9: {  	_ =	swait.ge [sflag:s6], $0x2000  }
0xea: {  	[sflag:s6] =	ssyncset.done $0x0  }
0xeb: {  	s20 =	rddreg [dreg:$0xd];
	[sflag:s6] =	ssyncadd.s32 $0xFFFFE000  }
0xec: {  	[hbm4b:s20+s1] =	stream.linear.scatter [tilespmem:s7], [sflag:$0x3], $0x2000, $0x38;
	[tilespmem:$0x1D000] =	vst v63  }
0xed: {  	_ =	swait.ge [sflag:s6], $0x2000  }
0xee: {  	s15 =	sadd.s32 $0x1, s15;
	s21 =	rddreg [dreg:$0xf]  }
0xef: {  	p0 =	sne.s32 s15, s21  }
.Ltmp2:
0xf0: {  	_ = 	snop;
	(pc) =	sbr.rel @p0 .LBB2_1-.Ltmp2, $3  }
0xf1: {  	_ =	sdelay $0x1  }
0xf2: {  	[sflag:s6] =	ssyncset.done $0x0  }
0xf3: {  	[sflag:s6] =	ssyncadd.s32 $0xFFFFE000  }
0xf4: {  	_ =	sfence.sel $0x180000  }
0xf5: {  	[bflag:$0x0] =	sbarrier.arrive $0xFFFF  }
0xf6: {  	_ =	strace $0x90000050  }
0xf7: {  	s0 =	stileid.u32;
	[bflag:$0x2] =	sbarrier.arrive $0xFFFF  }
0xf8: {  	p0 =	sne.s32 s0, $0x0;
	s0 =	rddreg [dreg:$0x2]  }
0xf9: {  	s0 =	sadd.s32 @!p0 $0x100000, s0  }
0xfa: {  	[sflag:s0] =	ssyncadd.tile.s32 @!p0 $0x1;
	_ =	shalt  }
.Lfunc_end2:
_tile_overlayer_lowered:
.L_overlay_start_2:
0xfb: {  	(tag) =	ssettag $0x2  }
0xfc: {  	s0 =	rddreg [dreg:$0x0];
	s2 =	stileid.u32  }
0xfd: {  	s1 =	rddreg [dreg:$0x1];
	p0 =	sne.s32 s2, $0x0  }
0xfe: {  	s3 =	rddreg [dreg:$0x2];
	[bflag:$0x3] =	sbarrier.arrive $0xFFFF;
	s2 =	simm.s32 @!p0 $0x1C03  }
0xff: {  	[timem:s3], [sflag:s2] =	dma.local @!p0 [hbm:s0], s1  }
0x100: {  	s0 =	simm.s32 @!p0 $0x3  }
0x101: {  	_ =	swait.ge @!p0 [sflag:s0], s1  }
0x102: {  	s1 =	ssub.s32 @!p0 $0x0, s1;
	[sflag:s0] =	ssyncset.done @!p0 $0x0  }
0x103: {  	[sflag:s0] =	ssyncadd.s32 @!p0 s1  }
0x104: {  	[bflag:$0x3] =	sbarrier.arrive $0xFFFF  }
0x105: {  	_ =	shalt  }

</sc_bundles>
